<compile_context>
chip_gen: v7x
topology: tpu7x:2x2x1
jax: 0.10.2.dev20260603
libtpu: 0.0.44.dev20260713+nightly
codegen_flags: <defaults>
</compile_context>

<pallas_src>
import dataclasses
import functools

import jax
import jax.numpy as jnp
from jax import lax
from jax.experimental import pallas as pl
from jax.experimental.pallas import tpu as pltpu
from jax.experimental.pallas import tpu_sc as plsc

_B, _L, _D = 2, 4096, 2048
_H, _DH = 16, 128
_TOPK, _WIN = 64, 128
_HALF = _WIN // 2
_SCALE = _DH ** -0.5

_MQ = 256
_NKV = _HALF + _MQ + _TOPK



def _proj_kernel_scaled(x_ref, w_ref, b_ref, o_ref):
    o_ref[...] = ((lax.dot_general(
        x_ref[...], w_ref[...], (((1,), (1,)), ((), ())),
        preferred_element_type=jnp.float32,
    ) + b_ref[...]) * _SCALE).astype(jnp.bfloat16)


def _proj(x2d, w, b1d, bm):
    m, k = x2d.shape
    n = w.shape[0]
    return pl.pallas_call(
        _proj_kernel_scaled,
        grid=(m // bm,),
        in_specs=[
            pl.BlockSpec((bm, k), lambda i: (i, 0)),
            pl.BlockSpec((n, k), lambda i: (0, 0)),
            pl.BlockSpec((1, n), lambda i: (0, 0)),
        ],
        out_specs=pl.BlockSpec((bm, n), lambda i: (i, 0)),
        out_shape=jax.ShapeDtypeStruct((m, n), jnp.bfloat16),
        compiler_params=pltpu.CompilerParams(
            dimension_semantics=("parallel",)
        ),
    )(x2d, w, b1d.reshape(1, n))


def _proj_g_kernel(x_ref, xg_ref, w_ref, b_ref, o_ref, og_ref):
    i = pl.program_id(0)
    last = pl.num_programs(0) - 1

    def proj(ref):
        return (lax.dot_general(
            ref[...], w_ref[...], (((1,), (1,)), ((), ())),
            preferred_element_type=jnp.float32,
        ) + b_ref[...]).astype(jnp.bfloat16)

    @pl.when(i < last)
    def _():
        o_ref[...] = proj(x_ref)

    @pl.when(i == last)
    def _():
        og_ref[...] = proj(xg_ref)


def _proj_g(x2d, xg, w, b1d, bm):
    m, k = x2d.shape
    n = w.shape[0]
    g = xg.shape[0]
    nm = m // bm
    return pl.pallas_call(
        _proj_g_kernel,
        grid=(nm + 1,),
        in_specs=[
            pl.BlockSpec((bm, k), lambda i: (jnp.minimum(i, nm - 1), 0)),
            pl.BlockSpec((g, k), lambda i: (0, 0)),
            pl.BlockSpec((n, k), lambda i: (0, 0)),
            pl.BlockSpec((1, n), lambda i: (0, 0)),
        ],
        out_specs=[
            pl.BlockSpec((bm, n), lambda i: (jnp.minimum(i, nm - 1), 0)),
            pl.BlockSpec((g, n), lambda i: (0, 0)),
        ],
        out_shape=[
            jax.ShapeDtypeStruct((m, n), jnp.bfloat16),
            jax.ShapeDtypeStruct((g, n), jnp.bfloat16),
        ],
        compiler_params=pltpu.CompilerParams(
            dimension_semantics=("arbitrary",)
        ),
    )(x2d, xg, w, b1d.reshape(1, n))



_NEG = float("-inf")


def _sc_topk(imf):
    ch = _L // 16
    nv = ch // 16
    mesh = plsc.VectorSubcoreMesh(core_axis_name="c", subcore_axis_name="s")
    cp = pltpu.CompilerParams()
    if "needs_layout_passes" in pltpu.CompilerParams.__dataclass_fields__:
        cp = dataclasses.replace(cp, needs_layout_passes=False)

    @functools.partial(
        pl.kernel, mesh=mesh, compiler_params=cp,
        out_type=jax.ShapeDtypeStruct((_B * _TOPK,), jnp.int32),
        scratch_types=[
            pltpu.VMEM((ch,), jnp.float32),
            pltpu.VMEM((_TOPK,), jnp.float32),
            pltpu.VMEM((_TOPK,), jnp.int32),
            pltpu.VMEM((16 * _TOPK,), jnp.float32),
            pltpu.VMEM((16 * _TOPK,), jnp.int32),
            pltpu.VMEM((_TOPK,), jnp.int32),
            pltpu.VMEM_SHARED((16 * _TOPK,), jnp.float32),
            pltpu.VMEM_SHARED((16 * _TOPK,), jnp.int32),
        ],
    )
    def k(im_hbm, out_hbm, chunk, lv, li, mv, mi, res, shv, shi):
        b = lax.axis_index("c")
        woff = lax.axis_index("s")
        base = b * _L + woff * ch
        pltpu.sync_copy(im_hbm.at[pl.ds(base, ch)], chunk)
        iota = lax.iota(jnp.int32, 16)
        big = jnp.int32(_B * _L)

        vs0 = tuple(chunk[pl.ds(i * 16, 16)] for i in range(nv))

        def p1_body(j, carry):
            vs = carry[0]
            rv = carry[1]
            ri = carry[2]
            m = vs[0]
            for i in range(1, nv):
                m = jnp.maximum(m, vs[i])
            mx = lax.reduce_max(m, axes=(0,))
            cand = jnp.where(vs[0] == mx, iota + (base + 0 * 16), big)
            for i in range(1, nv):
                cand = jnp.minimum(
                    cand, jnp.where(vs[i] == mx, iota + (base + i * 16), big))
            sel = lax.reduce_min(cand, axes=(0,))
            vs = tuple(
                jnp.where(iota + (base + i * 16) == sel, _NEG, vs[i])
                for i in range(nv))
            rv = tuple(
                jnp.where(iota + r * 16 == j, mx, rv[r])
                for r in range(_TOPK // 16))
            ri = tuple(
                jnp.where(iota + r * 16 == j, sel, ri[r])
                for r in range(_TOPK // 16))
            return (vs, rv, ri)

        z4f = tuple(jnp.zeros((16,), jnp.float32) for _ in range(_TOPK // 16))
        z4i = tuple(jnp.zeros((16,), jnp.int32) for _ in range(_TOPK // 16))
        _, rv, ri = lax.fori_loop(0, _TOPK, p1_body, (vs0, z4f, z4i))
        for r in range(_TOPK // 16):
            lv[pl.ds(r * 16, 16)] = rv[r]
            li[pl.ds(r * 16, 16)] = ri[r]
        pltpu.sync_copy(lv, shv.at[pl.ds(woff * _TOPK, _TOPK)])
        pltpu.sync_copy(li, shi.at[pl.ds(woff * _TOPK, _TOPK)])
        plsc.subcore_barrier()

        @pl.when(woff == 0)
        def _():
            pltpu.sync_copy(shv, mv)
            pltpu.sync_copy(shi, mi)
            nmv = 16 * _TOPK // 16

            def p2_body(j, _):
                m = mv[pl.ds(0, 16)]
                for i in range(1, nmv):
                    m = jnp.maximum(m, mv[pl.ds(i * 16, 16)])
                mx = lax.reduce_max(m, axes=(0,))
                cand = jnp.where(mv[pl.ds(0, 16)] == mx, mi[pl.ds(0, 16)], big)
                for i in range(1, nmv):
                    cand = jnp.minimum(
                        cand,
                        jnp.where(mv[pl.ds(i * 16, 16)] == mx,
                                  mi[pl.ds(i * 16, 16)], big))
                sel = lax.reduce_min(cand, axes=(0,))
                for i in range(nmv):
                    vv = mv[pl.ds(i * 16, 16)]
                    mv[pl.ds(i * 16, 16)] = jnp.where(
                        mi[pl.ds(i * 16, 16)] == sel, _NEG, vv)
                res[pl.ds(0, 16)] = jnp.where(
                    iota == j, sel, res[pl.ds(0, 16)])
                for r in range(1, _TOPK // 16):
                    res[pl.ds(r * 16, 16)] = jnp.where(
                        iota + r * 16 == j, sel, res[pl.ds(r * 16, 16)])
                return 0

            lax.fori_loop(0, _TOPK, p2_body, 0)
            pltpu.sync_copy(res, out_hbm.at[pl.ds(b * _TOPK, _TOPK)])

    return k(imf)



def _sc_gather_rows(x2d, idx_abs):
    nrows = _B * _TOPK
    per_w = 8
    nw_used = nrows // per_w
    mesh = plsc.VectorSubcoreMesh(core_axis_name="c", subcore_axis_name="s")

    @functools.partial(
        pl.kernel, mesh=mesh,
        out_type=jax.ShapeDtypeStruct((nrows, _D), jnp.float32),
        scratch_types=[
            pltpu.VMEM((per_w,), jnp.int32),
            pltpu.VMEM((per_w, _D), jnp.float32),
            pltpu.SemaphoreType.DMA,
        ],
    )
    def k(x_hbm, idx_hbm, out_hbm, idx_v, rows_v, sem):
        wid = lax.axis_index("s") * 2 + lax.axis_index("c")

        @pl.when(wid < nw_used)
        def _():
            base = wid * per_w
            pltpu.sync_copy(idx_hbm.at[pl.ds(base, per_w)], idx_v)
            pltpu.async_copy(x_hbm.at[idx_v], rows_v, sem).wait()
            pltpu.sync_copy(rows_v, out_hbm.at[pl.ds(base, per_w)])

    return k(x2d, idx_abs)



def _attn_kernel(pos_ref, q_ref, kp_ref, kc_ref, vp_ref, vc_ref,
                 kg_ref, vg_ref, wo_ref, bo_ref, o_ref):
    m_i = pl.program_id(1)
    q0 = m_i * _MQ
    ph0 = jnp.maximum(m_i - 1, 0) * _MQ + _MQ - _HALF

    colh = jax.lax.broadcasted_iota(jnp.int32, (1, _HALF), 1)
    col = jax.lax.broadcasted_iota(jnp.int32, (1, _MQ), 1)
    q_pos = q0 + jax.lax.broadcasted_iota(jnp.int32, (_MQ, 1), 0)
    kv_pos = jnp.concatenate(
        [ph0 + colh, q0 + col, pos_ref[0]], axis=1)
    nkcol = jax.lax.broadcasted_iota(jnp.int32, (1, _NKV), 1)
    is_prev = nkcol < _HALF
    is_glob = nkcol >= _HALF + _MQ
    win_start = (q_pos // _WIN) * _WIN
    local_ok = (kv_pos >= win_start - _HALF) & ((~is_prev) | (kv_pos < q0))
    vis = (kv_pos <= q_pos) & (is_glob | local_ok)
    mask_add = jnp.where(vis, 0.0, -jnp.inf)

    outs = []
    for h in range(_H):
        hs = slice(h * _DH, (h + 1) * _DH)
        q = q_ref[0, :, hs]
        kcat = jnp.concatenate(
            [kp_ref[0, :, hs], kc_ref[0, :, hs],
             kg_ref[0, :, 0, hs]], axis=0)
        vcat = jnp.concatenate(
            [vp_ref[0, :, hs], vc_ref[0, :, hs],
             vg_ref[0, :, 0, hs]], axis=0)
        s = lax.dot_general(
            q, kcat, (((1,), (1,)), ((), ())),
            preferred_element_type=jnp.float32,
        ) + mask_add
        mx = jnp.max(s, axis=1, keepdims=True)
        e = jnp.exp(s - mx)
        den = jnp.sum(e, axis=1, keepdims=True)
        o = lax.dot_general(
            e.astype(jnp.bfloat16), vcat, (((1,), (0,)), ((), ())),
            preferred_element_type=jnp.float32,
        ) / den
        outs.append(o.astype(jnp.bfloat16))
    o_all = jnp.concatenate(outs, axis=1)
    o_ref[0] = lax.dot_general(
        o_all, wo_ref[...], (((1,), (1,)), ((), ())),
        preferred_element_type=jnp.float32,
    ) + bo_ref[...]


def _attention(q3, k3, v3, kg4, vg4, pos3, wo, bo):
    nm = _L // _MQ
    return pl.pallas_call(
        _attn_kernel,
        grid=(_B, nm),
        in_specs=[
            pl.BlockSpec((1, 1, _TOPK), lambda b, m: (0, 0, 0)),
            pl.BlockSpec((1, _MQ, _D), lambda b, m: (b, m, 0)),
            pl.BlockSpec(
                (1, _HALF, _D),
                lambda b, m: (b, jnp.maximum(m * (_MQ // _HALF) - 1, 0), 0)),
            pl.BlockSpec((1, _MQ, _D), lambda b, m: (b, m, 0)),
            pl.BlockSpec(
                (1, _HALF, _D),
                lambda b, m: (b, jnp.maximum(m * (_MQ // _HALF) - 1, 0), 0)),
            pl.BlockSpec((1, _MQ, _D), lambda b, m: (b, m, 0)),
            pl.BlockSpec((1, _TOPK, 1, _D), lambda b, m: (b, 0, 0, 0)),
            pl.BlockSpec((1, _TOPK, 1, _D), lambda b, m: (b, 0, 0, 0)),
            pl.BlockSpec((_D, _D), lambda b, m: (0, 0)),
            pl.BlockSpec((1, _D), lambda b, m: (0, 0)),
        ],
        out_specs=pl.BlockSpec((1, _MQ, _D), lambda b, m: (b, m, 0)),
        out_shape=jax.ShapeDtypeStruct((_B, _L, _D), jnp.float32),
        compiler_params=pltpu.CompilerParams(
            dimension_semantics=("parallel", "arbitrary")
        ),
    )(pos3, q3, k3, k3, v3, v3, kg4, vg4, wo, bo.reshape(1, _D))



def kernel(x, importance_mask, Wq, bq, Wk, bk, Wv, bv, Wo, bo):
    xf = x.reshape(_B * _L, _D)
    wo = Wo.astype(jnp.bfloat16)
    idx_abs = _sc_topk(importance_mask.reshape(_B * _L))
    xg = _sc_gather_rows(xf, idx_abs)

    q2 = _proj(xf, Wq, bq, bm=512)
    k2, kg2 = _proj_g(xf, xg, Wk, bk, bm=512)
    v2, vg2 = _proj_g(xf, xg, Wv, bv, bm=512)
    topk = idx_abs.reshape(_B, 1, _TOPK)

    out = _attention(
        q2.reshape(_B, _L, _D), k2.reshape(_B, _L, _D),
        v2.reshape(_B, _L, _D),
        kg2.reshape(_B, _TOPK, 1, _D), vg2.reshape(_B, _TOPK, 1, _D),
        topk[0:1], wo, bo,
    )
    return out

# --- scband reference (transcript-rebuilt; emitter-appended) ---
"""Pipeline reference for scband-sparse-attention-15908558865360 (READ-ONLY COPY).

The authoritative reference and input builder live on the scoring server;
editing this copy changes nothing except your own understanding.
"""

import jax, jax.numpy as jnp
import numpy as np

B, L, D = 2, 4096, 2048
H, DH = 16, 128
TOPK, WIN = 64, 128


def setup_inputs(seed: int = 0) -> dict:
    key = jax.random.key(seed)
    ks = jax.random.split(key, 8)
    x = jax.random.normal(ks[0], (B, L, D), dtype=jnp.float32)
    importance_mask = jax.random.normal(ks[1], (B, L), dtype=jnp.float32)
    def lin_w(k):
        return jax.random.normal(k, (D, D), dtype=jnp.float32) * (1.0 / np.sqrt(D))
    Wq = lin_w(ks[2]); Wk = lin_w(ks[3]); Wv = lin_w(ks[4]); Wo = lin_w(ks[5])
    bq = jnp.zeros((D,), jnp.float32); bk = jnp.zeros((D,), jnp.float32)
    bv = jnp.zeros((D,), jnp.float32); bo = jnp.zeros((D,), jnp.float32)
    return {"x": x, "importance_mask": importance_mask, "Wq": Wq, "bq": bq,
            "Wk": Wk, "bk": bk, "Wv": Wv, "bv": bv, "Wo": Wo, "bo": bo}


def reference(x, importance_mask, Wq, bq, Wk, bk, Wv, bv, Wo, bo):
    Bv, Lv, Dv = x.shape
    scale = DH ** -0.5
    Q = (x @ Wq.T + bq).reshape(Bv, Lv, H, DH).transpose(0, 2, 1, 3)
    K = (x @ Wk.T + bk).reshape(Bv, Lv, H, DH).transpose(0, 2, 1, 3)
    V = (x @ Wv.T + bv).reshape(Bv, Lv, H, DH).transpose(0, 2, 1, 3)
    # top-k important tokens (global attention set)
    _, topk_idx = jax.lax.top_k(importance_mask, min(TOPK, Lv))  # [B, TOPK]
    idx = topk_idx[:, None, :, None]  # broadcast over H and d_head
    K_global = jnp.take_along_axis(K, idx, axis=2)  # [B,H,TOPK,DH]
    V_global = jnp.take_along_axis(V, idx, axis=2)
    outs = []
    for start in range(0, Lv, WIN):
        end = min(start + WIN, Lv)
        local_start = max(0, start - WIN // 2)
        local_end = min(Lv, end + WIN // 2)
        Q_chunk = Q[:, :, start:end, :]
        K_comb = jnp.concatenate([K[:, :, local_start:local_end, :], K_global], axis=2)
        V_comb = jnp.concatenate([V[:, :, local_start:local_end, :], V_global], axis=2)
        scores = jnp.einsum('bhqd,bhkd->bhqk', Q_chunk, K_comb) * scale
        # causal mask (matches torch code: uses batch-0 top-k positions for all batches)
        q_pos = jnp.arange(start, end)
        kv_pos = jnp.concatenate([jnp.arange(local_start, local_end), topk_idx[0]])
        mask = q_pos[:, None] < kv_pos[None, :]
        scores = jnp.where(mask[None, None, :, :], -jnp.inf, scores)
        attn = jax.nn.softmax(scores, axis=-1)
        outs.append(jnp.einsum('bhqk,bhkd->bhqd', attn, V_comb))
    attn_output = jnp.concatenate(outs, axis=2).transpose(0, 2, 1, 3).reshape(Bv, Lv, Dv)
    return attn_output @ Wo.T + bo

if __name__ == "__main__":
    import jax
    _d = setup_inputs()
    print(jax.jit(kernel)(*tuple(_d.values())))

</pallas_src>

<mosaic_0001>
#map = affine_map<(d0, d1) -> (0, 0)>
#map1 = affine_map<(d0, d1) -> (0)>
module attributes {stable_mosaic.version = 14 : i64} {
  func.func @k(%arg0: i32, %arg1: i32, %arg2: memref<8192x2048xf32, #tpu.memory_space<hbm>>, %arg3: memref<128xi32, #tpu.memory_space<hbm>>, %arg4: memref<128x2048xf32, #tpu.memory_space<hbm>>, %arg5: memref<8xi32, #tpu.memory_space<vmem>>, %arg6: memref<8x2048xf32, #tpu.memory_space<vmem>>, %arg7: memref<!tpu.dma_semaphore, #tpu.memory_space<semaphore_mem>>) attributes {dimension_semantics = [#tpu.dimension_semantics<core_parallel>, #tpu.dimension_semantics<subcore_parallel>], iteration_bounds = array<i64: 2, 16>, scalar_prefetch = 0 : i64, scratch_operands = 3 : i64, tpu.core_type = #tpu.core_type<sc_vector_subcore>, window_params = [{transform_indices = #map}, {transform_indices = #map1}, {transform_indices = #map}]} {
    %mul3A = arith.constant 2 : i32
    %mul3A_0 = arith.muli %arg1, %mul3A : i32
    %add3A = arith.addi %mul3A_0, %arg0 : i32
    %lt3A = arith.constant 16 : i32
    %lt3A_1 = arith.cmpi slt, %add3A, %lt3A : i32
    %convert_element_type3A = arith.extui %lt3A_1 : i1 to i32
    %cond3A = arith.constant 0 : i32
    %cond3A_2 = arith.cmpi ne, %convert_element_type3A, %cond3A : i32
    scf.if %cond3A_2 {
      %mul3A_3 = arith.constant 8 : i32
      %mul3A_4 = arith.muli %add3A, %mul3A_3 : i32
      "tpu.region"() ({
        %run_scoped3A = tpu.sem_alloc : memref<!tpu.dma_semaphore, #tpu.memory_space<semaphore_mem>>
        %dma_start3A_9 = tpu.memref_slice %arg3[%mul3A_4] : memref<128xi32, #tpu.memory_space<hbm>> -> memref<8xi32, #tpu.memory_space<hbm>>
        %dma_start3A_10 = tpu.memref_slice %arg3[%mul3A_4] : memref<128xi32, #tpu.memory_space<hbm>> -> memref<8xi32, #tpu.memory_space<hbm>>
        tpu.enqueue_dma source(%dma_start3A_10 : memref<8xi32, #tpu.memory_space<hbm>>) target(%arg5 : memref<8xi32, #tpu.memory_space<vmem>>) target_semaphore(%run_scoped3A : memref<!tpu.dma_semaphore, #tpu.memory_space<semaphore_mem>>)
        %dma_wait3A_11 = tpu.memref_slice %arg3[%mul3A_4] : memref<128xi32, #tpu.memory_space<hbm>> -> memref<8xi32, #tpu.memory_space<hbm>>
        %dma_wait3A_12 = tpu.memref_slice %arg3[%mul3A_4] : memref<128xi32, #tpu.memory_space<hbm>> -> memref<8xi32, #tpu.memory_space<hbm>>
        tpu.wait_dma2 semaphore(%run_scoped3A : memref<!tpu.dma_semaphore, #tpu.memory_space<semaphore_mem>>) src(%dma_wait3A_12 : memref<8xi32, #tpu.memory_space<hbm>>) dst(%arg5 : memref<8xi32, #tpu.memory_space<vmem>>)
        tpu.yield
      }) : () -> ()
      %dma_start3A = arith.constant 0 : i32
      %dma_start3A_5 = arith.constant 0 : i32
      %dma_start3A_6 = tpu.memref_slice %arg2[%dma_start3A, %dma_start3A_5] : memref<8192x2048xf32, #tpu.memory_space<hbm>> -> memref<8192x2048xf32, #tpu.memory_space<hbm>>
      tpu.enqueue_indirect_dma source(%dma_start3A_6 : memref<8192x2048xf32, #tpu.memory_space<hbm>>) target(%arg6 : memref<8x2048xf32, #tpu.memory_space<vmem>>) offsets(%arg5 : memref<8xi32, #tpu.memory_space<vmem>>) semaphore(%arg7 : memref<!tpu.dma_semaphore, #tpu.memory_space<semaphore_mem>>)
      %dma_wait3A = arith.constant 0 : i32
      %dma_wait3A_7 = arith.constant 0 : i32
      %dma_wait3A_8 = tpu.memref_slice %arg2[%dma_wait3A, %dma_wait3A_7] : memref<8192x2048xf32, #tpu.memory_space<hbm>> -> memref<8192x2048xf32, #tpu.memory_space<hbm>>
      tpu.wait_indirect_dma semaphore(%arg7 : memref<!tpu.dma_semaphore, #tpu.memory_space<semaphore_mem>>) src(%dma_wait3A_8 : memref<8192x2048xf32, #tpu.memory_space<hbm>>) dst(%arg6 : memref<8x2048xf32, #tpu.memory_space<vmem>>)
      "tpu.region"() ({
        %run_scoped3A = tpu.sem_alloc : memref<!tpu.dma_semaphore, #tpu.memory_space<semaphore_mem>>
        %dma_start3A_9 = arith.constant 0 : i32
        %dma_start3A_10 = tpu.memref_slice %arg4[%mul3A_4, %dma_start3A_9] : memref<128x2048xf32, #tpu.memory_space<hbm>> -> memref<8x2048xf32, #tpu.memory_space<hbm>>
        %dma_start3A_11 = arith.constant 0 : i32
        %dma_start3A_12 = tpu.memref_slice %arg4[%mul3A_4, %dma_start3A_11] : memref<128x2048xf32, #tpu.memory_space<hbm>> -> memref<8x2048xf32, #tpu.memory_space<hbm>>
        tpu.enqueue_dma source(%arg6 : memref<8x2048xf32, #tpu.memory_space<vmem>>) target(%dma_start3A_12 : memref<8x2048xf32, #tpu.memory_space<hbm>>) target_semaphore(%run_scoped3A : memref<!tpu.dma_semaphore, #tpu.memory_space<semaphore_mem>>)
        %dma_wait3A_13 = arith.constant 0 : i32
        %dma_wait3A_14 = tpu.memref_slice %arg4[%mul3A_4, %dma_wait3A_13] : memref<128x2048xf32, #tpu.memory_space<hbm>> -> memref<8x2048xf32, #tpu.memory_space<hbm>>
        %dma_wait3A_15 = arith.constant 0 : i32
        %dma_wait3A_16 = tpu.memref_slice %arg4[%mul3A_4, %dma_wait3A_15] : memref<128x2048xf32, #tpu.memory_space<hbm>> -> memref<8x2048xf32, #tpu.memory_space<hbm>>
        tpu.wait_dma2 semaphore(%run_scoped3A : memref<!tpu.dma_semaphore, #tpu.memory_space<semaphore_mem>>) src(%arg6 : memref<8x2048xf32, #tpu.memory_space<vmem>>) dst(%dma_wait3A_16 : memref<8x2048xf32, #tpu.memory_space<hbm>>)
        tpu.yield
      }) : () -> ()
    } else {
    }
    return
  }
}

#map = affine_map<(d0, d1) -> (0)>
module attributes {stable_mosaic.version = 14 : i64} {
  func.func @k(%arg0: i32, %arg1: i32, %arg2: memref<8192xf32, #tpu.memory_space<hbm>>, %arg3: memref<128xi32, #tpu.memory_space<hbm>>, %arg4: memref<256xf32, #tpu.memory_space<vmem>>, %arg5: memref<64xf32, #tpu.memory_space<vmem>>, %arg6: memref<64xi32, #tpu.memory_space<vmem>>, %arg7: memref<1024xf32, #tpu.memory_space<vmem>>, %arg8: memref<1024xi32, #tpu.memory_space<vmem>>, %arg9: memref<64xi32, #tpu.memory_space<vmem>>, %arg10: memref<1024xf32, #tpu.memory_space<vmem_shared>>, %arg11: memref<1024xi32, #tpu.memory_space<vmem_shared>>) attributes {dimension_semantics = [#tpu.dimension_semantics<core_parallel>, #tpu.dimension_semantics<subcore_parallel>], iteration_bounds = array<i64: 2, 16>, scalar_prefetch = 0 : i64, scratch_operands = 8 : i64, tpu.core_type = #tpu.core_type<sc_vector_subcore>, window_params = [{transform_indices = #map}, {transform_indices = #map}]} {
    %mul3A = arith.constant 4096 : i32
    %mul3A_0 = arith.muli %arg0, %mul3A : i32
    %mul3A_1 = arith.constant 256 : i32
    %mul3A_2 = arith.muli %arg1, %mul3A_1 : i32
    %add3A = arith.addi %mul3A_0, %mul3A_2 : i32
    "tpu.region"() ({
      %run_scoped3A = tpu.sem_alloc : memref<!tpu.dma_semaphore, #tpu.memory_space<semaphore_mem>>
      %dma_start3A = tpu.memref_slice %arg2[%add3A] : memref<8192xf32, #tpu.memory_space<hbm>> -> memref<256xf32, #tpu.memory_space<hbm>>
      %dma_start3A_77 = tpu.memref_slice %arg2[%add3A] : memref<8192xf32, #tpu.memory_space<hbm>> -> memref<256xf32, #tpu.memory_space<hbm>>
      tpu.enqueue_dma source(%dma_start3A_77 : memref<256xf32, #tpu.memory_space<hbm>>) target(%arg4 : memref<256xf32, #tpu.memory_space<vmem>>) target_semaphore(%run_scoped3A : memref<!tpu.dma_semaphore, #tpu.memory_space<semaphore_mem>>)
      %dma_wait3A = tpu.memref_slice %arg2[%add3A] : memref<8192xf32, #tpu.memory_space<hbm>> -> memref<256xf32, #tpu.memory_space<hbm>>
      %dma_wait3A_78 = tpu.memref_slice %arg2[%add3A] : memref<8192xf32, #tpu.memory_space<hbm>> -> memref<256xf32, #tpu.memory_space<hbm>>
      tpu.wait_dma2 semaphore(%run_scoped3A : memref<!tpu.dma_semaphore, #tpu.memory_space<semaphore_mem>>) src(%dma_wait3A_78 : memref<256xf32, #tpu.memory_space<hbm>>) dst(%arg4 : memref<256xf32, #tpu.memory_space<vmem>>)
      tpu.yield
    }) : () -> ()
    %iota3A = tpu.iota {dimensions = array<i32: 0>} : vector<16xi32>
    %get3A = arith.constant 0 : index
    %get3A_3 = tpu.vector_load %arg4[%get3A] {strides = array<i32>} : memref<256xf32, #tpu.memory_space<vmem>>, vector<16xf32>,
    %get3A_4 = arith.constant 16 : index
    %get3A_5 = tpu.vector_load %arg4[%get3A_4] {strides = array<i32>} : memref<256xf32, #tpu.memory_space<vmem>>, vector<16xf32>,
    %get3A_6 = arith.constant 32 : index
    %get3A_7 = tpu.vector_load %arg4[%get3A_6] {strides = array<i32>} : memref<256xf32, #tpu.memory_space<vmem>>, vector<16xf32>,
    %get3A_8 = arith.constant 48 : index
    %get3A_9 = tpu.vector_load %arg4[%get3A_8] {strides = array<i32>} : memref<256xf32, #tpu.memory_space<vmem>>, vector<16xf32>,
    %get3A_10 = arith.constant 64 : index
    %get3A_11 = tpu.vector_load %arg4[%get3A_10] {strides = array<i32>} : memref<256xf32, #tpu.memory_space<vmem>>, vector<16xf32>,
    %get3A_12 = arith.constant 80 : index
    %get3A_13 = tpu.vector_load %arg4[%get3A_12] {strides = array<i32>} : memref<256xf32, #tpu.memory_space<vmem>>, vector<16xf32>,
    %get3A_14 = arith.constant 96 : index
    %get3A_15 = tpu.vector_load %arg4[%get3A_14] {strides = array<i32>} : memref<256xf32, #tpu.memory_space<vmem>>, vector<16xf32>,
    %get3A_16 = arith.constant 112 : index
    %get3A_17 = tpu.vector_load %arg4[%get3A_16] {strides = array<i32>} : memref<256xf32, #tpu.memory_space<vmem>>, vector<16xf32>,
    %get3A_18 = arith.constant 128 : index
    %get3A_19 = tpu.vector_load %arg4[%get3A_18] {strides = array<i32>} : memref<256xf32, #tpu.memory_space<vmem>>, vector<16xf32>,
    %get3A_20 = arith.constant 144 : index
    %get3A_21 = tpu.vector_load %arg4[%get3A_20] {strides = array<i32>} : memref<256xf32, #tpu.memory_space<vmem>>, vector<16xf32>,
    %get3A_22 = arith.constant 160 : index
    %get3A_23 = tpu.vector_load %arg4[%get3A_22] {strides = array<i32>} : memref<256xf32, #tpu.memory_space<vmem>>, vector<16xf32>,
    %get3A_24 = arith.constant 176 : index
    %get3A_25 = tpu.vector_load %arg4[%get3A_24] {strides = array<i32>} : memref<256xf32, #tpu.memory_space<vmem>>, vector<16xf32>,
    %get3A_26 = arith.constant 192 : index
    %get3A_27 = tpu.vector_load %arg4[%get3A_26] {strides = array<i32>} : memref<256xf32, #tpu.memory_space<vmem>>, vector<16xf32>,
    %get3A_28 = arith.constant 208 : index
    %get3A_29 = tpu.vector_load %arg4[%get3A_28] {strides = array<i32>} : memref<256xf32, #tpu.memory_space<vmem>>, vector<16xf32>,
    %get3A_30 = arith.constant 224 : index
    %get3A_31 = tpu.vector_load %arg4[%get3A_30] {strides = array<i32>} : memref<256xf32, #tpu.memory_space<vmem>>, vector<16xf32>,
    %get3A_32 = arith.constant 240 : index
    %get3A_33 = tpu.vector_load %arg4[%get3A_32] {strides = array<i32>} : memref<256xf32, #tpu.memory_space<vmem>>, vector<16xf32>,
    %broadcast_in_dim3A = arith.constant 0.000000e+00 : f32
    %broadcast_in_dim3A_34 = vector.broadcast %broadcast_in_dim3A : f32 to vector<16xf32>
    %broadcast_in_dim3A_35 = arith.constant 0.000000e+00 : f32
    %broadcast_in_dim3A_36 = vector.broadcast %broadcast_in_dim3A_35 : f32 to vector<16xf32>
    %broadcast_in_dim3A_37 = arith.constant 0.000000e+00 : f32
    %broadcast_in_dim3A_38 = vector.broadcast %broadcast_in_dim3A_37 : f32 to vector<16xf32>
    %broadcast_in_dim3A_39 = arith.constant 0.000000e+00 : f32
    %broadcast_in_dim3A_40 = vector.broadcast %broadcast_in_dim3A_39 : f32 to vector<16xf32>
    %broadcast_in_dim3A_41 = arith.constant 0 : i32
    %broadcast_in_dim3A_42 = vector.broadcast %broadcast_in_dim3A_41 : i32 to vector<16xi32>
    %broadcast_in_dim3A_43 = arith.constant 0 : i32
    %broadcast_in_dim3A_44 = vector.broadcast %broadcast_in_dim3A_43 : i32 to vector<16xi32>
    %broadcast_in_dim3A_45 = arith.constant 0 : i32
    %broadcast_in_dim3A_46 = vector.broadcast %broadcast_in_dim3A_45 : i32 to vector<16xi32>
    %broadcast_in_dim3A_47 = arith.constant 0 : i32
    %broadcast_in_dim3A_48 = vector.broadcast %broadcast_in_dim3A_47 : i32 to vector<16xi32>
    %scan3A = arith.constant 8192 : i32
    %scan3A_49 = arith.constant 0 : i32
    %scan3A_50 = arith.constant 64 : i32
    %scan3A_51 = arith.addi %scan3A_49, %scan3A_50 : i32
    %scan3A_52 = arith.constant 1 : i32
    %scan3A_53:24 = scf.for %scan3A_77 = %scan3A_49 to %scan3A_51 step %scan3A_52 iter_args(%scan3A_78 = %get3A_3, %scan3A_79 = %get3A_5, %scan3A_80 = %get3A_7, %scan3A_81 = %get3A_9, %scan3A_82 = %get3A_11, %scan3A_83 = %get3A_13, %scan3A_84 = %get3A_15, %scan3A_85 = %get3A_17, %scan3A_86 = %get3A_19, %scan3A_87 = %get3A_21, %scan3A_88 = %get3A_23, %scan3A_89 = %get3A_25, %scan3A_90 = %get3A_27, %scan3A_91 = %get3A_29, %scan3A_92 = %get3A_31, %scan3A_93 = %get3A_33, %scan3A_94 = %broadcast_in_dim3A_34, %scan3A_95 = %broadcast_in_dim3A_36, %scan3A_96 = %broadcast_in_dim3A_38, %scan3A_97 = %broadcast_in_dim3A_40, %scan3A_98 = %broadcast_in_dim3A_42, %scan3A_99 = %broadcast_in_dim3A_44, %scan3A_100 = %broadcast_in_dim3A_46, %scan3A_101 = %broadcast_in_dim3A_48) -> (vector<16xf32>, vector<16xf32>, vector<16xf32>, vector<16xf32>, vector<16xf32>, vector<16xf32>, vector<16xf32>, vector<16xf32>, vector<16xf32>, vector<16xf32>, vector<16xf32>, vector<16xf32>, vector<16xf32>, vector<16xf32>, vector<16xf32>, vector<16xf32>, vector<16xf32>, vector<16xf32>, vector<16xf32>, vector<16xf32>, vector<16xi32>, vector<16xi32>, vector<16xi32>, vector<16xi32>)  : i32 {
      %max3A = arith.maximumf %scan3A_78, %scan3A_79 : vector<16xf32>
      %max3A_102 = arith.maximumf %max3A, %scan3A_80 : vector<16xf32>
      %max3A_103 = arith.maximumf %max3A_102, %scan3A_81 : vector<16xf32>
      %max3A_104 = arith.maximumf %max3A_103, %scan3A_82 : vector<16xf32>
      %max3A_105 = arith.maximumf %max3A_104, %scan3A_83 : vector<16xf32>
      %max3A_106 = arith.maximumf %max3A_105, %scan3A_84 : vector<16xf32>
      %max3A_107 = arith.maximumf %max3A_106, %scan3A_85 : vector<16xf32>
      %max3A_108 = arith.maximumf %max3A_107, %scan3A_86 : vector<16xf32>
      %max3A_109 = arith.maximumf %max3A_108, %scan3A_87 : vector<16xf32>
      %max3A_110 = arith.maximumf %max3A_109, %scan3A_88 : vector<16xf32>
      %max3A_111 = arith.maximumf %max3A_110, %scan3A_89 : vector<16xf32>
      %max3A_112 = arith.maximumf %max3A_111, %scan3A_90 : vector<16xf32>
      %max3A_113 = arith.maximumf %max3A_112, %scan3A_91 : vector<16xf32>
      %max3A_114 = arith.maximumf %max3A_113, %scan3A_92 : vector<16xf32>
      %max3A_115 = arith.maximumf %max3A_114, %scan3A_93 : vector<16xf32>
      %reduce_max3A = arith.constant true
      %reduce_max3A_116 = vector.broadcast %reduce_max3A : i1 to vector<16xi1>
      %reduce_max3A_117 = tpu.scan <max>, %max3A_115 masked %reduce_max3A_116 : vector<16xf32>, vector<16xi1> -> vector<16xf32>
      %reduce_max3A_118 = vector.extract %reduce_max3A_117[15] : f32 from vector<16xf32>
      %eq3A_119 = vector.broadcast %reduce_max3A_118 : f32 to vector<16xf32>
      %eq3A_120 = arith.cmpf oeq, %scan3A_78, %eq3A_119 : vector<16xf32>
      %add3A_121 = arith.constant 0 : i32
      %add3A_122 = arith.addi %add3A, %add3A_121 : i32
      %add3A_123 = vector.broadcast %add3A_122 : i32 to vector<16xi32>
      %add3A_124 = arith.addi %iota3A, %add3A_123 : vector<16xi32>
      %broadcast_in_dim3A_125 = vector.broadcast %scan3A : i32 to vector<16xi32>
      %select_n3A = arith.select %eq3A_120, %add3A_124, %broadcast_in_dim3A_125 : vector<16xi1>, vector<16xi32>
      %eq3A_126 = vector.broadcast %reduce_max3A_118 : f32 to vector<16xf32>
      %eq3A_127 = arith.cmpf oeq, %scan3A_79, %eq3A_126 : vector<16xf32>
      %add3A_128 = arith.constant 16 : i32
      %add3A_129 = arith.addi %add3A, %add3A_128 : i32
      %add3A_130 = vector.broadcast %add3A_129 : i32 to vector<16xi32>
      %add3A_131 = arith.addi %iota3A, %add3A_130 : vector<16xi32>
      %broadcast_in_dim3A_132 = vector.broadcast %scan3A : i32 to vector<16xi32>
      %select_n3A_133 = arith.select %eq3A_127, %add3A_131, %broadcast_in_dim3A_132 : vector<16xi1>, vector<16xi32>
      %min3A = arith.minsi %select_n3A, %select_n3A_133 : vector<16xi32>
      %eq3A_134 = vector.broadcast %reduce_max3A_118 : f32 to vector<16xf32>
      %eq3A_135 = arith.cmpf oeq, %scan3A_80, %eq3A_134 : vector<16xf32>
      %add3A_136 = arith.constant 32 : i32
      %add3A_137 = arith.addi %add3A, %add3A_136 : i32
      %add3A_138 = vector.broadcast %add3A_137 : i32 to vector<16xi32>
      %add3A_139 = arith.addi %iota3A, %add3A_138 : vector<16xi32>
      %broadcast_in_dim3A_140 = vector.broadcast %scan3A : i32 to vector<16xi32>
      %select_n3A_141 = arith.select %eq3A_135, %add3A_139, %broadcast_in_dim3A_140 : vector<16xi1>, vector<16xi32>
      %min3A_142 = arith.minsi %min3A, %select_n3A_141 : vector<16xi32>
      %eq3A_143 = vector.broadcast %reduce_max3A_118 : f32 to vector<16xf32>
      %eq3A_144 = arith.cmpf oeq, %scan3A_81, %eq3A_143 : vector<16xf32>
      %add3A_145 = arith.constant 48 : i32
      %add3A_146 = arith.addi %add3A, %add3A_145 : i32
      %add3A_147 = vector.broadcast %add3A_146 : i32 to vector<16xi32>
      %add3A_148 = arith.addi %iota3A, %add3A_147 : vector<16xi32>
      %broadcast_in_dim3A_149 = vector.broadcast %scan3A : i32 to vector<16xi32>
      %select_n3A_150 = arith.select %eq3A_144, %add3A_148, %broadcast_in_dim3A_149 : vector<16xi1>, vector<16xi32>
      %min3A_151 = arith.minsi %min3A_142, %select_n3A_150 : vector<16xi32>
      %eq3A_152 = vector.broadcast %reduce_max3A_118 : f32 to vector<16xf32>
      %eq3A_153 = arith.cmpf oeq, %scan3A_82, %eq3A_152 : vector<16xf32>
      %add3A_154 = arith.constant 64 : i32
      %add3A_155 = arith.addi %add3A, %add3A_154 : i32
      %add3A_156 = vector.broadcast %add3A_155 : i32 to vector<16xi32>
      %add3A_157 = arith.addi %iota3A, %add3A_156 : vector<16xi32>
      %broadcast_in_dim3A_158 = vector.broadcast %scan3A : i32 to vector<16xi32>
      %select_n3A_159 = arith.select %eq3A_153, %add3A_157, %broadcast_in_dim3A_158 : vector<16xi1>, vector<16xi32>
      %min3A_160 = arith.minsi %min3A_151, %select_n3A_159 : vector<16xi32>
      %eq3A_161 = vector.broadcast %reduce_max3A_118 : f32 to vector<16xf32>
      %eq3A_162 = arith.cmpf oeq, %scan3A_83, %eq3A_161 : vector<16xf32>
      %add3A_163 = arith.constant 80 : i32
      %add3A_164 = arith.addi %add3A, %add3A_163 : i32
      %add3A_165 = vector.broadcast %add3A_164 : i32 to vector<16xi32>
      %add3A_166 = arith.addi %iota3A, %add3A_165 : vector<16xi32>
      %broadcast_in_dim3A_167 = vector.broadcast %scan3A : i32 to vector<16xi32>
      %select_n3A_168 = arith.select %eq3A_162, %add3A_166, %broadcast_in_dim3A_167 : vector<16xi1>, vector<16xi32>
      %min3A_169 = arith.minsi %min3A_160, %select_n3A_168 : vector<16xi32>
      %eq3A_170 = vector.broadcast %reduce_max3A_118 : f32 to vector<16xf32>
      %eq3A_171 = arith.cmpf oeq, %scan3A_84, %eq3A_170 : vector<16xf32>
      %add3A_172 = arith.constant 96 : i32
      %add3A_173 = arith.addi %add3A, %add3A_172 : i32
      %add3A_174 = vector.broadcast %add3A_173 : i32 to vector<16xi32>
      %add3A_175 = arith.addi %iota3A, %add3A_174 : vector<16xi32>
      %broadcast_in_dim3A_176 = vector.broadcast %scan3A : i32 to vector<16xi32>
      %select_n3A_177 = arith.select %eq3A_171, %add3A_175, %broadcast_in_dim3A_176 : vector<16xi1>, vector<16xi32>
      %min3A_178 = arith.minsi %min3A_169, %select_n3A_177 : vector<16xi32>
      %eq3A_179 = vector.broadcast %reduce_max3A_118 : f32 to vector<16xf32>
      %eq3A_180 = arith.cmpf oeq, %scan3A_85, %eq3A_179 : vector<16xf32>
      %add3A_181 = arith.constant 112 : i32
      %add3A_182 = arith.addi %add3A, %add3A_181 : i32
      %add3A_183 = vector.broadcast %add3A_182 : i32 to vector<16xi32>
      %add3A_184 = arith.addi %iota3A, %add3A_183 : vector<16xi32>
      %broadcast_in_dim3A_185 = vector.broadcast %scan3A : i32 to vector<16xi32>
      %select_n3A_186 = arith.select %eq3A_180, %add3A_184, %broadcast_in_dim3A_185 : vector<16xi1>, vector<16xi32>
      %min3A_187 = arith.minsi %min3A_178, %select_n3A_186 : vector<16xi32>
      %eq3A_188 = vector.broadcast %reduce_max3A_118 : f32 to vector<16xf32>
      %eq3A_189 = arith.cmpf oeq, %scan3A_86, %eq3A_188 : vector<16xf32>
      %add3A_190 = arith.constant 128 : i32
      %add3A_191 = arith.addi %add3A, %add3A_190 : i32
      %add3A_192 = vector.broadcast %add3A_191 : i32 to vector<16xi32>
      %add3A_193 = arith.addi %iota3A, %add3A_192 : vector<16xi32>
      %broadcast_in_dim3A_194 = vector.broadcast %scan3A : i32 to vector<16xi32>
      %select_n3A_195 = arith.select %eq3A_189, %add3A_193, %broadcast_in_dim3A_194 : vector<16xi1>, vector<16xi32>
      %min3A_196 = arith.minsi %min3A_187, %select_n3A_195 : vector<16xi32>
      %eq3A_197 = vector.broadcast %reduce_max3A_118 : f32 to vector<16xf32>
      %eq3A_198 = arith.cmpf oeq, %scan3A_87, %eq3A_197 : vector<16xf32>
      %add3A_199 = arith.constant 144 : i32
      %add3A_200 = arith.addi %add3A, %add3A_199 : i32
      %add3A_201 = vector.broadcast %add3A_200 : i32 to vector<16xi32>
      %add3A_202 = arith.addi %iota3A, %add3A_201 : vector<16xi32>
      %broadcast_in_dim3A_203 = vector.broadcast %scan3A : i32 to vector<16xi32>
      %select_n3A_204 = arith.select %eq3A_198, %add3A_202, %broadcast_in_dim3A_203 : vector<16xi1>, vector<16xi32>
      %min3A_205 = arith.minsi %min3A_196, %select_n3A_204 : vector<16xi32>
      %eq3A_206 = vector.broadcast %reduce_max3A_118 : f32 to vector<16xf32>
      %eq3A_207 = arith.cmpf oeq, %scan3A_88, %eq3A_206 : vector<16xf32>
      %add3A_208 = arith.constant 160 : i32
      %add3A_209 = arith.addi %add3A, %add3A_208 : i32
      %add3A_210 = vector.broadcast %add3A_209 : i32 to vector<16xi32>
      %add3A_211 = arith.addi %iota3A, %add3A_210 : vector<16xi32>
      %broadcast_in_dim3A_212 = vector.broadcast %scan3A : i32 to vector<16xi32>
      %select_n3A_213 = arith.select %eq3A_207, %add3A_211, %broadcast_in_dim3A_212 : vector<16xi1>, vector<16xi32>
      %min3A_214 = arith.minsi %min3A_205, %select_n3A_213 : vector<16xi32>
      %eq3A_215 = vector.broadcast %reduce_max3A_118 : f32 to vector<16xf32>
      %eq3A_216 = arith.cmpf oeq, %scan3A_89, %eq3A_215 : vector<16xf32>
      %add3A_217 = arith.constant 176 : i32
      %add3A_218 = arith.addi %add3A, %add3A_217 : i32
      %add3A_219 = vector.broadcast %add3A_218 : i32 to vector<16xi32>
      %add3A_220 = arith.addi %iota3A, %add3A_219 : vector<16xi32>
      %broadcast_in_dim3A_221 = vector.broadcast %scan3A : i32 to vector<16xi32>
      %select_n3A_222 = arith.select %eq3A_216, %add3A_220, %broadcast_in_dim3A_221 : vector<16xi1>, vector<16xi32>
      %min3A_223 = arith.minsi %min3A_214, %select_n3A_222 : vector<16xi32>
      %eq3A_224 = vector.broadcast %reduce_max3A_118 : f32 to vector<16xf32>
      %eq3A_225 = arith.cmpf oeq, %scan3A_90, %eq3A_224 : vector<16xf32>
      %add3A_226 = arith.constant 192 : i32
      %add3A_227 = arith.addi %add3A, %add3A_226 : i32
      %add3A_228 = vector.broadcast %add3A_227 : i32 to vector<16xi32>
      %add3A_229 = arith.addi %iota3A, %add3A_228 : vector<16xi32>
      %broadcast_in_dim3A_230 = vector.broadcast %scan3A : i32 to vector<16xi32>
      %select_n3A_231 = arith.select %eq3A_225, %add3A_229, %broadcast_in_dim3A_230 : vector<16xi1>, vector<16xi32>
      %min3A_232 = arith.minsi %min3A_223, %select_n3A_231 : vector<16xi32>
      %eq3A_233 = vector.broadcast %reduce_max3A_118 : f32 to vector<16xf32>
      %eq3A_234 = arith.cmpf oeq, %scan3A_91, %eq3A_233 : vector<16xf32>
      %add3A_235 = arith.constant 208 : i32
      %add3A_236 = arith.addi %add3A, %add3A_235 : i32
      %add3A_237 = vector.broadcast %add3A_236 : i32 to vector<16xi32>
      %add3A_238 = arith.addi %iota3A, %add3A_237 : vector<16xi32>
      %broadcast_in_dim3A_239 = vector.broadcast %scan3A : i32 to vector<16xi32>
      %select_n3A_240 = arith.select %eq3A_234, %add3A_238, %broadcast_in_dim3A_239 : vector<16xi1>, vector<16xi32>
      %min3A_241 = arith.minsi %min3A_232, %select_n3A_240 : vector<16xi32>
      %eq3A_242 = vector.broadcast %reduce_max3A_118 : f32 to vector<16xf32>
      %eq3A_243 = arith.cmpf oeq, %scan3A_92, %eq3A_242 : vector<16xf32>
      %add3A_244 = arith.constant 224 : i32
      %add3A_245 = arith.addi %add3A, %add3A_244 : i32
      %add3A_246 = vector.broadcast %add3A_245 : i32 to vector<16xi32>
      %add3A_247 = arith.addi %iota3A, %add3A_246 : vector<16xi32>
      %broadcast_in_dim3A_248 = vector.broadcast %scan3A : i32 to vector<16xi32>
      %select_n3A_249 = arith.select %eq3A_243, %add3A_247, %broadcast_in_dim3A_248 : vector<16xi1>, vector<16xi32>
      %min3A_250 = arith.minsi %min3A_241, %select_n3A_249 : vector<16xi32>
      %eq3A_251 = vector.broadcast %reduce_max3A_118 : f32 to vector<16xf32>
      %eq3A_252 = arith.cmpf oeq, %scan3A_93, %eq3A_251 : vector<16xf32>
      %add3A_253 = arith.constant 240 : i32
      %add3A_254 = arith.addi %add3A, %add3A_253 : i32
      %add3A_255 = vector.broadcast %add3A_254 : i32 to vector<16xi32>
      %add3A_256 = arith.addi %iota3A, %add3A_255 : vector<16xi32>
      %broadcast_in_dim3A_257 = vector.broadcast %scan3A : i32 to vector<16xi32>
      %select_n3A_258 = arith.select %eq3A_252, %add3A_256, %broadcast_in_dim3A_257 : vector<16xi1>, vector<16xi32>
      %min3A_259 = arith.minsi %min3A_250, %select_n3A_258 : vector<16xi32>
      %reduce_min3A = arith.constant true
      %reduce_min3A_260 = vector.broadcast %reduce_min3A : i1 to vector<16xi1>
      %reduce_min3A_261 = arith.constant -2147483648 : i32
      %reduce_min3A_262 = vector.broadcast %reduce_min3A_261 : i32 to vector<16xi32>
      %reduce_min3A_263 = arith.xori %min3A_259, %reduce_min3A_262 : vector<16xi32>
      %reduce_min3A_264 = tpu.scan <min>, %reduce_min3A_263 masked %reduce_min3A_260 : vector<16xi32>, vector<16xi1> -> vector<16xi32>
      %reduce_min3A_265 = arith.xori %reduce_min3A_264, %reduce_min3A_262 : vector<16xi32>
      %reduce_min3A_266 = vector.extract %reduce_min3A_265[15] : i32 from vector<16xi32>
      %add3A_267 = arith.constant 0 : i32
      %add3A_268 = arith.addi %add3A, %add3A_267 : i32
      %add3A_269 = vector.broadcast %add3A_268 : i32 to vector<16xi32>
      %add3A_270 = arith.addi %iota3A, %add3A_269 : vector<16xi32>
      %eq3A_271 = vector.broadcast %reduce_min3A_266 : i32 to vector<16xi32>
      %eq3A_272 = arith.cmpi eq, %add3A_270, %eq3A_271 : vector<16xi32>
      %jit3A = arith.constant 0xFF800000 : f32
      %broadcast_in_dim3A_273 = vector.broadcast %jit3A : f32 to vector<16xf32>
      %select_n3A_274 = arith.select %eq3A_272, %broadcast_in_dim3A_273, %scan3A_78 : vector<16xi1>, vector<16xf32>
      %add3A_275 = arith.constant 16 : i32
      %add3A_276 = arith.addi %add3A, %add3A_275 : i32
      %add3A_277 = vector.broadcast %add3A_276 : i32 to vector<16xi32>
      %add3A_278 = arith.addi %iota3A, %add3A_277 : vector<16xi32>
      %eq3A_279 = vector.broadcast %reduce_min3A_266 : i32 to vector<16xi32>
      %eq3A_280 = arith.cmpi eq, %add3A_278, %eq3A_279 : vector<16xi32>
      %jit3A_281 = arith.constant 0xFF800000 : f32
      %broadcast_in_dim3A_282 = vector.broadcast %jit3A_281 : f32 to vector<16xf32>
      %select_n3A_283 = arith.select %eq3A_280, %broadcast_in_dim3A_282, %scan3A_79 : vector<16xi1>, vector<16xf32>
      %add3A_284 = arith.constant 32 : i32
      %add3A_285 = arith.addi %add3A, %add3A_284 : i32
      %add3A_286 = vector.broadcast %add3A_285 : i32 to vector<16xi32>
      %add3A_287 = arith.addi %iota3A, %add3A_286 : vector<16xi32>
      %eq3A_288 = vector.broadcast %reduce_min3A_266 : i32 to vector<16xi32>
      %eq3A_289 = arith.cmpi eq, %add3A_287, %eq3A_288 : vector<16xi32>
      %jit3A_290 = arith.constant 0xFF800000 : f32
      %broadcast_in_dim3A_291 = vector.broadcast %jit3A_290 : f32 to vector<16xf32>
      %select_n3A_292 = arith.select %eq3A_289, %broadcast_in_dim3A_291, %scan3A_80 : vector<16xi1>, vector<16xf32>
      %add3A_293 = arith.constant 48 : i32
      %add3A_294 = arith.addi %add3A, %add3A_293 : i32
      %add3A_295 = vector.broadcast %add3A_294 : i32 to vector<16xi32>
      %add3A_296 = arith.addi %iota3A, %add3A_295 : vector<16xi32>
      %eq3A_297 = vector.broadcast %reduce_min3A_266 : i32 to vector<16xi32>
      %eq3A_298 = arith.cmpi eq, %add3A_296, %eq3A_297 : vector<16xi32>
      %jit3A_299 = arith.constant 0xFF800000 : f32
      %broadcast_in_dim3A_300 = vector.broadcast %jit3A_299 : f32 to vector<16xf32>
      %select_n3A_301 = arith.select %eq3A_298, %broadcast_in_dim3A_300, %scan3A_81 : vector<16xi1>, vector<16xf32>
      %add3A_302 = arith.constant 64 : i32
      %add3A_303 = arith.addi %add3A, %add3A_302 : i32
      %add3A_304 = vector.broadcast %add3A_303 : i32 to vector<16xi32>
      %add3A_305 = arith.addi %iota3A, %add3A_304 : vector<16xi32>
      %eq3A_306 = vector.broadcast %reduce_min3A_266 : i32 to vector<16xi32>
      %eq3A_307 = arith.cmpi eq, %add3A_305, %eq3A_306 : vector<16xi32>
      %jit3A_308 = arith.constant 0xFF800000 : f32
      %broadcast_in_dim3A_309 = vector.broadcast %jit3A_308 : f32 to vector<16xf32>
      %select_n3A_310 = arith.select %eq3A_307, %broadcast_in_dim3A_309, %scan3A_82 : vector<16xi1>, vector<16xf32>
      %add3A_311 = arith.constant 80 : i32
      %add3A_312 = arith.addi %add3A, %add3A_311 : i32
      %add3A_313 = vector.broadcast %add3A_312 : i32 to vector<16xi32>
      %add3A_314 = arith.addi %iota3A, %add3A_313 : vector<16xi32>
      %eq3A_315 = vector.broadcast %reduce_min3A_266 : i32 to vector<16xi32>
      %eq3A_316 = arith.cmpi eq, %add3A_314, %eq3A_315 : vector<16xi32>
      %jit3A_317 = arith.constant 0xFF800000 : f32
      %broadcast_in_dim3A_318 = vector.broadcast %jit3A_317 : f32 to vector<16xf32>
      %select_n3A_319 = arith.select %eq3A_316, %broadcast_in_dim3A_318, %scan3A_83 : vector<16xi1>, vector<16xf32>
      %add3A_320 = arith.constant 96 : i32
      %add3A_321 = arith.addi %add3A, %add3A_320 : i32
      %add3A_322 = vector.broadcast %add3A_321 : i32 to vector<16xi32>
      %add3A_323 = arith.addi %iota3A, %add3A_322 : vector<16xi32>
      %eq3A_324 = vector.broadcast %reduce_min3A_266 : i32 to vector<16xi32>
      %eq3A_325 = arith.cmpi eq, %add3A_323, %eq3A_324 : vector<16xi32>
      %jit3A_326 = arith.constant 0xFF800000 : f32
      %broadcast_in_dim3A_327 = vector.broadcast %jit3A_326 : f32 to vector<16xf32>
      %select_n3A_328 = arith.select %eq3A_325, %broadcast_in_dim3A_327, %scan3A_84 : vector<16xi1>, vector<16xf32>
      %add3A_329 = arith.constant 112 : i32
      %add3A_330 = arith.addi %add3A, %add3A_329 : i32
      %add3A_331 = vector.broadcast %add3A_330 : i32 to vector<16xi32>
      %add3A_332 = arith.addi %iota3A, %add3A_331 : vector<16xi32>
      %eq3A_333 = vector.broadcast %reduce_min3A_266 : i32 to vector<16xi32>
      %eq3A_334 = arith.cmpi eq, %add3A_332, %eq3A_333 : vector<16xi32>
      %jit3A_335 = arith.constant 0xFF800000 : f32
      %broadcast_in_dim3A_336 = vector.broadcast %jit3A_335 : f32 to vector<16xf32>
      %select_n3A_337 = arith.select %eq3A_334, %broadcast_in_dim3A_336, %scan3A_85 : vector<16xi1>, vector<16xf32>
      %add3A_338 = arith.constant 128 : i32
      %add3A_339 = arith.addi %add3A, %add3A_338 : i32
      %add3A_340 = vector.broadcast %add3A_339 : i32 to vector<16xi32>
      %add3A_341 = arith.addi %iota3A, %add3A_340 : vector<16xi32>
      %eq3A_342 = vector.broadcast %reduce_min3A_266 : i32 to vector<16xi32>
      %eq3A_343 = arith.cmpi eq, %add3A_341, %eq3A_342 : vector<16xi32>
      %jit3A_344 = arith.constant 0xFF800000 : f32
      %broadcast_in_dim3A_345 = vector.broadcast %jit3A_344 : f32 to vector<16xf32>
      %select_n3A_346 = arith.select %eq3A_343, %broadcast_in_dim3A_345, %scan3A_86 : vector<16xi1>, vector<16xf32>
      %add3A_347 = arith.constant 144 : i32
      %add3A_348 = arith.addi %add3A, %add3A_347 : i32
      %add3A_349 = vector.broadcast %add3A_348 : i32 to vector<16xi32>
      %add3A_350 = arith.addi %iota3A, %add3A_349 : vector<16xi32>
      %eq3A_351 = vector.broadcast %reduce_min3A_266 : i32 to vector<16xi32>
      %eq3A_352 = arith.cmpi eq, %add3A_350, %eq3A_351 : vector<16xi32>
      %jit3A_353 = arith.constant 0xFF800000 : f32
      %broadcast_in_dim3A_354 = vector.broadcast %jit3A_353 : f32 to vector<16xf32>
      %select_n3A_355 = arith.select %eq3A_352, %broadcast_in_dim3A_354, %scan3A_87 : vector<16xi1>, vector<16xf32>
      %add3A_356 = arith.constant 160 : i32
      %add3A_357 = arith.addi %add3A, %add3A_356 : i32
      %add3A_358 = vector.broadcast %add3A_357 : i32 to vector<16xi32>
      %add3A_359 = arith.addi %iota3A, %add3A_358 : vector<16xi32>
      %eq3A_360 = vector.broadcast %reduce_min3A_266 : i32 to vector<16xi32>
      %eq3A_361 = arith.cmpi eq, %add3A_359, %eq3A_360 : vector<16xi32>
      %jit3A_362 = arith.constant 0xFF800000 : f32
      %broadcast_in_dim3A_363 = vector.broadcast %jit3A_362 : f32 to vector<16xf32>
      %select_n3A_364 = arith.select %eq3A_361, %broadcast_in_dim3A_363, %scan3A_88 : vector<16xi1>, vector<16xf32>
      %add3A_365 = arith.constant 176 : i32
      %add3A_366 = arith.addi %add3A, %add3A_365 : i32
      %add3A_367 = vector.broadcast %add3A_366 : i32 to vector<16xi32>
      %add3A_368 = arith.addi %iota3A, %add3A_367 : vector<16xi32>
      %eq3A_369 = vector.broadcast %reduce_min3A_266 : i32 to vector<16xi32>
      %eq3A_370 = arith.cmpi eq, %add3A_368, %eq3A_369 : vector<16xi32>
      %jit3A_371 = arith.constant 0xFF800000 : f32
      %broadcast_in_dim3A_372 = vector.broadcast %jit3A_371 : f32 to vector<16xf32>
      %select_n3A_373 = arith.select %eq3A_370, %broadcast_in_dim3A_372, %scan3A_89 : vector<16xi1>, vector<16xf32>
      %add3A_374 = arith.constant 192 : i32
      %add3A_375 = arith.addi %add3A, %add3A_374 : i32
      %add3A_376 = vector.broadcast %add3A_375 : i32 to vector<16xi32>
      %add3A_377 = arith.addi %iota3A, %add3A_376 : vector<16xi32>
      %eq3A_378 = vector.broadcast %reduce_min3A_266 : i32 to vector<16xi32>
      %eq3A_379 = arith.cmpi eq, %add3A_377, %eq3A_378 : vector<16xi32>
      %jit3A_380 = arith.constant 0xFF800000 : f32
      %broadcast_in_dim3A_381 = vector.broadcast %jit3A_380 : f32 to vector<16xf32>
      %select_n3A_382 = arith.select %eq3A_379, %broadcast_in_dim3A_381, %scan3A_90 : vector<16xi1>, vector<16xf32>
      %add3A_383 = arith.constant 208 : i32
      %add3A_384 = arith.addi %add3A, %add3A_383 : i32
      %add3A_385 = vector.broadcast %add3A_384 : i32 to vector<16xi32>
      %add3A_386 = arith.addi %iota3A, %add3A_385 : vector<16xi32>
      %eq3A_387 = vector.broadcast %reduce_min3A_266 : i32 to vector<16xi32>
      %eq3A_388 = arith.cmpi eq, %add3A_386, %eq3A_387 : vector<16xi32>
      %jit3A_389 = arith.constant 0xFF800000 : f32
      %broadcast_in_dim3A_390 = vector.broadcast %jit3A_389 : f32 to vector<16xf32>
      %select_n3A_391 = arith.select %eq3A_388, %broadcast_in_dim3A_390, %scan3A_91 : vector<16xi1>, vector<16xf32>
      %add3A_392 = arith.constant 224 : i32
      %add3A_393 = arith.addi %add3A, %add3A_392 : i32
      %add3A_394 = vector.broadcast %add3A_393 : i32 to vector<16xi32>
      %add3A_395 = arith.addi %iota3A, %add3A_394 : vector<16xi32>
      %eq3A_396 = vector.broadcast %reduce_min3A_266 : i32 to vector<16xi32>
      %eq3A_397 = arith.cmpi eq, %add3A_395, %eq3A_396 : vector<16xi32>
      %jit3A_398 = arith.constant 0xFF800000 : f32
      %broadcast_in_dim3A_399 = vector.broadcast %jit3A_398 : f32 to vector<16xf32>
      %select_n3A_400 = arith.select %eq3A_397, %broadcast_in_dim3A_399, %scan3A_92 : vector<16xi1>, vector<16xf32>
      %add3A_401 = arith.constant 240 : i32
      %add3A_402 = arith.addi %add3A, %add3A_401 : i32
      %add3A_403 = vector.broadcast %add3A_402 : i32 to vector<16xi32>
      %add3A_404 = arith.addi %iota3A, %add3A_403 : vector<16xi32>
      %eq3A_405 = vector.broadcast %reduce_min3A_266 : i32 to vector<16xi32>
      %eq3A_406 = arith.cmpi eq, %add3A_404, %eq3A_405 : vector<16xi32>
      %jit3A_407 = arith.constant 0xFF800000 : f32
      %broadcast_in_dim3A_408 = vector.broadcast %jit3A_407 : f32 to vector<16xf32>
      %select_n3A_409 = arith.select %eq3A_406, %broadcast_in_dim3A_408, %scan3A_93 : vector<16xi1>, vector<16xf32>
      %add3A_410 = arith.constant 0 : i32
      %add3A_411 = vector.broadcast %add3A_410 : i32 to vector<16xi32>
      %add3A_412 = arith.addi %iota3A, %add3A_411 : vector<16xi32>
      %eq3A_413 = vector.broadcast %scan3A_77 : i32 to vector<16xi32>
      %eq3A_414 = arith.cmpi eq, %add3A_412, %eq3A_413 : vector<16xi32>
      %broadcast_in_dim3A_415 = vector.broadcast %reduce_max3A_118 : f32 to vector<16xf32>
      %select_n3A_416 = arith.select %eq3A_414, %broadcast_in_dim3A_415, %scan3A_94 : vector<16xi1>, vector<16xf32>
      %add3A_417 = arith.constant 16 : i32
      %add3A_418 = vector.broadcast %add3A_417 : i32 to vector<16xi32>
      %add3A_419 = arith.addi %iota3A, %add3A_418 : vector<16xi32>
      %eq3A_420 = vector.broadcast %scan3A_77 : i32 to vector<16xi32>
      %eq3A_421 = arith.cmpi eq, %add3A_419, %eq3A_420 : vector<16xi32>
      %broadcast_in_dim3A_422 = vector.broadcast %reduce_max3A_118 : f32 to vector<16xf32>
      %select_n3A_423 = arith.select %eq3A_421, %broadcast_in_dim3A_422, %scan3A_95 : vector<16xi1>, vector<16xf32>
      %add3A_424 = arith.constant 32 : i32
      %add3A_425 = vector.broadcast %add3A_424 : i32 to vector<16xi32>
      %add3A_426 = arith.addi %iota3A, %add3A_425 : vector<16xi32>
      %eq3A_427 = vector.broadcast %scan3A_77 : i32 to vector<16xi32>
      %eq3A_428 = arith.cmpi eq, %add3A_426, %eq3A_427 : vector<16xi32>
      %broadcast_in_dim3A_429 = vector.broadcast %reduce_max3A_118 : f32 to vector<16xf32>
      %select_n3A_430 = arith.select %eq3A_428, %broadcast_in_dim3A_429, %scan3A_96 : vector<16xi1>, vector<16xf32>
      %add3A_431 = arith.constant 48 : i32
      %add3A_432 = vector.broadcast %add3A_431 : i32 to vector<16xi32>
      %add3A_433 = arith.addi %iota3A, %add3A_432 : vector<16xi32>
      %eq3A_434 = vector.broadcast %scan3A_77 : i32 to vector<16xi32>
      %eq3A_435 = arith.cmpi eq, %add3A_433, %eq3A_434 : vector<16xi32>
      %broadcast_in_dim3A_436 = vector.broadcast %reduce_max3A_118 : f32 to vector<16xf32>
      %select_n3A_437 = arith.select %eq3A_435, %broadcast_in_dim3A_436, %scan3A_97 : vector<16xi1>, vector<16xf32>
      %add3A_438 = arith.constant 0 : i32
      %add3A_439 = vector.broadcast %add3A_438 : i32 to vector<16xi32>
      %add3A_440 = arith.addi %iota3A, %add3A_439 : vector<16xi32>
      %eq3A_441 = vector.broadcast %scan3A_77 : i32 to vector<16xi32>
      %eq3A_442 = arith.cmpi eq, %add3A_440, %eq3A_441 : vector<16xi32>
      %broadcast_in_dim3A_443 = vector.broadcast %reduce_min3A_266 : i32 to vector<16xi32>
      %select_n3A_444 = arith.select %eq3A_442, %broadcast_in_dim3A_443, %scan3A_98 : vector<16xi1>, vector<16xi32>
      %add3A_445 = arith.constant 16 : i32
      %add3A_446 = vector.broadcast %add3A_445 : i32 to vector<16xi32>
      %add3A_447 = arith.addi %iota3A, %add3A_446 : vector<16xi32>
      %eq3A_448 = vector.broadcast %scan3A_77 : i32 to vector<16xi32>
      %eq3A_449 = arith.cmpi eq, %add3A_447, %eq3A_448 : vector<16xi32>
      %broadcast_in_dim3A_450 = vector.broadcast %reduce_min3A_266 : i32 to vector<16xi32>
      %select_n3A_451 = arith.select %eq3A_449, %broadcast_in_dim3A_450, %scan3A_99 : vector<16xi1>, vector<16xi32>
      %add3A_452 = arith.constant 32 : i32
      %add3A_453 = vector.broadcast %add3A_452 : i32 to vector<16xi32>
      %add3A_454 = arith.addi %iota3A, %add3A_453 : vector<16xi32>
      %eq3A_455 = vector.broadcast %scan3A_77 : i32 to vector<16xi32>
      %eq3A_456 = arith.cmpi eq, %add3A_454, %eq3A_455 : vector<16xi32>
      %broadcast_in_dim3A_457 = vector.broadcast %reduce_min3A_266 : i32 to vector<16xi32>
      %select_n3A_458 = arith.select %eq3A_456, %broadcast_in_dim3A_457, %scan3A_100 : vector<16xi1>, vector<16xi32>
      %add3A_459 = arith.constant 48 : i32
      %add3A_460 = vector.broadcast %add3A_459 : i32 to vector<16xi32>
      %add3A_461 = arith.addi %iota3A, %add3A_460 : vector<16xi32>
      %eq3A_462 = vector.broadcast %scan3A_77 : i32 to vector<16xi32>
      %eq3A_463 = arith.cmpi eq, %add3A_461, %eq3A_462 : vector<16xi32>
      %broadcast_in_dim3A_464 = vector.broadcast %reduce_min3A_266 : i32 to vector<16xi32>
      %select_n3A_465 = arith.select %eq3A_463, %broadcast_in_dim3A_464, %scan3A_101 : vector<16xi1>, vector<16xi32>
      scf.yield %select_n3A_274, %select_n3A_283, %select_n3A_292, %select_n3A_301, %select_n3A_310, %select_n3A_319, %select_n3A_328, %select_n3A_337, %select_n3A_346, %select_n3A_355, %select_n3A_364, %select_n3A_373, %select_n3A_382, %select_n3A_391, %select_n3A_400, %select_n3A_409, %select_n3A_416, %select_n3A_423, %select_n3A_430, %select_n3A_437, %select_n3A_444, %select_n3A_451, %select_n3A_458, %select_n3A_465 : vector<16xf32>, vector<16xf32>, vector<16xf32>, vector<16xf32>, vector<16xf32>, vector<16xf32>, vector<16xf32>, vector<16xf32>, vector<16xf32>, vector<16xf32>, vector<16xf32>, vector<16xf32>, vector<16xf32>, vector<16xf32>, vector<16xf32>, vector<16xf32>, vector<16xf32>, vector<16xf32>, vector<16xf32>, vector<16xf32>, vector<16xi32>, vector<16xi32>, vector<16xi32>, vector<16xi32>
    }
    %scan3A_54 = arith.constant 64 : i32
    %swap3A = arith.constant 0 : index
    %swap3A_55 = tpu.vector_load %arg5[%swap3A] {strides = array<i32>} : memref<64xf32, #tpu.memory_space<vmem>>, vector<16xf32>,
    tpu.vector_store %arg5[%swap3A], %scan3A_53#16 {strides = array<i32>} : memref<64xf32, #tpu.memory_space<vmem>>, vector<16xf32>,
    %swap3A_56 = arith.constant 0 : index
    %swap3A_57 = tpu.vector_load %arg6[%swap3A_56] {strides = array<i32>} : memref<64xi32, #tpu.memory_space<vmem>>, vector<16xi32>,
    tpu.vector_store %arg6[%swap3A_56], %scan3A_53#20 {strides = array<i32>} : memref<64xi32, #tpu.memory_space<vmem>>, vector<16xi32>,
    %swap3A_58 = arith.constant 16 : index
    %swap3A_59 = tpu.vector_load %arg5[%swap3A_58] {strides = array<i32>} : memref<64xf32, #tpu.memory_space<vmem>>, vector<16xf32>,
    tpu.vector_store %arg5[%swap3A_58], %scan3A_53#17 {strides = array<i32>} : memref<64xf32, #tpu.memory_space<vmem>>, vector<16xf32>,
    %swap3A_60 = arith.constant 16 : index
    %swap3A_61 = tpu.vector_load %arg6[%swap3A_60] {strides = array<i32>} : memref<64xi32, #tpu.memory_space<vmem>>, vector<16xi32>,
    tpu.vector_store %arg6[%swap3A_60], %scan3A_53#21 {strides = array<i32>} : memref<64xi32, #tpu.memory_space<vmem>>, vector<16xi32>,
    %swap3A_62 = arith.constant 32 : index
    %swap3A_63 = tpu.vector_load %arg5[%swap3A_62] {strides = array<i32>} : memref<64xf32, #tpu.memory_space<vmem>>, vector<16xf32>,
    tpu.vector_store %arg5[%swap3A_62], %scan3A_53#18 {strides = array<i32>} : memref<64xf32, #tpu.memory_space<vmem>>, vector<16xf32>,
    %swap3A_64 = arith.constant 32 : index
    %swap3A_65 = tpu.vector_load %arg6[%swap3A_64] {strides = array<i32>} : memref<64xi32, #tpu.memory_space<vmem>>, vector<16xi32>,
    tpu.vector_store %arg6[%swap3A_64], %scan3A_53#22 {strides = array<i32>} : memref<64xi32, #tpu.memory_space<vmem>>, vector<16xi32>,
    %swap3A_66 = arith.constant 48 : index
    %swap3A_67 = tpu.vector_load %arg5[%swap3A_66] {strides = array<i32>} : memref<64xf32, #tpu.memory_space<vmem>>, vector<16xf32>,
    tpu.vector_store %arg5[%swap3A_66], %scan3A_53#19 {strides = array<i32>} : memref<64xf32, #tpu.memory_space<vmem>>, vector<16xf32>,
    %swap3A_68 = arith.constant 48 : index
    %swap3A_69 = tpu.vector_load %arg6[%swap3A_68] {strides = array<i32>} : memref<64xi32, #tpu.memory_space<vmem>>, vector<16xi32>,
    tpu.vector_store %arg6[%swap3A_68], %scan3A_53#23 {strides = array<i32>} : memref<64xi32, #tpu.memory_space<vmem>>, vector<16xi32>,
    %mul3A_70 = arith.constant 64 : i32
    %mul3A_71 = arith.muli %arg1, %mul3A_70 : i32
    "tpu.region"() ({
      %run_scoped3A = tpu.sem_alloc : memref<!tpu.dma_semaphore, #tpu.memory_space<semaphore_mem>>
      %dma_start3A = tpu.memref_slice %arg10[%mul3A_71] : memref<1024xf32, #tpu.memory_space<vmem_shared>> -> memref<64xf32, #tpu.memory_space<vmem_shared>>
      %dma_start3A_77 = tpu.memref_slice %arg10[%mul3A_71] : memref<1024xf32, #tpu.memory_space<vmem_shared>> -> memref<64xf32, #tpu.memory_space<vmem_shared>>
      tpu.enqueue_dma source(%arg5 : memref<64xf32, #tpu.memory_space<vmem>>) target(%dma_start3A_77 : memref<64xf32, #tpu.memory_space<vmem_shared>>) target_semaphore(%run_scoped3A : memref<!tpu.dma_semaphore, #tpu.memory_space<semaphore_mem>>)
      %dma_wait3A = tpu.memref_slice %arg10[%mul3A_71] : memref<1024xf32, #tpu.memory_space<vmem_shared>> -> memref<64xf32, #tpu.memory_space<vmem_shared>>
      %dma_wait3A_78 = tpu.memref_slice %arg10[%mul3A_71] : memref<1024xf32, #tpu.memory_space<vmem_shared>> -> memref<64xf32, #tpu.memory_space<vmem_shared>>
      tpu.wait_dma2 semaphore(%run_scoped3A : memref<!tpu.dma_semaphore, #tpu.memory_space<semaphore_mem>>) src(%arg5 : memref<64xf32, #tpu.memory_space<vmem>>) dst(%dma_wait3A_78 : memref<64xf32, #tpu.memory_space<vmem_shared>>)
      tpu.yield
    }) : () -> ()
    %mul3A_72 = arith.constant 64 : i32
    %mul3A_73 = arith.muli %arg1, %mul3A_72 : i32
    "tpu.region"() ({
      %run_scoped3A = tpu.sem_alloc : memref<!tpu.dma_semaphore, #tpu.memory_space<semaphore_mem>>
      %dma_start3A = tpu.memref_slice %arg11[%mul3A_73] : memref<1024xi32, #tpu.memory_space<vmem_shared>> -> memref<64xi32, #tpu.memory_space<vmem_shared>>
      %dma_start3A_77 = tpu.memref_slice %arg11[%mul3A_73] : memref<1024xi32, #tpu.memory_space<vmem_shared>> -> memref<64xi32, #tpu.memory_space<vmem_shared>>
      tpu.enqueue_dma source(%arg6 : memref<64xi32, #tpu.memory_space<vmem>>) target(%dma_start3A_77 : memref<64xi32, #tpu.memory_space<vmem_shared>>) target_semaphore(%run_scoped3A : memref<!tpu.dma_semaphore, #tpu.memory_space<semaphore_mem>>)
      %dma_wait3A = tpu.memref_slice %arg11[%mul3A_73] : memref<1024xi32, #tpu.memory_space<vmem_shared>> -> memref<64xi32, #tpu.memory_space<vmem_shared>>
      %dma_wait3A_78 = tpu.memref_slice %arg11[%mul3A_73] : memref<1024xi32, #tpu.memory_space<vmem_shared>> -> memref<64xi32, #tpu.memory_space<vmem_shared>>
      tpu.wait_dma2 semaphore(%run_scoped3A : memref<!tpu.dma_semaphore, #tpu.memory_space<semaphore_mem>>) src(%arg6 : memref<64xi32, #tpu.memory_space<vmem>>) dst(%dma_wait3A_78 : memref<64xi32, #tpu.memory_space<vmem_shared>>)
      tpu.yield
    }) : () -> ()
    %barrier3A = arith.constant 0 : index
    tpu.barrier barrier_id(%barrier3A)
    %eq3A = arith.constant 0 : i32
    %eq3A_74 = arith.cmpi eq, %arg1, %eq3A : i32
    %convert_element_type3A = arith.extui %eq3A_74 : i1 to i32
    %cond3A = arith.constant 8192 : i32
    %cond3A_75 = arith.constant 0 : i32
    %cond3A_76 = arith.cmpi ne, %convert_element_type3A, %cond3A_75 : i32
    scf.if %cond3A_76 {
      "tpu.region"() ({
        %run_scoped3A = tpu.sem_alloc : memref<!tpu.dma_semaphore, #tpu.memory_space<semaphore_mem>>
        tpu.enqueue_dma source(%arg10 : memref<1024xf32, #tpu.memory_space<vmem_shared>>) target(%arg7 : memref<1024xf32, #tpu.memory_space<vmem>>) target_semaphore(%run_scoped3A : memref<!tpu.dma_semaphore, #tpu.memory_space<semaphore_mem>>)
        tpu.wait_dma2 semaphore(%run_scoped3A : memref<!tpu.dma_semaphore, #tpu.memory_space<semaphore_mem>>) src(%arg10 : memref<1024xf32, #tpu.memory_space<vmem_shared>>) dst(%arg7 : memref<1024xf32, #tpu.memory_space<vmem>>)
        tpu.yield
      }) : () -> ()
      "tpu.region"() ({
        %run_scoped3A = tpu.sem_alloc : memref<!tpu.dma_semaphore, #tpu.memory_space<semaphore_mem>>
        tpu.enqueue_dma source(%arg11 : memref<1024xi32, #tpu.memory_space<vmem_shared>>) target(%arg8 : memref<1024xi32, #tpu.memory_space<vmem>>) target_semaphore(%run_scoped3A : memref<!tpu.dma_semaphore, #tpu.memory_space<semaphore_mem>>)
        tpu.wait_dma2 semaphore(%run_scoped3A : memref<!tpu.dma_semaphore, #tpu.memory_space<semaphore_mem>>) src(%arg11 : memref<1024xi32, #tpu.memory_space<vmem_shared>>) dst(%arg8 : memref<1024xi32, #tpu.memory_space<vmem>>)
        tpu.yield
      }) : () -> ()
      %scan3A_77 = arith.constant 0 : i32
      %scan3A_78 = arith.constant 0 : i32
      %scan3A_79 = arith.constant 64 : i32
      %scan3A_80 = arith.addi %scan3A_78, %scan3A_79 : i32
      %scan3A_81 = arith.constant 1 : i32
      %scan3A_82 = scf.for %scan3A_86 = %scan3A_78 to %scan3A_80 step %scan3A_81 iter_args(%scan3A_87 = %scan3A_77) -> (i32)  : i32 {
        %get3A_88 = arith.constant 0 : index
        %get3A_89 = tpu.vector_load %arg7[%get3A_88] {strides = array<i32>} : memref<1024xf32, #tpu.memory_space<vmem>>, vector<16xf32>,
        %get3A_90 = arith.constant 16 : index
        %get3A_91 = tpu.vector_load %arg7[%get3A_90] {strides = array<i32>} : memref<1024xf32, #tpu.memory_space<vmem>>, vector<16xf32>,
        %max3A = arith.maximumf %get3A_89, %get3A_91 : vector<16xf32>
        %get3A_92 = arith.constant 32 : index
        %get3A_93 = tpu.vector_load %arg7[%get3A_92] {strides = array<i32>} : memref<1024xf32, #tpu.memory_space<vmem>>, vector<16xf32>,
        %max3A_94 = arith.maximumf %max3A, %get3A_93 : vector<16xf32>
        %get3A_95 = arith.constant 48 : index
        %get3A_96 = tpu.vector_load %arg7[%get3A_95] {strides = array<i32>} : memref<1024xf32, #tpu.memory_space<vmem>>, vector<16xf32>,
        %max3A_97 = arith.maximumf %max3A_94, %get3A_96 : vector<16xf32>
        %get3A_98 = arith.constant 64 : index
        %get3A_99 = tpu.vector_load %arg7[%get3A_98] {strides = array<i32>} : memref<1024xf32, #tpu.memory_space<vmem>>, vector<16xf32>,
        %max3A_100 = arith.maximumf %max3A_97, %get3A_99 : vector<16xf32>
        %get3A_101 = arith.constant 80 : index
        %get3A_102 = tpu.vector_load %arg7[%get3A_101] {strides = array<i32>} : memref<1024xf32, #tpu.memory_space<vmem>>, vector<16xf32>,
        %max3A_103 = arith.maximumf %max3A_100, %get3A_102 : vector<16xf32>
        %get3A_104 = arith.constant 96 : index
        %get3A_105 = tpu.vector_load %arg7[%get3A_104] {strides = array<i32>} : memref<1024xf32, #tpu.memory_space<vmem>>, vector<16xf32>,
        %max3A_106 = arith.maximumf %max3A_103, %get3A_105 : vector<16xf32>
        %get3A_107 = arith.constant 112 : index
        %get3A_108 = tpu.vector_load %arg7[%get3A_107] {strides = array<i32>} : memref<1024xf32, #tpu.memory_space<vmem>>, vector<16xf32>,
        %max3A_109 = arith.maximumf %max3A_106, %get3A_108 : vector<16xf32>
        %get3A_110 = arith.constant 128 : index
        %get3A_111 = tpu.vector_load %arg7[%get3A_110] {strides = array<i32>} : memref<1024xf32, #tpu.memory_space<vmem>>, vector<16xf32>,
        %max3A_112 = arith.maximumf %max3A_109, %get3A_111 : vector<16xf32>
        %get3A_113 = arith.constant 144 : index
        %get3A_114 = tpu.vector_load %arg7[%get3A_113] {strides = array<i32>} : memref<1024xf32, #tpu.memory_space<vmem>>, vector<16xf32>,
        %max3A_115 = arith.maximumf %max3A_112, %get3A_114 : vector<16xf32>
        %get3A_116 = arith.constant 160 : index
        %get3A_117 = tpu.vector_load %arg7[%get3A_116] {strides = array<i32>} : memref<1024xf32, #tpu.memory_space<vmem>>, vector<16xf32>,
        %max3A_118 = arith.maximumf %max3A_115, %get3A_117 : vector<16xf32>
        %get3A_119 = arith.constant 176 : index
        %get3A_120 = tpu.vector_load %arg7[%get3A_119] {strides = array<i32>} : memref<1024xf32, #tpu.memory_space<vmem>>, vector<16xf32>,
        %max3A_121 = arith.maximumf %max3A_118, %get3A_120 : vector<16xf32>
        %get3A_122 = arith.constant 192 : index
        %get3A_123 = tpu.vector_load %arg7[%get3A_122] {strides = array<i32>} : memref<1024xf32, #tpu.memory_space<vmem>>, vector<16xf32>,
        %max3A_124 = arith.maximumf %max3A_121, %get3A_123 : vector<16xf32>
        %get3A_125 = arith.constant 208 : index
        %get3A_126 = tpu.vector_load %arg7[%get3A_125] {strides = array<i32>} : memref<1024xf32, #tpu.memory_space<vmem>>, vector<16xf32>,
        %max3A_127 = arith.maximumf %max3A_124, %get3A_126 : vector<16xf32>
        %get3A_128 = arith.constant 224 : index
        %get3A_129 = tpu.vector_load %arg7[%get3A_128] {strides = array<i32>} : memref<1024xf32, #tpu.memory_space<vmem>>, vector<16xf32>,
        %max3A_130 = arith.maximumf %max3A_127, %get3A_129 : vector<16xf32>
        %get3A_131 = arith.constant 240 : index
        %get3A_132 = tpu.vector_load %arg7[%get3A_131] {strides = array<i32>} : memref<1024xf32, #tpu.memory_space<vmem>>, vector<16xf32>,
        %max3A_133 = arith.maximumf %max3A_130, %get3A_132 : vector<16xf32>
        %get3A_134 = arith.constant 256 : index
        %get3A_135 = tpu.vector_load %arg7[%get3A_134] {strides = array<i32>} : memref<1024xf32, #tpu.memory_space<vmem>>, vector<16xf32>,
        %max3A_136 = arith.maximumf %max3A_133, %get3A_135 : vector<16xf32>
        %get3A_137 = arith.constant 272 : index
        %get3A_138 = tpu.vector_load %arg7[%get3A_137] {strides = array<i32>} : memref<1024xf32, #tpu.memory_space<vmem>>, vector<16xf32>,
        %max3A_139 = arith.maximumf %max3A_136, %get3A_138 : vector<16xf32>
        %get3A_140 = arith.constant 288 : index
        %get3A_141 = tpu.vector_load %arg7[%get3A_140] {strides = array<i32>} : memref<1024xf32, #tpu.memory_space<vmem>>, vector<16xf32>,
        %max3A_142 = arith.maximumf %max3A_139, %get3A_141 : vector<16xf32>
        %get3A_143 = arith.constant 304 : index
        %get3A_144 = tpu.vector_load %arg7[%get3A_143] {strides = array<i32>} : memref<1024xf32, #tpu.memory_space<vmem>>, vector<16xf32>,
        %max3A_145 = arith.maximumf %max3A_142, %get3A_144 : vector<16xf32>
        %get3A_146 = arith.constant 320 : index
        %get3A_147 = tpu.vector_load %arg7[%get3A_146] {strides = array<i32>} : memref<1024xf32, #tpu.memory_space<vmem>>, vector<16xf32>,
        %max3A_148 = arith.maximumf %max3A_145, %get3A_147 : vector<16xf32>
        %get3A_149 = arith.constant 336 : index
        %get3A_150 = tpu.vector_load %arg7[%get3A_149] {strides = array<i32>} : memref<1024xf32, #tpu.memory_space<vmem>>, vector<16xf32>,
        %max3A_151 = arith.maximumf %max3A_148, %get3A_150 : vector<16xf32>
        %get3A_152 = arith.constant 352 : index
        %get3A_153 = tpu.vector_load %arg7[%get3A_152] {strides = array<i32>} : memref<1024xf32, #tpu.memory_space<vmem>>, vector<16xf32>,
        %max3A_154 = arith.maximumf %max3A_151, %get3A_153 : vector<16xf32>
        %get3A_155 = arith.constant 368 : index
        %get3A_156 = tpu.vector_load %arg7[%get3A_155] {strides = array<i32>} : memref<1024xf32, #tpu.memory_space<vmem>>, vector<16xf32>,
        %max3A_157 = arith.maximumf %max3A_154, %get3A_156 : vector<16xf32>
        %get3A_158 = arith.constant 384 : index
        %get3A_159 = tpu.vector_load %arg7[%get3A_158] {strides = array<i32>} : memref<1024xf32, #tpu.memory_space<vmem>>, vector<16xf32>,
        %max3A_160 = arith.maximumf %max3A_157, %get3A_159 : vector<16xf32>
        %get3A_161 = arith.constant 400 : index
        %get3A_162 = tpu.vector_load %arg7[%get3A_161] {strides = array<i32>} : memref<1024xf32, #tpu.memory_space<vmem>>, vector<16xf32>,
        %max3A_163 = arith.maximumf %max3A_160, %get3A_162 : vector<16xf32>
        %get3A_164 = arith.constant 416 : index
        %get3A_165 = tpu.vector_load %arg7[%get3A_164] {strides = array<i32>} : memref<1024xf32, #tpu.memory_space<vmem>>, vector<16xf32>,
        %max3A_166 = arith.maximumf %max3A_163, %get3A_165 : vector<16xf32>
        %get3A_167 = arith.constant 432 : index
        %get3A_168 = tpu.vector_load %arg7[%get3A_167] {strides = array<i32>} : memref<1024xf32, #tpu.memory_space<vmem>>, vector<16xf32>,
        %max3A_169 = arith.maximumf %max3A_166, %get3A_168 : vector<16xf32>
        %get3A_170 = arith.constant 448 : index
        %get3A_171 = tpu.vector_load %arg7[%get3A_170] {strides = array<i32>} : memref<1024xf32, #tpu.memory_space<vmem>>, vector<16xf32>,
        %max3A_172 = arith.maximumf %max3A_169, %get3A_171 : vector<16xf32>
        %get3A_173 = arith.constant 464 : index
        %get3A_174 = tpu.vector_load %arg7[%get3A_173] {strides = array<i32>} : memref<1024xf32, #tpu.memory_space<vmem>>, vector<16xf32>,
        %max3A_175 = arith.maximumf %max3A_172, %get3A_174 : vector<16xf32>
        %get3A_176 = arith.constant 480 : index
        %get3A_177 = tpu.vector_load %arg7[%get3A_176] {strides = array<i32>} : memref<1024xf32, #tpu.memory_space<vmem>>, vector<16xf32>,
        %max3A_178 = arith.maximumf %max3A_175, %get3A_177 : vector<16xf32>
        %get3A_179 = arith.constant 496 : index
        %get3A_180 = tpu.vector_load %arg7[%get3A_179] {strides = array<i32>} : memref<1024xf32, #tpu.memory_space<vmem>>, vector<16xf32>,
        %max3A_181 = arith.maximumf %max3A_178, %get3A_180 : vector<16xf32>
        %get3A_182 = arith.constant 512 : index
        %get3A_183 = tpu.vector_load %arg7[%get3A_182] {strides = array<i32>} : memref<1024xf32, #tpu.memory_space<vmem>>, vector<16xf32>,
        %max3A_184 = arith.maximumf %max3A_181, %get3A_183 : vector<16xf32>
        %get3A_185 = arith.constant 528 : index
        %get3A_186 = tpu.vector_load %arg7[%get3A_185] {strides = array<i32>} : memref<1024xf32, #tpu.memory_space<vmem>>, vector<16xf32>,
        %max3A_187 = arith.maximumf %max3A_184, %get3A_186 : vector<16xf32>
        %get3A_188 = arith.constant 544 : index
        %get3A_189 = tpu.vector_load %arg7[%get3A_188] {strides = array<i32>} : memref<1024xf32, #tpu.memory_space<vmem>>, vector<16xf32>,
        %max3A_190 = arith.maximumf %max3A_187, %get3A_189 : vector<16xf32>
        %get3A_191 = arith.constant 560 : index
        %get3A_192 = tpu.vector_load %arg7[%get3A_191] {strides = array<i32>} : memref<1024xf32, #tpu.memory_space<vmem>>, vector<16xf32>,
        %max3A_193 = arith.maximumf %max3A_190, %get3A_192 : vector<16xf32>
        %get3A_194 = arith.constant 576 : index
        %get3A_195 = tpu.vector_load %arg7[%get3A_194] {strides = array<i32>} : memref<1024xf32, #tpu.memory_space<vmem>>, vector<16xf32>,
        %max3A_196 = arith.maximumf %max3A_193, %get3A_195 : vector<16xf32>
        %get3A_197 = arith.constant 592 : index
        %get3A_198 = tpu.vector_load %arg7[%get3A_197] {strides = array<i32>} : memref<1024xf32, #tpu.memory_space<vmem>>, vector<16xf32>,
        %max3A_199 = arith.maximumf %max3A_196, %get3A_198 : vector<16xf32>
        %get3A_200 = arith.constant 608 : index
        %get3A_201 = tpu.vector_load %arg7[%get3A_200] {strides = array<i32>} : memref<1024xf32, #tpu.memory_space<vmem>>, vector<16xf32>,
        %max3A_202 = arith.maximumf %max3A_199, %get3A_201 : vector<16xf32>
        %get3A_203 = arith.constant 624 : index
        %get3A_204 = tpu.vector_load %arg7[%get3A_203] {strides = array<i32>} : memref<1024xf32, #tpu.memory_space<vmem>>, vector<16xf32>,
        %max3A_205 = arith.maximumf %max3A_202, %get3A_204 : vector<16xf32>
        %get3A_206 = arith.constant 640 : index
        %get3A_207 = tpu.vector_load %arg7[%get3A_206] {strides = array<i32>} : memref<1024xf32, #tpu.memory_space<vmem>>, vector<16xf32>,
        %max3A_208 = arith.maximumf %max3A_205, %get3A_207 : vector<16xf32>
        %get3A_209 = arith.constant 656 : index
        %get3A_210 = tpu.vector_load %arg7[%get3A_209] {strides = array<i32>} : memref<1024xf32, #tpu.memory_space<vmem>>, vector<16xf32>,
        %max3A_211 = arith.maximumf %max3A_208, %get3A_210 : vector<16xf32>
        %get3A_212 = arith.constant 672 : index
        %get3A_213 = tpu.vector_load %arg7[%get3A_212] {strides = array<i32>} : memref<1024xf32, #tpu.memory_space<vmem>>, vector<16xf32>,
        %max3A_214 = arith.maximumf %max3A_211, %get3A_213 : vector<16xf32>
        %get3A_215 = arith.constant 688 : index
        %get3A_216 = tpu.vector_load %arg7[%get3A_215] {strides = array<i32>} : memref<1024xf32, #tpu.memory_space<vmem>>, vector<16xf32>,
        %max3A_217 = arith.maximumf %max3A_214, %get3A_216 : vector<16xf32>
        %get3A_218 = arith.constant 704 : index
        %get3A_219 = tpu.vector_load %arg7[%get3A_218] {strides = array<i32>} : memref<1024xf32, #tpu.memory_space<vmem>>, vector<16xf32>,
        %max3A_220 = arith.maximumf %max3A_217, %get3A_219 : vector<16xf32>
        %get3A_221 = arith.constant 720 : index
        %get3A_222 = tpu.vector_load %arg7[%get3A_221] {strides = array<i32>} : memref<1024xf32, #tpu.memory_space<vmem>>, vector<16xf32>,
        %max3A_223 = arith.maximumf %max3A_220, %get3A_222 : vector<16xf32>
        %get3A_224 = arith.constant 736 : index
        %get3A_225 = tpu.vector_load %arg7[%get3A_224] {strides = array<i32>} : memref<1024xf32, #tpu.memory_space<vmem>>, vector<16xf32>,
        %max3A_226 = arith.maximumf %max3A_223, %get3A_225 : vector<16xf32>
        %get3A_227 = arith.constant 752 : index
        %get3A_228 = tpu.vector_load %arg7[%get3A_227] {strides = array<i32>} : memref<1024xf32, #tpu.memory_space<vmem>>, vector<16xf32>,
        %max3A_229 = arith.maximumf %max3A_226, %get3A_228 : vector<16xf32>
        %get3A_230 = arith.constant 768 : index
        %get3A_231 = tpu.vector_load %arg7[%get3A_230] {strides = array<i32>} : memref<1024xf32, #tpu.memory_space<vmem>>, vector<16xf32>,
        %max3A_232 = arith.maximumf %max3A_229, %get3A_231 : vector<16xf32>
        %get3A_233 = arith.constant 784 : index
        %get3A_234 = tpu.vector_load %arg7[%get3A_233] {strides = array<i32>} : memref<1024xf32, #tpu.memory_space<vmem>>, vector<16xf32>,
        %max3A_235 = arith.maximumf %max3A_232, %get3A_234 : vector<16xf32>
        %get3A_236 = arith.constant 800 : index
        %get3A_237 = tpu.vector_load %arg7[%get3A_236] {strides = array<i32>} : memref<1024xf32, #tpu.memory_space<vmem>>, vector<16xf32>,
        %max3A_238 = arith.maximumf %max3A_235, %get3A_237 : vector<16xf32>
        %get3A_239 = arith.constant 816 : index
        %get3A_240 = tpu.vector_load %arg7[%get3A_239] {strides = array<i32>} : memref<1024xf32, #tpu.memory_space<vmem>>, vector<16xf32>,
        %max3A_241 = arith.maximumf %max3A_238, %get3A_240 : vector<16xf32>
        %get3A_242 = arith.constant 832 : index
        %get3A_243 = tpu.vector_load %arg7[%get3A_242] {strides = array<i32>} : memref<1024xf32, #tpu.memory_space<vmem>>, vector<16xf32>,
        %max3A_244 = arith.maximumf %max3A_241, %get3A_243 : vector<16xf32>
        %get3A_245 = arith.constant 848 : index
        %get3A_246 = tpu.vector_load %arg7[%get3A_245] {strides = array<i32>} : memref<1024xf32, #tpu.memory_space<vmem>>, vector<16xf32>,
        %max3A_247 = arith.maximumf %max3A_244, %get3A_246 : vector<16xf32>
        %get3A_248 = arith.constant 864 : index
        %get3A_249 = tpu.vector_load %arg7[%get3A_248] {strides = array<i32>} : memref<1024xf32, #tpu.memory_space<vmem>>, vector<16xf32>,
        %max3A_250 = arith.maximumf %max3A_247, %get3A_249 : vector<16xf32>
        %get3A_251 = arith.constant 880 : index
        %get3A_252 = tpu.vector_load %arg7[%get3A_251] {strides = array<i32>} : memref<1024xf32, #tpu.memory_space<vmem>>, vector<16xf32>,
        %max3A_253 = arith.maximumf %max3A_250, %get3A_252 : vector<16xf32>
        %get3A_254 = arith.constant 896 : index
        %get3A_255 = tpu.vector_load %arg7[%get3A_254] {strides = array<i32>} : memref<1024xf32, #tpu.memory_space<vmem>>, vector<16xf32>,
        %max3A_256 = arith.maximumf %max3A_253, %get3A_255 : vector<16xf32>
        %get3A_257 = arith.constant 912 : index
        %get3A_258 = tpu.vector_load %arg7[%get3A_257] {strides = array<i32>} : memref<1024xf32, #tpu.memory_space<vmem>>, vector<16xf32>,
        %max3A_259 = arith.maximumf %max3A_256, %get3A_258 : vector<16xf32>
        %get3A_260 = arith.constant 928 : index
        %get3A_261 = tpu.vector_load %arg7[%get3A_260] {strides = array<i32>} : memref<1024xf32, #tpu.memory_space<vmem>>, vector<16xf32>,
        %max3A_262 = arith.maximumf %max3A_259, %get3A_261 : vector<16xf32>
        %get3A_263 = arith.constant 944 : index
        %get3A_264 = tpu.vector_load %arg7[%get3A_263] {strides = array<i32>} : memref<1024xf32, #tpu.memory_space<vmem>>, vector<16xf32>,
        %max3A_265 = arith.maximumf %max3A_262, %get3A_264 : vector<16xf32>
        %get3A_266 = arith.constant 960 : index
        %get3A_267 = tpu.vector_load %arg7[%get3A_266] {strides = array<i32>} : memref<1024xf32, #tpu.memory_space<vmem>>, vector<16xf32>,
        %max3A_268 = arith.maximumf %max3A_265, %get3A_267 : vector<16xf32>
        %get3A_269 = arith.constant 976 : index
        %get3A_270 = tpu.vector_load %arg7[%get3A_269] {strides = array<i32>} : memref<1024xf32, #tpu.memory_space<vmem>>, vector<16xf32>,
        %max3A_271 = arith.maximumf %max3A_268, %get3A_270 : vector<16xf32>
        %get3A_272 = arith.constant 992 : index
        %get3A_273 = tpu.vector_load %arg7[%get3A_272] {strides = array<i32>} : memref<1024xf32, #tpu.memory_space<vmem>>, vector<16xf32>,
        %max3A_274 = arith.maximumf %max3A_271, %get3A_273 : vector<16xf32>
        %get3A_275 = arith.constant 1008 : index
        %get3A_276 = tpu.vector_load %arg7[%get3A_275] {strides = array<i32>} : memref<1024xf32, #tpu.memory_space<vmem>>, vector<16xf32>,
        %max3A_277 = arith.maximumf %max3A_274, %get3A_276 : vector<16xf32>
        %reduce_max3A = arith.constant true
        %reduce_max3A_278 = vector.broadcast %reduce_max3A : i1 to vector<16xi1>
        %reduce_max3A_279 = tpu.scan <max>, %max3A_277 masked %reduce_max3A_278 : vector<16xf32>, vector<16xi1> -> vector<16xf32>
        %reduce_max3A_280 = vector.extract %reduce_max3A_279[15] : f32 from vector<16xf32>
        %get3A_281 = arith.constant 0 : index
        %get3A_282 = tpu.vector_load %arg7[%get3A_281] {strides = array<i32>} : memref<1024xf32, #tpu.memory_space<vmem>>, vector<16xf32>,
        %eq3A_283 = vector.broadcast %reduce_max3A_280 : f32 to vector<16xf32>
        %eq3A_284 = arith.cmpf oeq, %get3A_282, %eq3A_283 : vector<16xf32>
        %get3A_285 = arith.constant 0 : index
        %get3A_286 = tpu.vector_load %arg8[%get3A_285] {strides = array<i32>} : memref<1024xi32, #tpu.memory_space<vmem>>, vector<16xi32>,
        %broadcast_in_dim3A_287 = vector.broadcast %cond3A : i32 to vector<16xi32>
        %select_n3A = arith.select %eq3A_284, %get3A_286, %broadcast_in_dim3A_287 : vector<16xi1>, vector<16xi32>
        %get3A_288 = arith.constant 16 : index
        %get3A_289 = tpu.vector_load %arg7[%get3A_288] {strides = array<i32>} : memref<1024xf32, #tpu.memory_space<vmem>>, vector<16xf32>,
        %eq3A_290 = vector.broadcast %reduce_max3A_280 : f32 to vector<16xf32>
        %eq3A_291 = arith.cmpf oeq, %get3A_289, %eq3A_290 : vector<16xf32>
        %get3A_292 = arith.constant 16 : index
        %get3A_293 = tpu.vector_load %arg8[%get3A_292] {strides = array<i32>} : memref<1024xi32, #tpu.memory_space<vmem>>, vector<16xi32>,
        %broadcast_in_dim3A_294 = vector.broadcast %cond3A : i32 to vector<16xi32>
        %select_n3A_295 = arith.select %eq3A_291, %get3A_293, %broadcast_in_dim3A_294 : vector<16xi1>, vector<16xi32>
        %min3A = arith.minsi %select_n3A, %select_n3A_295 : vector<16xi32>
        %get3A_296 = arith.constant 32 : index
        %get3A_297 = tpu.vector_load %arg7[%get3A_296] {strides = array<i32>} : memref<1024xf32, #tpu.memory_space<vmem>>, vector<16xf32>,
        %eq3A_298 = vector.broadcast %reduce_max3A_280 : f32 to vector<16xf32>
        %eq3A_299 = arith.cmpf oeq, %get3A_297, %eq3A_298 : vector<16xf32>
        %get3A_300 = arith.constant 32 : index
        %get3A_301 = tpu.vector_load %arg8[%get3A_300] {strides = array<i32>} : memref<1024xi32, #tpu.memory_space<vmem>>, vector<16xi32>,
        %broadcast_in_dim3A_302 = vector.broadcast %cond3A : i32 to vector<16xi32>
        %select_n3A_303 = arith.select %eq3A_299, %get3A_301, %broadcast_in_dim3A_302 : vector<16xi1>, vector<16xi32>
        %min3A_304 = arith.minsi %min3A, %select_n3A_303 : vector<16xi32>
        %get3A_305 = arith.constant 48 : index
        %get3A_306 = tpu.vector_load %arg7[%get3A_305] {strides = array<i32>} : memref<1024xf32, #tpu.memory_space<vmem>>, vector<16xf32>,
        %eq3A_307 = vector.broadcast %reduce_max3A_280 : f32 to vector<16xf32>
        %eq3A_308 = arith.cmpf oeq, %get3A_306, %eq3A_307 : vector<16xf32>
        %get3A_309 = arith.constant 48 : index
        %get3A_310 = tpu.vector_load %arg8[%get3A_309] {strides = array<i32>} : memref<1024xi32, #tpu.memory_space<vmem>>, vector<16xi32>,
        %broadcast_in_dim3A_311 = vector.broadcast %cond3A : i32 to vector<16xi32>
        %select_n3A_312 = arith.select %eq3A_308, %get3A_310, %broadcast_in_dim3A_311 : vector<16xi1>, vector<16xi32>
        %min3A_313 = arith.minsi %min3A_304, %select_n3A_312 : vector<16xi32>
        %get3A_314 = arith.constant 64 : index
        %get3A_315 = tpu.vector_load %arg7[%get3A_314] {strides = array<i32>} : memref<1024xf32, #tpu.memory_space<vmem>>, vector<16xf32>,
        %eq3A_316 = vector.broadcast %reduce_max3A_280 : f32 to vector<16xf32>
        %eq3A_317 = arith.cmpf oeq, %get3A_315, %eq3A_316 : vector<16xf32>
        %get3A_318 = arith.constant 64 : index
        %get3A_319 = tpu.vector_load %arg8[%get3A_318] {strides = array<i32>} : memref<1024xi32, #tpu.memory_space<vmem>>, vector<16xi32>,
        %broadcast_in_dim3A_320 = vector.broadcast %cond3A : i32 to vector<16xi32>
        %select_n3A_321 = arith.select %eq3A_317, %get3A_319, %broadcast_in_dim3A_320 : vector<16xi1>, vector<16xi32>
        %min3A_322 = arith.minsi %min3A_313, %select_n3A_321 : vector<16xi32>
        %get3A_323 = arith.constant 80 : index
        %get3A_324 = tpu.vector_load %arg7[%get3A_323] {strides = array<i32>} : memref<1024xf32, #tpu.memory_space<vmem>>, vector<16xf32>,
        %eq3A_325 = vector.broadcast %reduce_max3A_280 : f32 to vector<16xf32>
        %eq3A_326 = arith.cmpf oeq, %get3A_324, %eq3A_325 : vector<16xf32>
        %get3A_327 = arith.constant 80 : index
        %get3A_328 = tpu.vector_load %arg8[%get3A_327] {strides = array<i32>} : memref<1024xi32, #tpu.memory_space<vmem>>, vector<16xi32>,
        %broadcast_in_dim3A_329 = vector.broadcast %cond3A : i32 to vector<16xi32>
        %select_n3A_330 = arith.select %eq3A_326, %get3A_328, %broadcast_in_dim3A_329 : vector<16xi1>, vector<16xi32>
        %min3A_331 = arith.minsi %min3A_322, %select_n3A_330 : vector<16xi32>
        %get3A_332 = arith.constant 96 : index
        %get3A_333 = tpu.vector_load %arg7[%get3A_332] {strides = array<i32>} : memref<1024xf32, #tpu.memory_space<vmem>>, vector<16xf32>,
        %eq3A_334 = vector.broadcast %reduce_max3A_280 : f32 to vector<16xf32>
        %eq3A_335 = arith.cmpf oeq, %get3A_333, %eq3A_334 : vector<16xf32>
        %get3A_336 = arith.constant 96 : index
        %get3A_337 = tpu.vector_load %arg8[%get3A_336] {strides = array<i32>} : memref<1024xi32, #tpu.memory_space<vmem>>, vector<16xi32>,
        %broadcast_in_dim3A_338 = vector.broadcast %cond3A : i32 to vector<16xi32>
        %select_n3A_339 = arith.select %eq3A_335, %get3A_337, %broadcast_in_dim3A_338 : vector<16xi1>, vector<16xi32>
        %min3A_340 = arith.minsi %min3A_331, %select_n3A_339 : vector<16xi32>
        %get3A_341 = arith.constant 112 : index
        %get3A_342 = tpu.vector_load %arg7[%get3A_341] {strides = array<i32>} : memref<1024xf32, #tpu.memory_space<vmem>>, vector<16xf32>,
        %eq3A_343 = vector.broadcast %reduce_max3A_280 : f32 to vector<16xf32>
        %eq3A_344 = arith.cmpf oeq, %get3A_342, %eq3A_343 : vector<16xf32>
        %get3A_345 = arith.constant 112 : index
        %get3A_346 = tpu.vector_load %arg8[%get3A_345] {strides = array<i32>} : memref<1024xi32, #tpu.memory_space<vmem>>, vector<16xi32>,
        %broadcast_in_dim3A_347 = vector.broadcast %cond3A : i32 to vector<16xi32>
        %select_n3A_348 = arith.select %eq3A_344, %get3A_346, %broadcast_in_dim3A_347 : vector<16xi1>, vector<16xi32>
        %min3A_349 = arith.minsi %min3A_340, %select_n3A_348 : vector<16xi32>
        %get3A_350 = arith.constant 128 : index
        %get3A_351 = tpu.vector_load %arg7[%get3A_350] {strides = array<i32>} : memref<1024xf32, #tpu.memory_space<vmem>>, vector<16xf32>,
        %eq3A_352 = vector.broadcast %reduce_max3A_280 : f32 to vector<16xf32>
        %eq3A_353 = arith.cmpf oeq, %get3A_351, %eq3A_352 : vector<16xf32>
        %get3A_354 = arith.constant 128 : index
        %get3A_355 = tpu.vector_load %arg8[%get3A_354] {strides = array<i32>} : memref<1024xi32, #tpu.memory_space<vmem>>, vector<16xi32>,
        %broadcast_in_dim3A_356 = vector.broadcast %cond3A : i32 to vector<16xi32>
        %select_n3A_357 = arith.select %eq3A_353, %get3A_355, %broadcast_in_dim3A_356 : vector<16xi1>, vector<16xi32>
        %min3A_358 = arith.minsi %min3A_349, %select_n3A_357 : vector<16xi32>
        %get3A_359 = arith.constant 144 : index
        %get3A_360 = tpu.vector_load %arg7[%get3A_359] {strides = array<i32>} : memref<1024xf32, #tpu.memory_space<vmem>>, vector<16xf32>,
        %eq3A_361 = vector.broadcast %reduce_max3A_280 : f32 to vector<16xf32>
        %eq3A_362 = arith.cmpf oeq, %get3A_360, %eq3A_361 : vector<16xf32>
        %get3A_363 = arith.constant 144 : index
        %get3A_364 = tpu.vector_load %arg8[%get3A_363] {strides = array<i32>} : memref<1024xi32, #tpu.memory_space<vmem>>, vector<16xi32>,
        %broadcast_in_dim3A_365 = vector.broadcast %cond3A : i32 to vector<16xi32>
        %select_n3A_366 = arith.select %eq3A_362, %get3A_364, %broadcast_in_dim3A_365 : vector<16xi1>, vector<16xi32>
        %min3A_367 = arith.minsi %min3A_358, %select_n3A_366 : vector<16xi32>
        %get3A_368 = arith.constant 160 : index
        %get3A_369 = tpu.vector_load %arg7[%get3A_368] {strides = array<i32>} : memref<1024xf32, #tpu.memory_space<vmem>>, vector<16xf32>,
        %eq3A_370 = vector.broadcast %reduce_max3A_280 : f32 to vector<16xf32>
        %eq3A_371 = arith.cmpf oeq, %get3A_369, %eq3A_370 : vector<16xf32>
        %get3A_372 = arith.constant 160 : index
        %get3A_373 = tpu.vector_load %arg8[%get3A_372] {strides = array<i32>} : memref<1024xi32, #tpu.memory_space<vmem>>, vector<16xi32>,
        %broadcast_in_dim3A_374 = vector.broadcast %cond3A : i32 to vector<16xi32>
        %select_n3A_375 = arith.select %eq3A_371, %get3A_373, %broadcast_in_dim3A_374 : vector<16xi1>, vector<16xi32>
        %min3A_376 = arith.minsi %min3A_367, %select_n3A_375 : vector<16xi32>
        %get3A_377 = arith.constant 176 : index
        %get3A_378 = tpu.vector_load %arg7[%get3A_377] {strides = array<i32>} : memref<1024xf32, #tpu.memory_space<vmem>>, vector<16xf32>,
        %eq3A_379 = vector.broadcast %reduce_max3A_280 : f32 to vector<16xf32>
        %eq3A_380 = arith.cmpf oeq, %get3A_378, %eq3A_379 : vector<16xf32>
        %get3A_381 = arith.constant 176 : index
        %get3A_382 = tpu.vector_load %arg8[%get3A_381] {strides = array<i32>} : memref<1024xi32, #tpu.memory_space<vmem>>, vector<16xi32>,
        %broadcast_in_dim3A_383 = vector.broadcast %cond3A : i32 to vector<16xi32>
        %select_n3A_384 = arith.select %eq3A_380, %get3A_382, %broadcast_in_dim3A_383 : vector<16xi1>, vector<16xi32>
        %min3A_385 = arith.minsi %min3A_376, %select_n3A_384 : vector<16xi32>
        %get3A_386 = arith.constant 192 : index
        %get3A_387 = tpu.vector_load %arg7[%get3A_386] {strides = array<i32>} : memref<1024xf32, #tpu.memory_space<vmem>>, vector<16xf32>,
        %eq3A_388 = vector.broadcast %reduce_max3A_280 : f32 to vector<16xf32>
        %eq3A_389 = arith.cmpf oeq, %get3A_387, %eq3A_388 : vector<16xf32>
        %get3A_390 = arith.constant 192 : index
        %get3A_391 = tpu.vector_load %arg8[%get3A_390] {strides = array<i32>} : memref<1024xi32, #tpu.memory_space<vmem>>, vector<16xi32>,
        %broadcast_in_dim3A_392 = vector.broadcast %cond3A : i32 to vector<16xi32>
        %select_n3A_393 = arith.select %eq3A_389, %get3A_391, %broadcast_in_dim3A_392 : vector<16xi1>, vector<16xi32>
        %min3A_394 = arith.minsi %min3A_385, %select_n3A_393 : vector<16xi32>
        %get3A_395 = arith.constant 208 : index
        %get3A_396 = tpu.vector_load %arg7[%get3A_395] {strides = array<i32>} : memref<1024xf32, #tpu.memory_space<vmem>>, vector<16xf32>,
        %eq3A_397 = vector.broadcast %reduce_max3A_280 : f32 to vector<16xf32>
        %eq3A_398 = arith.cmpf oeq, %get3A_396, %eq3A_397 : vector<16xf32>
        %get3A_399 = arith.constant 208 : index
        %get3A_400 = tpu.vector_load %arg8[%get3A_399] {strides = array<i32>} : memref<1024xi32, #tpu.memory_space<vmem>>, vector<16xi32>,
        %broadcast_in_dim3A_401 = vector.broadcast %cond3A : i32 to vector<16xi32>
        %select_n3A_402 = arith.select %eq3A_398, %get3A_400, %broadcast_in_dim3A_401 : vector<16xi1>, vector<16xi32>
        %min3A_403 = arith.minsi %min3A_394, %select_n3A_402 : vector<16xi32>
        %get3A_404 = arith.constant 224 : index
        %get3A_405 = tpu.vector_load %arg7[%get3A_404] {strides = array<i32>} : memref<1024xf32, #tpu.memory_space<vmem>>, vector<16xf32>,
        %eq3A_406 = vector.broadcast %reduce_max3A_280 : f32 to vector<16xf32>
        %eq3A_407 = arith.cmpf oeq, %get3A_405, %eq3A_406 : vector<16xf32>
        %get3A_408 = arith.constant 224 : index
        %get3A_409 = tpu.vector_load %arg8[%get3A_408] {strides = array<i32>} : memref<1024xi32, #tpu.memory_space<vmem>>, vector<16xi32>,
        %broadcast_in_dim3A_410 = vector.broadcast %cond3A : i32 to vector<16xi32>
        %select_n3A_411 = arith.select %eq3A_407, %get3A_409, %broadcast_in_dim3A_410 : vector<16xi1>, vector<16xi32>
        %min3A_412 = arith.minsi %min3A_403, %select_n3A_411 : vector<16xi32>
        %get3A_413 = arith.constant 240 : index
        %get3A_414 = tpu.vector_load %arg7[%get3A_413] {strides = array<i32>} : memref<1024xf32, #tpu.memory_space<vmem>>, vector<16xf32>,
        %eq3A_415 = vector.broadcast %reduce_max3A_280 : f32 to vector<16xf32>
        %eq3A_416 = arith.cmpf oeq, %get3A_414, %eq3A_415 : vector<16xf32>
        %get3A_417 = arith.constant 240 : index
        %get3A_418 = tpu.vector_load %arg8[%get3A_417] {strides = array<i32>} : memref<1024xi32, #tpu.memory_space<vmem>>, vector<16xi32>,
        %broadcast_in_dim3A_419 = vector.broadcast %cond3A : i32 to vector<16xi32>
        %select_n3A_420 = arith.select %eq3A_416, %get3A_418, %broadcast_in_dim3A_419 : vector<16xi1>, vector<16xi32>
        %min3A_421 = arith.minsi %min3A_412, %select_n3A_420 : vector<16xi32>
        %get3A_422 = arith.constant 256 : index
        %get3A_423 = tpu.vector_load %arg7[%get3A_422] {strides = array<i32>} : memref<1024xf32, #tpu.memory_space<vmem>>, vector<16xf32>,
        %eq3A_424 = vector.broadcast %reduce_max3A_280 : f32 to vector<16xf32>
        %eq3A_425 = arith.cmpf oeq, %get3A_423, %eq3A_424 : vector<16xf32>
        %get3A_426 = arith.constant 256 : index
        %get3A_427 = tpu.vector_load %arg8[%get3A_426] {strides = array<i32>} : memref<1024xi32, #tpu.memory_space<vmem>>, vector<16xi32>,
        %broadcast_in_dim3A_428 = vector.broadcast %cond3A : i32 to vector<16xi32>
        %select_n3A_429 = arith.select %eq3A_425, %get3A_427, %broadcast_in_dim3A_428 : vector<16xi1>, vector<16xi32>
        %min3A_430 = arith.minsi %min3A_421, %select_n3A_429 : vector<16xi32>
        %get3A_431 = arith.constant 272 : index
        %get3A_432 = tpu.vector_load %arg7[%get3A_431] {strides = array<i32>} : memref<1024xf32, #tpu.memory_space<vmem>>, vector<16xf32>,
        %eq3A_433 = vector.broadcast %reduce_max3A_280 : f32 to vector<16xf32>
        %eq3A_434 = arith.cmpf oeq, %get3A_432, %eq3A_433 : vector<16xf32>
        %get3A_435 = arith.constant 272 : index
        %get3A_436 = tpu.vector_load %arg8[%get3A_435] {strides = array<i32>} : memref<1024xi32, #tpu.memory_space<vmem>>, vector<16xi32>,
        %broadcast_in_dim3A_437 = vector.broadcast %cond3A : i32 to vector<16xi32>
        %select_n3A_438 = arith.select %eq3A_434, %get3A_436, %broadcast_in_dim3A_437 : vector<16xi1>, vector<16xi32>
        %min3A_439 = arith.minsi %min3A_430, %select_n3A_438 : vector<16xi32>
        %get3A_440 = arith.constant 288 : index
        %get3A_441 = tpu.vector_load %arg7[%get3A_440] {strides = array<i32>} : memref<1024xf32, #tpu.memory_space<vmem>>, vector<16xf32>,
        %eq3A_442 = vector.broadcast %reduce_max3A_280 : f32 to vector<16xf32>
        %eq3A_443 = arith.cmpf oeq, %get3A_441, %eq3A_442 : vector<16xf32>
        %get3A_444 = arith.constant 288 : index
        %get3A_445 = tpu.vector_load %arg8[%get3A_444] {strides = array<i32>} : memref<1024xi32, #tpu.memory_space<vmem>>, vector<16xi32>,
        %broadcast_in_dim3A_446 = vector.broadcast %cond3A : i32 to vector<16xi32>
        %select_n3A_447 = arith.select %eq3A_443, %get3A_445, %broadcast_in_dim3A_446 : vector<16xi1>, vector<16xi32>
        %min3A_448 = arith.minsi %min3A_439, %select_n3A_447 : vector<16xi32>
        %get3A_449 = arith.constant 304 : index
        %get3A_450 = tpu.vector_load %arg7[%get3A_449] {strides = array<i32>} : memref<1024xf32, #tpu.memory_space<vmem>>, vector<16xf32>,
        %eq3A_451 = vector.broadcast %reduce_max3A_280 : f32 to vector<16xf32>
        %eq3A_452 = arith.cmpf oeq, %get3A_450, %eq3A_451 : vector<16xf32>
        %get3A_453 = arith.constant 304 : index
        %get3A_454 = tpu.vector_load %arg8[%get3A_453] {strides = array<i32>} : memref<1024xi32, #tpu.memory_space<vmem>>, vector<16xi32>,
        %broadcast_in_dim3A_455 = vector.broadcast %cond3A : i32 to vector<16xi32>
        %select_n3A_456 = arith.select %eq3A_452, %get3A_454, %broadcast_in_dim3A_455 : vector<16xi1>, vector<16xi32>
        %min3A_457 = arith.minsi %min3A_448, %select_n3A_456 : vector<16xi32>
        %get3A_458 = arith.constant 320 : index
        %get3A_459 = tpu.vector_load %arg7[%get3A_458] {strides = array<i32>} : memref<1024xf32, #tpu.memory_space<vmem>>, vector<16xf32>,
        %eq3A_460 = vector.broadcast %reduce_max3A_280 : f32 to vector<16xf32>
        %eq3A_461 = arith.cmpf oeq, %get3A_459, %eq3A_460 : vector<16xf32>
        %get3A_462 = arith.constant 320 : index
        %get3A_463 = tpu.vector_load %arg8[%get3A_462] {strides = array<i32>} : memref<1024xi32, #tpu.memory_space<vmem>>, vector<16xi32>,
        %broadcast_in_dim3A_464 = vector.broadcast %cond3A : i32 to vector<16xi32>
        %select_n3A_465 = arith.select %eq3A_461, %get3A_463, %broadcast_in_dim3A_464 : vector<16xi1>, vector<16xi32>
        %min3A_466 = arith.minsi %min3A_457, %select_n3A_465 : vector<16xi32>
        %get3A_467 = arith.constant 336 : index
        %get3A_468 = tpu.vector_load %arg7[%get3A_467] {strides = array<i32>} : memref<1024xf32, #tpu.memory_space<vmem>>, vector<16xf32>,
        %eq3A_469 = vector.broadcast %reduce_max3A_280 : f32 to vector<16xf32>
        %eq3A_470 = arith.cmpf oeq, %get3A_468, %eq3A_469 : vector<16xf32>
        %get3A_471 = arith.constant 336 : index
        %get3A_472 = tpu.vector_load %arg8[%get3A_471] {strides = array<i32>} : memref<1024xi32, #tpu.memory_space<vmem>>, vector<16xi32>,
        %broadcast_in_dim3A_473 = vector.broadcast %cond3A : i32 to vector<16xi32>
        %select_n3A_474 = arith.select %eq3A_470, %get3A_472, %broadcast_in_dim3A_473 : vector<16xi1>, vector<16xi32>
        %min3A_475 = arith.minsi %min3A_466, %select_n3A_474 : vector<16xi32>
        %get3A_476 = arith.constant 352 : index
        %get3A_477 = tpu.vector_load %arg7[%get3A_476] {strides = array<i32>} : memref<1024xf32, #tpu.memory_space<vmem>>, vector<16xf32>,
        %eq3A_478 = vector.broadcast %reduce_max3A_280 : f32 to vector<16xf32>
        %eq3A_479 = arith.cmpf oeq, %get3A_477, %eq3A_478 : vector<16xf32>
        %get3A_480 = arith.constant 352 : index
        %get3A_481 = tpu.vector_load %arg8[%get3A_480] {strides = array<i32>} : memref<1024xi32, #tpu.memory_space<vmem>>, vector<16xi32>,
        %broadcast_in_dim3A_482 = vector.broadcast %cond3A : i32 to vector<16xi32>
        %select_n3A_483 = arith.select %eq3A_479, %get3A_481, %broadcast_in_dim3A_482 : vector<16xi1>, vector<16xi32>
        %min3A_484 = arith.minsi %min3A_475, %select_n3A_483 : vector<16xi32>
        %get3A_485 = arith.constant 368 : index
        %get3A_486 = tpu.vector_load %arg7[%get3A_485] {strides = array<i32>} : memref<1024xf32, #tpu.memory_space<vmem>>, vector<16xf32>,
        %eq3A_487 = vector.broadcast %reduce_max3A_280 : f32 to vector<16xf32>
        %eq3A_488 = arith.cmpf oeq, %get3A_486, %eq3A_487 : vector<16xf32>
        %get3A_489 = arith.constant 368 : index
        %get3A_490 = tpu.vector_load %arg8[%get3A_489] {strides = array<i32>} : memref<1024xi32, #tpu.memory_space<vmem>>, vector<16xi32>,
        %broadcast_in_dim3A_491 = vector.broadcast %cond3A : i32 to vector<16xi32>
        %select_n3A_492 = arith.select %eq3A_488, %get3A_490, %broadcast_in_dim3A_491 : vector<16xi1>, vector<16xi32>
        %min3A_493 = arith.minsi %min3A_484, %select_n3A_492 : vector<16xi32>
        %get3A_494 = arith.constant 384 : index
        %get3A_495 = tpu.vector_load %arg7[%get3A_494] {strides = array<i32>} : memref<1024xf32, #tpu.memory_space<vmem>>, vector<16xf32>,
        %eq3A_496 = vector.broadcast %reduce_max3A_280 : f32 to vector<16xf32>
        %eq3A_497 = arith.cmpf oeq, %get3A_495, %eq3A_496 : vector<16xf32>
        %get3A_498 = arith.constant 384 : index
        %get3A_499 = tpu.vector_load %arg8[%get3A_498] {strides = array<i32>} : memref<1024xi32, #tpu.memory_space<vmem>>, vector<16xi32>,
        %broadcast_in_dim3A_500 = vector.broadcast %cond3A : i32 to vector<16xi32>
        %select_n3A_501 = arith.select %eq3A_497, %get3A_499, %broadcast_in_dim3A_500 : vector<16xi1>, vector<16xi32>
        %min3A_502 = arith.minsi %min3A_493, %select_n3A_501 : vector<16xi32>
        %get3A_503 = arith.constant 400 : index
        %get3A_504 = tpu.vector_load %arg7[%get3A_503] {strides = array<i32>} : memref<1024xf32, #tpu.memory_space<vmem>>, vector<16xf32>,
        %eq3A_505 = vector.broadcast %reduce_max3A_280 : f32 to vector<16xf32>
        %eq3A_506 = arith.cmpf oeq, %get3A_504, %eq3A_505 : vector<16xf32>
        %get3A_507 = arith.constant 400 : index
        %get3A_508 = tpu.vector_load %arg8[%get3A_507] {strides = array<i32>} : memref<1024xi32, #tpu.memory_space<vmem>>, vector<16xi32>,
        %broadcast_in_dim3A_509 = vector.broadcast %cond3A : i32 to vector<16xi32>
        %select_n3A_510 = arith.select %eq3A_506, %get3A_508, %broadcast_in_dim3A_509 : vector<16xi1>, vector<16xi32>
        %min3A_511 = arith.minsi %min3A_502, %select_n3A_510 : vector<16xi32>
        %get3A_512 = arith.constant 416 : index
        %get3A_513 = tpu.vector_load %arg7[%get3A_512] {strides = array<i32>} : memref<1024xf32, #tpu.memory_space<vmem>>, vector<16xf32>,
        %eq3A_514 = vector.broadcast %reduce_max3A_280 : f32 to vector<16xf32>
        %eq3A_515 = arith.cmpf oeq, %get3A_513, %eq3A_514 : vector<16xf32>
        %get3A_516 = arith.constant 416 : index
        %get3A_517 = tpu.vector_load %arg8[%get3A_516] {strides = array<i32>} : memref<1024xi32, #tpu.memory_space<vmem>>, vector<16xi32>,
        %broadcast_in_dim3A_518 = vector.broadcast %cond3A : i32 to vector<16xi32>
        %select_n3A_519 = arith.select %eq3A_515, %get3A_517, %broadcast_in_dim3A_518 : vector<16xi1>, vector<16xi32>
        %min3A_520 = arith.minsi %min3A_511, %select_n3A_519 : vector<16xi32>
        %get3A_521 = arith.constant 432 : index
        %get3A_522 = tpu.vector_load %arg7[%get3A_521] {strides = array<i32>} : memref<1024xf32, #tpu.memory_space<vmem>>, vector<16xf32>,
        %eq3A_523 = vector.broadcast %reduce_max3A_280 : f32 to vector<16xf32>
        %eq3A_524 = arith.cmpf oeq, %get3A_522, %eq3A_523 : vector<16xf32>
        %get3A_525 = arith.constant 432 : index
        %get3A_526 = tpu.vector_load %arg8[%get3A_525] {strides = array<i32>} : memref<1024xi32, #tpu.memory_space<vmem>>, vector<16xi32>,
        %broadcast_in_dim3A_527 = vector.broadcast %cond3A : i32 to vector<16xi32>
        %select_n3A_528 = arith.select %eq3A_524, %get3A_526, %broadcast_in_dim3A_527 : vector<16xi1>, vector<16xi32>
        %min3A_529 = arith.minsi %min3A_520, %select_n3A_528 : vector<16xi32>
        %get3A_530 = arith.constant 448 : index
        %get3A_531 = tpu.vector_load %arg7[%get3A_530] {strides = array<i32>} : memref<1024xf32, #tpu.memory_space<vmem>>, vector<16xf32>,
        %eq3A_532 = vector.broadcast %reduce_max3A_280 : f32 to vector<16xf32>
        %eq3A_533 = arith.cmpf oeq, %get3A_531, %eq3A_532 : vector<16xf32>
        %get3A_534 = arith.constant 448 : index
        %get3A_535 = tpu.vector_load %arg8[%get3A_534] {strides = array<i32>} : memref<1024xi32, #tpu.memory_space<vmem>>, vector<16xi32>,
        %broadcast_in_dim3A_536 = vector.broadcast %cond3A : i32 to vector<16xi32>
        %select_n3A_537 = arith.select %eq3A_533, %get3A_535, %broadcast_in_dim3A_536 : vector<16xi1>, vector<16xi32>
        %min3A_538 = arith.minsi %min3A_529, %select_n3A_537 : vector<16xi32>
        %get3A_539 = arith.constant 464 : index
        %get3A_540 = tpu.vector_load %arg7[%get3A_539] {strides = array<i32>} : memref<1024xf32, #tpu.memory_space<vmem>>, vector<16xf32>,
        %eq3A_541 = vector.broadcast %reduce_max3A_280 : f32 to vector<16xf32>
        %eq3A_542 = arith.cmpf oeq, %get3A_540, %eq3A_541 : vector<16xf32>
        %get3A_543 = arith.constant 464 : index
        %get3A_544 = tpu.vector_load %arg8[%get3A_543] {strides = array<i32>} : memref<1024xi32, #tpu.memory_space<vmem>>, vector<16xi32>,
        %broadcast_in_dim3A_545 = vector.broadcast %cond3A : i32 to vector<16xi32>
        %select_n3A_546 = arith.select %eq3A_542, %get3A_544, %broadcast_in_dim3A_545 : vector<16xi1>, vector<16xi32>
        %min3A_547 = arith.minsi %min3A_538, %select_n3A_546 : vector<16xi32>
        %get3A_548 = arith.constant 480 : index
        %get3A_549 = tpu.vector_load %arg7[%get3A_548] {strides = array<i32>} : memref<1024xf32, #tpu.memory_space<vmem>>, vector<16xf32>,
        %eq3A_550 = vector.broadcast %reduce_max3A_280 : f32 to vector<16xf32>
        %eq3A_551 = arith.cmpf oeq, %get3A_549, %eq3A_550 : vector<16xf32>
        %get3A_552 = arith.constant 480 : index
        %get3A_553 = tpu.vector_load %arg8[%get3A_552] {strides = array<i32>} : memref<1024xi32, #tpu.memory_space<vmem>>, vector<16xi32>,
        %broadcast_in_dim3A_554 = vector.broadcast %cond3A : i32 to vector<16xi32>
        %select_n3A_555 = arith.select %eq3A_551, %get3A_553, %broadcast_in_dim3A_554 : vector<16xi1>, vector<16xi32>
        %min3A_556 = arith.minsi %min3A_547, %select_n3A_555 : vector<16xi32>
        %get3A_557 = arith.constant 496 : index
        %get3A_558 = tpu.vector_load %arg7[%get3A_557] {strides = array<i32>} : memref<1024xf32, #tpu.memory_space<vmem>>, vector<16xf32>,
        %eq3A_559 = vector.broadcast %reduce_max3A_280 : f32 to vector<16xf32>
        %eq3A_560 = arith.cmpf oeq, %get3A_558, %eq3A_559 : vector<16xf32>
        %get3A_561 = arith.constant 496 : index
        %get3A_562 = tpu.vector_load %arg8[%get3A_561] {strides = array<i32>} : memref<1024xi32, #tpu.memory_space<vmem>>, vector<16xi32>,
        %broadcast_in_dim3A_563 = vector.broadcast %cond3A : i32 to vector<16xi32>
        %select_n3A_564 = arith.select %eq3A_560, %get3A_562, %broadcast_in_dim3A_563 : vector<16xi1>, vector<16xi32>
        %min3A_565 = arith.minsi %min3A_556, %select_n3A_564 : vector<16xi32>
        %get3A_566 = arith.constant 512 : index
        %get3A_567 = tpu.vector_load %arg7[%get3A_566] {strides = array<i32>} : memref<1024xf32, #tpu.memory_space<vmem>>, vector<16xf32>,
        %eq3A_568 = vector.broadcast %reduce_max3A_280 : f32 to vector<16xf32>
        %eq3A_569 = arith.cmpf oeq, %get3A_567, %eq3A_568 : vector<16xf32>
        %get3A_570 = arith.constant 512 : index
        %get3A_571 = tpu.vector_load %arg8[%get3A_570] {strides = array<i32>} : memref<1024xi32, #tpu.memory_space<vmem>>, vector<16xi32>,
        %broadcast_in_dim3A_572 = vector.broadcast %cond3A : i32 to vector<16xi32>
        %select_n3A_573 = arith.select %eq3A_569, %get3A_571, %broadcast_in_dim3A_572 : vector<16xi1>, vector<16xi32>
        %min3A_574 = arith.minsi %min3A_565, %select_n3A_573 : vector<16xi32>
        %get3A_575 = arith.constant 528 : index
        %get3A_576 = tpu.vector_load %arg7[%get3A_575] {strides = array<i32>} : memref<1024xf32, #tpu.memory_space<vmem>>, vector<16xf32>,
        %eq3A_577 = vector.broadcast %reduce_max3A_280 : f32 to vector<16xf32>
        %eq3A_578 = arith.cmpf oeq, %get3A_576, %eq3A_577 : vector<16xf32>
        %get3A_579 = arith.constant 528 : index
        %get3A_580 = tpu.vector_load %arg8[%get3A_579] {strides = array<i32>} : memref<1024xi32, #tpu.memory_space<vmem>>, vector<16xi32>,
        %broadcast_in_dim3A_581 = vector.broadcast %cond3A : i32 to vector<16xi32>
        %select_n3A_582 = arith.select %eq3A_578, %get3A_580, %broadcast_in_dim3A_581 : vector<16xi1>, vector<16xi32>
        %min3A_583 = arith.minsi %min3A_574, %select_n3A_582 : vector<16xi32>
        %get3A_584 = arith.constant 544 : index
        %get3A_585 = tpu.vector_load %arg7[%get3A_584] {strides = array<i32>} : memref<1024xf32, #tpu.memory_space<vmem>>, vector<16xf32>,
        %eq3A_586 = vector.broadcast %reduce_max3A_280 : f32 to vector<16xf32>
        %eq3A_587 = arith.cmpf oeq, %get3A_585, %eq3A_586 : vector<16xf32>
        %get3A_588 = arith.constant 544 : index
        %get3A_589 = tpu.vector_load %arg8[%get3A_588] {strides = array<i32>} : memref<1024xi32, #tpu.memory_space<vmem>>, vector<16xi32>,
        %broadcast_in_dim3A_590 = vector.broadcast %cond3A : i32 to vector<16xi32>
        %select_n3A_591 = arith.select %eq3A_587, %get3A_589, %broadcast_in_dim3A_590 : vector<16xi1>, vector<16xi32>
        %min3A_592 = arith.minsi %min3A_583, %select_n3A_591 : vector<16xi32>
        %get3A_593 = arith.constant 560 : index
        %get3A_594 = tpu.vector_load %arg7[%get3A_593] {strides = array<i32>} : memref<1024xf32, #tpu.memory_space<vmem>>, vector<16xf32>,
        %eq3A_595 = vector.broadcast %reduce_max3A_280 : f32 to vector<16xf32>
        %eq3A_596 = arith.cmpf oeq, %get3A_594, %eq3A_595 : vector<16xf32>
        %get3A_597 = arith.constant 560 : index
        %get3A_598 = tpu.vector_load %arg8[%get3A_597] {strides = array<i32>} : memref<1024xi32, #tpu.memory_space<vmem>>, vector<16xi32>,
        %broadcast_in_dim3A_599 = vector.broadcast %cond3A : i32 to vector<16xi32>
        %select_n3A_600 = arith.select %eq3A_596, %get3A_598, %broadcast_in_dim3A_599 : vector<16xi1>, vector<16xi32>
        %min3A_601 = arith.minsi %min3A_592, %select_n3A_600 : vector<16xi32>
        %get3A_602 = arith.constant 576 : index
        %get3A_603 = tpu.vector_load %arg7[%get3A_602] {strides = array<i32>} : memref<1024xf32, #tpu.memory_space<vmem>>, vector<16xf32>,
        %eq3A_604 = vector.broadcast %reduce_max3A_280 : f32 to vector<16xf32>
        %eq3A_605 = arith.cmpf oeq, %get3A_603, %eq3A_604 : vector<16xf32>
        %get3A_606 = arith.constant 576 : index
        %get3A_607 = tpu.vector_load %arg8[%get3A_606] {strides = array<i32>} : memref<1024xi32, #tpu.memory_space<vmem>>, vector<16xi32>,
        %broadcast_in_dim3A_608 = vector.broadcast %cond3A : i32 to vector<16xi32>
        %select_n3A_609 = arith.select %eq3A_605, %get3A_607, %broadcast_in_dim3A_608 : vector<16xi1>, vector<16xi32>
        %min3A_610 = arith.minsi %min3A_601, %select_n3A_609 : vector<16xi32>
        %get3A_611 = arith.constant 592 : index
        %get3A_612 = tpu.vector_load %arg7[%get3A_611] {strides = array<i32>} : memref<1024xf32, #tpu.memory_space<vmem>>, vector<16xf32>,
        %eq3A_613 = vector.broadcast %reduce_max3A_280 : f32 to vector<16xf32>
        %eq3A_614 = arith.cmpf oeq, %get3A_612, %eq3A_613 : vector<16xf32>
        %get3A_615 = arith.constant 592 : index
        %get3A_616 = tpu.vector_load %arg8[%get3A_615] {strides = array<i32>} : memref<1024xi32, #tpu.memory_space<vmem>>, vector<16xi32>,
        %broadcast_in_dim3A_617 = vector.broadcast %cond3A : i32 to vector<16xi32>
        %select_n3A_618 = arith.select %eq3A_614, %get3A_616, %broadcast_in_dim3A_617 : vector<16xi1>, vector<16xi32>
        %min3A_619 = arith.minsi %min3A_610, %select_n3A_618 : vector<16xi32>
        %get3A_620 = arith.constant 608 : index
        %get3A_621 = tpu.vector_load %arg7[%get3A_620] {strides = array<i32>} : memref<1024xf32, #tpu.memory_space<vmem>>, vector<16xf32>,
        %eq3A_622 = vector.broadcast %reduce_max3A_280 : f32 to vector<16xf32>
        %eq3A_623 = arith.cmpf oeq, %get3A_621, %eq3A_622 : vector<16xf32>
        %get3A_624 = arith.constant 608 : index
        %get3A_625 = tpu.vector_load %arg8[%get3A_624] {strides = array<i32>} : memref<1024xi32, #tpu.memory_space<vmem>>, vector<16xi32>,
        %broadcast_in_dim3A_626 = vector.broadcast %cond3A : i32 to vector<16xi32>
        %select_n3A_627 = arith.select %eq3A_623, %get3A_625, %broadcast_in_dim3A_626 : vector<16xi1>, vector<16xi32>
        %min3A_628 = arith.minsi %min3A_619, %select_n3A_627 : vector<16xi32>
        %get3A_629 = arith.constant 624 : index
        %get3A_630 = tpu.vector_load %arg7[%get3A_629] {strides = array<i32>} : memref<1024xf32, #tpu.memory_space<vmem>>, vector<16xf32>,
        %eq3A_631 = vector.broadcast %reduce_max3A_280 : f32 to vector<16xf32>
        %eq3A_632 = arith.cmpf oeq, %get3A_630, %eq3A_631 : vector<16xf32>
        %get3A_633 = arith.constant 624 : index
        %get3A_634 = tpu.vector_load %arg8[%get3A_633] {strides = array<i32>} : memref<1024xi32, #tpu.memory_space<vmem>>, vector<16xi32>,
        %broadcast_in_dim3A_635 = vector.broadcast %cond3A : i32 to vector<16xi32>
        %select_n3A_636 = arith.select %eq3A_632, %get3A_634, %broadcast_in_dim3A_635 : vector<16xi1>, vector<16xi32>
        %min3A_637 = arith.minsi %min3A_628, %select_n3A_636 : vector<16xi32>
        %get3A_638 = arith.constant 640 : index
        %get3A_639 = tpu.vector_load %arg7[%get3A_638] {strides = array<i32>} : memref<1024xf32, #tpu.memory_space<vmem>>, vector<16xf32>,
        %eq3A_640 = vector.broadcast %reduce_max3A_280 : f32 to vector<16xf32>
        %eq3A_641 = arith.cmpf oeq, %get3A_639, %eq3A_640 : vector<16xf32>
        %get3A_642 = arith.constant 640 : index
        %get3A_643 = tpu.vector_load %arg8[%get3A_642] {strides = array<i32>} : memref<1024xi32, #tpu.memory_space<vmem>>, vector<16xi32>,
        %broadcast_in_dim3A_644 = vector.broadcast %cond3A : i32 to vector<16xi32>
        %select_n3A_645 = arith.select %eq3A_641, %get3A_643, %broadcast_in_dim3A_644 : vector<16xi1>, vector<16xi32>
        %min3A_646 = arith.minsi %min3A_637, %select_n3A_645 : vector<16xi32>
        %get3A_647 = arith.constant 656 : index
        %get3A_648 = tpu.vector_load %arg7[%get3A_647] {strides = array<i32>} : memref<1024xf32, #tpu.memory_space<vmem>>, vector<16xf32>,
        %eq3A_649 = vector.broadcast %reduce_max3A_280 : f32 to vector<16xf32>
        %eq3A_650 = arith.cmpf oeq, %get3A_648, %eq3A_649 : vector<16xf32>
        %get3A_651 = arith.constant 656 : index
        %get3A_652 = tpu.vector_load %arg8[%get3A_651] {strides = array<i32>} : memref<1024xi32, #tpu.memory_space<vmem>>, vector<16xi32>,
        %broadcast_in_dim3A_653 = vector.broadcast %cond3A : i32 to vector<16xi32>
        %select_n3A_654 = arith.select %eq3A_650, %get3A_652, %broadcast_in_dim3A_653 : vector<16xi1>, vector<16xi32>
        %min3A_655 = arith.minsi %min3A_646, %select_n3A_654 : vector<16xi32>
        %get3A_656 = arith.constant 672 : index
        %get3A_657 = tpu.vector_load %arg7[%get3A_656] {strides = array<i32>} : memref<1024xf32, #tpu.memory_space<vmem>>, vector<16xf32>,
        %eq3A_658 = vector.broadcast %reduce_max3A_280 : f32 to vector<16xf32>
        %eq3A_659 = arith.cmpf oeq, %get3A_657, %eq3A_658 : vector<16xf32>
        %get3A_660 = arith.constant 672 : index
        %get3A_661 = tpu.vector_load %arg8[%get3A_660] {strides = array<i32>} : memref<1024xi32, #tpu.memory_space<vmem>>, vector<16xi32>,
        %broadcast_in_dim3A_662 = vector.broadcast %cond3A : i32 to vector<16xi32>
        %select_n3A_663 = arith.select %eq3A_659, %get3A_661, %broadcast_in_dim3A_662 : vector<16xi1>, vector<16xi32>
        %min3A_664 = arith.minsi %min3A_655, %select_n3A_663 : vector<16xi32>
        %get3A_665 = arith.constant 688 : index
        %get3A_666 = tpu.vector_load %arg7[%get3A_665] {strides = array<i32>} : memref<1024xf32, #tpu.memory_space<vmem>>, vector<16xf32>,
        %eq3A_667 = vector.broadcast %reduce_max3A_280 : f32 to vector<16xf32>
        %eq3A_668 = arith.cmpf oeq, %get3A_666, %eq3A_667 : vector<16xf32>
        %get3A_669 = arith.constant 688 : index
        %get3A_670 = tpu.vector_load %arg8[%get3A_669] {strides = array<i32>} : memref<1024xi32, #tpu.memory_space<vmem>>, vector<16xi32>,
        %broadcast_in_dim3A_671 = vector.broadcast %cond3A : i32 to vector<16xi32>
        %select_n3A_672 = arith.select %eq3A_668, %get3A_670, %broadcast_in_dim3A_671 : vector<16xi1>, vector<16xi32>
        %min3A_673 = arith.minsi %min3A_664, %select_n3A_672 : vector<16xi32>
        %get3A_674 = arith.constant 704 : index
        %get3A_675 = tpu.vector_load %arg7[%get3A_674] {strides = array<i32>} : memref<1024xf32, #tpu.memory_space<vmem>>, vector<16xf32>,
        %eq3A_676 = vector.broadcast %reduce_max3A_280 : f32 to vector<16xf32>
        %eq3A_677 = arith.cmpf oeq, %get3A_675, %eq3A_676 : vector<16xf32>
        %get3A_678 = arith.constant 704 : index
        %get3A_679 = tpu.vector_load %arg8[%get3A_678] {strides = array<i32>} : memref<1024xi32, #tpu.memory_space<vmem>>, vector<16xi32>,
        %broadcast_in_dim3A_680 = vector.broadcast %cond3A : i32 to vector<16xi32>
        %select_n3A_681 = arith.select %eq3A_677, %get3A_679, %broadcast_in_dim3A_680 : vector<16xi1>, vector<16xi32>
        %min3A_682 = arith.minsi %min3A_673, %select_n3A_681 : vector<16xi32>
        %get3A_683 = arith.constant 720 : index
        %get3A_684 = tpu.vector_load %arg7[%get3A_683] {strides = array<i32>} : memref<1024xf32, #tpu.memory_space<vmem>>, vector<16xf32>,
        %eq3A_685 = vector.broadcast %reduce_max3A_280 : f32 to vector<16xf32>
        %eq3A_686 = arith.cmpf oeq, %get3A_684, %eq3A_685 : vector<16xf32>
        %get3A_687 = arith.constant 720 : index
        %get3A_688 = tpu.vector_load %arg8[%get3A_687] {strides = array<i32>} : memref<1024xi32, #tpu.memory_space<vmem>>, vector<16xi32>,
        %broadcast_in_dim3A_689 = vector.broadcast %cond3A : i32 to vector<16xi32>
        %select_n3A_690 = arith.select %eq3A_686, %get3A_688, %broadcast_in_dim3A_689 : vector<16xi1>, vector<16xi32>
        %min3A_691 = arith.minsi %min3A_682, %select_n3A_690 : vector<16xi32>
        %get3A_692 = arith.constant 736 : index
        %get3A_693 = tpu.vector_load %arg7[%get3A_692] {strides = array<i32>} : memref<1024xf32, #tpu.memory_space<vmem>>, vector<16xf32>,
        %eq3A_694 = vector.broadcast %reduce_max3A_280 : f32 to vector<16xf32>
        %eq3A_695 = arith.cmpf oeq, %get3A_693, %eq3A_694 : vector<16xf32>
        %get3A_696 = arith.constant 736 : index
        %get3A_697 = tpu.vector_load %arg8[%get3A_696] {strides = array<i32>} : memref<1024xi32, #tpu.memory_space<vmem>>, vector<16xi32>,
        %broadcast_in_dim3A_698 = vector.broadcast %cond3A : i32 to vector<16xi32>
        %select_n3A_699 = arith.select %eq3A_695, %get3A_697, %broadcast_in_dim3A_698 : vector<16xi1>, vector<16xi32>
        %min3A_700 = arith.minsi %min3A_691, %select_n3A_699 : vector<16xi32>
        %get3A_701 = arith.constant 752 : index
        %get3A_702 = tpu.vector_load %arg7[%get3A_701] {strides = array<i32>} : memref<1024xf32, #tpu.memory_space<vmem>>, vector<16xf32>,
        %eq3A_703 = vector.broadcast %reduce_max3A_280 : f32 to vector<16xf32>
        %eq3A_704 = arith.cmpf oeq, %get3A_702, %eq3A_703 : vector<16xf32>
        %get3A_705 = arith.constant 752 : index
        %get3A_706 = tpu.vector_load %arg8[%get3A_705] {strides = array<i32>} : memref<1024xi32, #tpu.memory_space<vmem>>, vector<16xi32>,
        %broadcast_in_dim3A_707 = vector.broadcast %cond3A : i32 to vector<16xi32>
        %select_n3A_708 = arith.select %eq3A_704, %get3A_706, %broadcast_in_dim3A_707 : vector<16xi1>, vector<16xi32>
        %min3A_709 = arith.minsi %min3A_700, %select_n3A_708 : vector<16xi32>
        %get3A_710 = arith.constant 768 : index
        %get3A_711 = tpu.vector_load %arg7[%get3A_710] {strides = array<i32>} : memref<1024xf32, #tpu.memory_space<vmem>>, vector<16xf32>,
        %eq3A_712 = vector.broadcast %reduce_max3A_280 : f32 to vector<16xf32>
        %eq3A_713 = arith.cmpf oeq, %get3A_711, %eq3A_712 : vector<16xf32>
        %get3A_714 = arith.constant 768 : index
        %get3A_715 = tpu.vector_load %arg8[%get3A_714] {strides = array<i32>} : memref<1024xi32, #tpu.memory_space<vmem>>, vector<16xi32>,
        %broadcast_in_dim3A_716 = vector.broadcast %cond3A : i32 to vector<16xi32>
        %select_n3A_717 = arith.select %eq3A_713, %get3A_715, %broadcast_in_dim3A_716 : vector<16xi1>, vector<16xi32>
        %min3A_718 = arith.minsi %min3A_709, %select_n3A_717 : vector<16xi32>
        %get3A_719 = arith.constant 784 : index
        %get3A_720 = tpu.vector_load %arg7[%get3A_719] {strides = array<i32>} : memref<1024xf32, #tpu.memory_space<vmem>>, vector<16xf32>,
        %eq3A_721 = vector.broadcast %reduce_max3A_280 : f32 to vector<16xf32>
        %eq3A_722 = arith.cmpf oeq, %get3A_720, %eq3A_721 : vector<16xf32>
        %get3A_723 = arith.constant 784 : index
        %get3A_724 = tpu.vector_load %arg8[%get3A_723] {strides = array<i32>} : memref<1024xi32, #tpu.memory_space<vmem>>, vector<16xi32>,
        %broadcast_in_dim3A_725 = vector.broadcast %cond3A : i32 to vector<16xi32>
        %select_n3A_726 = arith.select %eq3A_722, %get3A_724, %broadcast_in_dim3A_725 : vector<16xi1>, vector<16xi32>
        %min3A_727 = arith.minsi %min3A_718, %select_n3A_726 : vector<16xi32>
        %get3A_728 = arith.constant 800 : index
        %get3A_729 = tpu.vector_load %arg7[%get3A_728] {strides = array<i32>} : memref<1024xf32, #tpu.memory_space<vmem>>, vector<16xf32>,
        %eq3A_730 = vector.broadcast %reduce_max3A_280 : f32 to vector<16xf32>
        %eq3A_731 = arith.cmpf oeq, %get3A_729, %eq3A_730 : vector<16xf32>
        %get3A_732 = arith.constant 800 : index
        %get3A_733 = tpu.vector_load %arg8[%get3A_732] {strides = array<i32>} : memref<1024xi32, #tpu.memory_space<vmem>>, vector<16xi32>,
        %broadcast_in_dim3A_734 = vector.broadcast %cond3A : i32 to vector<16xi32>
        %select_n3A_735 = arith.select %eq3A_731, %get3A_733, %broadcast_in_dim3A_734 : vector<16xi1>, vector<16xi32>
        %min3A_736 = arith.minsi %min3A_727, %select_n3A_735 : vector<16xi32>
        %get3A_737 = arith.constant 816 : index
        %get3A_738 = tpu.vector_load %arg7[%get3A_737] {strides = array<i32>} : memref<1024xf32, #tpu.memory_space<vmem>>, vector<16xf32>,
        %eq3A_739 = vector.broadcast %reduce_max3A_280 : f32 to vector<16xf32>
        %eq3A_740 = arith.cmpf oeq, %get3A_738, %eq3A_739 : vector<16xf32>
        %get3A_741 = arith.constant 816 : index
        %get3A_742 = tpu.vector_load %arg8[%get3A_741] {strides = array<i32>} : memref<1024xi32, #tpu.memory_space<vmem>>, vector<16xi32>,
        %broadcast_in_dim3A_743 = vector.broadcast %cond3A : i32 to vector<16xi32>
        %select_n3A_744 = arith.select %eq3A_740, %get3A_742, %broadcast_in_dim3A_743 : vector<16xi1>, vector<16xi32>
        %min3A_745 = arith.minsi %min3A_736, %select_n3A_744 : vector<16xi32>
        %get3A_746 = arith.constant 832 : index
        %get3A_747 = tpu.vector_load %arg7[%get3A_746] {strides = array<i32>} : memref<1024xf32, #tpu.memory_space<vmem>>, vector<16xf32>,
        %eq3A_748 = vector.broadcast %reduce_max3A_280 : f32 to vector<16xf32>
        %eq3A_749 = arith.cmpf oeq, %get3A_747, %eq3A_748 : vector<16xf32>
        %get3A_750 = arith.constant 832 : index
        %get3A_751 = tpu.vector_load %arg8[%get3A_750] {strides = array<i32>} : memref<1024xi32, #tpu.memory_space<vmem>>, vector<16xi32>,
        %broadcast_in_dim3A_752 = vector.broadcast %cond3A : i32 to vector<16xi32>
        %select_n3A_753 = arith.select %eq3A_749, %get3A_751, %broadcast_in_dim3A_752 : vector<16xi1>, vector<16xi32>
        %min3A_754 = arith.minsi %min3A_745, %select_n3A_753 : vector<16xi32>
        %get3A_755 = arith.constant 848 : index
        %get3A_756 = tpu.vector_load %arg7[%get3A_755] {strides = array<i32>} : memref<1024xf32, #tpu.memory_space<vmem>>, vector<16xf32>,
        %eq3A_757 = vector.broadcast %reduce_max3A_280 : f32 to vector<16xf32>
        %eq3A_758 = arith.cmpf oeq, %get3A_756, %eq3A_757 : vector<16xf32>
        %get3A_759 = arith.constant 848 : index
        %get3A_760 = tpu.vector_load %arg8[%get3A_759] {strides = array<i32>} : memref<1024xi32, #tpu.memory_space<vmem>>, vector<16xi32>,
        %broadcast_in_dim3A_761 = vector.broadcast %cond3A : i32 to vector<16xi32>
        %select_n3A_762 = arith.select %eq3A_758, %get3A_760, %broadcast_in_dim3A_761 : vector<16xi1>, vector<16xi32>
        %min3A_763 = arith.minsi %min3A_754, %select_n3A_762 : vector<16xi32>
        %get3A_764 = arith.constant 864 : index
        %get3A_765 = tpu.vector_load %arg7[%get3A_764] {strides = array<i32>} : memref<1024xf32, #tpu.memory_space<vmem>>, vector<16xf32>,
        %eq3A_766 = vector.broadcast %reduce_max3A_280 : f32 to vector<16xf32>
        %eq3A_767 = arith.cmpf oeq, %get3A_765, %eq3A_766 : vector<16xf32>
        %get3A_768 = arith.constant 864 : index
        %get3A_769 = tpu.vector_load %arg8[%get3A_768] {strides = array<i32>} : memref<1024xi32, #tpu.memory_space<vmem>>, vector<16xi32>,
        %broadcast_in_dim3A_770 = vector.broadcast %cond3A : i32 to vector<16xi32>
        %select_n3A_771 = arith.select %eq3A_767, %get3A_769, %broadcast_in_dim3A_770 : vector<16xi1>, vector<16xi32>
        %min3A_772 = arith.minsi %min3A_763, %select_n3A_771 : vector<16xi32>
        %get3A_773 = arith.constant 880 : index
        %get3A_774 = tpu.vector_load %arg7[%get3A_773] {strides = array<i32>} : memref<1024xf32, #tpu.memory_space<vmem>>, vector<16xf32>,
        %eq3A_775 = vector.broadcast %reduce_max3A_280 : f32 to vector<16xf32>
        %eq3A_776 = arith.cmpf oeq, %get3A_774, %eq3A_775 : vector<16xf32>
        %get3A_777 = arith.constant 880 : index
        %get3A_778 = tpu.vector_load %arg8[%get3A_777] {strides = array<i32>} : memref<1024xi32, #tpu.memory_space<vmem>>, vector<16xi32>,
        %broadcast_in_dim3A_779 = vector.broadcast %cond3A : i32 to vector<16xi32>
        %select_n3A_780 = arith.select %eq3A_776, %get3A_778, %broadcast_in_dim3A_779 : vector<16xi1>, vector<16xi32>
        %min3A_781 = arith.minsi %min3A_772, %select_n3A_780 : vector<16xi32>
        %get3A_782 = arith.constant 896 : index
        %get3A_783 = tpu.vector_load %arg7[%get3A_782] {strides = array<i32>} : memref<1024xf32, #tpu.memory_space<vmem>>, vector<16xf32>,
        %eq3A_784 = vector.broadcast %reduce_max3A_280 : f32 to vector<16xf32>
        %eq3A_785 = arith.cmpf oeq, %get3A_783, %eq3A_784 : vector<16xf32>
        %get3A_786 = arith.constant 896 : index
        %get3A_787 = tpu.vector_load %arg8[%get3A_786] {strides = array<i32>} : memref<1024xi32, #tpu.memory_space<vmem>>, vector<16xi32>,
        %broadcast_in_dim3A_788 = vector.broadcast %cond3A : i32 to vector<16xi32>
        %select_n3A_789 = arith.select %eq3A_785, %get3A_787, %broadcast_in_dim3A_788 : vector<16xi1>, vector<16xi32>
        %min3A_790 = arith.minsi %min3A_781, %select_n3A_789 : vector<16xi32>
        %get3A_791 = arith.constant 912 : index
        %get3A_792 = tpu.vector_load %arg7[%get3A_791] {strides = array<i32>} : memref<1024xf32, #tpu.memory_space<vmem>>, vector<16xf32>,
        %eq3A_793 = vector.broadcast %reduce_max3A_280 : f32 to vector<16xf32>
        %eq3A_794 = arith.cmpf oeq, %get3A_792, %eq3A_793 : vector<16xf32>
        %get3A_795 = arith.constant 912 : index
        %get3A_796 = tpu.vector_load %arg8[%get3A_795] {strides = array<i32>} : memref<1024xi32, #tpu.memory_space<vmem>>, vector<16xi32>,
        %broadcast_in_dim3A_797 = vector.broadcast %cond3A : i32 to vector<16xi32>
        %select_n3A_798 = arith.select %eq3A_794, %get3A_796, %broadcast_in_dim3A_797 : vector<16xi1>, vector<16xi32>
        %min3A_799 = arith.minsi %min3A_790, %select_n3A_798 : vector<16xi32>
        %get3A_800 = arith.constant 928 : index
        %get3A_801 = tpu.vector_load %arg7[%get3A_800] {strides = array<i32>} : memref<1024xf32, #tpu.memory_space<vmem>>, vector<16xf32>,
        %eq3A_802 = vector.broadcast %reduce_max3A_280 : f32 to vector<16xf32>
        %eq3A_803 = arith.cmpf oeq, %get3A_801, %eq3A_802 : vector<16xf32>
        %get3A_804 = arith.constant 928 : index
        %get3A_805 = tpu.vector_load %arg8[%get3A_804] {strides = array<i32>} : memref<1024xi32, #tpu.memory_space<vmem>>, vector<16xi32>,
        %broadcast_in_dim3A_806 = vector.broadcast %cond3A : i32 to vector<16xi32>
        %select_n3A_807 = arith.select %eq3A_803, %get3A_805, %broadcast_in_dim3A_806 : vector<16xi1>, vector<16xi32>
        %min3A_808 = arith.minsi %min3A_799, %select_n3A_807 : vector<16xi32>
        %get3A_809 = arith.constant 944 : index
        %get3A_810 = tpu.vector_load %arg7[%get3A_809] {strides = array<i32>} : memref<1024xf32, #tpu.memory_space<vmem>>, vector<16xf32>,
        %eq3A_811 = vector.broadcast %reduce_max3A_280 : f32 to vector<16xf32>
        %eq3A_812 = arith.cmpf oeq, %get3A_810, %eq3A_811 : vector<16xf32>
        %get3A_813 = arith.constant 944 : index
        %get3A_814 = tpu.vector_load %arg8[%get3A_813] {strides = array<i32>} : memref<1024xi32, #tpu.memory_space<vmem>>, vector<16xi32>,
        %broadcast_in_dim3A_815 = vector.broadcast %cond3A : i32 to vector<16xi32>
        %select_n3A_816 = arith.select %eq3A_812, %get3A_814, %broadcast_in_dim3A_815 : vector<16xi1>, vector<16xi32>
        %min3A_817 = arith.minsi %min3A_808, %select_n3A_816 : vector<16xi32>
        %get3A_818 = arith.constant 960 : index
        %get3A_819 = tpu.vector_load %arg7[%get3A_818] {strides = array<i32>} : memref<1024xf32, #tpu.memory_space<vmem>>, vector<16xf32>,
        %eq3A_820 = vector.broadcast %reduce_max3A_280 : f32 to vector<16xf32>
        %eq3A_821 = arith.cmpf oeq, %get3A_819, %eq3A_820 : vector<16xf32>
        %get3A_822 = arith.constant 960 : index
        %get3A_823 = tpu.vector_load %arg8[%get3A_822] {strides = array<i32>} : memref<1024xi32, #tpu.memory_space<vmem>>, vector<16xi32>,
        %broadcast_in_dim3A_824 = vector.broadcast %cond3A : i32 to vector<16xi32>
        %select_n3A_825 = arith.select %eq3A_821, %get3A_823, %broadcast_in_dim3A_824 : vector<16xi1>, vector<16xi32>
        %min3A_826 = arith.minsi %min3A_817, %select_n3A_825 : vector<16xi32>
        %get3A_827 = arith.constant 976 : index
        %get3A_828 = tpu.vector_load %arg7[%get3A_827] {strides = array<i32>} : memref<1024xf32, #tpu.memory_space<vmem>>, vector<16xf32>,
        %eq3A_829 = vector.broadcast %reduce_max3A_280 : f32 to vector<16xf32>
        %eq3A_830 = arith.cmpf oeq, %get3A_828, %eq3A_829 : vector<16xf32>
        %get3A_831 = arith.constant 976 : index
        %get3A_832 = tpu.vector_load %arg8[%get3A_831] {strides = array<i32>} : memref<1024xi32, #tpu.memory_space<vmem>>, vector<16xi32>,
        %broadcast_in_dim3A_833 = vector.broadcast %cond3A : i32 to vector<16xi32>
        %select_n3A_834 = arith.select %eq3A_830, %get3A_832, %broadcast_in_dim3A_833 : vector<16xi1>, vector<16xi32>
        %min3A_835 = arith.minsi %min3A_826, %select_n3A_834 : vector<16xi32>
        %get3A_836 = arith.constant 992 : index
        %get3A_837 = tpu.vector_load %arg7[%get3A_836] {strides = array<i32>} : memref<1024xf32, #tpu.memory_space<vmem>>, vector<16xf32>,
        %eq3A_838 = vector.broadcast %reduce_max3A_280 : f32 to vector<16xf32>
        %eq3A_839 = arith.cmpf oeq, %get3A_837, %eq3A_838 : vector<16xf32>
        %get3A_840 = arith.constant 992 : index
        %get3A_841 = tpu.vector_load %arg8[%get3A_840] {strides = array<i32>} : memref<1024xi32, #tpu.memory_space<vmem>>, vector<16xi32>,
        %broadcast_in_dim3A_842 = vector.broadcast %cond3A : i32 to vector<16xi32>
        %select_n3A_843 = arith.select %eq3A_839, %get3A_841, %broadcast_in_dim3A_842 : vector<16xi1>, vector<16xi32>
        %min3A_844 = arith.minsi %min3A_835, %select_n3A_843 : vector<16xi32>
        %get3A_845 = arith.constant 1008 : index
        %get3A_846 = tpu.vector_load %arg7[%get3A_845] {strides = array<i32>} : memref<1024xf32, #tpu.memory_space<vmem>>, vector<16xf32>,
        %eq3A_847 = vector.broadcast %reduce_max3A_280 : f32 to vector<16xf32>
        %eq3A_848 = arith.cmpf oeq, %get3A_846, %eq3A_847 : vector<16xf32>
        %get3A_849 = arith.constant 1008 : index
        %get3A_850 = tpu.vector_load %arg8[%get3A_849] {strides = array<i32>} : memref<1024xi32, #tpu.memory_space<vmem>>, vector<16xi32>,
        %broadcast_in_dim3A_851 = vector.broadcast %cond3A : i32 to vector<16xi32>
        %select_n3A_852 = arith.select %eq3A_848, %get3A_850, %broadcast_in_dim3A_851 : vector<16xi1>, vector<16xi32>
        %min3A_853 = arith.minsi %min3A_844, %select_n3A_852 : vector<16xi32>
        %reduce_min3A = arith.constant true
        %reduce_min3A_854 = vector.broadcast %reduce_min3A : i1 to vector<16xi1>
        %reduce_min3A_855 = arith.constant -2147483648 : i32
        %reduce_min3A_856 = vector.broadcast %reduce_min3A_855 : i32 to vector<16xi32>
        %reduce_min3A_857 = arith.xori %min3A_853, %reduce_min3A_856 : vector<16xi32>
        %reduce_min3A_858 = tpu.scan <min>, %reduce_min3A_857 masked %reduce_min3A_854 : vector<16xi32>, vector<16xi1> -> vector<16xi32>
        %reduce_min3A_859 = arith.xori %reduce_min3A_858, %reduce_min3A_856 : vector<16xi32>
        %reduce_min3A_860 = vector.extract %reduce_min3A_859[15] : i32 from vector<16xi32>
        %get3A_861 = arith.constant 0 : index
        %get3A_862 = tpu.vector_load %arg7[%get3A_861] {strides = array<i32>} : memref<1024xf32, #tpu.memory_space<vmem>>, vector<16xf32>,
        %get3A_863 = arith.constant 0 : index
        %get3A_864 = tpu.vector_load %arg8[%get3A_863] {strides = array<i32>} : memref<1024xi32, #tpu.memory_space<vmem>>, vector<16xi32>,
        %eq3A_865 = vector.broadcast %reduce_min3A_860 : i32 to vector<16xi32>
        %eq3A_866 = arith.cmpi eq, %get3A_864, %eq3A_865 : vector<16xi32>
        %jit3A = arith.constant 0xFF800000 : f32
        %broadcast_in_dim3A_867 = vector.broadcast %jit3A : f32 to vector<16xf32>
        %select_n3A_868 = arith.select %eq3A_866, %broadcast_in_dim3A_867, %get3A_862 : vector<16xi1>, vector<16xf32>
        %swap3A_869 = arith.constant 0 : index
        %swap3A_870 = tpu.vector_load %arg7[%swap3A_869] {strides = array<i32>} : memref<1024xf32, #tpu.memory_space<vmem>>, vector<16xf32>,
        tpu.vector_store %arg7[%swap3A_869], %select_n3A_868 {strides = array<i32>} : memref<1024xf32, #tpu.memory_space<vmem>>, vector<16xf32>,
        %get3A_871 = arith.constant 16 : index
        %get3A_872 = tpu.vector_load %arg7[%get3A_871] {strides = array<i32>} : memref<1024xf32, #tpu.memory_space<vmem>>, vector<16xf32>,
        %get3A_873 = arith.constant 16 : index
        %get3A_874 = tpu.vector_load %arg8[%get3A_873] {strides = array<i32>} : memref<1024xi32, #tpu.memory_space<vmem>>, vector<16xi32>,
        %eq3A_875 = vector.broadcast %reduce_min3A_860 : i32 to vector<16xi32>
        %eq3A_876 = arith.cmpi eq, %get3A_874, %eq3A_875 : vector<16xi32>
        %jit3A_877 = arith.constant 0xFF800000 : f32
        %broadcast_in_dim3A_878 = vector.broadcast %jit3A_877 : f32 to vector<16xf32>
        %select_n3A_879 = arith.select %eq3A_876, %broadcast_in_dim3A_878, %get3A_872 : vector<16xi1>, vector<16xf32>
        %swap3A_880 = arith.constant 16 : index
        %swap3A_881 = tpu.vector_load %arg7[%swap3A_880] {strides = array<i32>} : memref<1024xf32, #tpu.memory_space<vmem>>, vector<16xf32>,
        tpu.vector_store %arg7[%swap3A_880], %select_n3A_879 {strides = array<i32>} : memref<1024xf32, #tpu.memory_space<vmem>>, vector<16xf32>,
        %get3A_882 = arith.constant 32 : index
        %get3A_883 = tpu.vector_load %arg7[%get3A_882] {strides = array<i32>} : memref<1024xf32, #tpu.memory_space<vmem>>, vector<16xf32>,
        %get3A_884 = arith.constant 32 : index
        %get3A_885 = tpu.vector_load %arg8[%get3A_884] {strides = array<i32>} : memref<1024xi32, #tpu.memory_space<vmem>>, vector<16xi32>,
        %eq3A_886 = vector.broadcast %reduce_min3A_860 : i32 to vector<16xi32>
        %eq3A_887 = arith.cmpi eq, %get3A_885, %eq3A_886 : vector<16xi32>
        %jit3A_888 = arith.constant 0xFF800000 : f32
        %broadcast_in_dim3A_889 = vector.broadcast %jit3A_888 : f32 to vector<16xf32>
        %select_n3A_890 = arith.select %eq3A_887, %broadcast_in_dim3A_889, %get3A_883 : vector<16xi1>, vector<16xf32>
        %swap3A_891 = arith.constant 32 : index
        %swap3A_892 = tpu.vector_load %arg7[%swap3A_891] {strides = array<i32>} : memref<1024xf32, #tpu.memory_space<vmem>>, vector<16xf32>,
        tpu.vector_store %arg7[%swap3A_891], %select_n3A_890 {strides = array<i32>} : memref<1024xf32, #tpu.memory_space<vmem>>, vector<16xf32>,
        %get3A_893 = arith.constant 48 : index
        %get3A_894 = tpu.vector_load %arg7[%get3A_893] {strides = array<i32>} : memref<1024xf32, #tpu.memory_space<vmem>>, vector<16xf32>,
        %get3A_895 = arith.constant 48 : index
        %get3A_896 = tpu.vector_load %arg8[%get3A_895] {strides = array<i32>} : memref<1024xi32, #tpu.memory_space<vmem>>, vector<16xi32>,
        %eq3A_897 = vector.broadcast %reduce_min3A_860 : i32 to vector<16xi32>
        %eq3A_898 = arith.cmpi eq, %get3A_896, %eq3A_897 : vector<16xi32>
        %jit3A_899 = arith.constant 0xFF800000 : f32
        %broadcast_in_dim3A_900 = vector.broadcast %jit3A_899 : f32 to vector<16xf32>
        %select_n3A_901 = arith.select %eq3A_898, %broadcast_in_dim3A_900, %get3A_894 : vector<16xi1>, vector<16xf32>
        %swap3A_902 = arith.constant 48 : index
        %swap3A_903 = tpu.vector_load %arg7[%swap3A_902] {strides = array<i32>} : memref<1024xf32, #tpu.memory_space<vmem>>, vector<16xf32>,
        tpu.vector_store %arg7[%swap3A_902], %select_n3A_901 {strides = array<i32>} : memref<1024xf32, #tpu.memory_space<vmem>>, vector<16xf32>,
        %get3A_904 = arith.constant 64 : index
        %get3A_905 = tpu.vector_load %arg7[%get3A_904] {strides = array<i32>} : memref<1024xf32, #tpu.memory_space<vmem>>, vector<16xf32>,
        %get3A_906 = arith.constant 64 : index
        %get3A_907 = tpu.vector_load %arg8[%get3A_906] {strides = array<i32>} : memref<1024xi32, #tpu.memory_space<vmem>>, vector<16xi32>,
        %eq3A_908 = vector.broadcast %reduce_min3A_860 : i32 to vector<16xi32>
        %eq3A_909 = arith.cmpi eq, %get3A_907, %eq3A_908 : vector<16xi32>
        %jit3A_910 = arith.constant 0xFF800000 : f32
        %broadcast_in_dim3A_911 = vector.broadcast %jit3A_910 : f32 to vector<16xf32>
        %select_n3A_912 = arith.select %eq3A_909, %broadcast_in_dim3A_911, %get3A_905 : vector<16xi1>, vector<16xf32>
        %swap3A_913 = arith.constant 64 : index
        %swap3A_914 = tpu.vector_load %arg7[%swap3A_913] {strides = array<i32>} : memref<1024xf32, #tpu.memory_space<vmem>>, vector<16xf32>,
        tpu.vector_store %arg7[%swap3A_913], %select_n3A_912 {strides = array<i32>} : memref<1024xf32, #tpu.memory_space<vmem>>, vector<16xf32>,
        %get3A_915 = arith.constant 80 : index
        %get3A_916 = tpu.vector_load %arg7[%get3A_915] {strides = array<i32>} : memref<1024xf32, #tpu.memory_space<vmem>>, vector<16xf32>,
        %get3A_917 = arith.constant 80 : index
        %get3A_918 = tpu.vector_load %arg8[%get3A_917] {strides = array<i32>} : memref<1024xi32, #tpu.memory_space<vmem>>, vector<16xi32>,
        %eq3A_919 = vector.broadcast %reduce_min3A_860 : i32 to vector<16xi32>
        %eq3A_920 = arith.cmpi eq, %get3A_918, %eq3A_919 : vector<16xi32>
        %jit3A_921 = arith.constant 0xFF800000 : f32
        %broadcast_in_dim3A_922 = vector.broadcast %jit3A_921 : f32 to vector<16xf32>
        %select_n3A_923 = arith.select %eq3A_920, %broadcast_in_dim3A_922, %get3A_916 : vector<16xi1>, vector<16xf32>
        %swap3A_924 = arith.constant 80 : index
        %swap3A_925 = tpu.vector_load %arg7[%swap3A_924] {strides = array<i32>} : memref<1024xf32, #tpu.memory_space<vmem>>, vector<16xf32>,
        tpu.vector_store %arg7[%swap3A_924], %select_n3A_923 {strides = array<i32>} : memref<1024xf32, #tpu.memory_space<vmem>>, vector<16xf32>,
        %get3A_926 = arith.constant 96 : index
        %get3A_927 = tpu.vector_load %arg7[%get3A_926] {strides = array<i32>} : memref<1024xf32, #tpu.memory_space<vmem>>, vector<16xf32>,
        %get3A_928 = arith.constant 96 : index
        %get3A_929 = tpu.vector_load %arg8[%get3A_928] {strides = array<i32>} : memref<1024xi32, #tpu.memory_space<vmem>>, vector<16xi32>,
        %eq3A_930 = vector.broadcast %reduce_min3A_860 : i32 to vector<16xi32>
        %eq3A_931 = arith.cmpi eq, %get3A_929, %eq3A_930 : vector<16xi32>
        %jit3A_932 = arith.constant 0xFF800000 : f32
        %broadcast_in_dim3A_933 = vector.broadcast %jit3A_932 : f32 to vector<16xf32>
        %select_n3A_934 = arith.select %eq3A_931, %broadcast_in_dim3A_933, %get3A_927 : vector<16xi1>, vector<16xf32>
        %swap3A_935 = arith.constant 96 : index
        %swap3A_936 = tpu.vector_load %arg7[%swap3A_935] {strides = array<i32>} : memref<1024xf32, #tpu.memory_space<vmem>>, vector<16xf32>,
        tpu.vector_store %arg7[%swap3A_935], %select_n3A_934 {strides = array<i32>} : memref<1024xf32, #tpu.memory_space<vmem>>, vector<16xf32>,
        %get3A_937 = arith.constant 112 : index
        %get3A_938 = tpu.vector_load %arg7[%get3A_937] {strides = array<i32>} : memref<1024xf32, #tpu.memory_space<vmem>>, vector<16xf32>,
        %get3A_939 = arith.constant 112 : index
        %get3A_940 = tpu.vector_load %arg8[%get3A_939] {strides = array<i32>} : memref<1024xi32, #tpu.memory_space<vmem>>, vector<16xi32>,
        %eq3A_941 = vector.broadcast %reduce_min3A_860 : i32 to vector<16xi32>
        %eq3A_942 = arith.cmpi eq, %get3A_940, %eq3A_941 : vector<16xi32>
        %jit3A_943 = arith.constant 0xFF800000 : f32
        %broadcast_in_dim3A_944 = vector.broadcast %jit3A_943 : f32 to vector<16xf32>
        %select_n3A_945 = arith.select %eq3A_942, %broadcast_in_dim3A_944, %get3A_938 : vector<16xi1>, vector<16xf32>
        %swap3A_946 = arith.constant 112 : index
        %swap3A_947 = tpu.vector_load %arg7[%swap3A_946] {strides = array<i32>} : memref<1024xf32, #tpu.memory_space<vmem>>, vector<16xf32>,
        tpu.vector_store %arg7[%swap3A_946], %select_n3A_945 {strides = array<i32>} : memref<1024xf32, #tpu.memory_space<vmem>>, vector<16xf32>,
        %get3A_948 = arith.constant 128 : index
        %get3A_949 = tpu.vector_load %arg7[%get3A_948] {strides = array<i32>} : memref<1024xf32, #tpu.memory_space<vmem>>, vector<16xf32>,
        %get3A_950 = arith.constant 128 : index
        %get3A_951 = tpu.vector_load %arg8[%get3A_950] {strides = array<i32>} : memref<1024xi32, #tpu.memory_space<vmem>>, vector<16xi32>,
        %eq3A_952 = vector.broadcast %reduce_min3A_860 : i32 to vector<16xi32>
        %eq3A_953 = arith.cmpi eq, %get3A_951, %eq3A_952 : vector<16xi32>
        %jit3A_954 = arith.constant 0xFF800000 : f32
        %broadcast_in_dim3A_955 = vector.broadcast %jit3A_954 : f32 to vector<16xf32>
        %select_n3A_956 = arith.select %eq3A_953, %broadcast_in_dim3A_955, %get3A_949 : vector<16xi1>, vector<16xf32>
        %swap3A_957 = arith.constant 128 : index
        %swap3A_958 = tpu.vector_load %arg7[%swap3A_957] {strides = array<i32>} : memref<1024xf32, #tpu.memory_space<vmem>>, vector<16xf32>,
        tpu.vector_store %arg7[%swap3A_957], %select_n3A_956 {strides = array<i32>} : memref<1024xf32, #tpu.memory_space<vmem>>, vector<16xf32>,
        %get3A_959 = arith.constant 144 : index
        %get3A_960 = tpu.vector_load %arg7[%get3A_959] {strides = array<i32>} : memref<1024xf32, #tpu.memory_space<vmem>>, vector<16xf32>,
        %get3A_961 = arith.constant 144 : index
        %get3A_962 = tpu.vector_load %arg8[%get3A_961] {strides = array<i32>} : memref<1024xi32, #tpu.memory_space<vmem>>, vector<16xi32>,
        %eq3A_963 = vector.broadcast %reduce_min3A_860 : i32 to vector<16xi32>
        %eq3A_964 = arith.cmpi eq, %get3A_962, %eq3A_963 : vector<16xi32>
        %jit3A_965 = arith.constant 0xFF800000 : f32
        %broadcast_in_dim3A_966 = vector.broadcast %jit3A_965 : f32 to vector<16xf32>
        %select_n3A_967 = arith.select %eq3A_964, %broadcast_in_dim3A_966, %get3A_960 : vector<16xi1>, vector<16xf32>
        %swap3A_968 = arith.constant 144 : index
        %swap3A_969 = tpu.vector_load %arg7[%swap3A_968] {strides = array<i32>} : memref<1024xf32, #tpu.memory_space<vmem>>, vector<16xf32>,
        tpu.vector_store %arg7[%swap3A_968], %select_n3A_967 {strides = array<i32>} : memref<1024xf32, #tpu.memory_space<vmem>>, vector<16xf32>,
        %get3A_970 = arith.constant 160 : index
        %get3A_971 = tpu.vector_load %arg7[%get3A_970] {strides = array<i32>} : memref<1024xf32, #tpu.memory_space<vmem>>, vector<16xf32>,
        %get3A_972 = arith.constant 160 : index
        %get3A_973 = tpu.vector_load %arg8[%get3A_972] {strides = array<i32>} : memref<1024xi32, #tpu.memory_space<vmem>>, vector<16xi32>,
        %eq3A_974 = vector.broadcast %reduce_min3A_860 : i32 to vector<16xi32>
        %eq3A_975 = arith.cmpi eq, %get3A_973, %eq3A_974 : vector<16xi32>
        %jit3A_976 = arith.constant 0xFF800000 : f32
        %broadcast_in_dim3A_977 = vector.broadcast %jit3A_976 : f32 to vector<16xf32>
        %select_n3A_978 = arith.select %eq3A_975, %broadcast_in_dim3A_977, %get3A_971 : vector<16xi1>, vector<16xf32>
        %swap3A_979 = arith.constant 160 : index
        %swap3A_980 = tpu.vector_load %arg7[%swap3A_979] {strides = array<i32>} : memref<1024xf32, #tpu.memory_space<vmem>>, vector<16xf32>,
        tpu.vector_store %arg7[%swap3A_979], %select_n3A_978 {strides = array<i32>} : memref<1024xf32, #tpu.memory_space<vmem>>, vector<16xf32>,
        %get3A_981 = arith.constant 176 : index
        %get3A_982 = tpu.vector_load %arg7[%get3A_981] {strides = array<i32>} : memref<1024xf32, #tpu.memory_space<vmem>>, vector<16xf32>,
        %get3A_983 = arith.constant 176 : index
        %get3A_984 = tpu.vector_load %arg8[%get3A_983] {strides = array<i32>} : memref<1024xi32, #tpu.memory_space<vmem>>, vector<16xi32>,
        %eq3A_985 = vector.broadcast %reduce_min3A_860 : i32 to vector<16xi32>
        %eq3A_986 = arith.cmpi eq, %get3A_984, %eq3A_985 : vector<16xi32>
        %jit3A_987 = arith.constant 0xFF800000 : f32
        %broadcast_in_dim3A_988 = vector.broadcast %jit3A_987 : f32 to vector<16xf32>
        %select_n3A_989 = arith.select %eq3A_986, %broadcast_in_dim3A_988, %get3A_982 : vector<16xi1>, vector<16xf32>
        %swap3A_990 = arith.constant 176 : index
        %swap3A_991 = tpu.vector_load %arg7[%swap3A_990] {strides = array<i32>} : memref<1024xf32, #tpu.memory_space<vmem>>, vector<16xf32>,
        tpu.vector_store %arg7[%swap3A_990], %select_n3A_989 {strides = array<i32>} : memref<1024xf32, #tpu.memory_space<vmem>>, vector<16xf32>,
        %get3A_992 = arith.constant 192 : index
        %get3A_993 = tpu.vector_load %arg7[%get3A_992] {strides = array<i32>} : memref<1024xf32, #tpu.memory_space<vmem>>, vector<16xf32>,
        %get3A_994 = arith.constant 192 : index
        %get3A_995 = tpu.vector_load %arg8[%get3A_994] {strides = array<i32>} : memref<1024xi32, #tpu.memory_space<vmem>>, vector<16xi32>,
        %eq3A_996 = vector.broadcast %reduce_min3A_860 : i32 to vector<16xi32>
        %eq3A_997 = arith.cmpi eq, %get3A_995, %eq3A_996 : vector<16xi32>
        %jit3A_998 = arith.constant 0xFF800000 : f32
        %broadcast_in_dim3A_999 = vector.broadcast %jit3A_998 : f32 to vector<16xf32>
        %select_n3A_1000 = arith.select %eq3A_997, %broadcast_in_dim3A_999, %get3A_993 : vector<16xi1>, vector<16xf32>
        %swap3A_1001 = arith.constant 192 : index
        %swap3A_1002 = tpu.vector_load %arg7[%swap3A_1001] {strides = array<i32>} : memref<1024xf32, #tpu.memory_space<vmem>>, vector<16xf32>,
        tpu.vector_store %arg7[%swap3A_1001], %select_n3A_1000 {strides = array<i32>} : memref<1024xf32, #tpu.memory_space<vmem>>, vector<16xf32>,
        %get3A_1003 = arith.constant 208 : index
        %get3A_1004 = tpu.vector_load %arg7[%get3A_1003] {strides = array<i32>} : memref<1024xf32, #tpu.memory_space<vmem>>, vector<16xf32>,
        %get3A_1005 = arith.constant 208 : index
        %get3A_1006 = tpu.vector_load %arg8[%get3A_1005] {strides = array<i32>} : memref<1024xi32, #tpu.memory_space<vmem>>, vector<16xi32>,
        %eq3A_1007 = vector.broadcast %reduce_min3A_860 : i32 to vector<16xi32>
        %eq3A_1008 = arith.cmpi eq, %get3A_1006, %eq3A_1007 : vector<16xi32>
        %jit3A_1009 = arith.constant 0xFF800000 : f32
        %broadcast_in_dim3A_1010 = vector.broadcast %jit3A_1009 : f32 to vector<16xf32>
        %select_n3A_1011 = arith.select %eq3A_1008, %broadcast_in_dim3A_1010, %get3A_1004 : vector<16xi1>, vector<16xf32>
        %swap3A_1012 = arith.constant 208 : index
        %swap3A_1013 = tpu.vector_load %arg7[%swap3A_1012] {strides = array<i32>} : memref<1024xf32, #tpu.memory_space<vmem>>, vector<16xf32>,
        tpu.vector_store %arg7[%swap3A_1012], %select_n3A_1011 {strides = array<i32>} : memref<1024xf32, #tpu.memory_space<vmem>>, vector<16xf32>,
        %get3A_1014 = arith.constant 224 : index
        %get3A_1015 = tpu.vector_load %arg7[%get3A_1014] {strides = array<i32>} : memref<1024xf32, #tpu.memory_space<vmem>>, vector<16xf32>,
        %get3A_1016 = arith.constant 224 : index
        %get3A_1017 = tpu.vector_load %arg8[%get3A_1016] {strides = array<i32>} : memref<1024xi32, #tpu.memory_space<vmem>>, vector<16xi32>,
        %eq3A_1018 = vector.broadcast %reduce_min3A_860 : i32 to vector<16xi32>
        %eq3A_1019 = arith.cmpi eq, %get3A_1017, %eq3A_1018 : vector<16xi32>
        %jit3A_1020 = arith.constant 0xFF800000 : f32
        %broadcast_in_dim3A_1021 = vector.broadcast %jit3A_1020 : f32 to vector<16xf32>
        %select_n3A_1022 = arith.select %eq3A_1019, %broadcast_in_dim3A_1021, %get3A_1015 : vector<16xi1>, vector<16xf32>
        %swap3A_1023 = arith.constant 224 : index
        %swap3A_1024 = tpu.vector_load %arg7[%swap3A_1023] {strides = array<i32>} : memref<1024xf32, #tpu.memory_space<vmem>>, vector<16xf32>,
        tpu.vector_store %arg7[%swap3A_1023], %select_n3A_1022 {strides = array<i32>} : memref<1024xf32, #tpu.memory_space<vmem>>, vector<16xf32>,
        %get3A_1025 = arith.constant 240 : index
        %get3A_1026 = tpu.vector_load %arg7[%get3A_1025] {strides = array<i32>} : memref<1024xf32, #tpu.memory_space<vmem>>, vector<16xf32>,
        %get3A_1027 = arith.constant 240 : index
        %get3A_1028 = tpu.vector_load %arg8[%get3A_1027] {strides = array<i32>} : memref<1024xi32, #tpu.memory_space<vmem>>, vector<16xi32>,
        %eq3A_1029 = vector.broadcast %reduce_min3A_860 : i32 to vector<16xi32>
        %eq3A_1030 = arith.cmpi eq, %get3A_1028, %eq3A_1029 : vector<16xi32>
        %jit3A_1031 = arith.constant 0xFF800000 : f32
        %broadcast_in_dim3A_1032 = vector.broadcast %jit3A_1031 : f32 to vector<16xf32>
        %select_n3A_1033 = arith.select %eq3A_1030, %broadcast_in_dim3A_1032, %get3A_1026 : vector<16xi1>, vector<16xf32>
        %swap3A_1034 = arith.constant 240 : index
        %swap3A_1035 = tpu.vector_load %arg7[%swap3A_1034] {strides = array<i32>} : memref<1024xf32, #tpu.memory_space<vmem>>, vector<16xf32>,
        tpu.vector_store %arg7[%swap3A_1034], %select_n3A_1033 {strides = array<i32>} : memref<1024xf32, #tpu.memory_space<vmem>>, vector<16xf32>,
        %get3A_1036 = arith.constant 256 : index
        %get3A_1037 = tpu.vector_load %arg7[%get3A_1036] {strides = array<i32>} : memref<1024xf32, #tpu.memory_space<vmem>>, vector<16xf32>,
        %get3A_1038 = arith.constant 256 : index
        %get3A_1039 = tpu.vector_load %arg8[%get3A_1038] {strides = array<i32>} : memref<1024xi32, #tpu.memory_space<vmem>>, vector<16xi32>,
        %eq3A_1040 = vector.broadcast %reduce_min3A_860 : i32 to vector<16xi32>
        %eq3A_1041 = arith.cmpi eq, %get3A_1039, %eq3A_1040 : vector<16xi32>
        %jit3A_1042 = arith.constant 0xFF800000 : f32
        %broadcast_in_dim3A_1043 = vector.broadcast %jit3A_1042 : f32 to vector<16xf32>
        %select_n3A_1044 = arith.select %eq3A_1041, %broadcast_in_dim3A_1043, %get3A_1037 : vector<16xi1>, vector<16xf32>
        %swap3A_1045 = arith.constant 256 : index
        %swap3A_1046 = tpu.vector_load %arg7[%swap3A_1045] {strides = array<i32>} : memref<1024xf32, #tpu.memory_space<vmem>>, vector<16xf32>,
        tpu.vector_store %arg7[%swap3A_1045], %select_n3A_1044 {strides = array<i32>} : memref<1024xf32, #tpu.memory_space<vmem>>, vector<16xf32>,
        %get3A_1047 = arith.constant 272 : index
        %get3A_1048 = tpu.vector_load %arg7[%get3A_1047] {strides = array<i32>} : memref<1024xf32, #tpu.memory_space<vmem>>, vector<16xf32>,
        %get3A_1049 = arith.constant 272 : index
        %get3A_1050 = tpu.vector_load %arg8[%get3A_1049] {strides = array<i32>} : memref<1024xi32, #tpu.memory_space<vmem>>, vector<16xi32>,
        %eq3A_1051 = vector.broadcast %reduce_min3A_860 : i32 to vector<16xi32>
        %eq3A_1052 = arith.cmpi eq, %get3A_1050, %eq3A_1051 : vector<16xi32>
        %jit3A_1053 = arith.constant 0xFF800000 : f32
        %broadcast_in_dim3A_1054 = vector.broadcast %jit3A_1053 : f32 to vector<16xf32>
        %select_n3A_1055 = arith.select %eq3A_1052, %broadcast_in_dim3A_1054, %get3A_1048 : vector<16xi1>, vector<16xf32>
        %swap3A_1056 = arith.constant 272 : index
        %swap3A_1057 = tpu.vector_load %arg7[%swap3A_1056] {strides = array<i32>} : memref<1024xf32, #tpu.memory_space<vmem>>, vector<16xf32>,
        tpu.vector_store %arg7[%swap3A_1056], %select_n3A_1055 {strides = array<i32>} : memref<1024xf32, #tpu.memory_space<vmem>>, vector<16xf32>,
        %get3A_1058 = arith.constant 288 : index
        %get3A_1059 = tpu.vector_load %arg7[%get3A_1058] {strides = array<i32>} : memref<1024xf32, #tpu.memory_space<vmem>>, vector<16xf32>,
        %get3A_1060 = arith.constant 288 : index
        %get3A_1061 = tpu.vector_load %arg8[%get3A_1060] {strides = array<i32>} : memref<1024xi32, #tpu.memory_space<vmem>>, vector<16xi32>,
        %eq3A_1062 = vector.broadcast %reduce_min3A_860 : i32 to vector<16xi32>
        %eq3A_1063 = arith.cmpi eq, %get3A_1061, %eq3A_1062 : vector<16xi32>
        %jit3A_1064 = arith.constant 0xFF800000 : f32
        %broadcast_in_dim3A_1065 = vector.broadcast %jit3A_1064 : f32 to vector<16xf32>
        %select_n3A_1066 = arith.select %eq3A_1063, %broadcast_in_dim3A_1065, %get3A_1059 : vector<16xi1>, vector<16xf32>
        %swap3A_1067 = arith.constant 288 : index
        %swap3A_1068 = tpu.vector_load %arg7[%swap3A_1067] {strides = array<i32>} : memref<1024xf32, #tpu.memory_space<vmem>>, vector<16xf32>,
        tpu.vector_store %arg7[%swap3A_1067], %select_n3A_1066 {strides = array<i32>} : memref<1024xf32, #tpu.memory_space<vmem>>, vector<16xf32>,
        %get3A_1069 = arith.constant 304 : index
        %get3A_1070 = tpu.vector_load %arg7[%get3A_1069] {strides = array<i32>} : memref<1024xf32, #tpu.memory_space<vmem>>, vector<16xf32>,
        %get3A_1071 = arith.constant 304 : index
        %get3A_1072 = tpu.vector_load %arg8[%get3A_1071] {strides = array<i32>} : memref<1024xi32, #tpu.memory_space<vmem>>, vector<16xi32>,
        %eq3A_1073 = vector.broadcast %reduce_min3A_860 : i32 to vector<16xi32>
        %eq3A_1074 = arith.cmpi eq, %get3A_1072, %eq3A_1073 : vector<16xi32>
        %jit3A_1075 = arith.constant 0xFF800000 : f32
        %broadcast_in_dim3A_1076 = vector.broadcast %jit3A_1075 : f32 to vector<16xf32>
        %select_n3A_1077 = arith.select %eq3A_1074, %broadcast_in_dim3A_1076, %get3A_1070 : vector<16xi1>, vector<16xf32>
        %swap3A_1078 = arith.constant 304 : index
        %swap3A_1079 = tpu.vector_load %arg7[%swap3A_1078] {strides = array<i32>} : memref<1024xf32, #tpu.memory_space<vmem>>, vector<16xf32>,
        tpu.vector_store %arg7[%swap3A_1078], %select_n3A_1077 {strides = array<i32>} : memref<1024xf32, #tpu.memory_space<vmem>>, vector<16xf32>,
        %get3A_1080 = arith.constant 320 : index
        %get3A_1081 = tpu.vector_load %arg7[%get3A_1080] {strides = array<i32>} : memref<1024xf32, #tpu.memory_space<vmem>>, vector<16xf32>,
        %get3A_1082 = arith.constant 320 : index
        %get3A_1083 = tpu.vector_load %arg8[%get3A_1082] {strides = array<i32>} : memref<1024xi32, #tpu.memory_space<vmem>>, vector<16xi32>,
        %eq3A_1084 = vector.broadcast %reduce_min3A_860 : i32 to vector<16xi32>
        %eq3A_1085 = arith.cmpi eq, %get3A_1083, %eq3A_1084 : vector<16xi32>
        %jit3A_1086 = arith.constant 0xFF800000 : f32
        %broadcast_in_dim3A_1087 = vector.broadcast %jit3A_1086 : f32 to vector<16xf32>
        %select_n3A_1088 = arith.select %eq3A_1085, %broadcast_in_dim3A_1087, %get3A_1081 : vector<16xi1>, vector<16xf32>
        %swap3A_1089 = arith.constant 320 : index
        %swap3A_1090 = tpu.vector_load %arg7[%swap3A_1089] {strides = array<i32>} : memref<1024xf32, #tpu.memory_space<vmem>>, vector<16xf32>,
        tpu.vector_store %arg7[%swap3A_1089], %select_n3A_1088 {strides = array<i32>} : memref<1024xf32, #tpu.memory_space<vmem>>, vector<16xf32>,
        %get3A_1091 = arith.constant 336 : index
        %get3A_1092 = tpu.vector_load %arg7[%get3A_1091] {strides = array<i32>} : memref<1024xf32, #tpu.memory_space<vmem>>, vector<16xf32>,
        %get3A_1093 = arith.constant 336 : index
        %get3A_1094 = tpu.vector_load %arg8[%get3A_1093] {strides = array<i32>} : memref<1024xi32, #tpu.memory_space<vmem>>, vector<16xi32>,
        %eq3A_1095 = vector.broadcast %reduce_min3A_860 : i32 to vector<16xi32>
        %eq3A_1096 = arith.cmpi eq, %get3A_1094, %eq3A_1095 : vector<16xi32>
        %jit3A_1097 = arith.constant 0xFF800000 : f32
        %broadcast_in_dim3A_1098 = vector.broadcast %jit3A_1097 : f32 to vector<16xf32>
        %select_n3A_1099 = arith.select %eq3A_1096, %broadcast_in_dim3A_1098, %get3A_1092 : vector<16xi1>, vector<16xf32>
        %swap3A_1100 = arith.constant 336 : index
        %swap3A_1101 = tpu.vector_load %arg7[%swap3A_1100] {strides = array<i32>} : memref<1024xf32, #tpu.memory_space<vmem>>, vector<16xf32>,
        tpu.vector_store %arg7[%swap3A_1100], %select_n3A_1099 {strides = array<i32>} : memref<1024xf32, #tpu.memory_space<vmem>>, vector<16xf32>,
        %get3A_1102 = arith.constant 352 : index
        %get3A_1103 = tpu.vector_load %arg7[%get3A_1102] {strides = array<i32>} : memref<1024xf32, #tpu.memory_space<vmem>>, vector<16xf32>,
        %get3A_1104 = arith.constant 352 : index
        %get3A_1105 = tpu.vector_load %arg8[%get3A_1104] {strides = array<i32>} : memref<1024xi32, #tpu.memory_space<vmem>>, vector<16xi32>,
        %eq3A_1106 = vector.broadcast %reduce_min3A_860 : i32 to vector<16xi32>
        %eq3A_1107 = arith.cmpi eq, %get3A_1105, %eq3A_1106 : vector<16xi32>
        %jit3A_1108 = arith.constant 0xFF800000 : f32
        %broadcast_in_dim3A_1109 = vector.broadcast %jit3A_1108 : f32 to vector<16xf32>
        %select_n3A_1110 = arith.select %eq3A_1107, %broadcast_in_dim3A_1109, %get3A_1103 : vector<16xi1>, vector<16xf32>
        %swap3A_1111 = arith.constant 352 : index
        %swap3A_1112 = tpu.vector_load %arg7[%swap3A_1111] {strides = array<i32>} : memref<1024xf32, #tpu.memory_space<vmem>>, vector<16xf32>,
        tpu.vector_store %arg7[%swap3A_1111], %select_n3A_1110 {strides = array<i32>} : memref<1024xf32, #tpu.memory_space<vmem>>, vector<16xf32>,
        %get3A_1113 = arith.constant 368 : index
        %get3A_1114 = tpu.vector_load %arg7[%get3A_1113] {strides = array<i32>} : memref<1024xf32, #tpu.memory_space<vmem>>, vector<16xf32>,
        %get3A_1115 = arith.constant 368 : index
        %get3A_1116 = tpu.vector_load %arg8[%get3A_1115] {strides = array<i32>} : memref<1024xi32, #tpu.memory_space<vmem>>, vector<16xi32>,
        %eq3A_1117 = vector.broadcast %reduce_min3A_860 : i32 to vector<16xi32>
        %eq3A_1118 = arith.cmpi eq, %get3A_1116, %eq3A_1117 : vector<16xi32>
        %jit3A_1119 = arith.constant 0xFF800000 : f32
        %broadcast_in_dim3A_1120 = vector.broadcast %jit3A_1119 : f32 to vector<16xf32>
        %select_n3A_1121 = arith.select %eq3A_1118, %broadcast_in_dim3A_1120, %get3A_1114 : vector<16xi1>, vector<16xf32>
        %swap3A_1122 = arith.constant 368 : index
        %swap3A_1123 = tpu.vector_load %arg7[%swap3A_1122] {strides = array<i32>} : memref<1024xf32, #tpu.memory_space<vmem>>, vector<16xf32>,
        tpu.vector_store %arg7[%swap3A_1122], %select_n3A_1121 {strides = array<i32>} : memref<1024xf32, #tpu.memory_space<vmem>>, vector<16xf32>,
        %get3A_1124 = arith.constant 384 : index
        %get3A_1125 = tpu.vector_load %arg7[%get3A_1124] {strides = array<i32>} : memref<1024xf32, #tpu.memory_space<vmem>>, vector<16xf32>,
        %get3A_1126 = arith.constant 384 : index
        %get3A_1127 = tpu.vector_load %arg8[%get3A_1126] {strides = array<i32>} : memref<1024xi32, #tpu.memory_space<vmem>>, vector<16xi32>,
        %eq3A_1128 = vector.broadcast %reduce_min3A_860 : i32 to vector<16xi32>
        %eq3A_1129 = arith.cmpi eq, %get3A_1127, %eq3A_1128 : vector<16xi32>
        %jit3A_1130 = arith.constant 0xFF800000 : f32
        %broadcast_in_dim3A_1131 = vector.broadcast %jit3A_1130 : f32 to vector<16xf32>
        %select_n3A_1132 = arith.select %eq3A_1129, %broadcast_in_dim3A_1131, %get3A_1125 : vector<16xi1>, vector<16xf32>
        %swap3A_1133 = arith.constant 384 : index
        %swap3A_1134 = tpu.vector_load %arg7[%swap3A_1133] {strides = array<i32>} : memref<1024xf32, #tpu.memory_space<vmem>>, vector<16xf32>,
        tpu.vector_store %arg7[%swap3A_1133], %select_n3A_1132 {strides = array<i32>} : memref<1024xf32, #tpu.memory_space<vmem>>, vector<16xf32>,
        %get3A_1135 = arith.constant 400 : index
        %get3A_1136 = tpu.vector_load %arg7[%get3A_1135] {strides = array<i32>} : memref<1024xf32, #tpu.memory_space<vmem>>, vector<16xf32>,
        %get3A_1137 = arith.constant 400 : index
        %get3A_1138 = tpu.vector_load %arg8[%get3A_1137] {strides = array<i32>} : memref<1024xi32, #tpu.memory_space<vmem>>, vector<16xi32>,
        %eq3A_1139 = vector.broadcast %reduce_min3A_860 : i32 to vector<16xi32>
        %eq3A_1140 = arith.cmpi eq, %get3A_1138, %eq3A_1139 : vector<16xi32>
        %jit3A_1141 = arith.constant 0xFF800000 : f32
        %broadcast_in_dim3A_1142 = vector.broadcast %jit3A_1141 : f32 to vector<16xf32>
        %select_n3A_1143 = arith.select %eq3A_1140, %broadcast_in_dim3A_1142, %get3A_1136 : vector<16xi1>, vector<16xf32>
        %swap3A_1144 = arith.constant 400 : index
        %swap3A_1145 = tpu.vector_load %arg7[%swap3A_1144] {strides = array<i32>} : memref<1024xf32, #tpu.memory_space<vmem>>, vector<16xf32>,
        tpu.vector_store %arg7[%swap3A_1144], %select_n3A_1143 {strides = array<i32>} : memref<1024xf32, #tpu.memory_space<vmem>>, vector<16xf32>,
        %get3A_1146 = arith.constant 416 : index
        %get3A_1147 = tpu.vector_load %arg7[%get3A_1146] {strides = array<i32>} : memref<1024xf32, #tpu.memory_space<vmem>>, vector<16xf32>,
        %get3A_1148 = arith.constant 416 : index
        %get3A_1149 = tpu.vector_load %arg8[%get3A_1148] {strides = array<i32>} : memref<1024xi32, #tpu.memory_space<vmem>>, vector<16xi32>,
        %eq3A_1150 = vector.broadcast %reduce_min3A_860 : i32 to vector<16xi32>
        %eq3A_1151 = arith.cmpi eq, %get3A_1149, %eq3A_1150 : vector<16xi32>
        %jit3A_1152 = arith.constant 0xFF800000 : f32
        %broadcast_in_dim3A_1153 = vector.broadcast %jit3A_1152 : f32 to vector<16xf32>
        %select_n3A_1154 = arith.select %eq3A_1151, %broadcast_in_dim3A_1153, %get3A_1147 : vector<16xi1>, vector<16xf32>
        %swap3A_1155 = arith.constant 416 : index
        %swap3A_1156 = tpu.vector_load %arg7[%swap3A_1155] {strides = array<i32>} : memref<1024xf32, #tpu.memory_space<vmem>>, vector<16xf32>,
        tpu.vector_store %arg7[%swap3A_1155], %select_n3A_1154 {strides = array<i32>} : memref<1024xf32, #tpu.memory_space<vmem>>, vector<16xf32>,
        %get3A_1157 = arith.constant 432 : index
        %get3A_1158 = tpu.vector_load %arg7[%get3A_1157] {strides = array<i32>} : memref<1024xf32, #tpu.memory_space<vmem>>, vector<16xf32>,
        %get3A_1159 = arith.constant 432 : index
        %get3A_1160 = tpu.vector_load %arg8[%get3A_1159] {strides = array<i32>} : memref<1024xi32, #tpu.memory_space<vmem>>, vector<16xi32>,
        %eq3A_1161 = vector.broadcast %reduce_min3A_860 : i32 to vector<16xi32>
        %eq3A_1162 = arith.cmpi eq, %get3A_1160, %eq3A_1161 : vector<16xi32>
        %jit3A_1163 = arith.constant 0xFF800000 : f32
        %broadcast_in_dim3A_1164 = vector.broadcast %jit3A_1163 : f32 to vector<16xf32>
        %select_n3A_1165 = arith.select %eq3A_1162, %broadcast_in_dim3A_1164, %get3A_1158 : vector<16xi1>, vector<16xf32>
        %swap3A_1166 = arith.constant 432 : index
        %swap3A_1167 = tpu.vector_load %arg7[%swap3A_1166] {strides = array<i32>} : memref<1024xf32, #tpu.memory_space<vmem>>, vector<16xf32>,
        tpu.vector_store %arg7[%swap3A_1166], %select_n3A_1165 {strides = array<i32>} : memref<1024xf32, #tpu.memory_space<vmem>>, vector<16xf32>,
        %get3A_1168 = arith.constant 448 : index
        %get3A_1169 = tpu.vector_load %arg7[%get3A_1168] {strides = array<i32>} : memref<1024xf32, #tpu.memory_space<vmem>>, vector<16xf32>,
        %get3A_1170 = arith.constant 448 : index
        %get3A_1171 = tpu.vector_load %arg8[%get3A_1170] {strides = array<i32>} : memref<1024xi32, #tpu.memory_space<vmem>>, vector<16xi32>,
        %eq3A_1172 = vector.broadcast %reduce_min3A_860 : i32 to vector<16xi32>
        %eq3A_1173 = arith.cmpi eq, %get3A_1171, %eq3A_1172 : vector<16xi32>
        %jit3A_1174 = arith.constant 0xFF800000 : f32
        %broadcast_in_dim3A_1175 = vector.broadcast %jit3A_1174 : f32 to vector<16xf32>
        %select_n3A_1176 = arith.select %eq3A_1173, %broadcast_in_dim3A_1175, %get3A_1169 : vector<16xi1>, vector<16xf32>
        %swap3A_1177 = arith.constant 448 : index
        %swap3A_1178 = tpu.vector_load %arg7[%swap3A_1177] {strides = array<i32>} : memref<1024xf32, #tpu.memory_space<vmem>>, vector<16xf32>,
        tpu.vector_store %arg7[%swap3A_1177], %select_n3A_1176 {strides = array<i32>} : memref<1024xf32, #tpu.memory_space<vmem>>, vector<16xf32>,
        %get3A_1179 = arith.constant 464 : index
        %get3A_1180 = tpu.vector_load %arg7[%get3A_1179] {strides = array<i32>} : memref<1024xf32, #tpu.memory_space<vmem>>, vector<16xf32>,
        %get3A_1181 = arith.constant 464 : index
        %get3A_1182 = tpu.vector_load %arg8[%get3A_1181] {strides = array<i32>} : memref<1024xi32, #tpu.memory_space<vmem>>, vector<16xi32>,
        %eq3A_1183 = vector.broadcast %reduce_min3A_860 : i32 to vector<16xi32>
        %eq3A_1184 = arith.cmpi eq, %get3A_1182, %eq3A_1183 : vector<16xi32>
        %jit3A_1185 = arith.constant 0xFF800000 : f32
        %broadcast_in_dim3A_1186 = vector.broadcast %jit3A_1185 : f32 to vector<16xf32>
        %select_n3A_1187 = arith.select %eq3A_1184, %broadcast_in_dim3A_1186, %get3A_1180 : vector<16xi1>, vector<16xf32>
        %swap3A_1188 = arith.constant 464 : index
        %swap3A_1189 = tpu.vector_load %arg7[%swap3A_1188] {strides = array<i32>} : memref<1024xf32, #tpu.memory_space<vmem>>, vector<16xf32>,
        tpu.vector_store %arg7[%swap3A_1188], %select_n3A_1187 {strides = array<i32>} : memref<1024xf32, #tpu.memory_space<vmem>>, vector<16xf32>,
        %get3A_1190 = arith.constant 480 : index
        %get3A_1191 = tpu.vector_load %arg7[%get3A_1190] {strides = array<i32>} : memref<1024xf32, #tpu.memory_space<vmem>>, vector<16xf32>,
        %get3A_1192 = arith.constant 480 : index
        %get3A_1193 = tpu.vector_load %arg8[%get3A_1192] {strides = array<i32>} : memref<1024xi32, #tpu.memory_space<vmem>>, vector<16xi32>,
        %eq3A_1194 = vector.broadcast %reduce_min3A_860 : i32 to vector<16xi32>
        %eq3A_1195 = arith.cmpi eq, %get3A_1193, %eq3A_1194 : vector<16xi32>
        %jit3A_1196 = arith.constant 0xFF800000 : f32
        %broadcast_in_dim3A_1197 = vector.broadcast %jit3A_1196 : f32 to vector<16xf32>
        %select_n3A_1198 = arith.select %eq3A_1195, %broadcast_in_dim3A_1197, %get3A_1191 : vector<16xi1>, vector<16xf32>
        %swap3A_1199 = arith.constant 480 : index
        %swap3A_1200 = tpu.vector_load %arg7[%swap3A_1199] {strides = array<i32>} : memref<1024xf32, #tpu.memory_space<vmem>>, vector<16xf32>,
        tpu.vector_store %arg7[%swap3A_1199], %select_n3A_1198 {strides = array<i32>} : memref<1024xf32, #tpu.memory_space<vmem>>, vector<16xf32>,
        %get3A_1201 = arith.constant 496 : index
        %get3A_1202 = tpu.vector_load %arg7[%get3A_1201] {strides = array<i32>} : memref<1024xf32, #tpu.memory_space<vmem>>, vector<16xf32>,
        %get3A_1203 = arith.constant 496 : index
        %get3A_1204 = tpu.vector_load %arg8[%get3A_1203] {strides = array<i32>} : memref<1024xi32, #tpu.memory_space<vmem>>, vector<16xi32>,
        %eq3A_1205 = vector.broadcast %reduce_min3A_860 : i32 to vector<16xi32>
        %eq3A_1206 = arith.cmpi eq, %get3A_1204, %eq3A_1205 : vector<16xi32>
        %jit3A_1207 = arith.constant 0xFF800000 : f32
        %broadcast_in_dim3A_1208 = vector.broadcast %jit3A_1207 : f32 to vector<16xf32>
        %select_n3A_1209 = arith.select %eq3A_1206, %broadcast_in_dim3A_1208, %get3A_1202 : vector<16xi1>, vector<16xf32>
        %swap3A_1210 = arith.constant 496 : index
        %swap3A_1211 = tpu.vector_load %arg7[%swap3A_1210] {strides = array<i32>} : memref<1024xf32, #tpu.memory_space<vmem>>, vector<16xf32>,
        tpu.vector_store %arg7[%swap3A_1210], %select_n3A_1209 {strides = array<i32>} : memref<1024xf32, #tpu.memory_space<vmem>>, vector<16xf32>,
        %get3A_1212 = arith.constant 512 : index
        %get3A_1213 = tpu.vector_load %arg7[%get3A_1212] {strides = array<i32>} : memref<1024xf32, #tpu.memory_space<vmem>>, vector<16xf32>,
        %get3A_1214 = arith.constant 512 : index
        %get3A_1215 = tpu.vector_load %arg8[%get3A_1214] {strides = array<i32>} : memref<1024xi32, #tpu.memory_space<vmem>>, vector<16xi32>,
        %eq3A_1216 = vector.broadcast %reduce_min3A_860 : i32 to vector<16xi32>
        %eq3A_1217 = arith.cmpi eq, %get3A_1215, %eq3A_1216 : vector<16xi32>
        %jit3A_1218 = arith.constant 0xFF800000 : f32
        %broadcast_in_dim3A_1219 = vector.broadcast %jit3A_1218 : f32 to vector<16xf32>
        %select_n3A_1220 = arith.select %eq3A_1217, %broadcast_in_dim3A_1219, %get3A_1213 : vector<16xi1>, vector<16xf32>
        %swap3A_1221 = arith.constant 512 : index
        %swap3A_1222 = tpu.vector_load %arg7[%swap3A_1221] {strides = array<i32>} : memref<1024xf32, #tpu.memory_space<vmem>>, vector<16xf32>,
        tpu.vector_store %arg7[%swap3A_1221], %select_n3A_1220 {strides = array<i32>} : memref<1024xf32, #tpu.memory_space<vmem>>, vector<16xf32>,
        %get3A_1223 = arith.constant 528 : index
        %get3A_1224 = tpu.vector_load %arg7[%get3A_1223] {strides = array<i32>} : memref<1024xf32, #tpu.memory_space<vmem>>, vector<16xf32>,
        %get3A_1225 = arith.constant 528 : index
        %get3A_1226 = tpu.vector_load %arg8[%get3A_1225] {strides = array<i32>} : memref<1024xi32, #tpu.memory_space<vmem>>, vector<16xi32>,
        %eq3A_1227 = vector.broadcast %reduce_min3A_860 : i32 to vector<16xi32>
        %eq3A_1228 = arith.cmpi eq, %get3A_1226, %eq3A_1227 : vector<16xi32>
        %jit3A_1229 = arith.constant 0xFF800000 : f32
        %broadcast_in_dim3A_1230 = vector.broadcast %jit3A_1229 : f32 to vector<16xf32>
        %select_n3A_1231 = arith.select %eq3A_1228, %broadcast_in_dim3A_1230, %get3A_1224 : vector<16xi1>, vector<16xf32>
        %swap3A_1232 = arith.constant 528 : index
        %swap3A_1233 = tpu.vector_load %arg7[%swap3A_1232] {strides = array<i32>} : memref<1024xf32, #tpu.memory_space<vmem>>, vector<16xf32>,
        tpu.vector_store %arg7[%swap3A_1232], %select_n3A_1231 {strides = array<i32>} : memref<1024xf32, #tpu.memory_space<vmem>>, vector<16xf32>,
        %get3A_1234 = arith.constant 544 : index
        %get3A_1235 = tpu.vector_load %arg7[%get3A_1234] {strides = array<i32>} : memref<1024xf32, #tpu.memory_space<vmem>>, vector<16xf32>,
        %get3A_1236 = arith.constant 544 : index
        %get3A_1237 = tpu.vector_load %arg8[%get3A_1236] {strides = array<i32>} : memref<1024xi32, #tpu.memory_space<vmem>>, vector<16xi32>,
        %eq3A_1238 = vector.broadcast %reduce_min3A_860 : i32 to vector<16xi32>
        %eq3A_1239 = arith.cmpi eq, %get3A_1237, %eq3A_1238 : vector<16xi32>
        %jit3A_1240 = arith.constant 0xFF800000 : f32
        %broadcast_in_dim3A_1241 = vector.broadcast %jit3A_1240 : f32 to vector<16xf32>
        %select_n3A_1242 = arith.select %eq3A_1239, %broadcast_in_dim3A_1241, %get3A_1235 : vector<16xi1>, vector<16xf32>
        %swap3A_1243 = arith.constant 544 : index
        %swap3A_1244 = tpu.vector_load %arg7[%swap3A_1243] {strides = array<i32>} : memref<1024xf32, #tpu.memory_space<vmem>>, vector<16xf32>,
        tpu.vector_store %arg7[%swap3A_1243], %select_n3A_1242 {strides = array<i32>} : memref<1024xf32, #tpu.memory_space<vmem>>, vector<16xf32>,
        %get3A_1245 = arith.constant 560 : index
        %get3A_1246 = tpu.vector_load %arg7[%get3A_1245] {strides = array<i32>} : memref<1024xf32, #tpu.memory_space<vmem>>, vector<16xf32>,
        %get3A_1247 = arith.constant 560 : index
        %get3A_1248 = tpu.vector_load %arg8[%get3A_1247] {strides = array<i32>} : memref<1024xi32, #tpu.memory_space<vmem>>, vector<16xi32>,
        %eq3A_1249 = vector.broadcast %reduce_min3A_860 : i32 to vector<16xi32>
        %eq3A_1250 = arith.cmpi eq, %get3A_1248, %eq3A_1249 : vector<16xi32>
        %jit3A_1251 = arith.constant 0xFF800000 : f32
        %broadcast_in_dim3A_1252 = vector.broadcast %jit3A_1251 : f32 to vector<16xf32>
        %select_n3A_1253 = arith.select %eq3A_1250, %broadcast_in_dim3A_1252, %get3A_1246 : vector<16xi1>, vector<16xf32>
        %swap3A_1254 = arith.constant 560 : index
        %swap3A_1255 = tpu.vector_load %arg7[%swap3A_1254] {strides = array<i32>} : memref<1024xf32, #tpu.memory_space<vmem>>, vector<16xf32>,
        tpu.vector_store %arg7[%swap3A_1254], %select_n3A_1253 {strides = array<i32>} : memref<1024xf32, #tpu.memory_space<vmem>>, vector<16xf32>,
        %get3A_1256 = arith.constant 576 : index
        %get3A_1257 = tpu.vector_load %arg7[%get3A_1256] {strides = array<i32>} : memref<1024xf32, #tpu.memory_space<vmem>>, vector<16xf32>,
        %get3A_1258 = arith.constant 576 : index
        %get3A_1259 = tpu.vector_load %arg8[%get3A_1258] {strides = array<i32>} : memref<1024xi32, #tpu.memory_space<vmem>>, vector<16xi32>,
        %eq3A_1260 = vector.broadcast %reduce_min3A_860 : i32 to vector<16xi32>
        %eq3A_1261 = arith.cmpi eq, %get3A_1259, %eq3A_1260 : vector<16xi32>
        %jit3A_1262 = arith.constant 0xFF800000 : f32
        %broadcast_in_dim3A_1263 = vector.broadcast %jit3A_1262 : f32 to vector<16xf32>
        %select_n3A_1264 = arith.select %eq3A_1261, %broadcast_in_dim3A_1263, %get3A_1257 : vector<16xi1>, vector<16xf32>
        %swap3A_1265 = arith.constant 576 : index
        %swap3A_1266 = tpu.vector_load %arg7[%swap3A_1265] {strides = array<i32>} : memref<1024xf32, #tpu.memory_space<vmem>>, vector<16xf32>,
        tpu.vector_store %arg7[%swap3A_1265], %select_n3A_1264 {strides = array<i32>} : memref<1024xf32, #tpu.memory_space<vmem>>, vector<16xf32>,
        %get3A_1267 = arith.constant 592 : index
        %get3A_1268 = tpu.vector_load %arg7[%get3A_1267] {strides = array<i32>} : memref<1024xf32, #tpu.memory_space<vmem>>, vector<16xf32>,
        %get3A_1269 = arith.constant 592 : index
        %get3A_1270 = tpu.vector_load %arg8[%get3A_1269] {strides = array<i32>} : memref<1024xi32, #tpu.memory_space<vmem>>, vector<16xi32>,
        %eq3A_1271 = vector.broadcast %reduce_min3A_860 : i32 to vector<16xi32>
        %eq3A_1272 = arith.cmpi eq, %get3A_1270, %eq3A_1271 : vector<16xi32>
        %jit3A_1273 = arith.constant 0xFF800000 : f32
        %broadcast_in_dim3A_1274 = vector.broadcast %jit3A_1273 : f32 to vector<16xf32>
        %select_n3A_1275 = arith.select %eq3A_1272, %broadcast_in_dim3A_1274, %get3A_1268 : vector<16xi1>, vector<16xf32>
        %swap3A_1276 = arith.constant 592 : index
        %swap3A_1277 = tpu.vector_load %arg7[%swap3A_1276] {strides = array<i32>} : memref<1024xf32, #tpu.memory_space<vmem>>, vector<16xf32>,
        tpu.vector_store %arg7[%swap3A_1276], %select_n3A_1275 {strides = array<i32>} : memref<1024xf32, #tpu.memory_space<vmem>>, vector<16xf32>,
        %get3A_1278 = arith.constant 608 : index
        %get3A_1279 = tpu.vector_load %arg7[%get3A_1278] {strides = array<i32>} : memref<1024xf32, #tpu.memory_space<vmem>>, vector<16xf32>,
        %get3A_1280 = arith.constant 608 : index
        %get3A_1281 = tpu.vector_load %arg8[%get3A_1280] {strides = array<i32>} : memref<1024xi32, #tpu.memory_space<vmem>>, vector<16xi32>,
        %eq3A_1282 = vector.broadcast %reduce_min3A_860 : i32 to vector<16xi32>
        %eq3A_1283 = arith.cmpi eq, %get3A_1281, %eq3A_1282 : vector<16xi32>
        %jit3A_1284 = arith.constant 0xFF800000 : f32
        %broadcast_in_dim3A_1285 = vector.broadcast %jit3A_1284 : f32 to vector<16xf32>
        %select_n3A_1286 = arith.select %eq3A_1283, %broadcast_in_dim3A_1285, %get3A_1279 : vector<16xi1>, vector<16xf32>
        %swap3A_1287 = arith.constant 608 : index
        %swap3A_1288 = tpu.vector_load %arg7[%swap3A_1287] {strides = array<i32>} : memref<1024xf32, #tpu.memory_space<vmem>>, vector<16xf32>,
        tpu.vector_store %arg7[%swap3A_1287], %select_n3A_1286 {strides = array<i32>} : memref<1024xf32, #tpu.memory_space<vmem>>, vector<16xf32>,
        %get3A_1289 = arith.constant 624 : index
        %get3A_1290 = tpu.vector_load %arg7[%get3A_1289] {strides = array<i32>} : memref<1024xf32, #tpu.memory_space<vmem>>, vector<16xf32>,
        %get3A_1291 = arith.constant 624 : index
        %get3A_1292 = tpu.vector_load %arg8[%get3A_1291] {strides = array<i32>} : memref<1024xi32, #tpu.memory_space<vmem>>, vector<16xi32>,
        %eq3A_1293 = vector.broadcast %reduce_min3A_860 : i32 to vector<16xi32>
        %eq3A_1294 = arith.cmpi eq, %get3A_1292, %eq3A_1293 : vector<16xi32>
        %jit3A_1295 = arith.constant 0xFF800000 : f32
        %broadcast_in_dim3A_1296 = vector.broadcast %jit3A_1295 : f32 to vector<16xf32>
        %select_n3A_1297 = arith.select %eq3A_1294, %broadcast_in_dim3A_1296, %get3A_1290 : vector<16xi1>, vector<16xf32>
        %swap3A_1298 = arith.constant 624 : index
        %swap3A_1299 = tpu.vector_load %arg7[%swap3A_1298] {strides = array<i32>} : memref<1024xf32, #tpu.memory_space<vmem>>, vector<16xf32>,
        tpu.vector_store %arg7[%swap3A_1298], %select_n3A_1297 {strides = array<i32>} : memref<1024xf32, #tpu.memory_space<vmem>>, vector<16xf32>,
        %get3A_1300 = arith.constant 640 : index
        %get3A_1301 = tpu.vector_load %arg7[%get3A_1300] {strides = array<i32>} : memref<1024xf32, #tpu.memory_space<vmem>>, vector<16xf32>,
        %get3A_1302 = arith.constant 640 : index
        %get3A_1303 = tpu.vector_load %arg8[%get3A_1302] {strides = array<i32>} : memref<1024xi32, #tpu.memory_space<vmem>>, vector<16xi32>,
        %eq3A_1304 = vector.broadcast %reduce_min3A_860 : i32 to vector<16xi32>
        %eq3A_1305 = arith.cmpi eq, %get3A_1303, %eq3A_1304 : vector<16xi32>
        %jit3A_1306 = arith.constant 0xFF800000 : f32
        %broadcast_in_dim3A_1307 = vector.broadcast %jit3A_1306 : f32 to vector<16xf32>
        %select_n3A_1308 = arith.select %eq3A_1305, %broadcast_in_dim3A_1307, %get3A_1301 : vector<16xi1>, vector<16xf32>
        %swap3A_1309 = arith.constant 640 : index
        %swap3A_1310 = tpu.vector_load %arg7[%swap3A_1309] {strides = array<i32>} : memref<1024xf32, #tpu.memory_space<vmem>>, vector<16xf32>,
        tpu.vector_store %arg7[%swap3A_1309], %select_n3A_1308 {strides = array<i32>} : memref<1024xf32, #tpu.memory_space<vmem>>, vector<16xf32>,
        %get3A_1311 = arith.constant 656 : index
        %get3A_1312 = tpu.vector_load %arg7[%get3A_1311] {strides = array<i32>} : memref<1024xf32, #tpu.memory_space<vmem>>, vector<16xf32>,
        %get3A_1313 = arith.constant 656 : index
        %get3A_1314 = tpu.vector_load %arg8[%get3A_1313] {strides = array<i32>} : memref<1024xi32, #tpu.memory_space<vmem>>, vector<16xi32>,
        %eq3A_1315 = vector.broadcast %reduce_min3A_860 : i32 to vector<16xi32>
        %eq3A_1316 = arith.cmpi eq, %get3A_1314, %eq3A_1315 : vector<16xi32>
        %jit3A_1317 = arith.constant 0xFF800000 : f32
        %broadcast_in_dim3A_1318 = vector.broadcast %jit3A_1317 : f32 to vector<16xf32>
        %select_n3A_1319 = arith.select %eq3A_1316, %broadcast_in_dim3A_1318, %get3A_1312 : vector<16xi1>, vector<16xf32>
        %swap3A_1320 = arith.constant 656 : index
        %swap3A_1321 = tpu.vector_load %arg7[%swap3A_1320] {strides = array<i32>} : memref<1024xf32, #tpu.memory_space<vmem>>, vector<16xf32>,
        tpu.vector_store %arg7[%swap3A_1320], %select_n3A_1319 {strides = array<i32>} : memref<1024xf32, #tpu.memory_space<vmem>>, vector<16xf32>,
        %get3A_1322 = arith.constant 672 : index
        %get3A_1323 = tpu.vector_load %arg7[%get3A_1322] {strides = array<i32>} : memref<1024xf32, #tpu.memory_space<vmem>>, vector<16xf32>,
        %get3A_1324 = arith.constant 672 : index
        %get3A_1325 = tpu.vector_load %arg8[%get3A_1324] {strides = array<i32>} : memref<1024xi32, #tpu.memory_space<vmem>>, vector<16xi32>,
        %eq3A_1326 = vector.broadcast %reduce_min3A_860 : i32 to vector<16xi32>
        %eq3A_1327 = arith.cmpi eq, %get3A_1325, %eq3A_1326 : vector<16xi32>
        %jit3A_1328 = arith.constant 0xFF800000 : f32
        %broadcast_in_dim3A_1329 = vector.broadcast %jit3A_1328 : f32 to vector<16xf32>
        %select_n3A_1330 = arith.select %eq3A_1327, %broadcast_in_dim3A_1329, %get3A_1323 : vector<16xi1>, vector<16xf32>
        %swap3A_1331 = arith.constant 672 : index
        %swap3A_1332 = tpu.vector_load %arg7[%swap3A_1331] {strides = array<i32>} : memref<1024xf32, #tpu.memory_space<vmem>>, vector<16xf32>,
        tpu.vector_store %arg7[%swap3A_1331], %select_n3A_1330 {strides = array<i32>} : memref<1024xf32, #tpu.memory_space<vmem>>, vector<16xf32>,
        %get3A_1333 = arith.constant 688 : index
        %get3A_1334 = tpu.vector_load %arg7[%get3A_1333] {strides = array<i32>} : memref<1024xf32, #tpu.memory_space<vmem>>, vector<16xf32>,
        %get3A_1335 = arith.constant 688 : index
        %get3A_1336 = tpu.vector_load %arg8[%get3A_1335] {strides = array<i32>} : memref<1024xi32, #tpu.memory_space<vmem>>, vector<16xi32>,
        %eq3A_1337 = vector.broadcast %reduce_min3A_860 : i32 to vector<16xi32>
        %eq3A_1338 = arith.cmpi eq, %get3A_1336, %eq3A_1337 : vector<16xi32>
        %jit3A_1339 = arith.constant 0xFF800000 : f32
        %broadcast_in_dim3A_1340 = vector.broadcast %jit3A_1339 : f32 to vector<16xf32>
        %select_n3A_1341 = arith.select %eq3A_1338, %broadcast_in_dim3A_1340, %get3A_1334 : vector<16xi1>, vector<16xf32>
        %swap3A_1342 = arith.constant 688 : index
        %swap3A_1343 = tpu.vector_load %arg7[%swap3A_1342] {strides = array<i32>} : memref<1024xf32, #tpu.memory_space<vmem>>, vector<16xf32>,
        tpu.vector_store %arg7[%swap3A_1342], %select_n3A_1341 {strides = array<i32>} : memref<1024xf32, #tpu.memory_space<vmem>>, vector<16xf32>,
        %get3A_1344 = arith.constant 704 : index
        %get3A_1345 = tpu.vector_load %arg7[%get3A_1344] {strides = array<i32>} : memref<1024xf32, #tpu.memory_space<vmem>>, vector<16xf32>,
        %get3A_1346 = arith.constant 704 : index
        %get3A_1347 = tpu.vector_load %arg8[%get3A_1346] {strides = array<i32>} : memref<1024xi32, #tpu.memory_space<vmem>>, vector<16xi32>,
        %eq3A_1348 = vector.broadcast %reduce_min3A_860 : i32 to vector<16xi32>
        %eq3A_1349 = arith.cmpi eq, %get3A_1347, %eq3A_1348 : vector<16xi32>
        %jit3A_1350 = arith.constant 0xFF800000 : f32
        %broadcast_in_dim3A_1351 = vector.broadcast %jit3A_1350 : f32 to vector<16xf32>
        %select_n3A_1352 = arith.select %eq3A_1349, %broadcast_in_dim3A_1351, %get3A_1345 : vector<16xi1>, vector<16xf32>
        %swap3A_1353 = arith.constant 704 : index
        %swap3A_1354 = tpu.vector_load %arg7[%swap3A_1353] {strides = array<i32>} : memref<1024xf32, #tpu.memory_space<vmem>>, vector<16xf32>,
        tpu.vector_store %arg7[%swap3A_1353], %select_n3A_1352 {strides = array<i32>} : memref<1024xf32, #tpu.memory_space<vmem>>, vector<16xf32>,
        %get3A_1355 = arith.constant 720 : index
        %get3A_1356 = tpu.vector_load %arg7[%get3A_1355] {strides = array<i32>} : memref<1024xf32, #tpu.memory_space<vmem>>, vector<16xf32>,
        %get3A_1357 = arith.constant 720 : index
        %get3A_1358 = tpu.vector_load %arg8[%get3A_1357] {strides = array<i32>} : memref<1024xi32, #tpu.memory_space<vmem>>, vector<16xi32>,
        %eq3A_1359 = vector.broadcast %reduce_min3A_860 : i32 to vector<16xi32>
        %eq3A_1360 = arith.cmpi eq, %get3A_1358, %eq3A_1359 : vector<16xi32>
        %jit3A_1361 = arith.constant 0xFF800000 : f32
        %broadcast_in_dim3A_1362 = vector.broadcast %jit3A_1361 : f32 to vector<16xf32>
        %select_n3A_1363 = arith.select %eq3A_1360, %broadcast_in_dim3A_1362, %get3A_1356 : vector<16xi1>, vector<16xf32>
        %swap3A_1364 = arith.constant 720 : index
        %swap3A_1365 = tpu.vector_load %arg7[%swap3A_1364] {strides = array<i32>} : memref<1024xf32, #tpu.memory_space<vmem>>, vector<16xf32>,
        tpu.vector_store %arg7[%swap3A_1364], %select_n3A_1363 {strides = array<i32>} : memref<1024xf32, #tpu.memory_space<vmem>>, vector<16xf32>,
        %get3A_1366 = arith.constant 736 : index
        %get3A_1367 = tpu.vector_load %arg7[%get3A_1366] {strides = array<i32>} : memref<1024xf32, #tpu.memory_space<vmem>>, vector<16xf32>,
        %get3A_1368 = arith.constant 736 : index
        %get3A_1369 = tpu.vector_load %arg8[%get3A_1368] {strides = array<i32>} : memref<1024xi32, #tpu.memory_space<vmem>>, vector<16xi32>,
        %eq3A_1370 = vector.broadcast %reduce_min3A_860 : i32 to vector<16xi32>
        %eq3A_1371 = arith.cmpi eq, %get3A_1369, %eq3A_1370 : vector<16xi32>
        %jit3A_1372 = arith.constant 0xFF800000 : f32
        %broadcast_in_dim3A_1373 = vector.broadcast %jit3A_1372 : f32 to vector<16xf32>
        %select_n3A_1374 = arith.select %eq3A_1371, %broadcast_in_dim3A_1373, %get3A_1367 : vector<16xi1>, vector<16xf32>
        %swap3A_1375 = arith.constant 736 : index
        %swap3A_1376 = tpu.vector_load %arg7[%swap3A_1375] {strides = array<i32>} : memref<1024xf32, #tpu.memory_space<vmem>>, vector<16xf32>,
        tpu.vector_store %arg7[%swap3A_1375], %select_n3A_1374 {strides = array<i32>} : memref<1024xf32, #tpu.memory_space<vmem>>, vector<16xf32>,
        %get3A_1377 = arith.constant 752 : index
        %get3A_1378 = tpu.vector_load %arg7[%get3A_1377] {strides = array<i32>} : memref<1024xf32, #tpu.memory_space<vmem>>, vector<16xf32>,
        %get3A_1379 = arith.constant 752 : index
        %get3A_1380 = tpu.vector_load %arg8[%get3A_1379] {strides = array<i32>} : memref<1024xi32, #tpu.memory_space<vmem>>, vector<16xi32>,
        %eq3A_1381 = vector.broadcast %reduce_min3A_860 : i32 to vector<16xi32>
        %eq3A_1382 = arith.cmpi eq, %get3A_1380, %eq3A_1381 : vector<16xi32>
        %jit3A_1383 = arith.constant 0xFF800000 : f32
        %broadcast_in_dim3A_1384 = vector.broadcast %jit3A_1383 : f32 to vector<16xf32>
        %select_n3A_1385 = arith.select %eq3A_1382, %broadcast_in_dim3A_1384, %get3A_1378 : vector<16xi1>, vector<16xf32>
        %swap3A_1386 = arith.constant 752 : index
        %swap3A_1387 = tpu.vector_load %arg7[%swap3A_1386] {strides = array<i32>} : memref<1024xf32, #tpu.memory_space<vmem>>, vector<16xf32>,
        tpu.vector_store %arg7[%swap3A_1386], %select_n3A_1385 {strides = array<i32>} : memref<1024xf32, #tpu.memory_space<vmem>>, vector<16xf32>,
        %get3A_1388 = arith.constant 768 : index
        %get3A_1389 = tpu.vector_load %arg7[%get3A_1388] {strides = array<i32>} : memref<1024xf32, #tpu.memory_space<vmem>>, vector<16xf32>,
        %get3A_1390 = arith.constant 768 : index
        %get3A_1391 = tpu.vector_load %arg8[%get3A_1390] {strides = array<i32>} : memref<1024xi32, #tpu.memory_space<vmem>>, vector<16xi32>,
        %eq3A_1392 = vector.broadcast %reduce_min3A_860 : i32 to vector<16xi32>
        %eq3A_1393 = arith.cmpi eq, %get3A_1391, %eq3A_1392 : vector<16xi32>
        %jit3A_1394 = arith.constant 0xFF800000 : f32
        %broadcast_in_dim3A_1395 = vector.broadcast %jit3A_1394 : f32 to vector<16xf32>
        %select_n3A_1396 = arith.select %eq3A_1393, %broadcast_in_dim3A_1395, %get3A_1389 : vector<16xi1>, vector<16xf32>
        %swap3A_1397 = arith.constant 768 : index
        %swap3A_1398 = tpu.vector_load %arg7[%swap3A_1397] {strides = array<i32>} : memref<1024xf32, #tpu.memory_space<vmem>>, vector<16xf32>,
        tpu.vector_store %arg7[%swap3A_1397], %select_n3A_1396 {strides = array<i32>} : memref<1024xf32, #tpu.memory_space<vmem>>, vector<16xf32>,
        %get3A_1399 = arith.constant 784 : index
        %get3A_1400 = tpu.vector_load %arg7[%get3A_1399] {strides = array<i32>} : memref<1024xf32, #tpu.memory_space<vmem>>, vector<16xf32>,
        %get3A_1401 = arith.constant 784 : index
        %get3A_1402 = tpu.vector_load %arg8[%get3A_1401] {strides = array<i32>} : memref<1024xi32, #tpu.memory_space<vmem>>, vector<16xi32>,
        %eq3A_1403 = vector.broadcast %reduce_min3A_860 : i32 to vector<16xi32>
        %eq3A_1404 = arith.cmpi eq, %get3A_1402, %eq3A_1403 : vector<16xi32>
        %jit3A_1405 = arith.constant 0xFF800000 : f32
        %broadcast_in_dim3A_1406 = vector.broadcast %jit3A_1405 : f32 to vector<16xf32>
        %select_n3A_1407 = arith.select %eq3A_1404, %broadcast_in_dim3A_1406, %get3A_1400 : vector<16xi1>, vector<16xf32>
        %swap3A_1408 = arith.constant 784 : index
        %swap3A_1409 = tpu.vector_load %arg7[%swap3A_1408] {strides = array<i32>} : memref<1024xf32, #tpu.memory_space<vmem>>, vector<16xf32>,
        tpu.vector_store %arg7[%swap3A_1408], %select_n3A_1407 {strides = array<i32>} : memref<1024xf32, #tpu.memory_space<vmem>>, vector<16xf32>,
        %get3A_1410 = arith.constant 800 : index
        %get3A_1411 = tpu.vector_load %arg7[%get3A_1410] {strides = array<i32>} : memref<1024xf32, #tpu.memory_space<vmem>>, vector<16xf32>,
        %get3A_1412 = arith.constant 800 : index
        %get3A_1413 = tpu.vector_load %arg8[%get3A_1412] {strides = array<i32>} : memref<1024xi32, #tpu.memory_space<vmem>>, vector<16xi32>,
        %eq3A_1414 = vector.broadcast %reduce_min3A_860 : i32 to vector<16xi32>
        %eq3A_1415 = arith.cmpi eq, %get3A_1413, %eq3A_1414 : vector<16xi32>
        %jit3A_1416 = arith.constant 0xFF800000 : f32
        %broadcast_in_dim3A_1417 = vector.broadcast %jit3A_1416 : f32 to vector<16xf32>
        %select_n3A_1418 = arith.select %eq3A_1415, %broadcast_in_dim3A_1417, %get3A_1411 : vector<16xi1>, vector<16xf32>
        %swap3A_1419 = arith.constant 800 : index
        %swap3A_1420 = tpu.vector_load %arg7[%swap3A_1419] {strides = array<i32>} : memref<1024xf32, #tpu.memory_space<vmem>>, vector<16xf32>,
        tpu.vector_store %arg7[%swap3A_1419], %select_n3A_1418 {strides = array<i32>} : memref<1024xf32, #tpu.memory_space<vmem>>, vector<16xf32>,
        %get3A_1421 = arith.constant 816 : index
        %get3A_1422 = tpu.vector_load %arg7[%get3A_1421] {strides = array<i32>} : memref<1024xf32, #tpu.memory_space<vmem>>, vector<16xf32>,
        %get3A_1423 = arith.constant 816 : index
        %get3A_1424 = tpu.vector_load %arg8[%get3A_1423] {strides = array<i32>} : memref<1024xi32, #tpu.memory_space<vmem>>, vector<16xi32>,
        %eq3A_1425 = vector.broadcast %reduce_min3A_860 : i32 to vector<16xi32>
        %eq3A_1426 = arith.cmpi eq, %get3A_1424, %eq3A_1425 : vector<16xi32>
        %jit3A_1427 = arith.constant 0xFF800000 : f32
        %broadcast_in_dim3A_1428 = vector.broadcast %jit3A_1427 : f32 to vector<16xf32>
        %select_n3A_1429 = arith.select %eq3A_1426, %broadcast_in_dim3A_1428, %get3A_1422 : vector<16xi1>, vector<16xf32>
        %swap3A_1430 = arith.constant 816 : index
        %swap3A_1431 = tpu.vector_load %arg7[%swap3A_1430] {strides = array<i32>} : memref<1024xf32, #tpu.memory_space<vmem>>, vector<16xf32>,
        tpu.vector_store %arg7[%swap3A_1430], %select_n3A_1429 {strides = array<i32>} : memref<1024xf32, #tpu.memory_space<vmem>>, vector<16xf32>,
        %get3A_1432 = arith.constant 832 : index
        %get3A_1433 = tpu.vector_load %arg7[%get3A_1432] {strides = array<i32>} : memref<1024xf32, #tpu.memory_space<vmem>>, vector<16xf32>,
        %get3A_1434 = arith.constant 832 : index
        %get3A_1435 = tpu.vector_load %arg8[%get3A_1434] {strides = array<i32>} : memref<1024xi32, #tpu.memory_space<vmem>>, vector<16xi32>,
        %eq3A_1436 = vector.broadcast %reduce_min3A_860 : i32 to vector<16xi32>
        %eq3A_1437 = arith.cmpi eq, %get3A_1435, %eq3A_1436 : vector<16xi32>
        %jit3A_1438 = arith.constant 0xFF800000 : f32
        %broadcast_in_dim3A_1439 = vector.broadcast %jit3A_1438 : f32 to vector<16xf32>
        %select_n3A_1440 = arith.select %eq3A_1437, %broadcast_in_dim3A_1439, %get3A_1433 : vector<16xi1>, vector<16xf32>
        %swap3A_1441 = arith.constant 832 : index
        %swap3A_1442 = tpu.vector_load %arg7[%swap3A_1441] {strides = array<i32>} : memref<1024xf32, #tpu.memory_space<vmem>>, vector<16xf32>,
        tpu.vector_store %arg7[%swap3A_1441], %select_n3A_1440 {strides = array<i32>} : memref<1024xf32, #tpu.memory_space<vmem>>, vector<16xf32>,
        %get3A_1443 = arith.constant 848 : index
        %get3A_1444 = tpu.vector_load %arg7[%get3A_1443] {strides = array<i32>} : memref<1024xf32, #tpu.memory_space<vmem>>, vector<16xf32>,
        %get3A_1445 = arith.constant 848 : index
        %get3A_1446 = tpu.vector_load %arg8[%get3A_1445] {strides = array<i32>} : memref<1024xi32, #tpu.memory_space<vmem>>, vector<16xi32>,
        %eq3A_1447 = vector.broadcast %reduce_min3A_860 : i32 to vector<16xi32>
        %eq3A_1448 = arith.cmpi eq, %get3A_1446, %eq3A_1447 : vector<16xi32>
        %jit3A_1449 = arith.constant 0xFF800000 : f32
        %broadcast_in_dim3A_1450 = vector.broadcast %jit3A_1449 : f32 to vector<16xf32>
        %select_n3A_1451 = arith.select %eq3A_1448, %broadcast_in_dim3A_1450, %get3A_1444 : vector<16xi1>, vector<16xf32>
        %swap3A_1452 = arith.constant 848 : index
        %swap3A_1453 = tpu.vector_load %arg7[%swap3A_1452] {strides = array<i32>} : memref<1024xf32, #tpu.memory_space<vmem>>, vector<16xf32>,
        tpu.vector_store %arg7[%swap3A_1452], %select_n3A_1451 {strides = array<i32>} : memref<1024xf32, #tpu.memory_space<vmem>>, vector<16xf32>,
        %get3A_1454 = arith.constant 864 : index
        %get3A_1455 = tpu.vector_load %arg7[%get3A_1454] {strides = array<i32>} : memref<1024xf32, #tpu.memory_space<vmem>>, vector<16xf32>,
        %get3A_1456 = arith.constant 864 : index
        %get3A_1457 = tpu.vector_load %arg8[%get3A_1456] {strides = array<i32>} : memref<1024xi32, #tpu.memory_space<vmem>>, vector<16xi32>,
        %eq3A_1458 = vector.broadcast %reduce_min3A_860 : i32 to vector<16xi32>
        %eq3A_1459 = arith.cmpi eq, %get3A_1457, %eq3A_1458 : vector<16xi32>
        %jit3A_1460 = arith.constant 0xFF800000 : f32
        %broadcast_in_dim3A_1461 = vector.broadcast %jit3A_1460 : f32 to vector<16xf32>
        %select_n3A_1462 = arith.select %eq3A_1459, %broadcast_in_dim3A_1461, %get3A_1455 : vector<16xi1>, vector<16xf32>
        %swap3A_1463 = arith.constant 864 : index
        %swap3A_1464 = tpu.vector_load %arg7[%swap3A_1463] {strides = array<i32>} : memref<1024xf32, #tpu.memory_space<vmem>>, vector<16xf32>,
        tpu.vector_store %arg7[%swap3A_1463], %select_n3A_1462 {strides = array<i32>} : memref<1024xf32, #tpu.memory_space<vmem>>, vector<16xf32>,
        %get3A_1465 = arith.constant 880 : index
        %get3A_1466 = tpu.vector_load %arg7[%get3A_1465] {strides = array<i32>} : memref<1024xf32, #tpu.memory_space<vmem>>, vector<16xf32>,
        %get3A_1467 = arith.constant 880 : index
        %get3A_1468 = tpu.vector_load %arg8[%get3A_1467] {strides = array<i32>} : memref<1024xi32, #tpu.memory_space<vmem>>, vector<16xi32>,
        %eq3A_1469 = vector.broadcast %reduce_min3A_860 : i32 to vector<16xi32>
        %eq3A_1470 = arith.cmpi eq, %get3A_1468, %eq3A_1469 : vector<16xi32>
        %jit3A_1471 = arith.constant 0xFF800000 : f32
        %broadcast_in_dim3A_1472 = vector.broadcast %jit3A_1471 : f32 to vector<16xf32>
        %select_n3A_1473 = arith.select %eq3A_1470, %broadcast_in_dim3A_1472, %get3A_1466 : vector<16xi1>, vector<16xf32>
        %swap3A_1474 = arith.constant 880 : index
        %swap3A_1475 = tpu.vector_load %arg7[%swap3A_1474] {strides = array<i32>} : memref<1024xf32, #tpu.memory_space<vmem>>, vector<16xf32>,
        tpu.vector_store %arg7[%swap3A_1474], %select_n3A_1473 {strides = array<i32>} : memref<1024xf32, #tpu.memory_space<vmem>>, vector<16xf32>,
        %get3A_1476 = arith.constant 896 : index
        %get3A_1477 = tpu.vector_load %arg7[%get3A_1476] {strides = array<i32>} : memref<1024xf32, #tpu.memory_space<vmem>>, vector<16xf32>,
        %get3A_1478 = arith.constant 896 : index
        %get3A_1479 = tpu.vector_load %arg8[%get3A_1478] {strides = array<i32>} : memref<1024xi32, #tpu.memory_space<vmem>>, vector<16xi32>,
        %eq3A_1480 = vector.broadcast %reduce_min3A_860 : i32 to vector<16xi32>
        %eq3A_1481 = arith.cmpi eq, %get3A_1479, %eq3A_1480 : vector<16xi32>
        %jit3A_1482 = arith.constant 0xFF800000 : f32
        %broadcast_in_dim3A_1483 = vector.broadcast %jit3A_1482 : f32 to vector<16xf32>
        %select_n3A_1484 = arith.select %eq3A_1481, %broadcast_in_dim3A_1483, %get3A_1477 : vector<16xi1>, vector<16xf32>
        %swap3A_1485 = arith.constant 896 : index
        %swap3A_1486 = tpu.vector_load %arg7[%swap3A_1485] {strides = array<i32>} : memref<1024xf32, #tpu.memory_space<vmem>>, vector<16xf32>,
        tpu.vector_store %arg7[%swap3A_1485], %select_n3A_1484 {strides = array<i32>} : memref<1024xf32, #tpu.memory_space<vmem>>, vector<16xf32>,
        %get3A_1487 = arith.constant 912 : index
        %get3A_1488 = tpu.vector_load %arg7[%get3A_1487] {strides = array<i32>} : memref<1024xf32, #tpu.memory_space<vmem>>, vector<16xf32>,
        %get3A_1489 = arith.constant 912 : index
        %get3A_1490 = tpu.vector_load %arg8[%get3A_1489] {strides = array<i32>} : memref<1024xi32, #tpu.memory_space<vmem>>, vector<16xi32>,
        %eq3A_1491 = vector.broadcast %reduce_min3A_860 : i32 to vector<16xi32>
        %eq3A_1492 = arith.cmpi eq, %get3A_1490, %eq3A_1491 : vector<16xi32>
        %jit3A_1493 = arith.constant 0xFF800000 : f32
        %broadcast_in_dim3A_1494 = vector.broadcast %jit3A_1493 : f32 to vector<16xf32>
        %select_n3A_1495 = arith.select %eq3A_1492, %broadcast_in_dim3A_1494, %get3A_1488 : vector<16xi1>, vector<16xf32>
        %swap3A_1496 = arith.constant 912 : index
        %swap3A_1497 = tpu.vector_load %arg7[%swap3A_1496] {strides = array<i32>} : memref<1024xf32, #tpu.memory_space<vmem>>, vector<16xf32>,
        tpu.vector_store %arg7[%swap3A_1496], %select_n3A_1495 {strides = array<i32>} : memref<1024xf32, #tpu.memory_space<vmem>>, vector<16xf32>,
        %get3A_1498 = arith.constant 928 : index
        %get3A_1499 = tpu.vector_load %arg7[%get3A_1498] {strides = array<i32>} : memref<1024xf32, #tpu.memory_space<vmem>>, vector<16xf32>,
        %get3A_1500 = arith.constant 928 : index
        %get3A_1501 = tpu.vector_load %arg8[%get3A_1500] {strides = array<i32>} : memref<1024xi32, #tpu.memory_space<vmem>>, vector<16xi32>,
        %eq3A_1502 = vector.broadcast %reduce_min3A_860 : i32 to vector<16xi32>
        %eq3A_1503 = arith.cmpi eq, %get3A_1501, %eq3A_1502 : vector<16xi32>
        %jit3A_1504 = arith.constant 0xFF800000 : f32
        %broadcast_in_dim3A_1505 = vector.broadcast %jit3A_1504 : f32 to vector<16xf32>
        %select_n3A_1506 = arith.select %eq3A_1503, %broadcast_in_dim3A_1505, %get3A_1499 : vector<16xi1>, vector<16xf32>
        %swap3A_1507 = arith.constant 928 : index
        %swap3A_1508 = tpu.vector_load %arg7[%swap3A_1507] {strides = array<i32>} : memref<1024xf32, #tpu.memory_space<vmem>>, vector<16xf32>,
        tpu.vector_store %arg7[%swap3A_1507], %select_n3A_1506 {strides = array<i32>} : memref<1024xf32, #tpu.memory_space<vmem>>, vector<16xf32>,
        %get3A_1509 = arith.constant 944 : index
        %get3A_1510 = tpu.vector_load %arg7[%get3A_1509] {strides = array<i32>} : memref<1024xf32, #tpu.memory_space<vmem>>, vector<16xf32>,
        %get3A_1511 = arith.constant 944 : index
        %get3A_1512 = tpu.vector_load %arg8[%get3A_1511] {strides = array<i32>} : memref<1024xi32, #tpu.memory_space<vmem>>, vector<16xi32>,
        %eq3A_1513 = vector.broadcast %reduce_min3A_860 : i32 to vector<16xi32>
        %eq3A_1514 = arith.cmpi eq, %get3A_1512, %eq3A_1513 : vector<16xi32>
        %jit3A_1515 = arith.constant 0xFF800000 : f32
        %broadcast_in_dim3A_1516 = vector.broadcast %jit3A_1515 : f32 to vector<16xf32>
        %select_n3A_1517 = arith.select %eq3A_1514, %broadcast_in_dim3A_1516, %get3A_1510 : vector<16xi1>, vector<16xf32>
        %swap3A_1518 = arith.constant 944 : index
        %swap3A_1519 = tpu.vector_load %arg7[%swap3A_1518] {strides = array<i32>} : memref<1024xf32, #tpu.memory_space<vmem>>, vector<16xf32>,
        tpu.vector_store %arg7[%swap3A_1518], %select_n3A_1517 {strides = array<i32>} : memref<1024xf32, #tpu.memory_space<vmem>>, vector<16xf32>,
        %get3A_1520 = arith.constant 960 : index
        %get3A_1521 = tpu.vector_load %arg7[%get3A_1520] {strides = array<i32>} : memref<1024xf32, #tpu.memory_space<vmem>>, vector<16xf32>,
        %get3A_1522 = arith.constant 960 : index
        %get3A_1523 = tpu.vector_load %arg8[%get3A_1522] {strides = array<i32>} : memref<1024xi32, #tpu.memory_space<vmem>>, vector<16xi32>,
        %eq3A_1524 = vector.broadcast %reduce_min3A_860 : i32 to vector<16xi32>
        %eq3A_1525 = arith.cmpi eq, %get3A_1523, %eq3A_1524 : vector<16xi32>
        %jit3A_1526 = arith.constant 0xFF800000 : f32
        %broadcast_in_dim3A_1527 = vector.broadcast %jit3A_1526 : f32 to vector<16xf32>
        %select_n3A_1528 = arith.select %eq3A_1525, %broadcast_in_dim3A_1527, %get3A_1521 : vector<16xi1>, vector<16xf32>
        %swap3A_1529 = arith.constant 960 : index
        %swap3A_1530 = tpu.vector_load %arg7[%swap3A_1529] {strides = array<i32>} : memref<1024xf32, #tpu.memory_space<vmem>>, vector<16xf32>,
        tpu.vector_store %arg7[%swap3A_1529], %select_n3A_1528 {strides = array<i32>} : memref<1024xf32, #tpu.memory_space<vmem>>, vector<16xf32>,
        %get3A_1531 = arith.constant 976 : index
        %get3A_1532 = tpu.vector_load %arg7[%get3A_1531] {strides = array<i32>} : memref<1024xf32, #tpu.memory_space<vmem>>, vector<16xf32>,
        %get3A_1533 = arith.constant 976 : index
        %get3A_1534 = tpu.vector_load %arg8[%get3A_1533] {strides = array<i32>} : memref<1024xi32, #tpu.memory_space<vmem>>, vector<16xi32>,
        %eq3A_1535 = vector.broadcast %reduce_min3A_860 : i32 to vector<16xi32>
        %eq3A_1536 = arith.cmpi eq, %get3A_1534, %eq3A_1535 : vector<16xi32>
        %jit3A_1537 = arith.constant 0xFF800000 : f32
        %broadcast_in_dim3A_1538 = vector.broadcast %jit3A_1537 : f32 to vector<16xf32>
        %select_n3A_1539 = arith.select %eq3A_1536, %broadcast_in_dim3A_1538, %get3A_1532 : vector<16xi1>, vector<16xf32>
        %swap3A_1540 = arith.constant 976 : index
        %swap3A_1541 = tpu.vector_load %arg7[%swap3A_1540] {strides = array<i32>} : memref<1024xf32, #tpu.memory_space<vmem>>, vector<16xf32>,
        tpu.vector_store %arg7[%swap3A_1540], %select_n3A_1539 {strides = array<i32>} : memref<1024xf32, #tpu.memory_space<vmem>>, vector<16xf32>,
        %get3A_1542 = arith.constant 992 : index
        %get3A_1543 = tpu.vector_load %arg7[%get3A_1542] {strides = array<i32>} : memref<1024xf32, #tpu.memory_space<vmem>>, vector<16xf32>,
        %get3A_1544 = arith.constant 992 : index
        %get3A_1545 = tpu.vector_load %arg8[%get3A_1544] {strides = array<i32>} : memref<1024xi32, #tpu.memory_space<vmem>>, vector<16xi32>,
        %eq3A_1546 = vector.broadcast %reduce_min3A_860 : i32 to vector<16xi32>
        %eq3A_1547 = arith.cmpi eq, %get3A_1545, %eq3A_1546 : vector<16xi32>
        %jit3A_1548 = arith.constant 0xFF800000 : f32
        %broadcast_in_dim3A_1549 = vector.broadcast %jit3A_1548 : f32 to vector<16xf32>
        %select_n3A_1550 = arith.select %eq3A_1547, %broadcast_in_dim3A_1549, %get3A_1543 : vector<16xi1>, vector<16xf32>
        %swap3A_1551 = arith.constant 992 : index
        %swap3A_1552 = tpu.vector_load %arg7[%swap3A_1551] {strides = array<i32>} : memref<1024xf32, #tpu.memory_space<vmem>>, vector<16xf32>,
        tpu.vector_store %arg7[%swap3A_1551], %select_n3A_1550 {strides = array<i32>} : memref<1024xf32, #tpu.memory_space<vmem>>, vector<16xf32>,
        %get3A_1553 = arith.constant 1008 : index
        %get3A_1554 = tpu.vector_load %arg7[%get3A_1553] {strides = array<i32>} : memref<1024xf32, #tpu.memory_space<vmem>>, vector<16xf32>,
        %get3A_1555 = arith.constant 1008 : index
        %get3A_1556 = tpu.vector_load %arg8[%get3A_1555] {strides = array<i32>} : memref<1024xi32, #tpu.memory_space<vmem>>, vector<16xi32>,
        %eq3A_1557 = vector.broadcast %reduce_min3A_860 : i32 to vector<16xi32>
        %eq3A_1558 = arith.cmpi eq, %get3A_1556, %eq3A_1557 : vector<16xi32>
        %jit3A_1559 = arith.constant 0xFF800000 : f32
        %broadcast_in_dim3A_1560 = vector.broadcast %jit3A_1559 : f32 to vector<16xf32>
        %select_n3A_1561 = arith.select %eq3A_1558, %broadcast_in_dim3A_1560, %get3A_1554 : vector<16xi1>, vector<16xf32>
        %swap3A_1562 = arith.constant 1008 : index
        %swap3A_1563 = tpu.vector_load %arg7[%swap3A_1562] {strides = array<i32>} : memref<1024xf32, #tpu.memory_space<vmem>>, vector<16xf32>,
        tpu.vector_store %arg7[%swap3A_1562], %select_n3A_1561 {strides = array<i32>} : memref<1024xf32, #tpu.memory_space<vmem>>, vector<16xf32>,
        %eq3A_1564 = vector.broadcast %scan3A_86 : i32 to vector<16xi32>
        %eq3A_1565 = arith.cmpi eq, %iota3A, %eq3A_1564 : vector<16xi32>
        %get3A_1566 = arith.constant 0 : index
        %get3A_1567 = tpu.vector_load %arg9[%get3A_1566] {strides = array<i32>} : memref<64xi32, #tpu.memory_space<vmem>>, vector<16xi32>,
        %broadcast_in_dim3A_1568 = vector.broadcast %reduce_min3A_860 : i32 to vector<16xi32>
        %select_n3A_1569 = arith.select %eq3A_1565, %broadcast_in_dim3A_1568, %get3A_1567 : vector<16xi1>, vector<16xi32>
        %swap3A_1570 = arith.constant 0 : index
        %swap3A_1571 = tpu.vector_load %arg9[%swap3A_1570] {strides = array<i32>} : memref<64xi32, #tpu.memory_space<vmem>>, vector<16xi32>,
        tpu.vector_store %arg9[%swap3A_1570], %select_n3A_1569 {strides = array<i32>} : memref<64xi32, #tpu.memory_space<vmem>>, vector<16xi32>,
        %add3A_1572 = arith.constant 16 : i32
        %add3A_1573 = vector.broadcast %add3A_1572 : i32 to vector<16xi32>
        %add3A_1574 = arith.addi %iota3A, %add3A_1573 : vector<16xi32>
        %eq3A_1575 = vector.broadcast %scan3A_86 : i32 to vector<16xi32>
        %eq3A_1576 = arith.cmpi eq, %add3A_1574, %eq3A_1575 : vector<16xi32>
        %get3A_1577 = arith.constant 16 : index
        %get3A_1578 = tpu.vector_load %arg9[%get3A_1577] {strides = array<i32>} : memref<64xi32, #tpu.memory_space<vmem>>, vector<16xi32>,
        %broadcast_in_dim3A_1579 = vector.broadcast %reduce_min3A_860 : i32 to vector<16xi32>
        %select_n3A_1580 = arith.select %eq3A_1576, %broadcast_in_dim3A_1579, %get3A_1578 : vector<16xi1>, vector<16xi32>
        %swap3A_1581 = arith.constant 16 : index
        %swap3A_1582 = tpu.vector_load %arg9[%swap3A_1581] {strides = array<i32>} : memref<64xi32, #tpu.memory_space<vmem>>, vector<16xi32>,
        tpu.vector_store %arg9[%swap3A_1581], %select_n3A_1580 {strides = array<i32>} : memref<64xi32, #tpu.memory_space<vmem>>, vector<16xi32>,
        %add3A_1583 = arith.constant 32 : i32
        %add3A_1584 = vector.broadcast %add3A_1583 : i32 to vector<16xi32>
        %add3A_1585 = arith.addi %iota3A, %add3A_1584 : vector<16xi32>
        %eq3A_1586 = vector.broadcast %scan3A_86 : i32 to vector<16xi32>
        %eq3A_1587 = arith.cmpi eq, %add3A_1585, %eq3A_1586 : vector<16xi32>
        %get3A_1588 = arith.constant 32 : index
        %get3A_1589 = tpu.vector_load %arg9[%get3A_1588] {strides = array<i32>} : memref<64xi32, #tpu.memory_space<vmem>>, vector<16xi32>,
        %broadcast_in_dim3A_1590 = vector.broadcast %reduce_min3A_860 : i32 to vector<16xi32>
        %select_n3A_1591 = arith.select %eq3A_1587, %broadcast_in_dim3A_1590, %get3A_1589 : vector<16xi1>, vector<16xi32>
        %swap3A_1592 = arith.constant 32 : index
        %swap3A_1593 = tpu.vector_load %arg9[%swap3A_1592] {strides = array<i32>} : memref<64xi32, #tpu.memory_space<vmem>>, vector<16xi32>,
        tpu.vector_store %arg9[%swap3A_1592], %select_n3A_1591 {strides = array<i32>} : memref<64xi32, #tpu.memory_space<vmem>>, vector<16xi32>,
        %add3A_1594 = arith.constant 48 : i32
        %add3A_1595 = vector.broadcast %add3A_1594 : i32 to vector<16xi32>
        %add3A_1596 = arith.addi %iota3A, %add3A_1595 : vector<16xi32>
        %eq3A_1597 = vector.broadcast %scan3A_86 : i32 to vector<16xi32>
        %eq3A_1598 = arith.cmpi eq, %add3A_1596, %eq3A_1597 : vector<16xi32>
        %get3A_1599 = arith.constant 48 : index
        %get3A_1600 = tpu.vector_load %arg9[%get3A_1599] {strides = array<i32>} : memref<64xi32, #tpu.memory_space<vmem>>, vector<16xi32>,
        %broadcast_in_dim3A_1601 = vector.broadcast %reduce_min3A_860 : i32 to vector<16xi32>
        %select_n3A_1602 = arith.select %eq3A_1598, %broadcast_in_dim3A_1601, %get3A_1600 : vector<16xi1>, vector<16xi32>
        %swap3A_1603 = arith.constant 48 : index
        %swap3A_1604 = tpu.vector_load %arg9[%swap3A_1603] {strides = array<i32>} : memref<64xi32, #tpu.memory_space<vmem>>, vector<16xi32>,
        tpu.vector_store %arg9[%swap3A_1603], %select_n3A_1602 {strides = array<i32>} : memref<64xi32, #tpu.memory_space<vmem>>, vector<16xi32>,
        %scan3A_1605 = arith.constant 0 : i32
        scf.yield %scan3A_1605 : i32
      }
      %scan3A_83 = arith.constant 64 : i32
      %mul3A_84 = arith.constant 64 : i32
      %mul3A_85 = arith.muli %arg0, %mul3A_84 : i32
      "tpu.region"() ({
        %run_scoped3A = tpu.sem_alloc : memref<!tpu.dma_semaphore, #tpu.memory_space<semaphore_mem>>
        %dma_start3A = tpu.memref_slice %arg3[%mul3A_85] : memref<128xi32, #tpu.memory_space<hbm>> -> memref<64xi32, #tpu.memory_space<hbm>>
        %dma_start3A_86 = tpu.memref_slice %arg3[%mul3A_85] : memref<128xi32, #tpu.memory_space<hbm>> -> memref<64xi32, #tpu.memory_space<hbm>>
        tpu.enqueue_dma source(%arg9 : memref<64xi32, #tpu.memory_space<vmem>>) target(%dma_start3A_86 : memref<64xi32, #tpu.memory_space<hbm>>) target_semaphore(%run_scoped3A : memref<!tpu.dma_semaphore, #tpu.memory_space<semaphore_mem>>)
        %dma_wait3A = tpu.memref_slice %arg3[%mul3A_85] : memref<128xi32, #tpu.memory_space<hbm>> -> memref<64xi32, #tpu.memory_space<hbm>>
        %dma_wait3A_87 = tpu.memref_slice %arg3[%mul3A_85] : memref<128xi32, #tpu.memory_space<hbm>> -> memref<64xi32, #tpu.memory_space<hbm>>
        tpu.wait_dma2 semaphore(%run_scoped3A : memref<!tpu.dma_semaphore, #tpu.memory_space<semaphore_mem>>) src(%arg9 : memref<64xi32, #tpu.memory_space<vmem>>) dst(%dma_wait3A_87 : memref<64xi32, #tpu.memory_space<hbm>>)
        tpu.yield
      }) : () -> ()
    } else {
    }
    return
  }
}

module attributes {stable_mosaic.version = 14 : i64} {
  func.func @_proj_kernel_scaled(%arg0: i32, %arg1: memref<512x2048xf32, #tpu.memory_space<vmem>>, %arg2: memref<2048x2048xf32, #tpu.memory_space<vmem>>, %arg3: memref<1x2048xf32, #tpu.memory_space<vmem>>, %arg4: memref<512x2048xbf16, #tpu.memory_space<vmem>>) attributes {dimension_semantics = [#tpu.dimension_semantics<parallel>], iteration_bounds = array<i64: 16>, scalar_prefetch = 0 : i64, scratch_operands = 0 : i64, tpu.core_type = #tpu.core_type<tc>, window_params = [{transform_indices = @transform_0, window_bounds = array<i64: 512, 2048>}, {pipeline_mode = #tpu.pipeline_mode<synchronous>, transform_indices = @transform_1, window_bounds = array<i64: 2048, 2048>}, {pipeline_mode = #tpu.pipeline_mode<synchronous>, transform_indices = @transform_2, window_bounds = array<i64: 1, 2048>}, {transform_indices = @transform_3, window_bounds = array<i64: 512, 2048>}]} {
    %get3A = arith.constant 0 : index
    %get3A_0 = arith.constant 0 : index
    %get3A_1 = vector.load %arg1[%get3A, %get3A_0] : memref<512x2048xf32, #tpu.memory_space<vmem>>, vector<512x2048xf32>
    %get3A_2 = arith.constant 0 : index
    %get3A_3 = arith.constant 0 : index
    %get3A_4 = vector.load %arg2[%get3A_2, %get3A_3] : memref<2048x2048xf32, #tpu.memory_space<vmem>>, vector<2048x2048xf32>
    %dot_general3A = arith.constant dense<0.000000e+00> : vector<512x2048xf32>
    %dot_general3A_5 = tpu.matmul %get3A_1, %get3A_4, %dot_general3A {dimension_numbers = #tpu.dot_dimension_numbers<[1], [1], [0], [0], [0, 0, 1, 0], [], []>, transpose_lhs_hint = false} : vector<512x2048xf32>, vector<2048x2048xf32>, vector<512x2048xf32> -> vector<512x2048xf32>
    %get3A_6 = arith.constant 0 : index
    %get3A_7 = arith.constant 0 : index
    %get3A_8 = vector.load %arg3[%get3A_6, %get3A_7] : memref<1x2048xf32, #tpu.memory_space<vmem>>, vector<1x2048xf32>
    %add3A = vector.broadcast %get3A_8 : vector<1x2048xf32> to vector<512x2048xf32>
    %add3A_9 = arith.addf %dot_general3A_5, %add3A : vector<512x2048xf32>
    %mul3A = arith.constant 0.0883883461 : f32
    %mul3A_10 = vector.broadcast %mul3A : f32 to vector<512x2048xf32>
    %mul3A_11 = arith.mulf %add3A_9, %mul3A_10 : vector<512x2048xf32>
    %convert_element_type3A = arith.truncf %mul3A_11 : vector<512x2048xf32> to vector<512x2048xbf16>
    %swap3A = arith.constant 0 : index
    %swap3A_12 = arith.constant 0 : index
    %swap3A_13 = vector.load %arg4[%swap3A, %swap3A_12] : memref<512x2048xbf16, #tpu.memory_space<vmem>>, vector<512x2048xbf16>
    tpu.vector_store %arg4[%swap3A, %swap3A_12], %convert_element_type3A {strides = array<i32>} : memref<512x2048xbf16, #tpu.memory_space<vmem>>, vector<512x2048xbf16>,
    return
  }
  func.func @transform_0(%arg0: i32) -> (i32, i32) {
    %c0_i32 = arith.constant 0 : i32
    %c0_i32_0 = arith.constant 0 : i32
    return %arg0, %c0_i32 : i32, i32
  }
  func.func @transform_1(%arg0: i32) -> (i32, i32) {
    %c0_i32 = arith.constant 0 : i32
    %c0_i32_0 = arith.constant 0 : i32
    %c0_i32_1 = arith.constant 0 : i32
    return %c0_i32, %c0_i32_0 : i32, i32
  }
  func.func @transform_2(%arg0: i32) -> (i32, i32) {
    %c0_i32 = arith.constant 0 : i32
    %c0_i32_0 = arith.constant 0 : i32
    %c0_i32_1 = arith.constant 0 : i32
    return %c0_i32, %c0_i32_0 : i32, i32
  }
  func.func @transform_3(%arg0: i32) -> (i32, i32) {
    %c0_i32 = arith.constant 0 : i32
    %c0_i32_0 = arith.constant 0 : i32
    return %arg0, %c0_i32 : i32, i32
  }
}

module attributes {stable_mosaic.version = 14 : i64} {
  func.func @_proj_g_kernel(%arg0: i32, %arg1: memref<512x2048xf32, #tpu.memory_space<vmem>>, %arg2: memref<128x2048xf32, #tpu.memory_space<vmem>>, %arg3: memref<2048x2048xf32, #tpu.memory_space<vmem>>, %arg4: memref<1x2048xf32, #tpu.memory_space<vmem>>, %arg5: memref<512x2048xbf16, #tpu.memory_space<vmem>>, %arg6: memref<128x2048xbf16, #tpu.memory_space<vmem>>) attributes {dimension_semantics = [#tpu.dimension_semantics<arbitrary>], iteration_bounds = array<i64: 17>, scalar_prefetch = 0 : i64, scratch_operands = 0 : i64, tpu.core_type = #tpu.core_type<tc>, window_params = [{transform_indices = @transform_0, window_bounds = array<i64: 512, 2048>}, {pipeline_mode = #tpu.pipeline_mode<synchronous>, transform_indices = @transform_1, window_bounds = array<i64: 128, 2048>}, {pipeline_mode = #tpu.pipeline_mode<synchronous>, transform_indices = @transform_2, window_bounds = array<i64: 2048, 2048>}, {pipeline_mode = #tpu.pipeline_mode<synchronous>, transform_indices = @transform_3, window_bounds = array<i64: 1, 2048>}, {transform_indices = @transform_4, window_bounds = array<i64: 512, 2048>}, {pipeline_mode = #tpu.pipeline_mode<synchronous>, transform_indices = @transform_5, window_bounds = array<i64: 128, 2048>}]} {
    %lt3A = arith.constant 16 : i32
    %lt3A_0 = arith.cmpi slt, %arg0, %lt3A : i32
    %convert_element_type3A = arith.extui %lt3A_0 : i1 to i32
    %cond3A = arith.constant 0 : i32
    %cond3A_1 = arith.cmpi ne, %convert_element_type3A, %cond3A : i32
    scf.if %cond3A_1 {
      %get3A = arith.constant 0 : index
      %get3A_6 = arith.constant 0 : index
      %get3A_7 = vector.load %arg1[%get3A, %get3A_6] : memref<512x2048xf32, #tpu.memory_space<vmem>>, vector<512x2048xf32>
      %get3A_8 = arith.constant 0 : index
      %get3A_9 = arith.constant 0 : index
      %get3A_10 = vector.load %arg3[%get3A_8, %get3A_9] : memref<2048x2048xf32, #tpu.memory_space<vmem>>, vector<2048x2048xf32>
      %dot_general3A = arith.constant dense<0.000000e+00> : vector<512x2048xf32>
      %dot_general3A_11 = tpu.matmul %get3A_7, %get3A_10, %dot_general3A {dimension_numbers = #tpu.dot_dimension_numbers<[1], [1], [0], [0], [0, 0, 1, 0], [], []>, transpose_lhs_hint = false} : vector<512x2048xf32>, vector<2048x2048xf32>, vector<512x2048xf32> -> vector<512x2048xf32>
      %get3A_12 = arith.constant 0 : index
      %get3A_13 = arith.constant 0 : index
      %get3A_14 = vector.load %arg4[%get3A_12, %get3A_13] : memref<1x2048xf32, #tpu.memory_space<vmem>>, vector<1x2048xf32>
      %add3A = vector.broadcast %get3A_14 : vector<1x2048xf32> to vector<512x2048xf32>
      %add3A_15 = arith.addf %dot_general3A_11, %add3A : vector<512x2048xf32>
      %convert_element_type3A_16 = arith.truncf %add3A_15 : vector<512x2048xf32> to vector<512x2048xbf16>
      %swap3A = arith.constant 0 : index
      %swap3A_17 = arith.constant 0 : index
      %swap3A_18 = vector.load %arg5[%swap3A, %swap3A_17] : memref<512x2048xbf16, #tpu.memory_space<vmem>>, vector<512x2048xbf16>
      tpu.vector_store %arg5[%swap3A, %swap3A_17], %convert_element_type3A_16 {strides = array<i32>} : memref<512x2048xbf16, #tpu.memory_space<vmem>>, vector<512x2048xbf16>,
    } else {
    }
    %eq3A = arith.constant 16 : i32
    %eq3A_2 = arith.cmpi eq, %arg0, %eq3A : i32
    %convert_element_type3A_3 = arith.extui %eq3A_2 : i1 to i32
    %cond3A_4 = arith.constant 0 : i32
    %cond3A_5 = arith.cmpi ne, %convert_element_type3A_3, %cond3A_4 : i32
    scf.if %cond3A_5 {
      %get3A = arith.constant 0 : index
      %get3A_6 = arith.constant 0 : index
      %get3A_7 = vector.load %arg2[%get3A, %get3A_6] : memref<128x2048xf32, #tpu.memory_space<vmem>>, vector<128x2048xf32>
      %get3A_8 = arith.constant 0 : index
      %get3A_9 = arith.constant 0 : index
      %get3A_10 = vector.load %arg3[%get3A_8, %get3A_9] : memref<2048x2048xf32, #tpu.memory_space<vmem>>, vector<2048x2048xf32>
      %dot_general3A = arith.constant dense<0.000000e+00> : vector<128x2048xf32>
      %dot_general3A_11 = tpu.matmul %get3A_7, %get3A_10, %dot_general3A {dimension_numbers = #tpu.dot_dimension_numbers<[1], [1], [0], [0], [0, 0, 1, 0], [], []>, transpose_lhs_hint = false} : vector<128x2048xf32>, vector<2048x2048xf32>, vector<128x2048xf32> -> vector<128x2048xf32>
      %get3A_12 = arith.constant 0 : index
      %get3A_13 = arith.constant 0 : index
      %get3A_14 = vector.load %arg4[%get3A_12, %get3A_13] : memref<1x2048xf32, #tpu.memory_space<vmem>>, vector<1x2048xf32>
      %add3A = vector.broadcast %get3A_14 : vector<1x2048xf32> to vector<128x2048xf32>
      %add3A_15 = arith.addf %dot_general3A_11, %add3A : vector<128x2048xf32>
      %convert_element_type3A_16 = arith.truncf %add3A_15 : vector<128x2048xf32> to vector<128x2048xbf16>
      %swap3A = arith.constant 0 : index
      %swap3A_17 = arith.constant 0 : index
      %swap3A_18 = vector.load %arg6[%swap3A, %swap3A_17] : memref<128x2048xbf16, #tpu.memory_space<vmem>>, vector<128x2048xbf16>
      tpu.vector_store %arg6[%swap3A, %swap3A_17], %convert_element_type3A_16 {strides = array<i32>} : memref<128x2048xbf16, #tpu.memory_space<vmem>>, vector<128x2048xbf16>,
    } else {
    }
    return
  }
  func.func @transform_0(%arg0: i32) -> (i32, i32) {
    %min3A = arith.constant 15 : i32
    %min3A_0 = arith.minsi %arg0, %min3A : i32
    %c0_i32 = arith.constant 0 : i32
    %c0_i32_1 = arith.constant 0 : i32
    return %min3A_0, %c0_i32 : i32, i32
  }
  func.func @transform_1(%arg0: i32) -> (i32, i32) {
    %c0_i32 = arith.constant 0 : i32
    %c0_i32_0 = arith.constant 0 : i32
    %c0_i32_1 = arith.constant 0 : i32
    return %c0_i32, %c0_i32_0 : i32, i32
  }
  func.func @transform_2(%arg0: i32) -> (i32, i32) {
    %c0_i32 = arith.constant 0 : i32
    %c0_i32_0 = arith.constant 0 : i32
    %c0_i32_1 = arith.constant 0 : i32
    return %c0_i32, %c0_i32_0 : i32, i32
  }
  func.func @transform_3(%arg0: i32) -> (i32, i32) {
    %c0_i32 = arith.constant 0 : i32
    %c0_i32_0 = arith.constant 0 : i32
    %c0_i32_1 = arith.constant 0 : i32
    return %c0_i32, %c0_i32_0 : i32, i32
  }
  func.func @transform_4(%arg0: i32) -> (i32, i32) {
    %min3A = arith.constant 15 : i32
    %min3A_0 = arith.minsi %arg0, %min3A : i32
    %c0_i32 = arith.constant 0 : i32
    %c0_i32_1 = arith.constant 0 : i32
    return %min3A_0, %c0_i32 : i32, i32
  }
  func.func @transform_5(%arg0: i32) -> (i32, i32) {
    %c0_i32 = arith.constant 0 : i32
    %c0_i32_0 = arith.constant 0 : i32
    %c0_i32_1 = arith.constant 0 : i32
    return %c0_i32, %c0_i32_0 : i32, i32
  }
}

module attributes {stable_mosaic.version = 14 : i64} {
  func.func @_attn_kernel(%arg0: i32, %arg1: i32, %arg2: memref<1x1x64xi32, #tpu.memory_space<vmem>>, %arg3: memref<1x256x2048xbf16, #tpu.memory_space<vmem>>, %arg4: memref<1x64x2048xbf16, #tpu.memory_space<vmem>>, %arg5: memref<1x256x2048xbf16, #tpu.memory_space<vmem>>, %arg6: memref<1x64x2048xbf16, #tpu.memory_space<vmem>>, %arg7: memref<1x256x2048xbf16, #tpu.memory_space<vmem>>, %arg8: memref<1x64x1x2048xbf16, #tpu.memory_space<vmem>>, %arg9: memref<1x64x1x2048xbf16, #tpu.memory_space<vmem>>, %arg10: memref<2048x2048xbf16, #tpu.memory_space<vmem>>, %arg11: memref<1x2048xf32, #tpu.memory_space<vmem>>, %arg12: memref<1x256x2048xf32, #tpu.memory_space<vmem>>) attributes {dimension_semantics = [#tpu.dimension_semantics<parallel>, #tpu.dimension_semantics<arbitrary>], iteration_bounds = array<i64: 2, 16>, scalar_prefetch = 0 : i64, scratch_operands = 0 : i64, tpu.core_type = #tpu.core_type<tc>, window_params = [{pipeline_mode = #tpu.pipeline_mode<synchronous>, transform_indices = @transform_0, window_bounds = array<i64: 1, 1, 64>}, {transform_indices = @transform_1, window_bounds = array<i64: 1, 256, 2048>}, {transform_indices = @transform_2, window_bounds = array<i64: 1, 64, 2048>}, {transform_indices = @transform_3, window_bounds = array<i64: 1, 256, 2048>}, {transform_indices = @transform_4, window_bounds = array<i64: 1, 64, 2048>}, {transform_indices = @transform_5, window_bounds = array<i64: 1, 256, 2048>}, {transform_indices = @transform_6, window_bounds = array<i64: 1, 64, 1, 2048>}, {transform_indices = @transform_7, window_bounds = array<i64: 1, 64, 1, 2048>}, {pipeline_mode = #tpu.pipeline_mode<synchronous>, transform_indices = @transform_8, window_bounds = array<i64: 2048, 2048>}, {pipeline_mode = #tpu.pipeline_mode<synchronous>, transform_indices = @transform_9, window_bounds = array<i64: 1, 2048>}, {transform_indices = @transform_10, window_bounds = array<i64: 1, 256, 2048>}]} {
    %mul3A = arith.constant 256 : i32
    %mul3A_0 = arith.muli %arg1, %mul3A : i32
    %sub3A = arith.constant 1 : i32
    %sub3A_1 = arith.subi %arg1, %sub3A : i32
    %max3A = arith.constant 0 : i32
    %max3A_2 = arith.maxsi %sub3A_1, %max3A : i32
    %mul3A_3 = arith.constant 256 : i32
    %mul3A_4 = arith.muli %max3A_2, %mul3A_3 : i32
    %add3A = arith.constant 256 : i32
    %add3A_5 = arith.addi %mul3A_4, %add3A : i32
    %sub3A_6 = arith.constant 64 : i32
    %sub3A_7 = arith.subi %add3A_5, %sub3A_6 : i32
    %iota3A = tpu.iota {dimensions = array<i32: 1>} : vector<1x64xi32>
    %iota3A_8 = tpu.iota {dimensions = array<i32: 1>} : vector<1x256xi32>
    %iota3A_9 = tpu.iota {dimensions = array<i32: 0>} : vector<256x1xi32>
    %add3A_10 = vector.broadcast %mul3A_0 : i32 to vector<256x1xi32>
    %add3A_11 = arith.addi %add3A_10, %iota3A_9 : vector<256x1xi32>
    %add3A_12 = vector.broadcast %sub3A_7 : i32 to vector<1x64xi32>
    %add3A_13 = arith.addi %add3A_12, %iota3A : vector<1x64xi32>
    %add3A_14 = vector.broadcast %mul3A_0 : i32 to vector<1x256xi32>
    %add3A_15 = arith.addi %add3A_14, %iota3A_8 : vector<1x256xi32>
    %get3A = arith.constant 0 : index
    %get3A_16 = arith.constant 0 : index
    %get3A_17 = arith.constant 0 : index
    %get3A_18 = vector.load %arg2[%get3A, %get3A_16, %get3A_17] : memref<1x1x64xi32, #tpu.memory_space<vmem>>, vector<1x1x64xi32>
    %get3A_19 = vector.shape_cast %get3A_18 : vector<1x1x64xi32> to vector<1x64xi32>
    %concatenate3A = tpu.concatenate %add3A_13, %add3A_15, %get3A_19 in 1 : vector<1x64xi32>, vector<1x256xi32>, vector<1x64xi32> -> vector<1x384xi32>
    %iota3A_20 = tpu.iota {dimensions = array<i32: 1>} : vector<1x384xi32>
    %lt3A = arith.constant 64 : i32
    %lt3A_21 = vector.broadcast %lt3A : i32 to vector<1x384xi32>
    %lt3A_22 = arith.cmpi slt, %iota3A_20, %lt3A_21 : vector<1x384xi32>
    %ge3A = arith.constant 320 : i32
    %ge3A_23 = vector.broadcast %ge3A : i32 to vector<1x384xi32>
    %ge3A_24 = arith.cmpi sge, %iota3A_20, %ge3A_23 : vector<1x384xi32>
    %jit3A = arith.constant 128 : i32
    %div3A = vector.broadcast %jit3A : i32 to vector<256x1xi32>
    %div3A_25 = arith.divsi %add3A_11, %div3A : vector<256x1xi32>
    %sign3A = arith.constant 0 : i32
    %sign3A_26 = vector.broadcast %sign3A : i32 to vector<256x1xi32>
    %sign3A_27 = arith.cmpi sgt, %add3A_11, %sign3A_26 : vector<256x1xi32>
    %sign3A_28 = arith.extui %sign3A_27 : vector<256x1xi1> to vector<256x1xi32>
    %sign3A_29 = arith.constant 0 : i32
    %sign3A_30 = vector.broadcast %sign3A_29 : i32 to vector<256x1xi32>
    %sign3A_31 = arith.cmpi slt, %add3A_11, %sign3A_30 : vector<256x1xi32>
    %sign3A_32 = arith.extui %sign3A_31 : vector<256x1xi1> to vector<256x1xi32>
    %sign3A_33 = arith.subi %sign3A_28, %sign3A_32 : vector<256x1xi32>
    %sign3A_34 = arith.constant 0 : i32
    %sign3A_35 = arith.cmpi sgt, %jit3A, %sign3A_34 : i32
    %sign3A_36 = arith.extui %sign3A_35 : i1 to i32
    %sign3A_37 = arith.constant 0 : i32
    %sign3A_38 = arith.cmpi slt, %jit3A, %sign3A_37 : i32
    %sign3A_39 = arith.extui %sign3A_38 : i1 to i32
    %sign3A_40 = arith.subi %sign3A_36, %sign3A_39 : i32
    %ne3A = vector.broadcast %sign3A_40 : i32 to vector<256x1xi32>
    %ne3A_41 = arith.cmpi ne, %sign3A_33, %ne3A : vector<256x1xi32>
    %rem3A = vector.broadcast %jit3A : i32 to vector<256x1xi32>
    %rem3A_42 = arith.remsi %add3A_11, %rem3A : vector<256x1xi32>
    %ne3A_43 = arith.constant 0 : i32
    %ne3A_44 = vector.broadcast %ne3A_43 : i32 to vector<256x1xi32>
    %ne3A_45 = arith.cmpi ne, %rem3A_42, %ne3A_44 : vector<256x1xi32>
    %and3A = arith.andi %ne3A_41, %ne3A_45 : vector<256x1xi1>
    %sub3A_46 = arith.constant 1 : i32
    %sub3A_47 = vector.broadcast %sub3A_46 : i32 to vector<256x1xi32>
    %sub3A_48 = arith.subi %div3A_25, %sub3A_47 : vector<256x1xi32>
    %select_n3A = arith.select %and3A, %sub3A_48, %div3A_25 : vector<256x1xi1>, vector<256x1xi32>
    %mul3A_49 = arith.constant 128 : i32
    %mul3A_50 = vector.broadcast %mul3A_49 : i32 to vector<256x1xi32>
    %mul3A_51 = arith.muli %select_n3A, %mul3A_50 : vector<256x1xi32>
    %sub3A_52 = arith.constant 64 : i32
    %sub3A_53 = vector.broadcast %sub3A_52 : i32 to vector<256x1xi32>
    %sub3A_54 = arith.subi %mul3A_51, %sub3A_53 : vector<256x1xi32>
    %ge3A_55 = vector.broadcast %concatenate3A : vector<1x384xi32> to vector<256x384xi32>
    %ge3A_56 = vector.broadcast %sub3A_54 : vector<256x1xi32> to vector<256x384xi32>
    %ge3A_57 = arith.cmpi sge, %ge3A_55, %ge3A_56 : vector<256x384xi32>
    %not3A = arith.constant dense<true> : vector<1x384xi1>
    %not3A_58 = arith.xori %lt3A_22, %not3A : vector<1x384xi1>
    %lt3A_59 = vector.broadcast %mul3A_0 : i32 to vector<1x384xi32>
    %lt3A_60 = arith.cmpi slt, %concatenate3A, %lt3A_59 : vector<1x384xi32>
    %or3A = arith.ori %not3A_58, %lt3A_60 : vector<1x384xi1>
    %and3A_61 = vector.broadcast %or3A : vector<1x384xi1> to vector<256x384xi1>
    %and3A_62 = arith.andi %ge3A_57, %and3A_61 : vector<256x384xi1>
    %le3A = vector.broadcast %concatenate3A : vector<1x384xi32> to vector<256x384xi32>
    %le3A_63 = vector.broadcast %add3A_11 : vector<256x1xi32> to vector<256x384xi32>
    %le3A_64 = arith.cmpi sle, %le3A, %le3A_63 : vector<256x384xi32>
    %or3A_65 = vector.broadcast %ge3A_24 : vector<1x384xi1> to vector<256x384xi1>
    %or3A_66 = arith.ori %or3A_65, %and3A_62 : vector<256x384xi1>
    %and3A_67 = arith.andi %le3A_64, %or3A_66 : vector<256x384xi1>
    %jit3A_68 = arith.constant 0.000000e+00 : f32
    %jit3A_69 = arith.constant 0xFF800000 : f32
    %broadcast_in_dim3A = vector.broadcast %jit3A_68 : f32 to vector<256x384xf32>
    %broadcast_in_dim3A_70 = vector.broadcast %jit3A_69 : f32 to vector<256x384xf32>
    %select_n3A_71 = arith.select %and3A_67, %broadcast_in_dim3A, %broadcast_in_dim3A_70 : vector<256x384xi1>, vector<256x384xf32>
    %get3A_72 = arith.constant 0 : index
    %get3A_73 = arith.constant 0 : index
    %get3A_74 = arith.constant 0 : index
    %get3A_75 = vector.load %arg3[%get3A_72, %get3A_73, %get3A_74] : memref<1x256x2048xbf16, #tpu.memory_space<vmem>>, vector<1x256x128xbf16>
    %get3A_76 = vector.shape_cast %get3A_75 : vector<1x256x128xbf16> to vector<256x128xbf16>
    %get3A_77 = arith.constant 0 : index
    %get3A_78 = arith.constant 0 : index
    %get3A_79 = arith.constant 0 : index
    %get3A_80 = vector.load %arg4[%get3A_77, %get3A_78, %get3A_79] : memref<1x64x2048xbf16, #tpu.memory_space<vmem>>, vector<1x64x128xbf16>
    %get3A_81 = vector.shape_cast %get3A_80 : vector<1x64x128xbf16> to vector<64x128xbf16>
    %get3A_82 = arith.constant 0 : index
    %get3A_83 = arith.constant 0 : index
    %get3A_84 = arith.constant 0 : index
    %get3A_85 = vector.load %arg5[%get3A_82, %get3A_83, %get3A_84] : memref<1x256x2048xbf16, #tpu.memory_space<vmem>>, vector<1x256x128xbf16>
    %get3A_86 = vector.shape_cast %get3A_85 : vector<1x256x128xbf16> to vector<256x128xbf16>
    %get3A_87 = arith.constant 0 : index
    %get3A_88 = arith.constant 0 : index
    %get3A_89 = arith.constant 0 : index
    %get3A_90 = arith.constant 0 : index
    %get3A_91 = vector.load %arg8[%get3A_87, %get3A_88, %get3A_89, %get3A_90] : memref<1x64x1x2048xbf16, #tpu.memory_space<vmem>>, vector<1x64x1x128xbf16>
    %get3A_92 = vector.shape_cast %get3A_91 : vector<1x64x1x128xbf16> to vector<64x128xbf16>
    %concatenate3A_93 = tpu.concatenate %get3A_81, %get3A_86, %get3A_92 in 0 : vector<64x128xbf16>, vector<256x128xbf16>, vector<64x128xbf16> -> vector<384x128xbf16>
    %get3A_94 = arith.constant 0 : index
    %get3A_95 = arith.constant 0 : index
    %get3A_96 = arith.constant 0 : index
    %get3A_97 = vector.load %arg6[%get3A_94, %get3A_95, %get3A_96] : memref<1x64x2048xbf16, #tpu.memory_space<vmem>>, vector<1x64x128xbf16>
    %get3A_98 = vector.shape_cast %get3A_97 : vector<1x64x128xbf16> to vector<64x128xbf16>
    %get3A_99 = arith.constant 0 : index
    %get3A_100 = arith.constant 0 : index
    %get3A_101 = arith.constant 0 : index
    %get3A_102 = vector.load %arg7[%get3A_99, %get3A_100, %get3A_101] : memref<1x256x2048xbf16, #tpu.memory_space<vmem>>, vector<1x256x128xbf16>
    %get3A_103 = vector.shape_cast %get3A_102 : vector<1x256x128xbf16> to vector<256x128xbf16>
    %get3A_104 = arith.constant 0 : index
    %get3A_105 = arith.constant 0 : index
    %get3A_106 = arith.constant 0 : index
    %get3A_107 = arith.constant 0 : index
    %get3A_108 = vector.load %arg9[%get3A_104, %get3A_105, %get3A_106, %get3A_107] : memref<1x64x1x2048xbf16, #tpu.memory_space<vmem>>, vector<1x64x1x128xbf16>
    %get3A_109 = vector.shape_cast %get3A_108 : vector<1x64x1x128xbf16> to vector<64x128xbf16>
    %concatenate3A_110 = tpu.concatenate %get3A_98, %get3A_103, %get3A_109 in 0 : vector<64x128xbf16>, vector<256x128xbf16>, vector<64x128xbf16> -> vector<384x128xbf16>
    %dot_general3A = arith.constant dense<0.000000e+00> : vector<256x384xf32>
    %dot_general3A_111 = tpu.matmul %get3A_76, %concatenate3A_93, %dot_general3A {dimension_numbers = #tpu.dot_dimension_numbers<[1], [1], [0], [0], [0, 0, 1, 0], [], []>, transpose_lhs_hint = false} : vector<256x128xbf16>, vector<384x128xbf16>, vector<256x384xf32> -> vector<256x384xf32>
    %add3A_112 = arith.addf %dot_general3A_111, %select_n3A_71 : vector<256x384xf32>
    %reduce_max3A = arith.constant dense<0xFF800000> : vector<256xf32>
    %reduce_max3A_113 = vector.multi_reduction <maximumf>, %add3A_112, %reduce_max3A [1] : vector<256x384xf32> to vector<256xf32>
    %broadcast_in_dim3A_114 = vector.shape_cast %reduce_max3A_113 : vector<256xf32> to vector<256x1xf32>
    %sub3A_115 = vector.broadcast %broadcast_in_dim3A_114 : vector<256x1xf32> to vector<256x384xf32>
    %sub3A_116 = arith.subf %add3A_112, %sub3A_115 : vector<256x384xf32>
    %exp3A = math.exp %sub3A_116 : vector<256x384xf32>
    %reduce_sum3A = arith.constant dense<0.000000e+00> : vector<256xf32>
    %reduce_sum3A_117 = vector.multi_reduction <add>, %exp3A, %reduce_sum3A [1] : vector<256x384xf32> to vector<256xf32>
    %broadcast_in_dim3A_118 = vector.shape_cast %reduce_sum3A_117 : vector<256xf32> to vector<256x1xf32>
    %convert_element_type3A = arith.truncf %exp3A : vector<256x384xf32> to vector<256x384xbf16>
    %dot_general3A_119 = arith.constant dense<0.000000e+00> : vector<256x128xf32>
    %dot_general3A_120 = tpu.matmul %convert_element_type3A, %concatenate3A_110, %dot_general3A_119 {dimension_numbers = #tpu.dot_dimension_numbers<[1], [0], [0], [1], [0, 0, 1, 1], [], []>, transpose_lhs_hint = false} : vector<256x384xbf16>, vector<384x128xbf16>, vector<256x128xf32> -> vector<256x128xf32>
    %div3A_121 = vector.broadcast %broadcast_in_dim3A_118 : vector<256x1xf32> to vector<256x128xf32>
    %div3A_122 = arith.divf %dot_general3A_120, %div3A_121 : vector<256x128xf32>
    %convert_element_type3A_123 = arith.truncf %div3A_122 : vector<256x128xf32> to vector<256x128xbf16>
    %get3A_124 = arith.constant 0 : index
    %get3A_125 = arith.constant 0 : index
    %get3A_126 = arith.constant 128 : index
    %get3A_127 = vector.load %arg3[%get3A_124, %get3A_125, %get3A_126] : memref<1x256x2048xbf16, #tpu.memory_space<vmem>>, vector<1x256x128xbf16>
    %get3A_128 = vector.shape_cast %get3A_127 : vector<1x256x128xbf16> to vector<256x128xbf16>
    %get3A_129 = arith.constant 0 : index
    %get3A_130 = arith.constant 0 : index
    %get3A_131 = arith.constant 128 : index
    %get3A_132 = vector.load %arg4[%get3A_129, %get3A_130, %get3A_131] : memref<1x64x2048xbf16, #tpu.memory_space<vmem>>, vector<1x64x128xbf16>
    %get3A_133 = vector.shape_cast %get3A_132 : vector<1x64x128xbf16> to vector<64x128xbf16>
    %get3A_134 = arith.constant 0 : index
    %get3A_135 = arith.constant 0 : index
    %get3A_136 = arith.constant 128 : index
    %get3A_137 = vector.load %arg5[%get3A_134, %get3A_135, %get3A_136] : memref<1x256x2048xbf16, #tpu.memory_space<vmem>>, vector<1x256x128xbf16>
    %get3A_138 = vector.shape_cast %get3A_137 : vector<1x256x128xbf16> to vector<256x128xbf16>
    %get3A_139 = arith.constant 0 : index
    %get3A_140 = arith.constant 0 : index
    %get3A_141 = arith.constant 0 : index
    %get3A_142 = arith.constant 128 : index
    %get3A_143 = vector.load %arg8[%get3A_139, %get3A_140, %get3A_141, %get3A_142] : memref<1x64x1x2048xbf16, #tpu.memory_space<vmem>>, vector<1x64x1x128xbf16>
    %get3A_144 = vector.shape_cast %get3A_143 : vector<1x64x1x128xbf16> to vector<64x128xbf16>
    %concatenate3A_145 = tpu.concatenate %get3A_133, %get3A_138, %get3A_144 in 0 : vector<64x128xbf16>, vector<256x128xbf16>, vector<64x128xbf16> -> vector<384x128xbf16>
    %get3A_146 = arith.constant 0 : index
    %get3A_147 = arith.constant 0 : index
    %get3A_148 = arith.constant 128 : index
    %get3A_149 = vector.load %arg6[%get3A_146, %get3A_147, %get3A_148] : memref<1x64x2048xbf16, #tpu.memory_space<vmem>>, vector<1x64x128xbf16>
    %get3A_150 = vector.shape_cast %get3A_149 : vector<1x64x128xbf16> to vector<64x128xbf16>
    %get3A_151 = arith.constant 0 : index
    %get3A_152 = arith.constant 0 : index
    %get3A_153 = arith.constant 128 : index
    %get3A_154 = vector.load %arg7[%get3A_151, %get3A_152, %get3A_153] : memref<1x256x2048xbf16, #tpu.memory_space<vmem>>, vector<1x256x128xbf16>
    %get3A_155 = vector.shape_cast %get3A_154 : vector<1x256x128xbf16> to vector<256x128xbf16>
    %get3A_156 = arith.constant 0 : index
    %get3A_157 = arith.constant 0 : index
    %get3A_158 = arith.constant 0 : index
    %get3A_159 = arith.constant 128 : index
    %get3A_160 = vector.load %arg9[%get3A_156, %get3A_157, %get3A_158, %get3A_159] : memref<1x64x1x2048xbf16, #tpu.memory_space<vmem>>, vector<1x64x1x128xbf16>
    %get3A_161 = vector.shape_cast %get3A_160 : vector<1x64x1x128xbf16> to vector<64x128xbf16>
    %concatenate3A_162 = tpu.concatenate %get3A_150, %get3A_155, %get3A_161 in 0 : vector<64x128xbf16>, vector<256x128xbf16>, vector<64x128xbf16> -> vector<384x128xbf16>
    %dot_general3A_163 = arith.constant dense<0.000000e+00> : vector<256x384xf32>
    %dot_general3A_164 = tpu.matmul %get3A_128, %concatenate3A_145, %dot_general3A_163 {dimension_numbers = #tpu.dot_dimension_numbers<[1], [1], [0], [0], [0, 0, 1, 0], [], []>, transpose_lhs_hint = false} : vector<256x128xbf16>, vector<384x128xbf16>, vector<256x384xf32> -> vector<256x384xf32>
    %add3A_165 = arith.addf %dot_general3A_164, %select_n3A_71 : vector<256x384xf32>
    %reduce_max3A_166 = arith.constant dense<0xFF800000> : vector<256xf32>
    %reduce_max3A_167 = vector.multi_reduction <maximumf>, %add3A_165, %reduce_max3A_166 [1] : vector<256x384xf32> to vector<256xf32>
    %broadcast_in_dim3A_168 = vector.shape_cast %reduce_max3A_167 : vector<256xf32> to vector<256x1xf32>
    %sub3A_169 = vector.broadcast %broadcast_in_dim3A_168 : vector<256x1xf32> to vector<256x384xf32>
    %sub3A_170 = arith.subf %add3A_165, %sub3A_169 : vector<256x384xf32>
    %exp3A_171 = math.exp %sub3A_170 : vector<256x384xf32>
    %reduce_sum3A_172 = arith.constant dense<0.000000e+00> : vector<256xf32>
    %reduce_sum3A_173 = vector.multi_reduction <add>, %exp3A_171, %reduce_sum3A_172 [1] : vector<256x384xf32> to vector<256xf32>
    %broadcast_in_dim3A_174 = vector.shape_cast %reduce_sum3A_173 : vector<256xf32> to vector<256x1xf32>
    %convert_element_type3A_175 = arith.truncf %exp3A_171 : vector<256x384xf32> to vector<256x384xbf16>
    %dot_general3A_176 = arith.constant dense<0.000000e+00> : vector<256x128xf32>
    %dot_general3A_177 = tpu.matmul %convert_element_type3A_175, %concatenate3A_162, %dot_general3A_176 {dimension_numbers = #tpu.dot_dimension_numbers<[1], [0], [0], [1], [0, 0, 1, 1], [], []>, transpose_lhs_hint = false} : vector<256x384xbf16>, vector<384x128xbf16>, vector<256x128xf32> -> vector<256x128xf32>
    %div3A_178 = vector.broadcast %broadcast_in_dim3A_174 : vector<256x1xf32> to vector<256x128xf32>
    %div3A_179 = arith.divf %dot_general3A_177, %div3A_178 : vector<256x128xf32>
    %convert_element_type3A_180 = arith.truncf %div3A_179 : vector<256x128xf32> to vector<256x128xbf16>
    %get3A_181 = arith.constant 0 : index
    %get3A_182 = arith.constant 0 : index
    %get3A_183 = arith.constant 256 : index
    %get3A_184 = vector.load %arg3[%get3A_181, %get3A_182, %get3A_183] : memref<1x256x2048xbf16, #tpu.memory_space<vmem>>, vector<1x256x128xbf16>
    %get3A_185 = vector.shape_cast %get3A_184 : vector<1x256x128xbf16> to vector<256x128xbf16>
    %get3A_186 = arith.constant 0 : index
    %get3A_187 = arith.constant 0 : index
    %get3A_188 = arith.constant 256 : index
    %get3A_189 = vector.load %arg4[%get3A_186, %get3A_187, %get3A_188] : memref<1x64x2048xbf16, #tpu.memory_space<vmem>>, vector<1x64x128xbf16>
    %get3A_190 = vector.shape_cast %get3A_189 : vector<1x64x128xbf16> to vector<64x128xbf16>
    %get3A_191 = arith.constant 0 : index
    %get3A_192 = arith.constant 0 : index
    %get3A_193 = arith.constant 256 : index
    %get3A_194 = vector.load %arg5[%get3A_191, %get3A_192, %get3A_193] : memref<1x256x2048xbf16, #tpu.memory_space<vmem>>, vector<1x256x128xbf16>
    %get3A_195 = vector.shape_cast %get3A_194 : vector<1x256x128xbf16> to vector<256x128xbf16>
    %get3A_196 = arith.constant 0 : index
    %get3A_197 = arith.constant 0 : index
    %get3A_198 = arith.constant 0 : index
    %get3A_199 = arith.constant 256 : index
    %get3A_200 = vector.load %arg8[%get3A_196, %get3A_197, %get3A_198, %get3A_199] : memref<1x64x1x2048xbf16, #tpu.memory_space<vmem>>, vector<1x64x1x128xbf16>
    %get3A_201 = vector.shape_cast %get3A_200 : vector<1x64x1x128xbf16> to vector<64x128xbf16>
    %concatenate3A_202 = tpu.concatenate %get3A_190, %get3A_195, %get3A_201 in 0 : vector<64x128xbf16>, vector<256x128xbf16>, vector<64x128xbf16> -> vector<384x128xbf16>
    %get3A_203 = arith.constant 0 : index
    %get3A_204 = arith.constant 0 : index
    %get3A_205 = arith.constant 256 : index
    %get3A_206 = vector.load %arg6[%get3A_203, %get3A_204, %get3A_205] : memref<1x64x2048xbf16, #tpu.memory_space<vmem>>, vector<1x64x128xbf16>
    %get3A_207 = vector.shape_cast %get3A_206 : vector<1x64x128xbf16> to vector<64x128xbf16>
    %get3A_208 = arith.constant 0 : index
    %get3A_209 = arith.constant 0 : index
    %get3A_210 = arith.constant 256 : index
    %get3A_211 = vector.load %arg7[%get3A_208, %get3A_209, %get3A_210] : memref<1x256x2048xbf16, #tpu.memory_space<vmem>>, vector<1x256x128xbf16>
    %get3A_212 = vector.shape_cast %get3A_211 : vector<1x256x128xbf16> to vector<256x128xbf16>
    %get3A_213 = arith.constant 0 : index
    %get3A_214 = arith.constant 0 : index
    %get3A_215 = arith.constant 0 : index
    %get3A_216 = arith.constant 256 : index
    %get3A_217 = vector.load %arg9[%get3A_213, %get3A_214, %get3A_215, %get3A_216] : memref<1x64x1x2048xbf16, #tpu.memory_space<vmem>>, vector<1x64x1x128xbf16>
    %get3A_218 = vector.shape_cast %get3A_217 : vector<1x64x1x128xbf16> to vector<64x128xbf16>
    %concatenate3A_219 = tpu.concatenate %get3A_207, %get3A_212, %get3A_218 in 0 : vector<64x128xbf16>, vector<256x128xbf16>, vector<64x128xbf16> -> vector<384x128xbf16>
    %dot_general3A_220 = arith.constant dense<0.000000e+00> : vector<256x384xf32>
    %dot_general3A_221 = tpu.matmul %get3A_185, %concatenate3A_202, %dot_general3A_220 {dimension_numbers = #tpu.dot_dimension_numbers<[1], [1], [0], [0], [0, 0, 1, 0], [], []>, transpose_lhs_hint = false} : vector<256x128xbf16>, vector<384x128xbf16>, vector<256x384xf32> -> vector<256x384xf32>
    %add3A_222 = arith.addf %dot_general3A_221, %select_n3A_71 : vector<256x384xf32>
    %reduce_max3A_223 = arith.constant dense<0xFF800000> : vector<256xf32>
    %reduce_max3A_224 = vector.multi_reduction <maximumf>, %add3A_222, %reduce_max3A_223 [1] : vector<256x384xf32> to vector<256xf32>
    %broadcast_in_dim3A_225 = vector.shape_cast %reduce_max3A_224 : vector<256xf32> to vector<256x1xf32>
    %sub3A_226 = vector.broadcast %broadcast_in_dim3A_225 : vector<256x1xf32> to vector<256x384xf32>
    %sub3A_227 = arith.subf %add3A_222, %sub3A_226 : vector<256x384xf32>
    %exp3A_228 = math.exp %sub3A_227 : vector<256x384xf32>
    %reduce_sum3A_229 = arith.constant dense<0.000000e+00> : vector<256xf32>
    %reduce_sum3A_230 = vector.multi_reduction <add>, %exp3A_228, %reduce_sum3A_229 [1] : vector<256x384xf32> to vector<256xf32>
    %broadcast_in_dim3A_231 = vector.shape_cast %reduce_sum3A_230 : vector<256xf32> to vector<256x1xf32>
    %convert_element_type3A_232 = arith.truncf %exp3A_228 : vector<256x384xf32> to vector<256x384xbf16>
    %dot_general3A_233 = arith.constant dense<0.000000e+00> : vector<256x128xf32>
    %dot_general3A_234 = tpu.matmul %convert_element_type3A_232, %concatenate3A_219, %dot_general3A_233 {dimension_numbers = #tpu.dot_dimension_numbers<[1], [0], [0], [1], [0, 0, 1, 1], [], []>, transpose_lhs_hint = false} : vector<256x384xbf16>, vector<384x128xbf16>, vector<256x128xf32> -> vector<256x128xf32>
    %div3A_235 = vector.broadcast %broadcast_in_dim3A_231 : vector<256x1xf32> to vector<256x128xf32>
    %div3A_236 = arith.divf %dot_general3A_234, %div3A_235 : vector<256x128xf32>
    %convert_element_type3A_237 = arith.truncf %div3A_236 : vector<256x128xf32> to vector<256x128xbf16>
    %get3A_238 = arith.constant 0 : index
    %get3A_239 = arith.constant 0 : index
    %get3A_240 = arith.constant 384 : index
    %get3A_241 = vector.load %arg3[%get3A_238, %get3A_239, %get3A_240] : memref<1x256x2048xbf16, #tpu.memory_space<vmem>>, vector<1x256x128xbf16>
    %get3A_242 = vector.shape_cast %get3A_241 : vector<1x256x128xbf16> to vector<256x128xbf16>
    %get3A_243 = arith.constant 0 : index
    %get3A_244 = arith.constant 0 : index
    %get3A_245 = arith.constant 384 : index
    %get3A_246 = vector.load %arg4[%get3A_243, %get3A_244, %get3A_245] : memref<1x64x2048xbf16, #tpu.memory_space<vmem>>, vector<1x64x128xbf16>
    %get3A_247 = vector.shape_cast %get3A_246 : vector<1x64x128xbf16> to vector<64x128xbf16>
    %get3A_248 = arith.constant 0 : index
    %get3A_249 = arith.constant 0 : index
    %get3A_250 = arith.constant 384 : index
    %get3A_251 = vector.load %arg5[%get3A_248, %get3A_249, %get3A_250] : memref<1x256x2048xbf16, #tpu.memory_space<vmem>>, vector<1x256x128xbf16>
    %get3A_252 = vector.shape_cast %get3A_251 : vector<1x256x128xbf16> to vector<256x128xbf16>
    %get3A_253 = arith.constant 0 : index
    %get3A_254 = arith.constant 0 : index
    %get3A_255 = arith.constant 0 : index
    %get3A_256 = arith.constant 384 : index
    %get3A_257 = vector.load %arg8[%get3A_253, %get3A_254, %get3A_255, %get3A_256] : memref<1x64x1x2048xbf16, #tpu.memory_space<vmem>>, vector<1x64x1x128xbf16>
    %get3A_258 = vector.shape_cast %get3A_257 : vector<1x64x1x128xbf16> to vector<64x128xbf16>
    %concatenate3A_259 = tpu.concatenate %get3A_247, %get3A_252, %get3A_258 in 0 : vector<64x128xbf16>, vector<256x128xbf16>, vector<64x128xbf16> -> vector<384x128xbf16>
    %get3A_260 = arith.constant 0 : index
    %get3A_261 = arith.constant 0 : index
    %get3A_262 = arith.constant 384 : index
    %get3A_263 = vector.load %arg6[%get3A_260, %get3A_261, %get3A_262] : memref<1x64x2048xbf16, #tpu.memory_space<vmem>>, vector<1x64x128xbf16>
    %get3A_264 = vector.shape_cast %get3A_263 : vector<1x64x128xbf16> to vector<64x128xbf16>
    %get3A_265 = arith.constant 0 : index
    %get3A_266 = arith.constant 0 : index
    %get3A_267 = arith.constant 384 : index
    %get3A_268 = vector.load %arg7[%get3A_265, %get3A_266, %get3A_267] : memref<1x256x2048xbf16, #tpu.memory_space<vmem>>, vector<1x256x128xbf16>
    %get3A_269 = vector.shape_cast %get3A_268 : vector<1x256x128xbf16> to vector<256x128xbf16>
    %get3A_270 = arith.constant 0 : index
    %get3A_271 = arith.constant 0 : index
    %get3A_272 = arith.constant 0 : index
    %get3A_273 = arith.constant 384 : index
    %get3A_274 = vector.load %arg9[%get3A_270, %get3A_271, %get3A_272, %get3A_273] : memref<1x64x1x2048xbf16, #tpu.memory_space<vmem>>, vector<1x64x1x128xbf16>
    %get3A_275 = vector.shape_cast %get3A_274 : vector<1x64x1x128xbf16> to vector<64x128xbf16>
    %concatenate3A_276 = tpu.concatenate %get3A_264, %get3A_269, %get3A_275 in 0 : vector<64x128xbf16>, vector<256x128xbf16>, vector<64x128xbf16> -> vector<384x128xbf16>
    %dot_general3A_277 = arith.constant dense<0.000000e+00> : vector<256x384xf32>
    %dot_general3A_278 = tpu.matmul %get3A_242, %concatenate3A_259, %dot_general3A_277 {dimension_numbers = #tpu.dot_dimension_numbers<[1], [1], [0], [0], [0, 0, 1, 0], [], []>, transpose_lhs_hint = false} : vector<256x128xbf16>, vector<384x128xbf16>, vector<256x384xf32> -> vector<256x384xf32>
    %add3A_279 = arith.addf %dot_general3A_278, %select_n3A_71 : vector<256x384xf32>
    %reduce_max3A_280 = arith.constant dense<0xFF800000> : vector<256xf32>
    %reduce_max3A_281 = vector.multi_reduction <maximumf>, %add3A_279, %reduce_max3A_280 [1] : vector<256x384xf32> to vector<256xf32>
    %broadcast_in_dim3A_282 = vector.shape_cast %reduce_max3A_281 : vector<256xf32> to vector<256x1xf32>
    %sub3A_283 = vector.broadcast %broadcast_in_dim3A_282 : vector<256x1xf32> to vector<256x384xf32>
    %sub3A_284 = arith.subf %add3A_279, %sub3A_283 : vector<256x384xf32>
    %exp3A_285 = math.exp %sub3A_284 : vector<256x384xf32>
    %reduce_sum3A_286 = arith.constant dense<0.000000e+00> : vector<256xf32>
    %reduce_sum3A_287 = vector.multi_reduction <add>, %exp3A_285, %reduce_sum3A_286 [1] : vector<256x384xf32> to vector<256xf32>
    %broadcast_in_dim3A_288 = vector.shape_cast %reduce_sum3A_287 : vector<256xf32> to vector<256x1xf32>
    %convert_element_type3A_289 = arith.truncf %exp3A_285 : vector<256x384xf32> to vector<256x384xbf16>
    %dot_general3A_290 = arith.constant dense<0.000000e+00> : vector<256x128xf32>
    %dot_general3A_291 = tpu.matmul %convert_element_type3A_289, %concatenate3A_276, %dot_general3A_290 {dimension_numbers = #tpu.dot_dimension_numbers<[1], [0], [0], [1], [0, 0, 1, 1], [], []>, transpose_lhs_hint = false} : vector<256x384xbf16>, vector<384x128xbf16>, vector<256x128xf32> -> vector<256x128xf32>
    %div3A_292 = vector.broadcast %broadcast_in_dim3A_288 : vector<256x1xf32> to vector<256x128xf32>
    %div3A_293 = arith.divf %dot_general3A_291, %div3A_292 : vector<256x128xf32>
    %convert_element_type3A_294 = arith.truncf %div3A_293 : vector<256x128xf32> to vector<256x128xbf16>
    %get3A_295 = arith.constant 0 : index
    %get3A_296 = arith.constant 0 : index
    %get3A_297 = arith.constant 512 : index
    %get3A_298 = vector.load %arg3[%get3A_295, %get3A_296, %get3A_297] : memref<1x256x2048xbf16, #tpu.memory_space<vmem>>, vector<1x256x128xbf16>
    %get3A_299 = vector.shape_cast %get3A_298 : vector<1x256x128xbf16> to vector<256x128xbf16>
    %get3A_300 = arith.constant 0 : index
    %get3A_301 = arith.constant 0 : index
    %get3A_302 = arith.constant 512 : index
    %get3A_303 = vector.load %arg4[%get3A_300, %get3A_301, %get3A_302] : memref<1x64x2048xbf16, #tpu.memory_space<vmem>>, vector<1x64x128xbf16>
    %get3A_304 = vector.shape_cast %get3A_303 : vector<1x64x128xbf16> to vector<64x128xbf16>
    %get3A_305 = arith.constant 0 : index
    %get3A_306 = arith.constant 0 : index
    %get3A_307 = arith.constant 512 : index
    %get3A_308 = vector.load %arg5[%get3A_305, %get3A_306, %get3A_307] : memref<1x256x2048xbf16, #tpu.memory_space<vmem>>, vector<1x256x128xbf16>
    %get3A_309 = vector.shape_cast %get3A_308 : vector<1x256x128xbf16> to vector<256x128xbf16>
    %get3A_310 = arith.constant 0 : index
    %get3A_311 = arith.constant 0 : index
    %get3A_312 = arith.constant 0 : index
    %get3A_313 = arith.constant 512 : index
    %get3A_314 = vector.load %arg8[%get3A_310, %get3A_311, %get3A_312, %get3A_313] : memref<1x64x1x2048xbf16, #tpu.memory_space<vmem>>, vector<1x64x1x128xbf16>
    %get3A_315 = vector.shape_cast %get3A_314 : vector<1x64x1x128xbf16> to vector<64x128xbf16>
    %concatenate3A_316 = tpu.concatenate %get3A_304, %get3A_309, %get3A_315 in 0 : vector<64x128xbf16>, vector<256x128xbf16>, vector<64x128xbf16> -> vector<384x128xbf16>
    %get3A_317 = arith.constant 0 : index
    %get3A_318 = arith.constant 0 : index
    %get3A_319 = arith.constant 512 : index
    %get3A_320 = vector.load %arg6[%get3A_317, %get3A_318, %get3A_319] : memref<1x64x2048xbf16, #tpu.memory_space<vmem>>, vector<1x64x128xbf16>
    %get3A_321 = vector.shape_cast %get3A_320 : vector<1x64x128xbf16> to vector<64x128xbf16>
    %get3A_322 = arith.constant 0 : index
    %get3A_323 = arith.constant 0 : index
    %get3A_324 = arith.constant 512 : index
    %get3A_325 = vector.load %arg7[%get3A_322, %get3A_323, %get3A_324] : memref<1x256x2048xbf16, #tpu.memory_space<vmem>>, vector<1x256x128xbf16>
    %get3A_326 = vector.shape_cast %get3A_325 : vector<1x256x128xbf16> to vector<256x128xbf16>
    %get3A_327 = arith.constant 0 : index
    %get3A_328 = arith.constant 0 : index
    %get3A_329 = arith.constant 0 : index
    %get3A_330 = arith.constant 512 : index
    %get3A_331 = vector.load %arg9[%get3A_327, %get3A_328, %get3A_329, %get3A_330] : memref<1x64x1x2048xbf16, #tpu.memory_space<vmem>>, vector<1x64x1x128xbf16>
    %get3A_332 = vector.shape_cast %get3A_331 : vector<1x64x1x128xbf16> to vector<64x128xbf16>
    %concatenate3A_333 = tpu.concatenate %get3A_321, %get3A_326, %get3A_332 in 0 : vector<64x128xbf16>, vector<256x128xbf16>, vector<64x128xbf16> -> vector<384x128xbf16>
    %dot_general3A_334 = arith.constant dense<0.000000e+00> : vector<256x384xf32>
    %dot_general3A_335 = tpu.matmul %get3A_299, %concatenate3A_316, %dot_general3A_334 {dimension_numbers = #tpu.dot_dimension_numbers<[1], [1], [0], [0], [0, 0, 1, 0], [], []>, transpose_lhs_hint = false} : vector<256x128xbf16>, vector<384x128xbf16>, vector<256x384xf32> -> vector<256x384xf32>
    %add3A_336 = arith.addf %dot_general3A_335, %select_n3A_71 : vector<256x384xf32>
    %reduce_max3A_337 = arith.constant dense<0xFF800000> : vector<256xf32>
    %reduce_max3A_338 = vector.multi_reduction <maximumf>, %add3A_336, %reduce_max3A_337 [1] : vector<256x384xf32> to vector<256xf32>
    %broadcast_in_dim3A_339 = vector.shape_cast %reduce_max3A_338 : vector<256xf32> to vector<256x1xf32>
    %sub3A_340 = vector.broadcast %broadcast_in_dim3A_339 : vector<256x1xf32> to vector<256x384xf32>
    %sub3A_341 = arith.subf %add3A_336, %sub3A_340 : vector<256x384xf32>
    %exp3A_342 = math.exp %sub3A_341 : vector<256x384xf32>
    %reduce_sum3A_343 = arith.constant dense<0.000000e+00> : vector<256xf32>
    %reduce_sum3A_344 = vector.multi_reduction <add>, %exp3A_342, %reduce_sum3A_343 [1] : vector<256x384xf32> to vector<256xf32>
    %broadcast_in_dim3A_345 = vector.shape_cast %reduce_sum3A_344 : vector<256xf32> to vector<256x1xf32>
    %convert_element_type3A_346 = arith.truncf %exp3A_342 : vector<256x384xf32> to vector<256x384xbf16>
    %dot_general3A_347 = arith.constant dense<0.000000e+00> : vector<256x128xf32>
    %dot_general3A_348 = tpu.matmul %convert_element_type3A_346, %concatenate3A_333, %dot_general3A_347 {dimension_numbers = #tpu.dot_dimension_numbers<[1], [0], [0], [1], [0, 0, 1, 1], [], []>, transpose_lhs_hint = false} : vector<256x384xbf16>, vector<384x128xbf16>, vector<256x128xf32> -> vector<256x128xf32>
    %div3A_349 = vector.broadcast %broadcast_in_dim3A_345 : vector<256x1xf32> to vector<256x128xf32>
    %div3A_350 = arith.divf %dot_general3A_348, %div3A_349 : vector<256x128xf32>
    %convert_element_type3A_351 = arith.truncf %div3A_350 : vector<256x128xf32> to vector<256x128xbf16>
    %get3A_352 = arith.constant 0 : index
    %get3A_353 = arith.constant 0 : index
    %get3A_354 = arith.constant 640 : index
    %get3A_355 = vector.load %arg3[%get3A_352, %get3A_353, %get3A_354] : memref<1x256x2048xbf16, #tpu.memory_space<vmem>>, vector<1x256x128xbf16>
    %get3A_356 = vector.shape_cast %get3A_355 : vector<1x256x128xbf16> to vector<256x128xbf16>
    %get3A_357 = arith.constant 0 : index
    %get3A_358 = arith.constant 0 : index
    %get3A_359 = arith.constant 640 : index
    %get3A_360 = vector.load %arg4[%get3A_357, %get3A_358, %get3A_359] : memref<1x64x2048xbf16, #tpu.memory_space<vmem>>, vector<1x64x128xbf16>
    %get3A_361 = vector.shape_cast %get3A_360 : vector<1x64x128xbf16> to vector<64x128xbf16>
    %get3A_362 = arith.constant 0 : index
    %get3A_363 = arith.constant 0 : index
    %get3A_364 = arith.constant 640 : index
    %get3A_365 = vector.load %arg5[%get3A_362, %get3A_363, %get3A_364] : memref<1x256x2048xbf16, #tpu.memory_space<vmem>>, vector<1x256x128xbf16>
    %get3A_366 = vector.shape_cast %get3A_365 : vector<1x256x128xbf16> to vector<256x128xbf16>
    %get3A_367 = arith.constant 0 : index
    %get3A_368 = arith.constant 0 : index
    %get3A_369 = arith.constant 0 : index
    %get3A_370 = arith.constant 640 : index
    %get3A_371 = vector.load %arg8[%get3A_367, %get3A_368, %get3A_369, %get3A_370] : memref<1x64x1x2048xbf16, #tpu.memory_space<vmem>>, vector<1x64x1x128xbf16>
    %get3A_372 = vector.shape_cast %get3A_371 : vector<1x64x1x128xbf16> to vector<64x128xbf16>
    %concatenate3A_373 = tpu.concatenate %get3A_361, %get3A_366, %get3A_372 in 0 : vector<64x128xbf16>, vector<256x128xbf16>, vector<64x128xbf16> -> vector<384x128xbf16>
    %get3A_374 = arith.constant 0 : index
    %get3A_375 = arith.constant 0 : index
    %get3A_376 = arith.constant 640 : index
    %get3A_377 = vector.load %arg6[%get3A_374, %get3A_375, %get3A_376] : memref<1x64x2048xbf16, #tpu.memory_space<vmem>>, vector<1x64x128xbf16>
    %get3A_378 = vector.shape_cast %get3A_377 : vector<1x64x128xbf16> to vector<64x128xbf16>
    %get3A_379 = arith.constant 0 : index
    %get3A_380 = arith.constant 0 : index
    %get3A_381 = arith.constant 640 : index
    %get3A_382 = vector.load %arg7[%get3A_379, %get3A_380, %get3A_381] : memref<1x256x2048xbf16, #tpu.memory_space<vmem>>, vector<1x256x128xbf16>
    %get3A_383 = vector.shape_cast %get3A_382 : vector<1x256x128xbf16> to vector<256x128xbf16>
    %get3A_384 = arith.constant 0 : index
    %get3A_385 = arith.constant 0 : index
    %get3A_386 = arith.constant 0 : index
    %get3A_387 = arith.constant 640 : index
    %get3A_388 = vector.load %arg9[%get3A_384, %get3A_385, %get3A_386, %get3A_387] : memref<1x64x1x2048xbf16, #tpu.memory_space<vmem>>, vector<1x64x1x128xbf16>
    %get3A_389 = vector.shape_cast %get3A_388 : vector<1x64x1x128xbf16> to vector<64x128xbf16>
    %concatenate3A_390 = tpu.concatenate %get3A_378, %get3A_383, %get3A_389 in 0 : vector<64x128xbf16>, vector<256x128xbf16>, vector<64x128xbf16> -> vector<384x128xbf16>
    %dot_general3A_391 = arith.constant dense<0.000000e+00> : vector<256x384xf32>
    %dot_general3A_392 = tpu.matmul %get3A_356, %concatenate3A_373, %dot_general3A_391 {dimension_numbers = #tpu.dot_dimension_numbers<[1], [1], [0], [0], [0, 0, 1, 0], [], []>, transpose_lhs_hint = false} : vector<256x128xbf16>, vector<384x128xbf16>, vector<256x384xf32> -> vector<256x384xf32>
    %add3A_393 = arith.addf %dot_general3A_392, %select_n3A_71 : vector<256x384xf32>
    %reduce_max3A_394 = arith.constant dense<0xFF800000> : vector<256xf32>
    %reduce_max3A_395 = vector.multi_reduction <maximumf>, %add3A_393, %reduce_max3A_394 [1] : vector<256x384xf32> to vector<256xf32>
    %broadcast_in_dim3A_396 = vector.shape_cast %reduce_max3A_395 : vector<256xf32> to vector<256x1xf32>
    %sub3A_397 = vector.broadcast %broadcast_in_dim3A_396 : vector<256x1xf32> to vector<256x384xf32>
    %sub3A_398 = arith.subf %add3A_393, %sub3A_397 : vector<256x384xf32>
    %exp3A_399 = math.exp %sub3A_398 : vector<256x384xf32>
    %reduce_sum3A_400 = arith.constant dense<0.000000e+00> : vector<256xf32>
    %reduce_sum3A_401 = vector.multi_reduction <add>, %exp3A_399, %reduce_sum3A_400 [1] : vector<256x384xf32> to vector<256xf32>
    %broadcast_in_dim3A_402 = vector.shape_cast %reduce_sum3A_401 : vector<256xf32> to vector<256x1xf32>
    %convert_element_type3A_403 = arith.truncf %exp3A_399 : vector<256x384xf32> to vector<256x384xbf16>
    %dot_general3A_404 = arith.constant dense<0.000000e+00> : vector<256x128xf32>
    %dot_general3A_405 = tpu.matmul %convert_element_type3A_403, %concatenate3A_390, %dot_general3A_404 {dimension_numbers = #tpu.dot_dimension_numbers<[1], [0], [0], [1], [0, 0, 1, 1], [], []>, transpose_lhs_hint = false} : vector<256x384xbf16>, vector<384x128xbf16>, vector<256x128xf32> -> vector<256x128xf32>
    %div3A_406 = vector.broadcast %broadcast_in_dim3A_402 : vector<256x1xf32> to vector<256x128xf32>
    %div3A_407 = arith.divf %dot_general3A_405, %div3A_406 : vector<256x128xf32>
    %convert_element_type3A_408 = arith.truncf %div3A_407 : vector<256x128xf32> to vector<256x128xbf16>
    %get3A_409 = arith.constant 0 : index
    %get3A_410 = arith.constant 0 : index
    %get3A_411 = arith.constant 768 : index
    %get3A_412 = vector.load %arg3[%get3A_409, %get3A_410, %get3A_411] : memref<1x256x2048xbf16, #tpu.memory_space<vmem>>, vector<1x256x128xbf16>
    %get3A_413 = vector.shape_cast %get3A_412 : vector<1x256x128xbf16> to vector<256x128xbf16>
    %get3A_414 = arith.constant 0 : index
    %get3A_415 = arith.constant 0 : index
    %get3A_416 = arith.constant 768 : index
    %get3A_417 = vector.load %arg4[%get3A_414, %get3A_415, %get3A_416] : memref<1x64x2048xbf16, #tpu.memory_space<vmem>>, vector<1x64x128xbf16>
    %get3A_418 = vector.shape_cast %get3A_417 : vector<1x64x128xbf16> to vector<64x128xbf16>
    %get3A_419 = arith.constant 0 : index
    %get3A_420 = arith.constant 0 : index
    %get3A_421 = arith.constant 768 : index
    %get3A_422 = vector.load %arg5[%get3A_419, %get3A_420, %get3A_421] : memref<1x256x2048xbf16, #tpu.memory_space<vmem>>, vector<1x256x128xbf16>
    %get3A_423 = vector.shape_cast %get3A_422 : vector<1x256x128xbf16> to vector<256x128xbf16>
    %get3A_424 = arith.constant 0 : index
    %get3A_425 = arith.constant 0 : index
    %get3A_426 = arith.constant 0 : index
    %get3A_427 = arith.constant 768 : index
    %get3A_428 = vector.load %arg8[%get3A_424, %get3A_425, %get3A_426, %get3A_427] : memref<1x64x1x2048xbf16, #tpu.memory_space<vmem>>, vector<1x64x1x128xbf16>
    %get3A_429 = vector.shape_cast %get3A_428 : vector<1x64x1x128xbf16> to vector<64x128xbf16>
    %concatenate3A_430 = tpu.concatenate %get3A_418, %get3A_423, %get3A_429 in 0 : vector<64x128xbf16>, vector<256x128xbf16>, vector<64x128xbf16> -> vector<384x128xbf16>
    %get3A_431 = arith.constant 0 : index
    %get3A_432 = arith.constant 0 : index
    %get3A_433 = arith.constant 768 : index
    %get3A_434 = vector.load %arg6[%get3A_431, %get3A_432, %get3A_433] : memref<1x64x2048xbf16, #tpu.memory_space<vmem>>, vector<1x64x128xbf16>
    %get3A_435 = vector.shape_cast %get3A_434 : vector<1x64x128xbf16> to vector<64x128xbf16>
    %get3A_436 = arith.constant 0 : index
    %get3A_437 = arith.constant 0 : index
    %get3A_438 = arith.constant 768 : index
    %get3A_439 = vector.load %arg7[%get3A_436, %get3A_437, %get3A_438] : memref<1x256x2048xbf16, #tpu.memory_space<vmem>>, vector<1x256x128xbf16>
    %get3A_440 = vector.shape_cast %get3A_439 : vector<1x256x128xbf16> to vector<256x128xbf16>
    %get3A_441 = arith.constant 0 : index
    %get3A_442 = arith.constant 0 : index
    %get3A_443 = arith.constant 0 : index
    %get3A_444 = arith.constant 768 : index
    %get3A_445 = vector.load %arg9[%get3A_441, %get3A_442, %get3A_443, %get3A_444] : memref<1x64x1x2048xbf16, #tpu.memory_space<vmem>>, vector<1x64x1x128xbf16>
    %get3A_446 = vector.shape_cast %get3A_445 : vector<1x64x1x128xbf16> to vector<64x128xbf16>
    %concatenate3A_447 = tpu.concatenate %get3A_435, %get3A_440, %get3A_446 in 0 : vector<64x128xbf16>, vector<256x128xbf16>, vector<64x128xbf16> -> vector<384x128xbf16>
    %dot_general3A_448 = arith.constant dense<0.000000e+00> : vector<256x384xf32>
    %dot_general3A_449 = tpu.matmul %get3A_413, %concatenate3A_430, %dot_general3A_448 {dimension_numbers = #tpu.dot_dimension_numbers<[1], [1], [0], [0], [0, 0, 1, 0], [], []>, transpose_lhs_hint = false} : vector<256x128xbf16>, vector<384x128xbf16>, vector<256x384xf32> -> vector<256x384xf32>
    %add3A_450 = arith.addf %dot_general3A_449, %select_n3A_71 : vector<256x384xf32>
    %reduce_max3A_451 = arith.constant dense<0xFF800000> : vector<256xf32>
    %reduce_max3A_452 = vector.multi_reduction <maximumf>, %add3A_450, %reduce_max3A_451 [1] : vector<256x384xf32> to vector<256xf32>
    %broadcast_in_dim3A_453 = vector.shape_cast %reduce_max3A_452 : vector<256xf32> to vector<256x1xf32>
    %sub3A_454 = vector.broadcast %broadcast_in_dim3A_453 : vector<256x1xf32> to vector<256x384xf32>
    %sub3A_455 = arith.subf %add3A_450, %sub3A_454 : vector<256x384xf32>
    %exp3A_456 = math.exp %sub3A_455 : vector<256x384xf32>
    %reduce_sum3A_457 = arith.constant dense<0.000000e+00> : vector<256xf32>
    %reduce_sum3A_458 = vector.multi_reduction <add>, %exp3A_456, %reduce_sum3A_457 [1] : vector<256x384xf32> to vector<256xf32>
    %broadcast_in_dim3A_459 = vector.shape_cast %reduce_sum3A_458 : vector<256xf32> to vector<256x1xf32>
    %convert_element_type3A_460 = arith.truncf %exp3A_456 : vector<256x384xf32> to vector<256x384xbf16>
    %dot_general3A_461 = arith.constant dense<0.000000e+00> : vector<256x128xf32>
    %dot_general3A_462 = tpu.matmul %convert_element_type3A_460, %concatenate3A_447, %dot_general3A_461 {dimension_numbers = #tpu.dot_dimension_numbers<[1], [0], [0], [1], [0, 0, 1, 1], [], []>, transpose_lhs_hint = false} : vector<256x384xbf16>, vector<384x128xbf16>, vector<256x128xf32> -> vector<256x128xf32>
    %div3A_463 = vector.broadcast %broadcast_in_dim3A_459 : vector<256x1xf32> to vector<256x128xf32>
    %div3A_464 = arith.divf %dot_general3A_462, %div3A_463 : vector<256x128xf32>
    %convert_element_type3A_465 = arith.truncf %div3A_464 : vector<256x128xf32> to vector<256x128xbf16>
    %get3A_466 = arith.constant 0 : index
    %get3A_467 = arith.constant 0 : index
    %get3A_468 = arith.constant 896 : index
    %get3A_469 = vector.load %arg3[%get3A_466, %get3A_467, %get3A_468] : memref<1x256x2048xbf16, #tpu.memory_space<vmem>>, vector<1x256x128xbf16>
    %get3A_470 = vector.shape_cast %get3A_469 : vector<1x256x128xbf16> to vector<256x128xbf16>
    %get3A_471 = arith.constant 0 : index
    %get3A_472 = arith.constant 0 : index
    %get3A_473 = arith.constant 896 : index
    %get3A_474 = vector.load %arg4[%get3A_471, %get3A_472, %get3A_473] : memref<1x64x2048xbf16, #tpu.memory_space<vmem>>, vector<1x64x128xbf16>
    %get3A_475 = vector.shape_cast %get3A_474 : vector<1x64x128xbf16> to vector<64x128xbf16>
    %get3A_476 = arith.constant 0 : index
    %get3A_477 = arith.constant 0 : index
    %get3A_478 = arith.constant 896 : index
    %get3A_479 = vector.load %arg5[%get3A_476, %get3A_477, %get3A_478] : memref<1x256x2048xbf16, #tpu.memory_space<vmem>>, vector<1x256x128xbf16>
    %get3A_480 = vector.shape_cast %get3A_479 : vector<1x256x128xbf16> to vector<256x128xbf16>
    %get3A_481 = arith.constant 0 : index
    %get3A_482 = arith.constant 0 : index
    %get3A_483 = arith.constant 0 : index
    %get3A_484 = arith.constant 896 : index
    %get3A_485 = vector.load %arg8[%get3A_481, %get3A_482, %get3A_483, %get3A_484] : memref<1x64x1x2048xbf16, #tpu.memory_space<vmem>>, vector<1x64x1x128xbf16>
    %get3A_486 = vector.shape_cast %get3A_485 : vector<1x64x1x128xbf16> to vector<64x128xbf16>
    %concatenate3A_487 = tpu.concatenate %get3A_475, %get3A_480, %get3A_486 in 0 : vector<64x128xbf16>, vector<256x128xbf16>, vector<64x128xbf16> -> vector<384x128xbf16>
    %get3A_488 = arith.constant 0 : index
    %get3A_489 = arith.constant 0 : index
    %get3A_490 = arith.constant 896 : index
    %get3A_491 = vector.load %arg6[%get3A_488, %get3A_489, %get3A_490] : memref<1x64x2048xbf16, #tpu.memory_space<vmem>>, vector<1x64x128xbf16>
    %get3A_492 = vector.shape_cast %get3A_491 : vector<1x64x128xbf16> to vector<64x128xbf16>
    %get3A_493 = arith.constant 0 : index
    %get3A_494 = arith.constant 0 : index
    %get3A_495 = arith.constant 896 : index
    %get3A_496 = vector.load %arg7[%get3A_493, %get3A_494, %get3A_495] : memref<1x256x2048xbf16, #tpu.memory_space<vmem>>, vector<1x256x128xbf16>
    %get3A_497 = vector.shape_cast %get3A_496 : vector<1x256x128xbf16> to vector<256x128xbf16>
    %get3A_498 = arith.constant 0 : index
    %get3A_499 = arith.constant 0 : index
    %get3A_500 = arith.constant 0 : index
    %get3A_501 = arith.constant 896 : index
    %get3A_502 = vector.load %arg9[%get3A_498, %get3A_499, %get3A_500, %get3A_501] : memref<1x64x1x2048xbf16, #tpu.memory_space<vmem>>, vector<1x64x1x128xbf16>
    %get3A_503 = vector.shape_cast %get3A_502 : vector<1x64x1x128xbf16> to vector<64x128xbf16>
    %concatenate3A_504 = tpu.concatenate %get3A_492, %get3A_497, %get3A_503 in 0 : vector<64x128xbf16>, vector<256x128xbf16>, vector<64x128xbf16> -> vector<384x128xbf16>
    %dot_general3A_505 = arith.constant dense<0.000000e+00> : vector<256x384xf32>
    %dot_general3A_506 = tpu.matmul %get3A_470, %concatenate3A_487, %dot_general3A_505 {dimension_numbers = #tpu.dot_dimension_numbers<[1], [1], [0], [0], [0, 0, 1, 0], [], []>, transpose_lhs_hint = false} : vector<256x128xbf16>, vector<384x128xbf16>, vector<256x384xf32> -> vector<256x384xf32>
    %add3A_507 = arith.addf %dot_general3A_506, %select_n3A_71 : vector<256x384xf32>
    %reduce_max3A_508 = arith.constant dense<0xFF800000> : vector<256xf32>
    %reduce_max3A_509 = vector.multi_reduction <maximumf>, %add3A_507, %reduce_max3A_508 [1] : vector<256x384xf32> to vector<256xf32>
    %broadcast_in_dim3A_510 = vector.shape_cast %reduce_max3A_509 : vector<256xf32> to vector<256x1xf32>
    %sub3A_511 = vector.broadcast %broadcast_in_dim3A_510 : vector<256x1xf32> to vector<256x384xf32>
    %sub3A_512 = arith.subf %add3A_507, %sub3A_511 : vector<256x384xf32>
    %exp3A_513 = math.exp %sub3A_512 : vector<256x384xf32>
    %reduce_sum3A_514 = arith.constant dense<0.000000e+00> : vector<256xf32>
    %reduce_sum3A_515 = vector.multi_reduction <add>, %exp3A_513, %reduce_sum3A_514 [1] : vector<256x384xf32> to vector<256xf32>
    %broadcast_in_dim3A_516 = vector.shape_cast %reduce_sum3A_515 : vector<256xf32> to vector<256x1xf32>
    %convert_element_type3A_517 = arith.truncf %exp3A_513 : vector<256x384xf32> to vector<256x384xbf16>
    %dot_general3A_518 = arith.constant dense<0.000000e+00> : vector<256x128xf32>
    %dot_general3A_519 = tpu.matmul %convert_element_type3A_517, %concatenate3A_504, %dot_general3A_518 {dimension_numbers = #tpu.dot_dimension_numbers<[1], [0], [0], [1], [0, 0, 1, 1], [], []>, transpose_lhs_hint = false} : vector<256x384xbf16>, vector<384x128xbf16>, vector<256x128xf32> -> vector<256x128xf32>
    %div3A_520 = vector.broadcast %broadcast_in_dim3A_516 : vector<256x1xf32> to vector<256x128xf32>
    %div3A_521 = arith.divf %dot_general3A_519, %div3A_520 : vector<256x128xf32>
    %convert_element_type3A_522 = arith.truncf %div3A_521 : vector<256x128xf32> to vector<256x128xbf16>
    %get3A_523 = arith.constant 0 : index
    %get3A_524 = arith.constant 0 : index
    %get3A_525 = arith.constant 1024 : index
    %get3A_526 = vector.load %arg3[%get3A_523, %get3A_524, %get3A_525] : memref<1x256x2048xbf16, #tpu.memory_space<vmem>>, vector<1x256x128xbf16>
    %get3A_527 = vector.shape_cast %get3A_526 : vector<1x256x128xbf16> to vector<256x128xbf16>
    %get3A_528 = arith.constant 0 : index
    %get3A_529 = arith.constant 0 : index
    %get3A_530 = arith.constant 1024 : index
    %get3A_531 = vector.load %arg4[%get3A_528, %get3A_529, %get3A_530] : memref<1x64x2048xbf16, #tpu.memory_space<vmem>>, vector<1x64x128xbf16>
    %get3A_532 = vector.shape_cast %get3A_531 : vector<1x64x128xbf16> to vector<64x128xbf16>
    %get3A_533 = arith.constant 0 : index
    %get3A_534 = arith.constant 0 : index
    %get3A_535 = arith.constant 1024 : index
    %get3A_536 = vector.load %arg5[%get3A_533, %get3A_534, %get3A_535] : memref<1x256x2048xbf16, #tpu.memory_space<vmem>>, vector<1x256x128xbf16>
    %get3A_537 = vector.shape_cast %get3A_536 : vector<1x256x128xbf16> to vector<256x128xbf16>
    %get3A_538 = arith.constant 0 : index
    %get3A_539 = arith.constant 0 : index
    %get3A_540 = arith.constant 0 : index
    %get3A_541 = arith.constant 1024 : index
    %get3A_542 = vector.load %arg8[%get3A_538, %get3A_539, %get3A_540, %get3A_541] : memref<1x64x1x2048xbf16, #tpu.memory_space<vmem>>, vector<1x64x1x128xbf16>
    %get3A_543 = vector.shape_cast %get3A_542 : vector<1x64x1x128xbf16> to vector<64x128xbf16>
    %concatenate3A_544 = tpu.concatenate %get3A_532, %get3A_537, %get3A_543 in 0 : vector<64x128xbf16>, vector<256x128xbf16>, vector<64x128xbf16> -> vector<384x128xbf16>
    %get3A_545 = arith.constant 0 : index
    %get3A_546 = arith.constant 0 : index
    %get3A_547 = arith.constant 1024 : index
    %get3A_548 = vector.load %arg6[%get3A_545, %get3A_546, %get3A_547] : memref<1x64x2048xbf16, #tpu.memory_space<vmem>>, vector<1x64x128xbf16>
    %get3A_549 = vector.shape_cast %get3A_548 : vector<1x64x128xbf16> to vector<64x128xbf16>
    %get3A_550 = arith.constant 0 : index
    %get3A_551 = arith.constant 0 : index
    %get3A_552 = arith.constant 1024 : index
    %get3A_553 = vector.load %arg7[%get3A_550, %get3A_551, %get3A_552] : memref<1x256x2048xbf16, #tpu.memory_space<vmem>>, vector<1x256x128xbf16>
    %get3A_554 = vector.shape_cast %get3A_553 : vector<1x256x128xbf16> to vector<256x128xbf16>
    %get3A_555 = arith.constant 0 : index
    %get3A_556 = arith.constant 0 : index
    %get3A_557 = arith.constant 0 : index
    %get3A_558 = arith.constant 1024 : index
    %get3A_559 = vector.load %arg9[%get3A_555, %get3A_556, %get3A_557, %get3A_558] : memref<1x64x1x2048xbf16, #tpu.memory_space<vmem>>, vector<1x64x1x128xbf16>
    %get3A_560 = vector.shape_cast %get3A_559 : vector<1x64x1x128xbf16> to vector<64x128xbf16>
    %concatenate3A_561 = tpu.concatenate %get3A_549, %get3A_554, %get3A_560 in 0 : vector<64x128xbf16>, vector<256x128xbf16>, vector<64x128xbf16> -> vector<384x128xbf16>
    %dot_general3A_562 = arith.constant dense<0.000000e+00> : vector<256x384xf32>
    %dot_general3A_563 = tpu.matmul %get3A_527, %concatenate3A_544, %dot_general3A_562 {dimension_numbers = #tpu.dot_dimension_numbers<[1], [1], [0], [0], [0, 0, 1, 0], [], []>, transpose_lhs_hint = false} : vector<256x128xbf16>, vector<384x128xbf16>, vector<256x384xf32> -> vector<256x384xf32>
    %add3A_564 = arith.addf %dot_general3A_563, %select_n3A_71 : vector<256x384xf32>
    %reduce_max3A_565 = arith.constant dense<0xFF800000> : vector<256xf32>
    %reduce_max3A_566 = vector.multi_reduction <maximumf>, %add3A_564, %reduce_max3A_565 [1] : vector<256x384xf32> to vector<256xf32>
    %broadcast_in_dim3A_567 = vector.shape_cast %reduce_max3A_566 : vector<256xf32> to vector<256x1xf32>
    %sub3A_568 = vector.broadcast %broadcast_in_dim3A_567 : vector<256x1xf32> to vector<256x384xf32>
    %sub3A_569 = arith.subf %add3A_564, %sub3A_568 : vector<256x384xf32>
    %exp3A_570 = math.exp %sub3A_569 : vector<256x384xf32>
    %reduce_sum3A_571 = arith.constant dense<0.000000e+00> : vector<256xf32>
    %reduce_sum3A_572 = vector.multi_reduction <add>, %exp3A_570, %reduce_sum3A_571 [1] : vector<256x384xf32> to vector<256xf32>
    %broadcast_in_dim3A_573 = vector.shape_cast %reduce_sum3A_572 : vector<256xf32> to vector<256x1xf32>
    %convert_element_type3A_574 = arith.truncf %exp3A_570 : vector<256x384xf32> to vector<256x384xbf16>
    %dot_general3A_575 = arith.constant dense<0.000000e+00> : vector<256x128xf32>
    %dot_general3A_576 = tpu.matmul %convert_element_type3A_574, %concatenate3A_561, %dot_general3A_575 {dimension_numbers = #tpu.dot_dimension_numbers<[1], [0], [0], [1], [0, 0, 1, 1], [], []>, transpose_lhs_hint = false} : vector<256x384xbf16>, vector<384x128xbf16>, vector<256x128xf32> -> vector<256x128xf32>
    %div3A_577 = vector.broadcast %broadcast_in_dim3A_573 : vector<256x1xf32> to vector<256x128xf32>
    %div3A_578 = arith.divf %dot_general3A_576, %div3A_577 : vector<256x128xf32>
    %convert_element_type3A_579 = arith.truncf %div3A_578 : vector<256x128xf32> to vector<256x128xbf16>
    %get3A_580 = arith.constant 0 : index
    %get3A_581 = arith.constant 0 : index
    %get3A_582 = arith.constant 1152 : index
    %get3A_583 = vector.load %arg3[%get3A_580, %get3A_581, %get3A_582] : memref<1x256x2048xbf16, #tpu.memory_space<vmem>>, vector<1x256x128xbf16>
    %get3A_584 = vector.shape_cast %get3A_583 : vector<1x256x128xbf16> to vector<256x128xbf16>
    %get3A_585 = arith.constant 0 : index
    %get3A_586 = arith.constant 0 : index
    %get3A_587 = arith.constant 1152 : index
    %get3A_588 = vector.load %arg4[%get3A_585, %get3A_586, %get3A_587] : memref<1x64x2048xbf16, #tpu.memory_space<vmem>>, vector<1x64x128xbf16>
    %get3A_589 = vector.shape_cast %get3A_588 : vector<1x64x128xbf16> to vector<64x128xbf16>
    %get3A_590 = arith.constant 0 : index
    %get3A_591 = arith.constant 0 : index
    %get3A_592 = arith.constant 1152 : index
    %get3A_593 = vector.load %arg5[%get3A_590, %get3A_591, %get3A_592] : memref<1x256x2048xbf16, #tpu.memory_space<vmem>>, vector<1x256x128xbf16>
    %get3A_594 = vector.shape_cast %get3A_593 : vector<1x256x128xbf16> to vector<256x128xbf16>
    %get3A_595 = arith.constant 0 : index
    %get3A_596 = arith.constant 0 : index
    %get3A_597 = arith.constant 0 : index
    %get3A_598 = arith.constant 1152 : index
    %get3A_599 = vector.load %arg8[%get3A_595, %get3A_596, %get3A_597, %get3A_598] : memref<1x64x1x2048xbf16, #tpu.memory_space<vmem>>, vector<1x64x1x128xbf16>
    %get3A_600 = vector.shape_cast %get3A_599 : vector<1x64x1x128xbf16> to vector<64x128xbf16>
    %concatenate3A_601 = tpu.concatenate %get3A_589, %get3A_594, %get3A_600 in 0 : vector<64x128xbf16>, vector<256x128xbf16>, vector<64x128xbf16> -> vector<384x128xbf16>
    %get3A_602 = arith.constant 0 : index
    %get3A_603 = arith.constant 0 : index
    %get3A_604 = arith.constant 1152 : index
    %get3A_605 = vector.load %arg6[%get3A_602, %get3A_603, %get3A_604] : memref<1x64x2048xbf16, #tpu.memory_space<vmem>>, vector<1x64x128xbf16>
    %get3A_606 = vector.shape_cast %get3A_605 : vector<1x64x128xbf16> to vector<64x128xbf16>
    %get3A_607 = arith.constant 0 : index
    %get3A_608 = arith.constant 0 : index
    %get3A_609 = arith.constant 1152 : index
    %get3A_610 = vector.load %arg7[%get3A_607, %get3A_608, %get3A_609] : memref<1x256x2048xbf16, #tpu.memory_space<vmem>>, vector<1x256x128xbf16>
    %get3A_611 = vector.shape_cast %get3A_610 : vector<1x256x128xbf16> to vector<256x128xbf16>
    %get3A_612 = arith.constant 0 : index
    %get3A_613 = arith.constant 0 : index
    %get3A_614 = arith.constant 0 : index
    %get3A_615 = arith.constant 1152 : index
    %get3A_616 = vector.load %arg9[%get3A_612, %get3A_613, %get3A_614, %get3A_615] : memref<1x64x1x2048xbf16, #tpu.memory_space<vmem>>, vector<1x64x1x128xbf16>
    %get3A_617 = vector.shape_cast %get3A_616 : vector<1x64x1x128xbf16> to vector<64x128xbf16>
    %concatenate3A_618 = tpu.concatenate %get3A_606, %get3A_611, %get3A_617 in 0 : vector<64x128xbf16>, vector<256x128xbf16>, vector<64x128xbf16> -> vector<384x128xbf16>
    %dot_general3A_619 = arith.constant dense<0.000000e+00> : vector<256x384xf32>
    %dot_general3A_620 = tpu.matmul %get3A_584, %concatenate3A_601, %dot_general3A_619 {dimension_numbers = #tpu.dot_dimension_numbers<[1], [1], [0], [0], [0, 0, 1, 0], [], []>, transpose_lhs_hint = false} : vector<256x128xbf16>, vector<384x128xbf16>, vector<256x384xf32> -> vector<256x384xf32>
    %add3A_621 = arith.addf %dot_general3A_620, %select_n3A_71 : vector<256x384xf32>
    %reduce_max3A_622 = arith.constant dense<0xFF800000> : vector<256xf32>
    %reduce_max3A_623 = vector.multi_reduction <maximumf>, %add3A_621, %reduce_max3A_622 [1] : vector<256x384xf32> to vector<256xf32>
    %broadcast_in_dim3A_624 = vector.shape_cast %reduce_max3A_623 : vector<256xf32> to vector<256x1xf32>
    %sub3A_625 = vector.broadcast %broadcast_in_dim3A_624 : vector<256x1xf32> to vector<256x384xf32>
    %sub3A_626 = arith.subf %add3A_621, %sub3A_625 : vector<256x384xf32>
    %exp3A_627 = math.exp %sub3A_626 : vector<256x384xf32>
    %reduce_sum3A_628 = arith.constant dense<0.000000e+00> : vector<256xf32>
    %reduce_sum3A_629 = vector.multi_reduction <add>, %exp3A_627, %reduce_sum3A_628 [1] : vector<256x384xf32> to vector<256xf32>
    %broadcast_in_dim3A_630 = vector.shape_cast %reduce_sum3A_629 : vector<256xf32> to vector<256x1xf32>
    %convert_element_type3A_631 = arith.truncf %exp3A_627 : vector<256x384xf32> to vector<256x384xbf16>
    %dot_general3A_632 = arith.constant dense<0.000000e+00> : vector<256x128xf32>
    %dot_general3A_633 = tpu.matmul %convert_element_type3A_631, %concatenate3A_618, %dot_general3A_632 {dimension_numbers = #tpu.dot_dimension_numbers<[1], [0], [0], [1], [0, 0, 1, 1], [], []>, transpose_lhs_hint = false} : vector<256x384xbf16>, vector<384x128xbf16>, vector<256x128xf32> -> vector<256x128xf32>
    %div3A_634 = vector.broadcast %broadcast_in_dim3A_630 : vector<256x1xf32> to vector<256x128xf32>
    %div3A_635 = arith.divf %dot_general3A_633, %div3A_634 : vector<256x128xf32>
    %convert_element_type3A_636 = arith.truncf %div3A_635 : vector<256x128xf32> to vector<256x128xbf16>
    %get3A_637 = arith.constant 0 : index
    %get3A_638 = arith.constant 0 : index
    %get3A_639 = arith.constant 1280 : index
    %get3A_640 = vector.load %arg3[%get3A_637, %get3A_638, %get3A_639] : memref<1x256x2048xbf16, #tpu.memory_space<vmem>>, vector<1x256x128xbf16>
    %get3A_641 = vector.shape_cast %get3A_640 : vector<1x256x128xbf16> to vector<256x128xbf16>
    %get3A_642 = arith.constant 0 : index
    %get3A_643 = arith.constant 0 : index
    %get3A_644 = arith.constant 1280 : index
    %get3A_645 = vector.load %arg4[%get3A_642, %get3A_643, %get3A_644] : memref<1x64x2048xbf16, #tpu.memory_space<vmem>>, vector<1x64x128xbf16>
    %get3A_646 = vector.shape_cast %get3A_645 : vector<1x64x128xbf16> to vector<64x128xbf16>
    %get3A_647 = arith.constant 0 : index
    %get3A_648 = arith.constant 0 : index
    %get3A_649 = arith.constant 1280 : index
    %get3A_650 = vector.load %arg5[%get3A_647, %get3A_648, %get3A_649] : memref<1x256x2048xbf16, #tpu.memory_space<vmem>>, vector<1x256x128xbf16>
    %get3A_651 = vector.shape_cast %get3A_650 : vector<1x256x128xbf16> to vector<256x128xbf16>
    %get3A_652 = arith.constant 0 : index
    %get3A_653 = arith.constant 0 : index
    %get3A_654 = arith.constant 0 : index
    %get3A_655 = arith.constant 1280 : index
    %get3A_656 = vector.load %arg8[%get3A_652, %get3A_653, %get3A_654, %get3A_655] : memref<1x64x1x2048xbf16, #tpu.memory_space<vmem>>, vector<1x64x1x128xbf16>
    %get3A_657 = vector.shape_cast %get3A_656 : vector<1x64x1x128xbf16> to vector<64x128xbf16>
    %concatenate3A_658 = tpu.concatenate %get3A_646, %get3A_651, %get3A_657 in 0 : vector<64x128xbf16>, vector<256x128xbf16>, vector<64x128xbf16> -> vector<384x128xbf16>
    %get3A_659 = arith.constant 0 : index
    %get3A_660 = arith.constant 0 : index
    %get3A_661 = arith.constant 1280 : index
    %get3A_662 = vector.load %arg6[%get3A_659, %get3A_660, %get3A_661] : memref<1x64x2048xbf16, #tpu.memory_space<vmem>>, vector<1x64x128xbf16>
    %get3A_663 = vector.shape_cast %get3A_662 : vector<1x64x128xbf16> to vector<64x128xbf16>
    %get3A_664 = arith.constant 0 : index
    %get3A_665 = arith.constant 0 : index
    %get3A_666 = arith.constant 1280 : index
    %get3A_667 = vector.load %arg7[%get3A_664, %get3A_665, %get3A_666] : memref<1x256x2048xbf16, #tpu.memory_space<vmem>>, vector<1x256x128xbf16>
    %get3A_668 = vector.shape_cast %get3A_667 : vector<1x256x128xbf16> to vector<256x128xbf16>
    %get3A_669 = arith.constant 0 : index
    %get3A_670 = arith.constant 0 : index
    %get3A_671 = arith.constant 0 : index
    %get3A_672 = arith.constant 1280 : index
    %get3A_673 = vector.load %arg9[%get3A_669, %get3A_670, %get3A_671, %get3A_672] : memref<1x64x1x2048xbf16, #tpu.memory_space<vmem>>, vector<1x64x1x128xbf16>
    %get3A_674 = vector.shape_cast %get3A_673 : vector<1x64x1x128xbf16> to vector<64x128xbf16>
    %concatenate3A_675 = tpu.concatenate %get3A_663, %get3A_668, %get3A_674 in 0 : vector<64x128xbf16>, vector<256x128xbf16>, vector<64x128xbf16> -> vector<384x128xbf16>
    %dot_general3A_676 = arith.constant dense<0.000000e+00> : vector<256x384xf32>
    %dot_general3A_677 = tpu.matmul %get3A_641, %concatenate3A_658, %dot_general3A_676 {dimension_numbers = #tpu.dot_dimension_numbers<[1], [1], [0], [0], [0, 0, 1, 0], [], []>, transpose_lhs_hint = false} : vector<256x128xbf16>, vector<384x128xbf16>, vector<256x384xf32> -> vector<256x384xf32>
    %add3A_678 = arith.addf %dot_general3A_677, %select_n3A_71 : vector<256x384xf32>
    %reduce_max3A_679 = arith.constant dense<0xFF800000> : vector<256xf32>
    %reduce_max3A_680 = vector.multi_reduction <maximumf>, %add3A_678, %reduce_max3A_679 [1] : vector<256x384xf32> to vector<256xf32>
    %broadcast_in_dim3A_681 = vector.shape_cast %reduce_max3A_680 : vector<256xf32> to vector<256x1xf32>
    %sub3A_682 = vector.broadcast %broadcast_in_dim3A_681 : vector<256x1xf32> to vector<256x384xf32>
    %sub3A_683 = arith.subf %add3A_678, %sub3A_682 : vector<256x384xf32>
    %exp3A_684 = math.exp %sub3A_683 : vector<256x384xf32>
    %reduce_sum3A_685 = arith.constant dense<0.000000e+00> : vector<256xf32>
    %reduce_sum3A_686 = vector.multi_reduction <add>, %exp3A_684, %reduce_sum3A_685 [1] : vector<256x384xf32> to vector<256xf32>
    %broadcast_in_dim3A_687 = vector.shape_cast %reduce_sum3A_686 : vector<256xf32> to vector<256x1xf32>
    %convert_element_type3A_688 = arith.truncf %exp3A_684 : vector<256x384xf32> to vector<256x384xbf16>
    %dot_general3A_689 = arith.constant dense<0.000000e+00> : vector<256x128xf32>
    %dot_general3A_690 = tpu.matmul %convert_element_type3A_688, %concatenate3A_675, %dot_general3A_689 {dimension_numbers = #tpu.dot_dimension_numbers<[1], [0], [0], [1], [0, 0, 1, 1], [], []>, transpose_lhs_hint = false} : vector<256x384xbf16>, vector<384x128xbf16>, vector<256x128xf32> -> vector<256x128xf32>
    %div3A_691 = vector.broadcast %broadcast_in_dim3A_687 : vector<256x1xf32> to vector<256x128xf32>
    %div3A_692 = arith.divf %dot_general3A_690, %div3A_691 : vector<256x128xf32>
    %convert_element_type3A_693 = arith.truncf %div3A_692 : vector<256x128xf32> to vector<256x128xbf16>
    %get3A_694 = arith.constant 0 : index
    %get3A_695 = arith.constant 0 : index
    %get3A_696 = arith.constant 1408 : index
    %get3A_697 = vector.load %arg3[%get3A_694, %get3A_695, %get3A_696] : memref<1x256x2048xbf16, #tpu.memory_space<vmem>>, vector<1x256x128xbf16>
    %get3A_698 = vector.shape_cast %get3A_697 : vector<1x256x128xbf16> to vector<256x128xbf16>
    %get3A_699 = arith.constant 0 : index
    %get3A_700 = arith.constant 0 : index
    %get3A_701 = arith.constant 1408 : index
    %get3A_702 = vector.load %arg4[%get3A_699, %get3A_700, %get3A_701] : memref<1x64x2048xbf16, #tpu.memory_space<vmem>>, vector<1x64x128xbf16>
    %get3A_703 = vector.shape_cast %get3A_702 : vector<1x64x128xbf16> to vector<64x128xbf16>
    %get3A_704 = arith.constant 0 : index
    %get3A_705 = arith.constant 0 : index
    %get3A_706 = arith.constant 1408 : index
    %get3A_707 = vector.load %arg5[%get3A_704, %get3A_705, %get3A_706] : memref<1x256x2048xbf16, #tpu.memory_space<vmem>>, vector<1x256x128xbf16>
    %get3A_708 = vector.shape_cast %get3A_707 : vector<1x256x128xbf16> to vector<256x128xbf16>
    %get3A_709 = arith.constant 0 : index
    %get3A_710 = arith.constant 0 : index
    %get3A_711 = arith.constant 0 : index
    %get3A_712 = arith.constant 1408 : index
    %get3A_713 = vector.load %arg8[%get3A_709, %get3A_710, %get3A_711, %get3A_712] : memref<1x64x1x2048xbf16, #tpu.memory_space<vmem>>, vector<1x64x1x128xbf16>
    %get3A_714 = vector.shape_cast %get3A_713 : vector<1x64x1x128xbf16> to vector<64x128xbf16>
    %concatenate3A_715 = tpu.concatenate %get3A_703, %get3A_708, %get3A_714 in 0 : vector<64x128xbf16>, vector<256x128xbf16>, vector<64x128xbf16> -> vector<384x128xbf16>
    %get3A_716 = arith.constant 0 : index
    %get3A_717 = arith.constant 0 : index
    %get3A_718 = arith.constant 1408 : index
    %get3A_719 = vector.load %arg6[%get3A_716, %get3A_717, %get3A_718] : memref<1x64x2048xbf16, #tpu.memory_space<vmem>>, vector<1x64x128xbf16>
    %get3A_720 = vector.shape_cast %get3A_719 : vector<1x64x128xbf16> to vector<64x128xbf16>
    %get3A_721 = arith.constant 0 : index
    %get3A_722 = arith.constant 0 : index
    %get3A_723 = arith.constant 1408 : index
    %get3A_724 = vector.load %arg7[%get3A_721, %get3A_722, %get3A_723] : memref<1x256x2048xbf16, #tpu.memory_space<vmem>>, vector<1x256x128xbf16>
    %get3A_725 = vector.shape_cast %get3A_724 : vector<1x256x128xbf16> to vector<256x128xbf16>
    %get3A_726 = arith.constant 0 : index
    %get3A_727 = arith.constant 0 : index
    %get3A_728 = arith.constant 0 : index
    %get3A_729 = arith.constant 1408 : index
    %get3A_730 = vector.load %arg9[%get3A_726, %get3A_727, %get3A_728, %get3A_729] : memref<1x64x1x2048xbf16, #tpu.memory_space<vmem>>, vector<1x64x1x128xbf16>
    %get3A_731 = vector.shape_cast %get3A_730 : vector<1x64x1x128xbf16> to vector<64x128xbf16>
    %concatenate3A_732 = tpu.concatenate %get3A_720, %get3A_725, %get3A_731 in 0 : vector<64x128xbf16>, vector<256x128xbf16>, vector<64x128xbf16> -> vector<384x128xbf16>
    %dot_general3A_733 = arith.constant dense<0.000000e+00> : vector<256x384xf32>
    %dot_general3A_734 = tpu.matmul %get3A_698, %concatenate3A_715, %dot_general3A_733 {dimension_numbers = #tpu.dot_dimension_numbers<[1], [1], [0], [0], [0, 0, 1, 0], [], []>, transpose_lhs_hint = false} : vector<256x128xbf16>, vector<384x128xbf16>, vector<256x384xf32> -> vector<256x384xf32>
    %add3A_735 = arith.addf %dot_general3A_734, %select_n3A_71 : vector<256x384xf32>
    %reduce_max3A_736 = arith.constant dense<0xFF800000> : vector<256xf32>
    %reduce_max3A_737 = vector.multi_reduction <maximumf>, %add3A_735, %reduce_max3A_736 [1] : vector<256x384xf32> to vector<256xf32>
    %broadcast_in_dim3A_738 = vector.shape_cast %reduce_max3A_737 : vector<256xf32> to vector<256x1xf32>
    %sub3A_739 = vector.broadcast %broadcast_in_dim3A_738 : vector<256x1xf32> to vector<256x384xf32>
    %sub3A_740 = arith.subf %add3A_735, %sub3A_739 : vector<256x384xf32>
    %exp3A_741 = math.exp %sub3A_740 : vector<256x384xf32>
    %reduce_sum3A_742 = arith.constant dense<0.000000e+00> : vector<256xf32>
    %reduce_sum3A_743 = vector.multi_reduction <add>, %exp3A_741, %reduce_sum3A_742 [1] : vector<256x384xf32> to vector<256xf32>
    %broadcast_in_dim3A_744 = vector.shape_cast %reduce_sum3A_743 : vector<256xf32> to vector<256x1xf32>
    %convert_element_type3A_745 = arith.truncf %exp3A_741 : vector<256x384xf32> to vector<256x384xbf16>
    %dot_general3A_746 = arith.constant dense<0.000000e+00> : vector<256x128xf32>
    %dot_general3A_747 = tpu.matmul %convert_element_type3A_745, %concatenate3A_732, %dot_general3A_746 {dimension_numbers = #tpu.dot_dimension_numbers<[1], [0], [0], [1], [0, 0, 1, 1], [], []>, transpose_lhs_hint = false} : vector<256x384xbf16>, vector<384x128xbf16>, vector<256x128xf32> -> vector<256x128xf32>
    %div3A_748 = vector.broadcast %broadcast_in_dim3A_744 : vector<256x1xf32> to vector<256x128xf32>
    %div3A_749 = arith.divf %dot_general3A_747, %div3A_748 : vector<256x128xf32>
    %convert_element_type3A_750 = arith.truncf %div3A_749 : vector<256x128xf32> to vector<256x128xbf16>
    %get3A_751 = arith.constant 0 : index
    %get3A_752 = arith.constant 0 : index
    %get3A_753 = arith.constant 1536 : index
    %get3A_754 = vector.load %arg3[%get3A_751, %get3A_752, %get3A_753] : memref<1x256x2048xbf16, #tpu.memory_space<vmem>>, vector<1x256x128xbf16>
    %get3A_755 = vector.shape_cast %get3A_754 : vector<1x256x128xbf16> to vector<256x128xbf16>
    %get3A_756 = arith.constant 0 : index
    %get3A_757 = arith.constant 0 : index
    %get3A_758 = arith.constant 1536 : index
    %get3A_759 = vector.load %arg4[%get3A_756, %get3A_757, %get3A_758] : memref<1x64x2048xbf16, #tpu.memory_space<vmem>>, vector<1x64x128xbf16>
    %get3A_760 = vector.shape_cast %get3A_759 : vector<1x64x128xbf16> to vector<64x128xbf16>
    %get3A_761 = arith.constant 0 : index
    %get3A_762 = arith.constant 0 : index
    %get3A_763 = arith.constant 1536 : index
    %get3A_764 = vector.load %arg5[%get3A_761, %get3A_762, %get3A_763] : memref<1x256x2048xbf16, #tpu.memory_space<vmem>>, vector<1x256x128xbf16>
    %get3A_765 = vector.shape_cast %get3A_764 : vector<1x256x128xbf16> to vector<256x128xbf16>
    %get3A_766 = arith.constant 0 : index
    %get3A_767 = arith.constant 0 : index
    %get3A_768 = arith.constant 0 : index
    %get3A_769 = arith.constant 1536 : index
    %get3A_770 = vector.load %arg8[%get3A_766, %get3A_767, %get3A_768, %get3A_769] : memref<1x64x1x2048xbf16, #tpu.memory_space<vmem>>, vector<1x64x1x128xbf16>
    %get3A_771 = vector.shape_cast %get3A_770 : vector<1x64x1x128xbf16> to vector<64x128xbf16>
    %concatenate3A_772 = tpu.concatenate %get3A_760, %get3A_765, %get3A_771 in 0 : vector<64x128xbf16>, vector<256x128xbf16>, vector<64x128xbf16> -> vector<384x128xbf16>
    %get3A_773 = arith.constant 0 : index
    %get3A_774 = arith.constant 0 : index
    %get3A_775 = arith.constant 1536 : index
    %get3A_776 = vector.load %arg6[%get3A_773, %get3A_774, %get3A_775] : memref<1x64x2048xbf16, #tpu.memory_space<vmem>>, vector<1x64x128xbf16>
    %get3A_777 = vector.shape_cast %get3A_776 : vector<1x64x128xbf16> to vector<64x128xbf16>
    %get3A_778 = arith.constant 0 : index
    %get3A_779 = arith.constant 0 : index
    %get3A_780 = arith.constant 1536 : index
    %get3A_781 = vector.load %arg7[%get3A_778, %get3A_779, %get3A_780] : memref<1x256x2048xbf16, #tpu.memory_space<vmem>>, vector<1x256x128xbf16>
    %get3A_782 = vector.shape_cast %get3A_781 : vector<1x256x128xbf16> to vector<256x128xbf16>
    %get3A_783 = arith.constant 0 : index
    %get3A_784 = arith.constant 0 : index
    %get3A_785 = arith.constant 0 : index
    %get3A_786 = arith.constant 1536 : index
    %get3A_787 = vector.load %arg9[%get3A_783, %get3A_784, %get3A_785, %get3A_786] : memref<1x64x1x2048xbf16, #tpu.memory_space<vmem>>, vector<1x64x1x128xbf16>
    %get3A_788 = vector.shape_cast %get3A_787 : vector<1x64x1x128xbf16> to vector<64x128xbf16>
    %concatenate3A_789 = tpu.concatenate %get3A_777, %get3A_782, %get3A_788 in 0 : vector<64x128xbf16>, vector<256x128xbf16>, vector<64x128xbf16> -> vector<384x128xbf16>
    %dot_general3A_790 = arith.constant dense<0.000000e+00> : vector<256x384xf32>
    %dot_general3A_791 = tpu.matmul %get3A_755, %concatenate3A_772, %dot_general3A_790 {dimension_numbers = #tpu.dot_dimension_numbers<[1], [1], [0], [0], [0, 0, 1, 0], [], []>, transpose_lhs_hint = false} : vector<256x128xbf16>, vector<384x128xbf16>, vector<256x384xf32> -> vector<256x384xf32>
    %add3A_792 = arith.addf %dot_general3A_791, %select_n3A_71 : vector<256x384xf32>
    %reduce_max3A_793 = arith.constant dense<0xFF800000> : vector<256xf32>
    %reduce_max3A_794 = vector.multi_reduction <maximumf>, %add3A_792, %reduce_max3A_793 [1] : vector<256x384xf32> to vector<256xf32>
    %broadcast_in_dim3A_795 = vector.shape_cast %reduce_max3A_794 : vector<256xf32> to vector<256x1xf32>
    %sub3A_796 = vector.broadcast %broadcast_in_dim3A_795 : vector<256x1xf32> to vector<256x384xf32>
    %sub3A_797 = arith.subf %add3A_792, %sub3A_796 : vector<256x384xf32>
    %exp3A_798 = math.exp %sub3A_797 : vector<256x384xf32>
    %reduce_sum3A_799 = arith.constant dense<0.000000e+00> : vector<256xf32>
    %reduce_sum3A_800 = vector.multi_reduction <add>, %exp3A_798, %reduce_sum3A_799 [1] : vector<256x384xf32> to vector<256xf32>
    %broadcast_in_dim3A_801 = vector.shape_cast %reduce_sum3A_800 : vector<256xf32> to vector<256x1xf32>
    %convert_element_type3A_802 = arith.truncf %exp3A_798 : vector<256x384xf32> to vector<256x384xbf16>
    %dot_general3A_803 = arith.constant dense<0.000000e+00> : vector<256x128xf32>
    %dot_general3A_804 = tpu.matmul %convert_element_type3A_802, %concatenate3A_789, %dot_general3A_803 {dimension_numbers = #tpu.dot_dimension_numbers<[1], [0], [0], [1], [0, 0, 1, 1], [], []>, transpose_lhs_hint = false} : vector<256x384xbf16>, vector<384x128xbf16>, vector<256x128xf32> -> vector<256x128xf32>
    %div3A_805 = vector.broadcast %broadcast_in_dim3A_801 : vector<256x1xf32> to vector<256x128xf32>
    %div3A_806 = arith.divf %dot_general3A_804, %div3A_805 : vector<256x128xf32>
    %convert_element_type3A_807 = arith.truncf %div3A_806 : vector<256x128xf32> to vector<256x128xbf16>
    %get3A_808 = arith.constant 0 : index
    %get3A_809 = arith.constant 0 : index
    %get3A_810 = arith.constant 1664 : index
    %get3A_811 = vector.load %arg3[%get3A_808, %get3A_809, %get3A_810] : memref<1x256x2048xbf16, #tpu.memory_space<vmem>>, vector<1x256x128xbf16>
    %get3A_812 = vector.shape_cast %get3A_811 : vector<1x256x128xbf16> to vector<256x128xbf16>
    %get3A_813 = arith.constant 0 : index
    %get3A_814 = arith.constant 0 : index
    %get3A_815 = arith.constant 1664 : index
    %get3A_816 = vector.load %arg4[%get3A_813, %get3A_814, %get3A_815] : memref<1x64x2048xbf16, #tpu.memory_space<vmem>>, vector<1x64x128xbf16>
    %get3A_817 = vector.shape_cast %get3A_816 : vector<1x64x128xbf16> to vector<64x128xbf16>
    %get3A_818 = arith.constant 0 : index
    %get3A_819 = arith.constant 0 : index
    %get3A_820 = arith.constant 1664 : index
    %get3A_821 = vector.load %arg5[%get3A_818, %get3A_819, %get3A_820] : memref<1x256x2048xbf16, #tpu.memory_space<vmem>>, vector<1x256x128xbf16>
    %get3A_822 = vector.shape_cast %get3A_821 : vector<1x256x128xbf16> to vector<256x128xbf16>
    %get3A_823 = arith.constant 0 : index
    %get3A_824 = arith.constant 0 : index
    %get3A_825 = arith.constant 0 : index
    %get3A_826 = arith.constant 1664 : index
    %get3A_827 = vector.load %arg8[%get3A_823, %get3A_824, %get3A_825, %get3A_826] : memref<1x64x1x2048xbf16, #tpu.memory_space<vmem>>, vector<1x64x1x128xbf16>
    %get3A_828 = vector.shape_cast %get3A_827 : vector<1x64x1x128xbf16> to vector<64x128xbf16>
    %concatenate3A_829 = tpu.concatenate %get3A_817, %get3A_822, %get3A_828 in 0 : vector<64x128xbf16>, vector<256x128xbf16>, vector<64x128xbf16> -> vector<384x128xbf16>
    %get3A_830 = arith.constant 0 : index
    %get3A_831 = arith.constant 0 : index
    %get3A_832 = arith.constant 1664 : index
    %get3A_833 = vector.load %arg6[%get3A_830, %get3A_831, %get3A_832] : memref<1x64x2048xbf16, #tpu.memory_space<vmem>>, vector<1x64x128xbf16>
    %get3A_834 = vector.shape_cast %get3A_833 : vector<1x64x128xbf16> to vector<64x128xbf16>
    %get3A_835 = arith.constant 0 : index
    %get3A_836 = arith.constant 0 : index
    %get3A_837 = arith.constant 1664 : index
    %get3A_838 = vector.load %arg7[%get3A_835, %get3A_836, %get3A_837] : memref<1x256x2048xbf16, #tpu.memory_space<vmem>>, vector<1x256x128xbf16>
    %get3A_839 = vector.shape_cast %get3A_838 : vector<1x256x128xbf16> to vector<256x128xbf16>
    %get3A_840 = arith.constant 0 : index
    %get3A_841 = arith.constant 0 : index
    %get3A_842 = arith.constant 0 : index
    %get3A_843 = arith.constant 1664 : index
    %get3A_844 = vector.load %arg9[%get3A_840, %get3A_841, %get3A_842, %get3A_843] : memref<1x64x1x2048xbf16, #tpu.memory_space<vmem>>, vector<1x64x1x128xbf16>
    %get3A_845 = vector.shape_cast %get3A_844 : vector<1x64x1x128xbf16> to vector<64x128xbf16>
    %concatenate3A_846 = tpu.concatenate %get3A_834, %get3A_839, %get3A_845 in 0 : vector<64x128xbf16>, vector<256x128xbf16>, vector<64x128xbf16> -> vector<384x128xbf16>
    %dot_general3A_847 = arith.constant dense<0.000000e+00> : vector<256x384xf32>
    %dot_general3A_848 = tpu.matmul %get3A_812, %concatenate3A_829, %dot_general3A_847 {dimension_numbers = #tpu.dot_dimension_numbers<[1], [1], [0], [0], [0, 0, 1, 0], [], []>, transpose_lhs_hint = false} : vector<256x128xbf16>, vector<384x128xbf16>, vector<256x384xf32> -> vector<256x384xf32>
    %add3A_849 = arith.addf %dot_general3A_848, %select_n3A_71 : vector<256x384xf32>
    %reduce_max3A_850 = arith.constant dense<0xFF800000> : vector<256xf32>
    %reduce_max3A_851 = vector.multi_reduction <maximumf>, %add3A_849, %reduce_max3A_850 [1] : vector<256x384xf32> to vector<256xf32>
    %broadcast_in_dim3A_852 = vector.shape_cast %reduce_max3A_851 : vector<256xf32> to vector<256x1xf32>
    %sub3A_853 = vector.broadcast %broadcast_in_dim3A_852 : vector<256x1xf32> to vector<256x384xf32>
    %sub3A_854 = arith.subf %add3A_849, %sub3A_853 : vector<256x384xf32>
    %exp3A_855 = math.exp %sub3A_854 : vector<256x384xf32>
    %reduce_sum3A_856 = arith.constant dense<0.000000e+00> : vector<256xf32>
    %reduce_sum3A_857 = vector.multi_reduction <add>, %exp3A_855, %reduce_sum3A_856 [1] : vector<256x384xf32> to vector<256xf32>
    %broadcast_in_dim3A_858 = vector.shape_cast %reduce_sum3A_857 : vector<256xf32> to vector<256x1xf32>
    %convert_element_type3A_859 = arith.truncf %exp3A_855 : vector<256x384xf32> to vector<256x384xbf16>
    %dot_general3A_860 = arith.constant dense<0.000000e+00> : vector<256x128xf32>
    %dot_general3A_861 = tpu.matmul %convert_element_type3A_859, %concatenate3A_846, %dot_general3A_860 {dimension_numbers = #tpu.dot_dimension_numbers<[1], [0], [0], [1], [0, 0, 1, 1], [], []>, transpose_lhs_hint = false} : vector<256x384xbf16>, vector<384x128xbf16>, vector<256x128xf32> -> vector<256x128xf32>
    %div3A_862 = vector.broadcast %broadcast_in_dim3A_858 : vector<256x1xf32> to vector<256x128xf32>
    %div3A_863 = arith.divf %dot_general3A_861, %div3A_862 : vector<256x128xf32>
    %convert_element_type3A_864 = arith.truncf %div3A_863 : vector<256x128xf32> to vector<256x128xbf16>
    %get3A_865 = arith.constant 0 : index
    %get3A_866 = arith.constant 0 : index
    %get3A_867 = arith.constant 1792 : index
    %get3A_868 = vector.load %arg3[%get3A_865, %get3A_866, %get3A_867] : memref<1x256x2048xbf16, #tpu.memory_space<vmem>>, vector<1x256x128xbf16>
    %get3A_869 = vector.shape_cast %get3A_868 : vector<1x256x128xbf16> to vector<256x128xbf16>
    %get3A_870 = arith.constant 0 : index
    %get3A_871 = arith.constant 0 : index
    %get3A_872 = arith.constant 1792 : index
    %get3A_873 = vector.load %arg4[%get3A_870, %get3A_871, %get3A_872] : memref<1x64x2048xbf16, #tpu.memory_space<vmem>>, vector<1x64x128xbf16>
    %get3A_874 = vector.shape_cast %get3A_873 : vector<1x64x128xbf16> to vector<64x128xbf16>
    %get3A_875 = arith.constant 0 : index
    %get3A_876 = arith.constant 0 : index
    %get3A_877 = arith.constant 1792 : index
    %get3A_878 = vector.load %arg5[%get3A_875, %get3A_876, %get3A_877] : memref<1x256x2048xbf16, #tpu.memory_space<vmem>>, vector<1x256x128xbf16>
    %get3A_879 = vector.shape_cast %get3A_878 : vector<1x256x128xbf16> to vector<256x128xbf16>
    %get3A_880 = arith.constant 0 : index
    %get3A_881 = arith.constant 0 : index
    %get3A_882 = arith.constant 0 : index
    %get3A_883 = arith.constant 1792 : index
    %get3A_884 = vector.load %arg8[%get3A_880, %get3A_881, %get3A_882, %get3A_883] : memref<1x64x1x2048xbf16, #tpu.memory_space<vmem>>, vector<1x64x1x128xbf16>
    %get3A_885 = vector.shape_cast %get3A_884 : vector<1x64x1x128xbf16> to vector<64x128xbf16>
    %concatenate3A_886 = tpu.concatenate %get3A_874, %get3A_879, %get3A_885 in 0 : vector<64x128xbf16>, vector<256x128xbf16>, vector<64x128xbf16> -> vector<384x128xbf16>
    %get3A_887 = arith.constant 0 : index
    %get3A_888 = arith.constant 0 : index
    %get3A_889 = arith.constant 1792 : index
    %get3A_890 = vector.load %arg6[%get3A_887, %get3A_888, %get3A_889] : memref<1x64x2048xbf16, #tpu.memory_space<vmem>>, vector<1x64x128xbf16>
    %get3A_891 = vector.shape_cast %get3A_890 : vector<1x64x128xbf16> to vector<64x128xbf16>
    %get3A_892 = arith.constant 0 : index
    %get3A_893 = arith.constant 0 : index
    %get3A_894 = arith.constant 1792 : index
    %get3A_895 = vector.load %arg7[%get3A_892, %get3A_893, %get3A_894] : memref<1x256x2048xbf16, #tpu.memory_space<vmem>>, vector<1x256x128xbf16>
    %get3A_896 = vector.shape_cast %get3A_895 : vector<1x256x128xbf16> to vector<256x128xbf16>
    %get3A_897 = arith.constant 0 : index
    %get3A_898 = arith.constant 0 : index
    %get3A_899 = arith.constant 0 : index
    %get3A_900 = arith.constant 1792 : index
    %get3A_901 = vector.load %arg9[%get3A_897, %get3A_898, %get3A_899, %get3A_900] : memref<1x64x1x2048xbf16, #tpu.memory_space<vmem>>, vector<1x64x1x128xbf16>
    %get3A_902 = vector.shape_cast %get3A_901 : vector<1x64x1x128xbf16> to vector<64x128xbf16>
    %concatenate3A_903 = tpu.concatenate %get3A_891, %get3A_896, %get3A_902 in 0 : vector<64x128xbf16>, vector<256x128xbf16>, vector<64x128xbf16> -> vector<384x128xbf16>
    %dot_general3A_904 = arith.constant dense<0.000000e+00> : vector<256x384xf32>
    %dot_general3A_905 = tpu.matmul %get3A_869, %concatenate3A_886, %dot_general3A_904 {dimension_numbers = #tpu.dot_dimension_numbers<[1], [1], [0], [0], [0, 0, 1, 0], [], []>, transpose_lhs_hint = false} : vector<256x128xbf16>, vector<384x128xbf16>, vector<256x384xf32> -> vector<256x384xf32>
    %add3A_906 = arith.addf %dot_general3A_905, %select_n3A_71 : vector<256x384xf32>
    %reduce_max3A_907 = arith.constant dense<0xFF800000> : vector<256xf32>
    %reduce_max3A_908 = vector.multi_reduction <maximumf>, %add3A_906, %reduce_max3A_907 [1] : vector<256x384xf32> to vector<256xf32>
    %broadcast_in_dim3A_909 = vector.shape_cast %reduce_max3A_908 : vector<256xf32> to vector<256x1xf32>
    %sub3A_910 = vector.broadcast %broadcast_in_dim3A_909 : vector<256x1xf32> to vector<256x384xf32>
    %sub3A_911 = arith.subf %add3A_906, %sub3A_910 : vector<256x384xf32>
    %exp3A_912 = math.exp %sub3A_911 : vector<256x384xf32>
    %reduce_sum3A_913 = arith.constant dense<0.000000e+00> : vector<256xf32>
    %reduce_sum3A_914 = vector.multi_reduction <add>, %exp3A_912, %reduce_sum3A_913 [1] : vector<256x384xf32> to vector<256xf32>
    %broadcast_in_dim3A_915 = vector.shape_cast %reduce_sum3A_914 : vector<256xf32> to vector<256x1xf32>
    %convert_element_type3A_916 = arith.truncf %exp3A_912 : vector<256x384xf32> to vector<256x384xbf16>
    %dot_general3A_917 = arith.constant dense<0.000000e+00> : vector<256x128xf32>
    %dot_general3A_918 = tpu.matmul %convert_element_type3A_916, %concatenate3A_903, %dot_general3A_917 {dimension_numbers = #tpu.dot_dimension_numbers<[1], [0], [0], [1], [0, 0, 1, 1], [], []>, transpose_lhs_hint = false} : vector<256x384xbf16>, vector<384x128xbf16>, vector<256x128xf32> -> vector<256x128xf32>
    %div3A_919 = vector.broadcast %broadcast_in_dim3A_915 : vector<256x1xf32> to vector<256x128xf32>
    %div3A_920 = arith.divf %dot_general3A_918, %div3A_919 : vector<256x128xf32>
    %convert_element_type3A_921 = arith.truncf %div3A_920 : vector<256x128xf32> to vector<256x128xbf16>
    %get3A_922 = arith.constant 0 : index
    %get3A_923 = arith.constant 0 : index
    %get3A_924 = arith.constant 1920 : index
    %get3A_925 = vector.load %arg3[%get3A_922, %get3A_923, %get3A_924] : memref<1x256x2048xbf16, #tpu.memory_space<vmem>>, vector<1x256x128xbf16>
    %get3A_926 = vector.shape_cast %get3A_925 : vector<1x256x128xbf16> to vector<256x128xbf16>
    %get3A_927 = arith.constant 0 : index
    %get3A_928 = arith.constant 0 : index
    %get3A_929 = arith.constant 1920 : index
    %get3A_930 = vector.load %arg4[%get3A_927, %get3A_928, %get3A_929] : memref<1x64x2048xbf16, #tpu.memory_space<vmem>>, vector<1x64x128xbf16>
    %get3A_931 = vector.shape_cast %get3A_930 : vector<1x64x128xbf16> to vector<64x128xbf16>
    %get3A_932 = arith.constant 0 : index
    %get3A_933 = arith.constant 0 : index
    %get3A_934 = arith.constant 1920 : index
    %get3A_935 = vector.load %arg5[%get3A_932, %get3A_933, %get3A_934] : memref<1x256x2048xbf16, #tpu.memory_space<vmem>>, vector<1x256x128xbf16>
    %get3A_936 = vector.shape_cast %get3A_935 : vector<1x256x128xbf16> to vector<256x128xbf16>
    %get3A_937 = arith.constant 0 : index
    %get3A_938 = arith.constant 0 : index
    %get3A_939 = arith.constant 0 : index
    %get3A_940 = arith.constant 1920 : index
    %get3A_941 = vector.load %arg8[%get3A_937, %get3A_938, %get3A_939, %get3A_940] : memref<1x64x1x2048xbf16, #tpu.memory_space<vmem>>, vector<1x64x1x128xbf16>
    %get3A_942 = vector.shape_cast %get3A_941 : vector<1x64x1x128xbf16> to vector<64x128xbf16>
    %concatenate3A_943 = tpu.concatenate %get3A_931, %get3A_936, %get3A_942 in 0 : vector<64x128xbf16>, vector<256x128xbf16>, vector<64x128xbf16> -> vector<384x128xbf16>
    %get3A_944 = arith.constant 0 : index
    %get3A_945 = arith.constant 0 : index
    %get3A_946 = arith.constant 1920 : index
    %get3A_947 = vector.load %arg6[%get3A_944, %get3A_945, %get3A_946] : memref<1x64x2048xbf16, #tpu.memory_space<vmem>>, vector<1x64x128xbf16>
    %get3A_948 = vector.shape_cast %get3A_947 : vector<1x64x128xbf16> to vector<64x128xbf16>
    %get3A_949 = arith.constant 0 : index
    %get3A_950 = arith.constant 0 : index
    %get3A_951 = arith.constant 1920 : index
    %get3A_952 = vector.load %arg7[%get3A_949, %get3A_950, %get3A_951] : memref<1x256x2048xbf16, #tpu.memory_space<vmem>>, vector<1x256x128xbf16>
    %get3A_953 = vector.shape_cast %get3A_952 : vector<1x256x128xbf16> to vector<256x128xbf16>
    %get3A_954 = arith.constant 0 : index
    %get3A_955 = arith.constant 0 : index
    %get3A_956 = arith.constant 0 : index
    %get3A_957 = arith.constant 1920 : index
    %get3A_958 = vector.load %arg9[%get3A_954, %get3A_955, %get3A_956, %get3A_957] : memref<1x64x1x2048xbf16, #tpu.memory_space<vmem>>, vector<1x64x1x128xbf16>
    %get3A_959 = vector.shape_cast %get3A_958 : vector<1x64x1x128xbf16> to vector<64x128xbf16>
    %concatenate3A_960 = tpu.concatenate %get3A_948, %get3A_953, %get3A_959 in 0 : vector<64x128xbf16>, vector<256x128xbf16>, vector<64x128xbf16> -> vector<384x128xbf16>
    %dot_general3A_961 = arith.constant dense<0.000000e+00> : vector<256x384xf32>
    %dot_general3A_962 = tpu.matmul %get3A_926, %concatenate3A_943, %dot_general3A_961 {dimension_numbers = #tpu.dot_dimension_numbers<[1], [1], [0], [0], [0, 0, 1, 0], [], []>, transpose_lhs_hint = false} : vector<256x128xbf16>, vector<384x128xbf16>, vector<256x384xf32> -> vector<256x384xf32>
    %add3A_963 = arith.addf %dot_general3A_962, %select_n3A_71 : vector<256x384xf32>
    %reduce_max3A_964 = arith.constant dense<0xFF800000> : vector<256xf32>
    %reduce_max3A_965 = vector.multi_reduction <maximumf>, %add3A_963, %reduce_max3A_964 [1] : vector<256x384xf32> to vector<256xf32>
    %broadcast_in_dim3A_966 = vector.shape_cast %reduce_max3A_965 : vector<256xf32> to vector<256x1xf32>
    %sub3A_967 = vector.broadcast %broadcast_in_dim3A_966 : vector<256x1xf32> to vector<256x384xf32>
    %sub3A_968 = arith.subf %add3A_963, %sub3A_967 : vector<256x384xf32>
    %exp3A_969 = math.exp %sub3A_968 : vector<256x384xf32>
    %reduce_sum3A_970 = arith.constant dense<0.000000e+00> : vector<256xf32>
    %reduce_sum3A_971 = vector.multi_reduction <add>, %exp3A_969, %reduce_sum3A_970 [1] : vector<256x384xf32> to vector<256xf32>
    %broadcast_in_dim3A_972 = vector.shape_cast %reduce_sum3A_971 : vector<256xf32> to vector<256x1xf32>
    %convert_element_type3A_973 = arith.truncf %exp3A_969 : vector<256x384xf32> to vector<256x384xbf16>
    %dot_general3A_974 = arith.constant dense<0.000000e+00> : vector<256x128xf32>
    %dot_general3A_975 = tpu.matmul %convert_element_type3A_973, %concatenate3A_960, %dot_general3A_974 {dimension_numbers = #tpu.dot_dimension_numbers<[1], [0], [0], [1], [0, 0, 1, 1], [], []>, transpose_lhs_hint = false} : vector<256x384xbf16>, vector<384x128xbf16>, vector<256x128xf32> -> vector<256x128xf32>
    %div3A_976 = vector.broadcast %broadcast_in_dim3A_972 : vector<256x1xf32> to vector<256x128xf32>
    %div3A_977 = arith.divf %dot_general3A_975, %div3A_976 : vector<256x128xf32>
    %convert_element_type3A_978 = arith.truncf %div3A_977 : vector<256x128xf32> to vector<256x128xbf16>
    %concatenate3A_979 = tpu.concatenate %convert_element_type3A_123, %convert_element_type3A_180, %convert_element_type3A_237, %convert_element_type3A_294, %convert_element_type3A_351, %convert_element_type3A_408, %convert_element_type3A_465, %convert_element_type3A_522, %convert_element_type3A_579, %convert_element_type3A_636, %convert_element_type3A_693, %convert_element_type3A_750, %convert_element_type3A_807, %convert_element_type3A_864, %convert_element_type3A_921, %convert_element_type3A_978 in 1 : vector<256x128xbf16>, vector<256x128xbf16>, vector<256x128xbf16>, vector<256x128xbf16>, vector<256x128xbf16>, vector<256x128xbf16>, vector<256x128xbf16>, vector<256x128xbf16>, vector<256x128xbf16>, vector<256x128xbf16>, vector<256x128xbf16>, vector<256x128xbf16>, vector<256x128xbf16>, vector<256x128xbf16>, vector<256x128xbf16>, vector<256x128xbf16> -> vector<256x2048xbf16>
    %get3A_980 = arith.constant 0 : index
    %get3A_981 = arith.constant 0 : index
    %get3A_982 = vector.load %arg10[%get3A_980, %get3A_981] : memref<2048x2048xbf16, #tpu.memory_space<vmem>>, vector<2048x2048xbf16>
    %dot_general3A_983 = arith.constant dense<0.000000e+00> : vector<256x2048xf32>
    %dot_general3A_984 = tpu.matmul %concatenate3A_979, %get3A_982, %dot_general3A_983 {dimension_numbers = #tpu.dot_dimension_numbers<[1], [1], [0], [0], [0, 0, 1, 0], [], []>, transpose_lhs_hint = false} : vector<256x2048xbf16>, vector<2048x2048xbf16>, vector<256x2048xf32> -> vector<256x2048xf32>
    %get3A_985 = arith.constant 0 : index
    %get3A_986 = arith.constant 0 : index
    %get3A_987 = vector.load %arg11[%get3A_985, %get3A_986] : memref<1x2048xf32, #tpu.memory_space<vmem>>, vector<1x2048xf32>
    %add3A_988 = vector.broadcast %get3A_987 : vector<1x2048xf32> to vector<256x2048xf32>
    %add3A_989 = arith.addf %dot_general3A_984, %add3A_988 : vector<256x2048xf32>
    %swap3A = arith.constant 0 : index
    %swap3A_990 = arith.constant 0 : index
    %swap3A_991 = arith.constant 0 : index
    %swap3A_992 = vector.load %arg12[%swap3A, %swap3A_990, %swap3A_991] : memref<1x256x2048xf32, #tpu.memory_space<vmem>>, vector<1x256x2048xf32>
    %swap3A_993 = vector.shape_cast %swap3A_992 : vector<1x256x2048xf32> to vector<256x2048xf32>
    %swap3A_994 = vector.shape_cast %add3A_989 : vector<256x2048xf32> to vector<1x256x2048xf32>
    tpu.vector_store %arg12[%swap3A, %swap3A_990, %swap3A_991], %swap3A_994 {strides = array<i32>} : memref<1x256x2048xf32, #tpu.memory_space<vmem>>, vector<1x256x2048xf32>,
    return
  }
  func.func @transform_0(%arg0: i32, %arg1: i32) -> (i32, i32, i32) {
    %c0_i32 = arith.constant 0 : i32
    %c0_i32_0 = arith.constant 0 : i32
    %c0_i32_1 = arith.constant 0 : i32
    %c0_i32_2 = arith.constant 0 : i32
    return %c0_i32, %c0_i32_0, %c0_i32_1 : i32, i32, i32
  }
  func.func @transform_1(%arg0: i32, %arg1: i32) -> (i32, i32, i32) {
    %c0_i32 = arith.constant 0 : i32
    %c0_i32_0 = arith.constant 0 : i32
    return %arg0, %arg1, %c0_i32 : i32, i32, i32
  }
  func.func @transform_2(%arg0: i32, %arg1: i32) -> (i32, i32, i32) {
    %mul3A = arith.constant 4 : i32
    %mul3A_0 = arith.muli %arg1, %mul3A : i32
    %sub3A = arith.constant 1 : i32
    %sub3A_1 = arith.subi %mul3A_0, %sub3A : i32
    %max3A = arith.constant 0 : i32
    %max3A_2 = arith.maxsi %sub3A_1, %max3A : i32
    %c0_i32 = arith.constant 0 : i32
    %c0_i32_3 = arith.constant 0 : i32
    return %arg0, %max3A_2, %c0_i32 : i32, i32, i32
  }
  func.func @transform_3(%arg0: i32, %arg1: i32) -> (i32, i32, i32) {
    %c0_i32 = arith.constant 0 : i32
    %c0_i32_0 = arith.constant 0 : i32
    return %arg0, %arg1, %c0_i32 : i32, i32, i32
  }
  func.func @transform_4(%arg0: i32, %arg1: i32) -> (i32, i32, i32) {
    %mul3A = arith.constant 4 : i32
    %mul3A_0 = arith.muli %arg1, %mul3A : i32
    %sub3A = arith.constant 1 : i32
    %sub3A_1 = arith.subi %mul3A_0, %sub3A : i32
    %max3A = arith.constant 0 : i32
    %max3A_2 = arith.maxsi %sub3A_1, %max3A : i32
    %c0_i32 = arith.constant 0 : i32
    %c0_i32_3 = arith.constant 0 : i32
    return %arg0, %max3A_2, %c0_i32 : i32, i32, i32
  }
  func.func @transform_5(%arg0: i32, %arg1: i32) -> (i32, i32, i32) {
    %c0_i32 = arith.constant 0 : i32
    %c0_i32_0 = arith.constant 0 : i32
    return %arg0, %arg1, %c0_i32 : i32, i32, i32
  }
  func.func @transform_6(%arg0: i32, %arg1: i32) -> (i32, i32, i32, i32) {
    %c0_i32 = arith.constant 0 : i32
    %c0_i32_0 = arith.constant 0 : i32
    %c0_i32_1 = arith.constant 0 : i32
    %c0_i32_2 = arith.constant 0 : i32
    return %arg0, %c0_i32, %c0_i32_0, %c0_i32_1 : i32, i32, i32, i32
  }
  func.func @transform_7(%arg0: i32, %arg1: i32) -> (i32, i32, i32, i32) {
    %c0_i32 = arith.constant 0 : i32
    %c0_i32_0 = arith.constant 0 : i32
    %c0_i32_1 = arith.constant 0 : i32
    %c0_i32_2 = arith.constant 0 : i32
    return %arg0, %c0_i32, %c0_i32_0, %c0_i32_1 : i32, i32, i32, i32
  }
  func.func @transform_8(%arg0: i32, %arg1: i32) -> (i32, i32) {
    %c0_i32 = arith.constant 0 : i32
    %c0_i32_0 = arith.constant 0 : i32
    %c0_i32_1 = arith.constant 0 : i32
    return %c0_i32, %c0_i32_0 : i32, i32
  }
  func.func @transform_9(%arg0: i32, %arg1: i32) -> (i32, i32) {
    %c0_i32 = arith.constant 0 : i32
    %c0_i32_0 = arith.constant 0 : i32
    %c0_i32_1 = arith.constant 0 : i32
    return %c0_i32, %c0_i32_0 : i32, i32
  }
  func.func @transform_10(%arg0: i32, %arg1: i32) -> (i32, i32, i32) {
    %c0_i32 = arith.constant 0 : i32
    %c0_i32_0 = arith.constant 0 : i32
    return %arg0, %arg1, %c0_i32 : i32, i32, i32
  }
}

</mosaic_0001>

<sc_bundles>
// kernel: kernel.11.cloned.1.call-start
scs
__scs_entry_jumppad:
0x0: {  	(pc) =	sbr.rel $0x88, $3  }
0x1: {  	(tag) =	ssettag $0x0;
	lr =	simm.s32 $0x1  }
0x2: {  	[smem:$0x3F97] =	sst lr;
	_ =	strace $0xD0000000  }
0x3: {  	_ = 	snop  }
0x4: {  	_ = 	snop  }
0x5: {  	_ = 	snop  }
0x6: {  	_ = 	snop  }
0x7: {  	_ = 	snop  }
__scs_overlays_trampoline_lowered:
0x8: {  	[smem:$0x3FA6] =	sst s0  }
0x9: {  	[smem:$0x3FA7] =	sst s1  }
0xa: {  	[smem:$0x3FA8] =	sst s2  }
0xb: {  	[smem:$0x3FA9] =	sst s3  }
0xc: {  	[smem:$0x3FAA] =	sst s4  }
0xd: {  	[smem:$0x3FAB] =	sst s5  }
0xe: {  	[smem:$0x3FAC] =	sst s6  }
0xf: {  	[smem:$0x3FAD] =	sst s7  }
0x10: {  	[smem:$0x3FAE] =	sst s8  }
0x11: {  	[smem:$0x3FAF] =	sst s9;
	s0 =	simm.s32 @!p0 $0x0  }
0x12: {  	s1 =	sld [smem:$0x3F95];
	s0 =	simm.s32 @p0 $0x1  }
0x13: {  	[smem:$0x3FB0] =	sst s0;
	s0 =	simm.s32 @!p1 $0x0  }
0x14: {  	s2 =	sld [smem:$0x3F94];
	s0 =	simm.s32 @p1 $0x1  }
0x15: {  	[smem:$0x3FB1] =	sst s0;
	s0 =	simm.s32 @!p2 $0x0  }
0x16: {  	s3 =	sld [smem:$0x3FDB];
	s0 =	simm.s32 @p2 $0x1  }
0x17: {  	s4 =	simm.s32 $0x1BF5;
	[smem:$0x3FB3] =	sst s0  }
0x18: {  	s0 =	sld [smem:$0x3F96];
	_ =	swait.ge [sflag:s4], $0x0  }
0x19: {  	s7 =	sld [smem:$0x3F97]  }
0x1a: {  	s8 =	sadd.s32 $0xFFFFE003, lr  }
0x1b: {  	s9 =	sadd.s32 $0xFFFFFEF7, lr;
	s5 =	simm.s32 $0xFFFFFFFF;
	p2 =	slt.u32 s8, $0xFFFFF086  }
0x1c: {  	p1 =	slt.u32 s9, $0xF7A;
	s5 =	simm.s32 @!p2 $0x0  }
0x1d: {  	s5 =	simm.s32 @p1 $0x1;
	p0 =	seq.s32 s7, s2  }
0x1e: {  	s7 =	smul.u32 @!p0 $0xF7A, s2;
	p2 =	seq.s32 @!p0 s5, $0x0  }
0x1f: {  	s9 =	smul.u32 $0xF7A, s1;
	s8 =	simm.s32 @!p0 $0x1BF5;
	p2 =	por !p2, p0  }
0x20: {  	[sflag:s8] =	ssyncset.s32 @!p0 $0xFFFFF086;
	s6 =	sadd.s32 @!p0 s3, s7;
	s7 =	simm.s32 @!p0 $0x108  }
0x21: {  	s3 =	sadd.s32 s3, s9;
	s6 =	sadd.s32 @!p0 $0x88, s6;
	s7 =	simm.s32 @p2 $0x1082  }
0x22: {  	[simem:s7], [sflag:s8] =	dma.local @!p0 [hbm:s6], $0xF7A  }
0x23: {  	s9 =	sor.u32 $0xD0000000, s2;
	s6 =	simm.s32 $0x108;
	_ =	swait.ge @!p0 [sflag:s8], $0x0  }
0x24: {  	s3 =	sadd.s32 $0x88, s3;
	s6 =	simm.s32 @!p1 $0x1082;
	[sflag:s4] =	ssyncset.s32 $0xFFFFF086  }
0x25: {  	[simem:s6], [sflag:s4] =	dma.local [hbm:s3], $0xF7A  }
0x26: {  	[smem:$0x3F97] =	sst s1;
	(tag) =	ssettag s2;
	_ =	strace s9  }
0x27: {  	s1 =	sld [smem:$0x3FA7]  }
0x28: {  	s2 =	sld [smem:$0x3FA8]  }
0x29: {  	s4 =	sld [smem:$0x3FAA]  }
0x2a: {  	p0 =	seq.s32 s5, $0x0;
	s5 =	sld [smem:$0x3FAB]  }
0x2b: {  	s6 =	sld [smem:$0x3FAC]  }
0x2c: {  	s7 =	sld [smem:$0x3FAD]  }
0x2d: {  	s3 =	simm.s32 $0x108;
	s8 =	sld [smem:$0x3FAE]  }
0x2e: {  	s3 =	simm.s32 @!p0 $0x1082;
	s9 =	sld [smem:$0x3FAF]  }
0x2f: {  	lr =	sadd.s32 s0, s3;
	s0 =	sld [smem:$0x3FA6]  }
0x30: {  	s3 =	sld [smem:$0x3FA9]  }
0x31: {  	[smem:$0x3FB2] =	sst s10  }
0x32: {  	s10 =	sld [smem:$0x3FB0];
	_ =	sdelay $0x3  }
0x33: {  	p0 =	seq.s32 s10, $0x1;
	s10 =	sld [smem:$0x3FB2];
	_ =	sdelay $0x3  }
0x34: {  	[smem:$0x3FB2] =	sst s10  }
0x35: {  	s10 =	sld [smem:$0x3FB1];
	_ =	sdelay $0x3  }
0x36: {  	p1 =	seq.s32 s10, $0x1;
	s10 =	sld [smem:$0x3FB2];
	_ =	sdelay $0x3  }
0x37: {  	[smem:$0x3FB2] =	sst s10  }
0x38: {  	s10 =	sld [smem:$0x3FB3]  }
0x39: {  	_ = 	snop;
	(pc) =	sbr.ind lr, $3  }
0x3a: {  	_ = 	snop  }
0x3b: {  	_ = 	snop  }
0x3c: {  	p2 =	seq.s32 s10, $0x1;
	s10 =	sld [smem:$0x3FB2]  }
0x3d: {  	_ =	shalt  }
0x3e: {  	_ =	shalt  }
0x3f: {  	_ =	shalt  }
0x40: {  	_ =	shalt  }
0x41: {  	_ =	shalt  }
0x42: {  	_ =	shalt  }
0x43: {  	_ =	shalt  }
0x44: {  	_ =	shalt  }
0x45: {  	_ =	shalt  }
0x46: {  	_ =	shalt  }
0x47: {  	_ =	shalt  }
0x48: {  	_ =	shalt  }
0x49: {  	_ =	shalt  }
0x4a: {  	_ =	shalt  }
0x4b: {  	_ =	shalt  }
0x4c: {  	_ =	shalt  }
0x4d: {  	_ =	shalt  }
0x4e: {  	_ =	shalt  }
0x4f: {  	_ =	shalt  }
0x50: {  	_ =	shalt  }
0x51: {  	_ =	shalt  }
0x52: {  	_ =	shalt  }
0x53: {  	_ =	shalt  }
0x54: {  	_ =	shalt  }
0x55: {  	_ =	shalt  }
0x56: {  	_ =	shalt  }
0x57: {  	_ =	shalt  }
0x58: {  	_ =	shalt  }
0x59: {  	_ =	shalt  }
0x5a: {  	_ =	shalt  }
0x5b: {  	_ =	shalt  }
0x5c: {  	_ =	shalt  }
0x5d: {  	_ =	shalt  }
0x5e: {  	_ =	shalt  }
0x5f: {  	_ =	shalt  }
0x60: {  	_ =	shalt  }
0x61: {  	_ =	shalt  }
0x62: {  	_ =	shalt  }
0x63: {  	_ =	shalt  }
0x64: {  	_ =	shalt  }
0x65: {  	_ =	shalt  }
0x66: {  	_ =	shalt  }
0x67: {  	_ =	shalt  }
0x68: {  	_ =	shalt  }
0x69: {  	_ =	shalt  }
0x6a: {  	_ =	shalt  }
0x6b: {  	_ =	shalt  }
0x6c: {  	_ =	shalt  }
0x6d: {  	_ =	shalt  }
0x6e: {  	_ =	shalt  }
0x6f: {  	_ =	shalt  }
0x70: {  	_ =	shalt  }
0x71: {  	_ =	shalt  }
0x72: {  	_ =	shalt  }
0x73: {  	_ =	shalt  }
0x74: {  	_ =	shalt  }
0x75: {  	_ =	shalt  }
0x76: {  	_ =	shalt  }
0x77: {  	_ =	shalt  }
0x78: {  	_ =	shalt  }
0x79: {  	_ =	shalt  }
0x7a: {  	_ =	shalt  }
0x7b: {  	_ =	shalt  }
0x7c: {  	_ =	shalt  }
0x7d: {  	_ =	shalt  }
0x7e: {  	_ =	shalt  }
0x7f: {  	_ =	shalt  }
0x80: {  	_ =	shalt  }
0x81: {  	_ =	shalt  }
0x82: {  	_ =	shalt  }
0x83: {  	_ =	shalt  }
0x84: {  	_ =	shalt  }
0x85: {  	_ =	shalt  }
0x86: {  	_ =	shalt  }
0x87: {  	_ =	shalt  }
.Lfunc_end0:
.L_simem_size_0:
called_computation.1_lowered:
.L_overlay_start_0:
0x88: {  	s2 =	sld [smem:$0x3FD9]  }
0x89: {  	s3 =	sld [smem:$0x3FFE];
	_ =	sdelay $0x1  }
0x8a: {  	s1 =	srdreg.scid  }
0x8b: {  	s0 =	sand.u32 $0x1, s1  }
0x8c: {  	s17 =	sshll.u32 s0, $0xA;
	s2 =	sadd.s32 s3, s2  }
0x8d: {  	s2 =	sadd.s32 s2, s17  }
0x8e: {  	[smem:$0x3FBE] =	sst s2  }
0x8f: {  	_ = 	snop  }
0x90: {  	s2 =	sld [smem:$0x3FC9]  }
0x91: {  	s18 =	sld [smem:$0x3FD0];
	(tm) =	ssettm $0x1  }
0x92: {  	s4 =	sld [smem:$0x3FFB];
	_ =	sdelay $0x3  }
0x93: {  	_ =	strace s4  }
0x94: {  	s4 =	sld [smem:$0x3FFC];
	_ =	sdelay $0x3  }
0x95: {  	_ =	strace s4  }
0x96: {  	s4 =	sld [smem:$0x3FFD];
	_ =	sdelay $0x3  }
0x97: {  	_ =	strace s4  }
0x98: {  	_ =	strace $0x8FFFFFFF  }
0x99: {  	s19 =	sld [smem:$0x3FDB];
	_ =	sdelay $0x1  }
0x9a: {  	s5 =	simm.s32 $_scs_section_size  }
0x9b: {  	s6 =	simm.s32 $_size__tile_overlayer_lowered;
	s7 =	simm.s32 $_tile_overlayer_lowered  }
0x9c: {  	s22 =	simm.s32 $0x1BFF;
	s21 =	sshll.u32 s7, $0x1;
	s4 =	sadd.s32 s5, s19  }
0x9d: {  	s8 =	simm.s32 $0x0;
	s20 =	sshll.u32 s6, $0x1;
	s6 =	sadd.s32 s21, s4  }
0x9e: {  	[timem:s8], [sflag:s22] =	dma.local [hbm:s6], s20  }
0x9f: {  	_ =	swait.ge [sflag:s22], s20  }
0xa0: {  	s5 =	ssub.s32 $0x0, s20;
	[sflag:s22] =	ssyncset.done $0x0  }
0xa1: {  	[sflag:s22] =	ssyncadd.s32 s5;
	_ =	sdelay $0x1  }
0xa2: {  	s23 =	simm.s32 $0x1B8B  }
0xa3: {  	_ =	swait.ge [sflag:s23], $0x1  }
0xa4: {  	[sflag:s23] =	ssyncset.done $0x0  }
0xa5: {  	s25 =	simm.s32 $0x1B8E;
	s24 =	sld [smem:$0x3FFE];
	[sflag:s23] =	ssyncadd.s32 $0xFFFFFFFF  }
0xa6: {  	s26 =	simm.s32 $execute0_lowered;
	[smem:$0x3FD2] =	sst s25  }
0xa7: {  	s6 =	sshll.u32 s26, $0x1;
	_ =	strace $0x80000049;
	[dreg:$0x1] =	wrdreg $0xFFFFFFFF  }
0xa8: {  	s28 =	simm.s32 $_size_execute0_lowered;
	s4 =	sadd.s32 s4, s6;
	[dreg:$0x0] =	wrdreg $0x0  }
0xa9: {  	s6 =	sshll.u32 s28, $0x1;
	[dreg:$0x2] =	wrdreg s4  }
0xaa: {  	[dreg:$0x3] =	wrdreg s6  }
0xab: {  	[dreg:$0x4] =	wrdreg $0xC0  }
0xac: {  	_ =	task [dreg:s8], $0x5FFFF  }
0xad: {  	[dreg:$0x1] =	wrdreg $0xFFFFFFFF  }
0xae: {  	[dreg:$0x0] =	wrdreg $0x60  }
0xaf: {  	[dreg:$0x2] =	wrdreg s2  }
0xb0: {  	[dreg:$0x3] =	wrdreg s24  }
0xb1: {  	[dreg:$0x4] =	wrdreg s18  }
0xb2: {  	[dreg:$0x5] =	wrdreg $0x9  }
0xb3: {  	_ =	task.clear_ibuf [dreg:s8], $0x6FFFF;
	_ =	strace $0x90000049  }
0xb4: {  	s29 =	simm.s32 $0x9;
	_ =	strace $0x8000004B  }
0xb5: {  	_ =	swait.ge [sflag:s29], $0x1  }
0xb6: {  	[sflag:s29] =	ssyncadd.s32 $0xFFFFFFFF  }
0xb7: {  	_ =	strace $0x9000004B  }
0xb8: {  	_ =	sfence  }
0xb9: {  	s30 =	sld [smem:$0x0];
	_ =	sdelay $0x2  }
0xba: {  	s31 =	sshll.u32 s1, $0xD;
	s1 =	sshrl.u32 s1, $0x2  }
0xbb: {  	s3 =	sand.u32 $0x4000, s31;
	s1 =	sadd.s32 s1, s30  }
0xbc: {  	s0 =	sor.u32 s3, s0;
	s1 =	sshll.u32 s1, $0x11  }
0xbd: {  	s0 =	sor.u32 s1, s0  }
0xbe: {  	s0 =	sadd.s32 $0x8F2B, s0  }
0xbf: {  	[sflag:s0] =	ssyncadd.remote.s32 $0x1  }
0xc0: {  	_ =	sfence.sel $0xFFFF  }
0xc1: {  	[dreg:$0x0] =	wrdreg $0xFFFFFFFF;
	(pc) =	sbr.abs _section_cstart, $3  }
0xc2: {  	[dreg:$0x1] =	wrdreg $0xFFFFFFFF  }
0xc3: {  	_ =	task.clear_ibuf [dreg:s8], $0x2FFFF;
	_ =	strace $0x9FFFFFFF  }
0xc4: {  	(tm) =	ssettm $0x7FFFFFFF  }
0xc5: {  	_ =	shalt  }
tec
execute0_lowered:
.L_overlay_start_1:
0x0: {  	(tag) =	ssettag $0x1  }
0x1: {  	s1 =	stileid.u32  }
0x2: {  	p0 =	sgt.u32 s1, $0x7  }
.Ltmp0:
0x3: {  	s2 =	rddreg [dreg:$0x0];
	(pc) =	sbr.rel @p0 .LBB2_4-.Ltmp0, $4  }
0x4: {  	s4 =	rddreg [dreg:$0x1]  }
0x5: {  	s22 =	rddreg [dreg:$0x2];
	s3 =	simm.s32 $0x0  }
0x6: {  	[smem:$0x7FF] =	sst s3  }
0x7: {  	s0 =	rddreg [dreg:$0x3];
	_ =	strace $0x8000004A  }
0x8: {  	s5 =	srdreg.scid  }
0x9: {  	s30 =	sshll.u32 s1, $0x1;
	s20 =	sand.u32 $0x1, s5  }
0xa: {  	s4 =	sadd.s32 $0x1E00, s4;
	s23 =	sor.u32 s20, s30  }
0xb: {  	s5 =	sadd.s32 s4, s23;
	s4 =	simm.s32 $0x2  }
0xc: {  	[tilespmem:s3], [sflag:$0x2] =	stream.linear.gather [hbm4b:s5+s3], $0x8, $0x38;
	[tilespmem:$0x4080] =	vst v63  }
0xd: {  	_ =	swait.ge [sflag:s4], $0x8  }
0xe: {  	[sflag:s4] =	ssyncset.done $0x0  }
0xf: {  	[sflag:s4] =	ssyncadd.s32 $0xFFFFFFF8  }
0x10: {  	v0 =	vld.msk [tilespmem:$0x0], $0xff;
	_ =	sdelay $0x4  }
0x11: {  	v1 =	vshll.u32 v0, $0x4  }
0x12: {  	v2 =	vlaneseq.u32;
	v3 =	vand.u32 $0x7, v0;
	v1 =	vand.u32 $0xFFFFFF80, v1  }
0x13: {  	v0 =	vand.u32 $0x7, v2;
	v2 =	vshrl.u32 v2, $0x3;
	v3 =	vor.u32 v3, v1  }
0x14: {  	v1 =	vmul.u32 $0x8, v2;
	v2 =	vperm.xlane v3, v0;
	_ =	sdelay $0x1  }
0x15: {  	v2 =	vadd.s32 v1, v2;
	_ =	sdelay $0x3  }
0x16: {  	vm0 =	vmmov $0xffff;
	s6 =	simm.s32 $0x80  }
0x17: {  	[tilespmem:s6], [sflag:$0x1] =	stream.indirect_vreg.gather [hbm4b:s2+s3], $0x80, v2, vm0, $0xb8;
	[tilespmem:$0x4080] =	vst v63  }
0x18: {  	s7 =	sadd.s32 $0x100, s2;
	s8 =	simm.s32 $0x880  }
0x19: {  	[tilespmem:s8], [sflag:$0x1] =	stream.indirect_vreg.gather [hbm4b:s7+s3], $0x80, v2, vm0, $0xb8;
	[tilespmem:$0x4080] =	vst v63  }
0x1a: {  	s9 =	sadd.s32 $0x200, s2;
	s10 =	simm.s32 $0x1080  }
0x1b: {  	[tilespmem:s10], [sflag:$0x1] =	stream.indirect_vreg.gather [hbm4b:s9+s3], $0x80, v2, vm0, $0xb8;
	[tilespmem:$0x4080] =	vst v63  }
0x1c: {  	s11 =	sadd.s32 $0x300, s2;
	s12 =	simm.s32 $0x1880;
	s13 =	sadd.s32 $0x400, s2  }
0x1d: {  	[tilespmem:s12], [sflag:$0x1] =	stream.indirect_vreg.gather [hbm4b:s11+s3], $0x80, v2, vm0, $0xb8;
	[tilespmem:$0x4080] =	vst v63  }
0x1e: {  	s14 =	simm.s32 $0x2080;
	s15 =	sadd.s32 $0x500, s2;
	s24 =	ssub.s32 $0x2, s20  }
0x1f: {  	[tilespmem:s14], [sflag:$0x1] =	stream.indirect_vreg.gather [hbm4b:s13+s3], $0x80, v2, vm0, $0xb8;
	[tilespmem:$0x4080] =	vst v63  }
0x20: {  	s16 =	simm.s32 $0x2880;
	s17 =	sadd.s32 $0x600, s2;
	s25 =	sshrl.u32 s24, $0x1  }
0x21: {  	[tilespmem:s16], [sflag:$0x1] =	stream.indirect_vreg.gather [hbm4b:s15+s3], $0x80, v2, vm0, $0xb8;
	[tilespmem:$0x4080] =	vst v63  }
0x22: {  	s18 =	sadd.s32 $0x700, s2;
	s19 =	simm.s32 $0x3080;
	s24 =	ssub.s32 s24, s25  }
0x23: {  	[tilespmem:s19], [sflag:$0x1] =	stream.indirect_vreg.gather [hbm4b:s17+s3], $0x80, v2, vm0, $0xb8;
	[tilespmem:$0x4080] =	vst v63  }
0x24: {  	s21 =	simm.s32 $0x1;
	s20 =	simm.s32 $0x3880;
	s31 =	smax.u32 s24, $0x1  }
0x25: {  	[tilespmem:s20], [sflag:$0x1] =	stream.indirect_vreg.gather [hbm4b:s18+s3], $0x80, v2, vm0, $0xb8;
	[tilespmem:$0x4080] =	vst v63  }
0x26: {  	p0 =	sne.s32 s31, $0x1;
	_ =	swait.ge [sflag:s21], $0x4000  }
.Ltmp1:
0x27: {  	s23 =	sshll.u32 s23, $0xB;
	[sflag:s21] =	ssyncset.done $0x0;
	(pc) =	sbr.rel @!p0 .LBB2_3-.Ltmp1, $4  }
0x28: {  	s22 =	sadd.s32 s22, s23;
	[sflag:s21] =	ssyncadd.s32 $0xFFFFC000  }
0x29: {  	[hbm4b:s22+s3] =	stream.linear.scatter [tilespmem:s6], [sflag:$0x2], $0x4000, $0x38;
	[tilespmem:$0x4080] =	vst v63  }
0x2a: {  	_ =	swait.ge [sflag:s4], $0x4000  }
0x2b: {  	s23 =	sadd.s32 $0xFFFFFFFF, s31;
	[sflag:s4] =	ssyncset.done $0x0  }
.LBB2_2:
0x2c: {  	p0 =	sne.s32 s23, $0x1;
	s23 =	sadd.s32 $0xFFFFFFFF, s23;
	[sflag:s4] =	ssyncadd.s32 $0xFFFFC000  }
0x2d: {  	[tilespmem:s3], [sflag:$0x2] =	stream.linear.gather [hbm4b:s5+s3], $0x8, $0x38;
	[tilespmem:$0x4080] =	vst v63  }
0x2e: {  	_ =	swait.ge [sflag:s4], $0x8  }
0x2f: {  	[sflag:s4] =	ssyncset.done $0x0  }
0x30: {  	[sflag:s4] =	ssyncadd.s32 $0xFFFFFFF8  }
0x31: {  	v2 =	vld.msk [tilespmem:$0x0], $0xff;
	_ =	sdelay $0x4  }
0x32: {  	v3 =	vshll.u32 v2, $0x4  }
0x33: {  	v2 =	vand.u32 $0x7, v2;
	v3 =	vand.u32 $0xFFFFFF80, v3  }
0x34: {  	v2 =	vor.u32 v2, v3  }
0x35: {  	v2 =	vperm.xlane v2, v0;
	_ =	sdelay $0x1  }
0x36: {  	v2 =	vadd.s32 v1, v2;
	_ =	sdelay $0x4  }
0x37: {  	[tilespmem:s6], [sflag:$0x1] =	stream.indirect_vreg.gather [hbm4b:s2+s3], $0x80, v2, vm0, $0xb8;
	[tilespmem:$0x4080] =	vst v63  }
0x38: {  	_ = 	snop  }
0x39: {  	[tilespmem:s8], [sflag:$0x1] =	stream.indirect_vreg.gather [hbm4b:s7+s3], $0x80, v2, vm0, $0xb8;
	[tilespmem:$0x4080] =	vst v63  }
0x3a: {  	_ = 	snop  }
0x3b: {  	[tilespmem:s10], [sflag:$0x1] =	stream.indirect_vreg.gather [hbm4b:s9+s3], $0x80, v2, vm0, $0xb8;
	[tilespmem:$0x4080] =	vst v63  }
0x3c: {  	_ = 	snop  }
0x3d: {  	[tilespmem:s12], [sflag:$0x1] =	stream.indirect_vreg.gather [hbm4b:s11+s3], $0x80, v2, vm0, $0xb8;
	[tilespmem:$0x4080] =	vst v63  }
0x3e: {  	_ = 	snop  }
0x3f: {  	[tilespmem:s14], [sflag:$0x1] =	stream.indirect_vreg.gather [hbm4b:s13+s3], $0x80, v2, vm0, $0xb8;
	[tilespmem:$0x4080] =	vst v63  }
0x40: {  	_ = 	snop  }
0x41: {  	[tilespmem:s16], [sflag:$0x1] =	stream.indirect_vreg.gather [hbm4b:s15+s3], $0x80, v2, vm0, $0xb8;
	[tilespmem:$0x4080] =	vst v63  }
0x42: {  	_ = 	snop  }
0x43: {  	[tilespmem:s19], [sflag:$0x1] =	stream.indirect_vreg.gather [hbm4b:s17+s3], $0x80, v2, vm0, $0xb8;
	[tilespmem:$0x4080] =	vst v63  }
0x44: {  	_ = 	snop  }
0x45: {  	[tilespmem:s20], [sflag:$0x1] =	stream.indirect_vreg.gather [hbm4b:s18+s3], $0x80, v2, vm0, $0xb8;
	[tilespmem:$0x4080] =	vst v63  }
0x46: {  	_ =	swait.ge [sflag:s21], $0x4000  }
.Ltmp2:
0x47: {  	[sflag:s21] =	ssyncset.done $0x0;
	(pc) =	sbr.rel @p0 .LBB2_2-.Ltmp2, $4  }
0x48: {  	[sflag:s21] =	ssyncadd.s32 $0xFFFFC000  }
0x49: {  	[hbm4b:s22+s3] =	stream.linear.scatter [tilespmem:s6], [sflag:$0x2], $0x4000, $0x38;
	[tilespmem:$0x4080] =	vst v63  }
0x4a: {  	_ =	swait.ge [sflag:s4], $0x4000  }
0x4b: {  	[sflag:s4] =	ssyncset.done $0x0  }
.LBB2_3:
0x4c: {  	[sflag:s4] =	ssyncadd.s32 $0xFFFFC000  }
.LBB2_4:
0x4d: {  	_ =	sfence.sel $0x180000  }
0x4e: {  	[bflag:$0x0] =	sbarrier.arrive $0xFFFF  }
0x4f: {  	p0 =	sne.s32 s1, $0x0;
	_ =	strace $0x9000004A  }
0x50: {  	s0 =	sadd.s32 @!p0 $0x100000, s0;
	[bflag:$0x2] =	sbarrier.arrive $0xFFFF  }
0x51: {  	[sflag:s0] =	ssyncadd.tile.s32 @!p0 $0x1;
	_ =	shalt  }
.Lfunc_end2:
_tile_overlayer_lowered:
.L_overlay_start_2:
0x52: {  	(tag) =	ssettag $0x2  }
0x53: {  	s0 =	rddreg [dreg:$0x0];
	s2 =	stileid.u32  }
0x54: {  	s1 =	rddreg [dreg:$0x1];
	p0 =	sne.s32 s2, $0x0  }
0x55: {  	s3 =	rddreg [dreg:$0x2];
	[bflag:$0x3] =	sbarrier.arrive $0xFFFF;
	s2 =	simm.s32 @!p0 $0x1C02  }
0x56: {  	[timem:s3], [sflag:s2] =	dma.local @!p0 [hbm:s0], s1  }
0x57: {  	s0 =	simm.s32 @!p0 $0x2  }
0x58: {  	_ =	swait.ge @!p0 [sflag:s0], s1  }
0x59: {  	s1 =	ssub.s32 @!p0 $0x0, s1;
	[sflag:s0] =	ssyncset.done @!p0 $0x0  }
0x5a: {  	[sflag:s0] =	ssyncadd.s32 @!p0 s1  }
0x5b: {  	[bflag:$0x3] =	sbarrier.arrive $0xFFFF  }
0x5c: {  	_ =	shalt  }

// kernel: kernel.8.cloned.1.call-start
scs
__scs_entry_jumppad:
0x0: {  	(pc) =	sbr.rel $0x88, $3  }
0x1: {  	(tag) =	ssettag $0x0;
	lr =	simm.s32 $0x1  }
0x2: {  	[smem:$0x3F97] =	sst lr;
	_ =	strace $0xD0000000  }
0x3: {  	_ = 	snop  }
0x4: {  	_ = 	snop  }
0x5: {  	_ = 	snop  }
0x6: {  	_ = 	snop  }
0x7: {  	_ = 	snop  }
__scs_overlays_trampoline_lowered:
0x8: {  	[smem:$0x3FA6] =	sst s0  }
0x9: {  	[smem:$0x3FA7] =	sst s1  }
0xa: {  	[smem:$0x3FA8] =	sst s2  }
0xb: {  	[smem:$0x3FA9] =	sst s3  }
0xc: {  	[smem:$0x3FAA] =	sst s4  }
0xd: {  	[smem:$0x3FAB] =	sst s5  }
0xe: {  	[smem:$0x3FAC] =	sst s6  }
0xf: {  	[smem:$0x3FAD] =	sst s7  }
0x10: {  	[smem:$0x3FAE] =	sst s8  }
0x11: {  	[smem:$0x3FAF] =	sst s9;
	s0 =	simm.s32 @!p0 $0x0  }
0x12: {  	s1 =	sld [smem:$0x3F95];
	s0 =	simm.s32 @p0 $0x1  }
0x13: {  	[smem:$0x3FB0] =	sst s0;
	s0 =	simm.s32 @!p1 $0x0  }
0x14: {  	s2 =	sld [smem:$0x3F94];
	s0 =	simm.s32 @p1 $0x1  }
0x15: {  	[smem:$0x3FB1] =	sst s0;
	s0 =	simm.s32 @!p2 $0x0  }
0x16: {  	s3 =	sld [smem:$0x3FDB];
	s0 =	simm.s32 @p2 $0x1  }
0x17: {  	s4 =	simm.s32 $0x1BF5;
	[smem:$0x3FB3] =	sst s0  }
0x18: {  	s0 =	sld [smem:$0x3F96];
	_ =	swait.ge [sflag:s4], $0x0  }
0x19: {  	s7 =	sld [smem:$0x3F97]  }
0x1a: {  	s8 =	sadd.s32 $0xFFFFE003, lr  }
0x1b: {  	s9 =	sadd.s32 $0xFFFFFEF7, lr;
	s5 =	simm.s32 $0xFFFFFFFF;
	p2 =	slt.u32 s8, $0xFFFFF086  }
0x1c: {  	p1 =	slt.u32 s9, $0xF7A;
	s5 =	simm.s32 @!p2 $0x0  }
0x1d: {  	s5 =	simm.s32 @p1 $0x1;
	p0 =	seq.s32 s7, s2  }
0x1e: {  	s7 =	smul.u32 @!p0 $0xF7A, s2;
	p2 =	seq.s32 @!p0 s5, $0x0  }
0x1f: {  	s9 =	smul.u32 $0xF7A, s1;
	s8 =	simm.s32 @!p0 $0x1BF5;
	p2 =	por !p2, p0  }
0x20: {  	[sflag:s8] =	ssyncset.s32 @!p0 $0xFFFFF086;
	s6 =	sadd.s32 @!p0 s3, s7;
	s7 =	simm.s32 @!p0 $0x108  }
0x21: {  	s3 =	sadd.s32 s3, s9;
	s6 =	sadd.s32 @!p0 $0x88, s6;
	s7 =	simm.s32 @p2 $0x1082  }
0x22: {  	[simem:s7], [sflag:s8] =	dma.local @!p0 [hbm:s6], $0xF7A  }
0x23: {  	s9 =	sor.u32 $0xD0000000, s2;
	s6 =	simm.s32 $0x108;
	_ =	swait.ge @!p0 [sflag:s8], $0x0  }
0x24: {  	s3 =	sadd.s32 $0x88, s3;
	s6 =	simm.s32 @!p1 $0x1082;
	[sflag:s4] =	ssyncset.s32 $0xFFFFF086  }
0x25: {  	[simem:s6], [sflag:s4] =	dma.local [hbm:s3], $0xF7A  }
0x26: {  	[smem:$0x3F97] =	sst s1;
	(tag) =	ssettag s2;
	_ =	strace s9  }
0x27: {  	s1 =	sld [smem:$0x3FA7]  }
0x28: {  	s2 =	sld [smem:$0x3FA8]  }
0x29: {  	s4 =	sld [smem:$0x3FAA]  }
0x2a: {  	p0 =	seq.s32 s5, $0x0;
	s5 =	sld [smem:$0x3FAB]  }
0x2b: {  	s6 =	sld [smem:$0x3FAC]  }
0x2c: {  	s7 =	sld [smem:$0x3FAD]  }
0x2d: {  	s3 =	simm.s32 $0x108;
	s8 =	sld [smem:$0x3FAE]  }
0x2e: {  	s3 =	simm.s32 @!p0 $0x1082;
	s9 =	sld [smem:$0x3FAF]  }
0x2f: {  	lr =	sadd.s32 s0, s3;
	s0 =	sld [smem:$0x3FA6]  }
0x30: {  	s3 =	sld [smem:$0x3FA9]  }
0x31: {  	[smem:$0x3FB2] =	sst s10  }
0x32: {  	s10 =	sld [smem:$0x3FB0];
	_ =	sdelay $0x3  }
0x33: {  	p0 =	seq.s32 s10, $0x1;
	s10 =	sld [smem:$0x3FB2];
	_ =	sdelay $0x3  }
0x34: {  	[smem:$0x3FB2] =	sst s10  }
0x35: {  	s10 =	sld [smem:$0x3FB1];
	_ =	sdelay $0x3  }
0x36: {  	p1 =	seq.s32 s10, $0x1;
	s10 =	sld [smem:$0x3FB2];
	_ =	sdelay $0x3  }
0x37: {  	[smem:$0x3FB2] =	sst s10  }
0x38: {  	s10 =	sld [smem:$0x3FB3]  }
0x39: {  	_ = 	snop;
	(pc) =	sbr.ind lr, $3  }
0x3a: {  	_ = 	snop  }
0x3b: {  	_ = 	snop  }
0x3c: {  	p2 =	seq.s32 s10, $0x1;
	s10 =	sld [smem:$0x3FB2]  }
0x3d: {  	_ =	shalt  }
0x3e: {  	_ =	shalt  }
0x3f: {  	_ =	shalt  }
0x40: {  	_ =	shalt  }
0x41: {  	_ =	shalt  }
0x42: {  	_ =	shalt  }
0x43: {  	_ =	shalt  }
0x44: {  	_ =	shalt  }
0x45: {  	_ =	shalt  }
0x46: {  	_ =	shalt  }
0x47: {  	_ =	shalt  }
0x48: {  	_ =	shalt  }
0x49: {  	_ =	shalt  }
0x4a: {  	_ =	shalt  }
0x4b: {  	_ =	shalt  }
0x4c: {  	_ =	shalt  }
0x4d: {  	_ =	shalt  }
0x4e: {  	_ =	shalt  }
0x4f: {  	_ =	shalt  }
0x50: {  	_ =	shalt  }
0x51: {  	_ =	shalt  }
0x52: {  	_ =	shalt  }
0x53: {  	_ =	shalt  }
0x54: {  	_ =	shalt  }
0x55: {  	_ =	shalt  }
0x56: {  	_ =	shalt  }
0x57: {  	_ =	shalt  }
0x58: {  	_ =	shalt  }
0x59: {  	_ =	shalt  }
0x5a: {  	_ =	shalt  }
0x5b: {  	_ =	shalt  }
0x5c: {  	_ =	shalt  }
0x5d: {  	_ =	shalt  }
0x5e: {  	_ =	shalt  }
0x5f: {  	_ =	shalt  }
0x60: {  	_ =	shalt  }
0x61: {  	_ =	shalt  }
0x62: {  	_ =	shalt  }
0x63: {  	_ =	shalt  }
0x64: {  	_ =	shalt  }
0x65: {  	_ =	shalt  }
0x66: {  	_ =	shalt  }
0x67: {  	_ =	shalt  }
0x68: {  	_ =	shalt  }
0x69: {  	_ =	shalt  }
0x6a: {  	_ =	shalt  }
0x6b: {  	_ =	shalt  }
0x6c: {  	_ =	shalt  }
0x6d: {  	_ =	shalt  }
0x6e: {  	_ =	shalt  }
0x6f: {  	_ =	shalt  }
0x70: {  	_ =	shalt  }
0x71: {  	_ =	shalt  }
0x72: {  	_ =	shalt  }
0x73: {  	_ =	shalt  }
0x74: {  	_ =	shalt  }
0x75: {  	_ =	shalt  }
0x76: {  	_ =	shalt  }
0x77: {  	_ =	shalt  }
0x78: {  	_ =	shalt  }
0x79: {  	_ =	shalt  }
0x7a: {  	_ =	shalt  }
0x7b: {  	_ =	shalt  }
0x7c: {  	_ =	shalt  }
0x7d: {  	_ =	shalt  }
0x7e: {  	_ =	shalt  }
0x7f: {  	_ =	shalt  }
0x80: {  	_ =	shalt  }
0x81: {  	_ =	shalt  }
0x82: {  	_ =	shalt  }
0x83: {  	_ =	shalt  }
0x84: {  	_ =	shalt  }
0x85: {  	_ =	shalt  }
0x86: {  	_ =	shalt  }
0x87: {  	_ =	shalt  }
.Lfunc_end0:
.L_simem_size_0:
called_computation_lowered:
.L_overlay_start_0:
0x88: {  	s2 =	sld [smem:$0x3FD9]  }
0x89: {  	s3 =	sld [smem:$0x3FFE];
	_ =	sdelay $0x1  }
0x8a: {  	s1 =	srdreg.scid  }
0x8b: {  	s0 =	sand.u32 $0x1, s1  }
0x8c: {  	s17 =	sshll.u32 s0, $0xA;
	s2 =	sadd.s32 s3, s2  }
0x8d: {  	s2 =	sadd.s32 s2, s17  }
0x8e: {  	[smem:$0x3FBE] =	sst s2  }
0x8f: {  	_ = 	snop  }
0x90: {  	s2 =	sld [smem:$0x3FD0];
	(tm) =	ssettm $0x1  }
0x91: {  	s18 =	sld [smem:$0x3FFB];
	_ =	sdelay $0x3  }
0x92: {  	_ =	strace s18  }
0x93: {  	s3 =	sld [smem:$0x3FFC];
	_ =	sdelay $0x3  }
0x94: {  	_ =	strace s3  }
0x95: {  	s3 =	sld [smem:$0x3FFD];
	_ =	sdelay $0x3  }
0x96: {  	_ =	strace s3  }
0x97: {  	_ =	strace $0x8FFFFFFF  }
0x98: {  	s19 =	sld [smem:$0x3FDB];
	_ =	sdelay $0x1  }
0x99: {  	s4 =	simm.s32 $_scs_section_size  }
0x9a: {  	s5 =	simm.s32 $_size__tile_overlayer_lowered;
	s6 =	simm.s32 $_tile_overlayer_lowered  }
0x9b: {  	s22 =	simm.s32 $0x1BFF;
	s21 =	sshll.u32 s6, $0x1;
	s3 =	sadd.s32 s4, s19  }
0x9c: {  	s7 =	simm.s32 $0x0;
	s20 =	sshll.u32 s5, $0x1;
	s5 =	sadd.s32 s21, s3  }
0x9d: {  	[timem:s7], [sflag:s22] =	dma.local [hbm:s5], s20  }
0x9e: {  	_ =	swait.ge [sflag:s22], s20  }
0x9f: {  	s4 =	ssub.s32 $0x0, s20;
	[sflag:s22] =	ssyncset.done $0x0  }
0xa0: {  	[sflag:s22] =	ssyncadd.s32 s4;
	_ =	sdelay $0x1  }
0xa1: {  	s23 =	simm.s32 $0x1B8B  }
0xa2: {  	_ =	swait.ge [sflag:s23], $0x1  }
0xa3: {  	[sflag:s23] =	ssyncset.done $0x0  }
0xa4: {  	s25 =	simm.s32 $0x1B8E;
	s24 =	sld [smem:$0x3FFE];
	[sflag:s23] =	ssyncadd.s32 $0xFFFFFFFF  }
0xa5: {  	s26 =	simm.s32 $execute0_lowered;
	[smem:$0x3FD2] =	sst s25  }
0xa6: {  	s5 =	sshll.u32 s26, $0x1;
	_ =	strace $0x80000046;
	[dreg:$0x1] =	wrdreg $0xFFFFFFFF  }
0xa7: {  	s28 =	simm.s32 $_size_execute0_lowered;
	s3 =	sadd.s32 s3, s5;
	[dreg:$0x0] =	wrdreg $0x0  }
0xa8: {  	s5 =	sshll.u32 s28, $0x1;
	[dreg:$0x2] =	wrdreg s3  }
0xa9: {  	[dreg:$0x3] =	wrdreg s5  }
0xaa: {  	[dreg:$0x4] =	wrdreg $0xC0  }
0xab: {  	_ =	task [dreg:s7], $0x5FFFF  }
0xac: {  	[dreg:$0x1] =	wrdreg $0xFFFFFFFF  }
0xad: {  	[dreg:$0x0] =	wrdreg $0x60  }
0xae: {  	[dreg:$0x2] =	wrdreg s2  }
0xaf: {  	[dreg:$0x3] =	wrdreg s24  }
0xb0: {  	[dreg:$0x4] =	wrdreg $0xA800  }
0xb1: {  	[dreg:$0x5] =	wrdreg $0xAC00  }
0xb2: {  	[dreg:$0x6] =	wrdreg $0x9  }
0xb3: {  	_ =	task.clear_ibuf [dreg:s7], $0x7FFFF;
	_ =	strace $0x90000046  }
0xb4: {  	s29 =	simm.s32 $0x9;
	_ =	strace $0x80000048  }
0xb5: {  	_ =	swait.ge [sflag:s29], $0x1  }
0xb6: {  	[sflag:s29] =	ssyncadd.s32 $0xFFFFFFFF  }
0xb7: {  	_ =	strace $0x90000048  }
0xb8: {  	_ =	sfence  }
0xb9: {  	s30 =	sld [smem:$0x0];
	_ =	sdelay $0x2  }
0xba: {  	s31 =	sshll.u32 s1, $0xD;
	s1 =	sshrl.u32 s1, $0x2  }
0xbb: {  	s3 =	sand.u32 $0x4000, s31;
	s1 =	sadd.s32 s1, s30  }
0xbc: {  	s0 =	sor.u32 s3, s0;
	s1 =	sshll.u32 s1, $0x11  }
0xbd: {  	s0 =	sor.u32 s1, s0  }
0xbe: {  	s0 =	sadd.s32 $0x8F2B, s0  }
0xbf: {  	[sflag:s0] =	ssyncadd.remote.s32 $0x1  }
0xc0: {  	_ =	sfence.sel $0xFFFF  }
0xc1: {  	[dreg:$0x0] =	wrdreg $0xFFFFFFFF;
	(pc) =	sbr.abs _section_cstart, $3  }
0xc2: {  	[dreg:$0x1] =	wrdreg $0xFFFFFFFF  }
0xc3: {  	_ =	task.clear_ibuf [dreg:s7], $0x2FFFF;
	_ =	strace $0x9FFFFFFF  }
0xc4: {  	(tm) =	ssettm $0x7FFFFFFF  }
0xc5: {  	_ =	shalt  }
tec
execute0_lowered:
.L_overlay_start_1:
0x0: {  	(tag) =	ssettag $0x1  }
0x1: {  	s4 =	rddreg [dreg:$0x0]  }
0x2: {  	s5 =	rddreg [dreg:$0x1]  }
0x3: {  	s1 =	rddreg [dreg:$0x2]  }
0x4: {  	s2 =	rddreg [dreg:$0x3]  }
0x5: {  	s0 =	rddreg [dreg:$0x4];
	s3 =	simm.s32 $0x0;
	s6 =	srdreg.scid;
	v27 =	vlaneseq.u32  }
0x6: {  	s10 =	stileid.u32;
	[smem:$0x7FF] =	sst s3;
	s6 =	sand.u32 $0x1, s6;
	v45 =	vor.u32 $0x20, v27  }
0x7: {  	s8 =	sshll.u32 s10, $0x8;
	v46 =	vor.u32 $0x30, v27;
	_ =	strace $0x80000047;
	s7 =	sshll.u32 s6, $0xC;
	[tilespmem:$0x1FFD0] =	vst v45  }
0x8: {  	v44 =	vor.u32 $0x10, v27;
	[tilespmem:$0x1FFE0] =	vst v46;
	s7 =	sor.u32 s8, s7  }
0x9: {  	[tilespmem:$0x1FFF0] =	vst v44;
	s22 =	sor.u32 $0x10, s7;
	v32 =	vor.u32 s7, v27  }
0xa: {  	s23 =	sor.u32 $0x20, s7;
	v28 =	vor.u32 s22, v27;
	[tilespmem:$0x1FF10] =	vst v32  }
0xb: {  	s24 =	sor.u32 $0x30, s7;
	v29 =	vor.u32 s23, v27;
	[tilespmem:$0x1FED0] =	vst v28  }
0xc: {  	s12 =	sor.u32 $0x40, s7;
	v30 =	vor.u32 s24, v27;
	[tilespmem:$0x1FEE0] =	vst v29  }
0xd: {  	s13 =	sor.u32 $0x50, s7;
	v31 =	vor.u32 s12, v27;
	[tilespmem:$0x1FEF0] =	vst v30  }
0xe: {  	s14 =	sor.u32 $0x60, s7;
	v33 =	vor.u32 s13, v27;
	[tilespmem:$0x1FF00] =	vst v31  }
0xf: {  	s15 =	sor.u32 $0x70, s7;
	v34 =	vor.u32 s14, v27;
	[tilespmem:$0x1FF20] =	vst v33  }
0x10: {  	s31 =	sshll.u32 s10, $0x6;
	s25 =	sor.u32 $0x80, s7;
	v35 =	vor.u32 s15, v27;
	[tilespmem:$0x1FF30] =	vst v34  }
0x11: {  	p0 =	sne.s32 s10, $0x0;
	s10 =	simm.s32 $0x100;
	s16 =	sor.u32 $0x90, s7;
	v36 =	vor.u32 s25, v27;
	[tilespmem:$0x1FF40] =	vst v35  }
0x12: {  	s9 =	sshll.u32 s6, $0x3;
	s6 =	ssub.s32 $0x2, s6;
	s17 =	sor.u32 $0xA0, s7;
	v37 =	vor.u32 s16, v27;
	[tilespmem:$0x1FF50] =	vst v36  }
0x13: {  	s19 =	sadd.s32 s9, s5;
	s20 =	sshrl.u32 s6, $0x1;
	s26 =	sor.u32 $0xB0, s7;
	v38 =	vor.u32 s17, v27;
	[tilespmem:$0x1FF60] =	vst v37  }
0x14: {  	s5 =	sadd.s32 s31, s1;
	s9 =	simm.s32 $0x1;
	s28 =	sor.u32 $0xC0, s7;
	v39 =	vor.u32 s26, v27;
	[tilespmem:$0x1FF70] =	vst v38  }
.Ltmp0:
0x15: {  	s21 =	sshrl.u32 s7, $0x3;
	s18 =	sor.u32 $0xD0, s7;
	v40 =	vor.u32 s28, v27;
	[tilespmem:$0x1FF80] =	vst v39;
	(pc) =	sbr.rel .LBB2_1-.Ltmp0, $4  }
0x16: {  	s11 =	ssub.s32 s6, s20;
	s29 =	sor.u32 $0xE0, s7;
	s30 =	sor.u32 $0xF0, s7;
	v41 =	vor.u32 s18, v27;
	[tilespmem:$0x1FF90] =	vst v40  }
0x17: {  	s6 =	sadd.s32 s31, s2;
	s7 =	sadd.s32 $0x1E00, s19;
	s4 =	sadd.s32 s4, s21;
	v42 =	vor.u32 s29, v27;
	[tilespmem:$0x1FFA0] =	vst v41  }
0x18: {  	s8 =	smax.u32 s11, $0x1;
	v43 =	vor.u32 s30, v27;
	s11 =	simm.s32 $0x180;
	s12 =	simm.s32 $0x200;
	[tilespmem:$0x1FFB0] =	vst v42  }
0x19: {  	s13 =	simm.s32 $0x600;
	s14 =	simm.s32 $0xA00;
	s15 =	simm.s32 $0x0;
	[tilespmem:$0x1FFC0] =	vst v43  }
.LBB2_6:
0x1a: {  	v59 =	vld [tilespmem:$0x220]  }
0x1b: {  	v52 =	vld [tilespmem:$0x230]  }
0x1c: {  	[tilespmem:$0x270] =	vst v16;
	v16 =	vld [tilespmem:$0x1FA20]  }
0x1d: {  	vm11 =	veq.s32 v50, s17;
	v50 =	vld [tilespmem:$0x1FA10]  }
0x1e: {  	[tilespmem:$0x240] =	vst v20;
	v20 =	vld [tilespmem:$0x1FA40]  }
0x1f: {  	vm15 =	veq.s32 v54, s17;
	v54 =	vld [tilespmem:$0x1FA50]  }
0x20: {  	vm9 =	veq.s32 v56, s17;
	v56 =	vld [tilespmem:$0x1FA70]  }
0x21: {  	[tilespmem:$0x250] =	vst v15;
	v25 =	vld [tilespmem:$0x240]  }
0x22: {  	[tilespmem:$0x260] =	vst v21;
	v21 =	vld [tilespmem:$0x250]  }
0x23: {  	vm4 =	veq.s32 v45, s17;
	[tilespmem:$0x280] =	vst v14;
	vm5 =	veq.s32 v47, s17;
	vm14 =	veq.s32 v55, s17;
	v45 =	vld [tilespmem:$0x260]  }
0x24: {  	vm10 =	veq.s32 v60, s17;
	v22 =	vsel vm5, $0xFF800000, v48;
	v48 =	vld [tilespmem:$0x280];
	v55 =	vsel vm14, $0xFF800000, v32  }
0x25: {  	[tilespmem:$0x2E0] =	vst v55;
	v55 =	vsel vm10, $0xFF800000, v58;
	v58 =	vld [tilespmem:$0x1FA90]  }
0x26: {  	v30 =	vld [tilespmem:$0x2E0]  }
0x27: {  	[tilespmem:$0x320] =	vst v55;
	v55 =	vld [tilespmem:$0x1FAE0]  }
0x28: {  	v53 =	vmax.f32 v23, v24;
	vm13 =	veq.s32 v51, s17;
	v14 =	vsel vm4, $0xFF800000, v16;
	v16 =	vld [tilespmem:$0x270]  }
0x29: {  	v15 =	vmax.f32 v53, v59;
	v53 =	vsel vm13, $0xFF800000, v31;
	vm13 =	veq.s32 v61, s17;
	v61 =	vld [tilespmem:$0x1FAA0]  }
0x2a: {  	vm8 =	veq.s32 v11, s17;
	v47 =	vmov v52;
	v15 =	vmax.f32 v15, v52;
	v52 =	vld [tilespmem:$0x1FA30]  }
0x2b: {  	v11 =	vsel vm15, $0xFF800000, v20;
	[tilespmem:$0x290] =	vst v14;
	v14 =	vsel vm11, $0xFF800000, v50;
	vm11 =	veq.s32 v57, s17;
	v57 =	vld [tilespmem:$0x1FA80]  }
0x2c: {  	[tilespmem:$0x2F0] =	vst v11;
	v11 =	vsel vm9, $0xFF800000, v54;
	vm9 =	veq.s32 v17, s17;
	v17 =	vld [tilespmem:$0x1FAC0]  }
0x2d: {  	[tilespmem:$0x2D0] =	vst v53;
	v53 =	vsel vm8, $0xFF800000, v29;
	vm8 =	veq.s32 v12, s17;
	v12 =	vld [tilespmem:$0x1FB60]  }
0x2e: {  	v50 =	vmov v25;
	v15 =	vmax.f32 v15, v25;
	v25 =	vld [tilespmem:$0x290]  }
0x2f: {  	v20 =	vld [tilespmem:$0x2F0]  }
0x30: {  	[tilespmem:$0x300] =	vst v53;
	v53 =	vld [tilespmem:$0x1FAD0]  }
0x31: {  	vm14 =	veq.s32 v0, s17;
	[tilespmem:$0x2A0] =	vst v22;
	v0 =	vsel vm13, $0xFF800000, v58;
	v58 =	vld [tilespmem:$0x1FAF0]  }
0x32: {  	vm12 =	veq.s32 v49, s17;
	v49 =	vmov v21;
	[tilespmem:$0x2B0] =	vst v14;
	v15 =	vmax.f32 v15, v21;
	v21 =	vld [tilespmem:$0x2A0]  }
0x33: {  	v26 =	vld [tilespmem:$0x2B0];
	[tilespmem:$0x350] =	vst v0  }
0x34: {  	vm15 =	veq.s32 v63, s17;
	[tilespmem:$0x310] =	vst v11;
	v15 =	vmax.f32 v15, v45;
	v63 =	vld [tilespmem:$0x350]  }
0x35: {  	v15 =	vmax.f32 v15, v16;
	v32 =	vmov v16;
	v16 =	vld [tilespmem:$0x310]  }
0x36: {  	v0 =	vsel vm14, $0xFF800000, v61;
	v61 =	vld [tilespmem:$0x1FB10]  }
0x37: {  	v14 =	vsel vm12, $0xFF800000, v52;
	v52 =	vld [tilespmem:$0x2D0]  }
0x38: {  	vm12 =	veq.s32 v62, s17;
	v62 =	vld [tilespmem:$0x1FAB0]  }
0x39: {  	v51 =	vmov v48;
	v22 =	vmax.f32 v15, v48;
	v48 =	vld [tilespmem:$0x320];
	[tilespmem:$0x2C0] =	vst v14  }
0x3a: {  	v28 =	vld [tilespmem:$0x2C0]  }
0x3b: {  	v11 =	vsel vm11, $0xFF800000, v56;
	[tilespmem:$0x360] =	vst v0;
	v14 =	vmax.f32 v22, v25;
	v22 =	vld [tilespmem:$0x300]  }
0x3c: {  	[tilespmem:$0x330] =	vst v11;
	v11 =	vsel vm12, $0xFF800000, v57;
	v15 =	vld [tilespmem:$0x360]  }
0x3d: {  	vm12 =	veq.s32 v6, s17;
	v6 =	vld [tilespmem:$0x1FB50];
	v14 =	vmax.f32 v14, v21;
	[tilespmem:$0x340] =	vst v11;
	v0 =	vsel vm15, $0xFF800000, v62  }
0x3e: {  	v14 =	vmax.f32 v14, v26;
	v62 =	vld [tilespmem:$0x1FB20];
	[tilespmem:$0x370] =	vst v0;
	v0 =	vsel vm8, $0xFF800000, v17  }
0x3f: {  	v14 =	vmax.f32 v14, v28;
	[tilespmem:$0x380] =	vst v0;
	v0 =	vsel vm9, $0xFF800000, v53;
	vm9 =	veq.s32 v4, s17;
	v4 =	vld [tilespmem:$0x1FB40]  }
0x40: {  	v29 =	vmov v52;
	[tilespmem:$0x1F730] =	vst v52;
	v14 =	vmax.f32 v14, v52;
	v52 =	vld [tilespmem:$0x340]  }
0x41: {  	vm10 =	veq.s32 v2, s17;
	v57 =	vld [tilespmem:$0x380]  }
0x42: {  	[tilespmem:$0x390] =	vst v0;
	v0 =	vsel vm10, $0xFF800000, v55;
	vm10 =	veq.s32 v5, s17;
	v5 =	vld [tilespmem:$0x1FBA0]  }
0x43: {  	v60 =	vmax.f32 v14, v30;
	v14 =	vld [tilespmem:$0x330]  }
0x44: {  	v31 =	vld [tilespmem:$0x390]  }
0x45: {  	vm11 =	veq.s32 v1, s17;
	v11 =	vmax.f32 v60, v20;
	v60 =	vld [tilespmem:$0x1FB00]  }
0x46: {  	[tilespmem:$0x3A0] =	vst v0;
	v0 =	vsel vm11, $0xFF800000, v58;
	vm11 =	veq.s32 v18, s17;
	v18 =	vld [tilespmem:$0x1FB70];
	v11 =	vmax.f32 v11, v22  }
0x47: {  	v53 =	vld [tilespmem:$0x3A0];
	v11 =	vmax.f32 v11, v16  }
0x48: {  	[tilespmem:$0x3B0] =	vst v0;
	v54 =	vmax.f32 v11, v48;
	v11 =	vld [tilespmem:$0x370]  }
0x49: {  	v56 =	vmax.f32 v54, v14;
	v54 =	vld [tilespmem:$0x3B0]  }
0x4a: {  	v1 =	vmax.f32 v56, v52;
	v0 =	vsel vm12, $0xFF800000, v60;
	vm12 =	veq.s32 v19, s17;
	v19 =	vld [tilespmem:$0x1FB80]  }
0x4b: {  	vm13 =	veq.s32 v3, s17;
	v17 =	vmov v63;
	v1 =	vmax.f32 v1, v63;
	[tilespmem:$0x3C0] =	vst v0;
	v63 =	vld [tilespmem:$0x1FB30]  }
0x4c: {  	vm14 =	veq.s32 v8, s17;
	vm15 =	veq.s32 v7, s17;
	v0 =	vsel vm13, $0xFF800000, v61;
	v7 =	vld [tilespmem:$0x3C0]  }
0x4d: {  	[tilespmem:$0x3D0] =	vst v0;
	v0 =	vsel vm14, $0xFF800000, v62;
	vm14 =	veq.s32 v35, s17;
	v35 =	vld [tilespmem:$0x1FB90]  }
0x4e: {  	[tilespmem:$0x3E0] =	vst v0;
	v8 =	vld [tilespmem:$0x3D0]  }
0x4f: {  	v55 =	vld [tilespmem:$0x3E0]  }
0x50: {  	vm8 =	veq.s32 v9, s17;
	v0 =	vsel vm15, $0xFF800000, v63;
	vm15 =	veq.s32 v34, s17;
	v34 =	vld [tilespmem:$0x1FBF0]  }
0x51: {  	[tilespmem:$0x3F0] =	vst v0;
	v0 =	vsel vm8, $0xFF800000, v4;
	vm8 =	veq.s32 v33, s17;
	v33 =	vld [tilespmem:$0x1FBE0]  }
0x52: {  	v1 =	vmax.f32 v1, v15;
	v56 =	vld [tilespmem:$0x3F0]  }
0x53: {  	v1 =	vmax.f32 v1, v11;
	[tilespmem:$0x400] =	vst v0;
	v0 =	vsel vm9, $0xFF800000, v6;
	vm9 =	veq.s32 v10, s17;
	v10 =	vld [tilespmem:$0x1FD70]  }
0x54: {  	v9 =	vmov v57;
	v1 =	vmax.f32 v1, v57;
	v57 =	vld [tilespmem:$0x400]  }
0x55: {  	[tilespmem:$0x410] =	vst v0;
	v0 =	vsel vm10, $0xFF800000, v12;
	v12 =	vld [tilespmem:$0x1FBB0]  }
0x56: {  	v58 =	vld [tilespmem:$0x410]  }
0x57: {  	[tilespmem:$0x420] =	vst v0;
	v0 =	vsel vm11, $0xFF800000, v18;
	v18 =	vld [tilespmem:$0x1FBC0]  }
0x58: {  	v6 =	vld [tilespmem:$0x420]  }
0x59: {  	[tilespmem:$0x430] =	vst v0;
	v0 =	vsel vm12, $0xFF800000, v19;
	v19 =	vld [tilespmem:$0x1FBD0]  }
0x5a: {  	vm12 =	veq.s32 v43, s17;
	v43 =	vld [tilespmem:$0x1FC30]  }
0x5b: {  	vm13 =	veq.s32 v36, s17;
	v36 =	vld [tilespmem:$0x430]  }
0x5c: {  	[tilespmem:$0x440] =	vst v0;
	v0 =	vsel vm13, $0xFF800000, v35;
	v35 =	vld [tilespmem:$0x1FC00]  }
0x5d: {  	v1 =	vmax.f32 v1, v31;
	v60 =	vld [tilespmem:$0x440]  }
0x5e: {  	v1 =	vmax.f32 v1, v53;
	[tilespmem:$0x450] =	vst v0;
	v0 =	vsel vm14, $0xFF800000, v5;
	vm14 =	veq.s32 v41, s17;
	v41 =	vld [tilespmem:$0x1FC20]  }
0x5f: {  	v1 =	vmax.f32 v1, v54;
	v5 =	vld [tilespmem:$0x450]  }
0x60: {  	v1 =	vmax.f32 v1, v7;
	[tilespmem:$0x460] =	vst v0;
	v0 =	vsel vm15, $0xFF800000, v12;
	vm15 =	veq.s32 v40, s17;
	v40 =	vld [tilespmem:$0x1FC70]  }
0x61: {  	v1 =	vmax.f32 v1, v8;
	v3 =	vld [tilespmem:$0x460]  }
0x62: {  	v1 =	vmax.f32 v1, v55;
	[tilespmem:$0x470] =	vst v0;
	v0 =	vsel vm8, $0xFF800000, v18;
	vm8 =	veq.s32 v39, s17;
	v39 =	vld [tilespmem:$0x1FD50]  }
0x63: {  	v1 =	vmax.f32 v1, v56;
	v61 =	vld [tilespmem:$0x470]  }
0x64: {  	v1 =	vmax.f32 v1, v57;
	[tilespmem:$0x480] =	vst v0;
	v0 =	vsel vm9, $0xFF800000, v19;
	vm9 =	veq.s32 v38, s17;
	v38 =	vld [tilespmem:$0x1FC60]  }
0x65: {  	v1 =	vmax.f32 v1, v58;
	v19 =	vld [tilespmem:$0x1FC90]  }
0x66: {  	v1 =	vmax.f32 v1, v6;
	v2 =	vld [tilespmem:$0x480]  }
0x67: {  	vm10 =	veq.s32 v46, s17;
	v1 =	vmax.f32 v1, v36;
	v46 =	vmov v36;
	v36 =	vld [tilespmem:$0x1FC10]  }
0x68: {  	[tilespmem:$0x490] =	vst v0;
	v0 =	vsel vm10, $0xFF800000, v33;
	vm10 =	veq.s32 v37, s17;
	v37 =	vld [tilespmem:$0x1FD40]  }
0x69: {  	vm11 =	veq.s32 v44, s17;
	[tilespmem:$0x4A0] =	vst v0;
	v4 =	vld [tilespmem:$0x490]  }
0x6a: {  	v0 =	vsel vm11, $0xFF800000, v34;
	v62 =	vld [tilespmem:$0x4A0]  }
0x6b: {  	[tilespmem:$0x4B0] =	vst v0;
	v0 =	vsel vm12, $0xFF800000, v35;
	v35 =	vld [tilespmem:$0x1FC40]  }
0x6c: {  	v63 =	vld [tilespmem:$0x4B0]  }
0x6d: {  	[tilespmem:$0x4C0] =	vst v0;
	vm12 =	veq.s32 v39, s17;
	v39 =	vld [tilespmem:$0x1FCB0]  }
0x6e: {  	vm13 =	veq.s32 v42, s17;
	v1 =	vmax.f32 v1, v60;
	v42 =	vld [tilespmem:$0x4C0]  }
0x6f: {  	v1 =	vmax.f32 v1, v5;
	v0 =	vsel vm13, $0xFF800000, v36;
	v36 =	vld [tilespmem:$0x1FC50]  }
0x70: {  	v1 =	vmax.f32 v1, v3;
	vm11 =	veq.s32 v37, s17;
	v37 =	vld [tilespmem:$0x1FCA0]  }
0x71: {  	v1 =	vmax.f32 v1, v61;
	[tilespmem:$0x4D0] =	vst v0;
	v0 =	vsel vm14, $0xFF800000, v41;
	v41 =	vld [tilespmem:$0x1FD60]  }
0x72: {  	v1 =	vmax.f32 v1, v2;
	vm14 =	veq.s32 v10, s17;
	v10 =	vld [tilespmem:$0x1FD10]  }
0x73: {  	v1 =	vmax.f32 v1, v4;
	[tilespmem:$0x4E0] =	vst v0;
	v0 =	vsel vm15, $0xFF800000, v43;
	v44 =	vld [tilespmem:$0x4D0]  }
0x74: {  	v1 =	vmax.f32 v1, v62;
	[tilespmem:$0x4F0] =	vst v0;
	v0 =	vsel vm8, $0xFF800000, v35;
	v35 =	vld [tilespmem:$0x4E0]  }
0x75: {  	v1 =	vmax.f32 v1, v63;
	[tilespmem:$0x1F630] =	vst v42;
	v33 =	vld [tilespmem:$0x4F0]  }
0x76: {  	[tilespmem:$0x500] =	vst v0;
	v1 =	vmax.f32 v1, v42;
	v42 =	vld [tilespmem:$0x1FC80]  }
0x77: {  	v34 =	vld [tilespmem:$0x500]  }
0x78: {  	v0 =	vsel vm9, $0xFF800000, v36;
	v36 =	vld [tilespmem:$0x1FCE0]  }
0x79: {  	[tilespmem:$0x510] =	vst v0;
	v0 =	vsel vm10, $0xFF800000, v38;
	v38 =	vld [tilespmem:$0x1FD90]  }
0x7a: {  	vm13 =	veq.s32 v41, s17;
	v41 =	vld [tilespmem:$0x1FCC0]  }
0x7b: {  	v18 =	vld [tilespmem:$0x510]  }
0x7c: {  	[tilespmem:$0x520] =	vst v0;
	v0 =	vsel vm11, $0xFF800000, v40;
	v40 =	vld [tilespmem:$0x1FDA0]  }
0x7d: {  	v43 =	vmax.f32 v1, v44;
	v1 =	vmov v44;
	v44 =	vld [tilespmem:$0x520]  }
0x7e: {  	[tilespmem:$0x1F640] =	vst v35;
	v12 =	vmax.f32 v43, v35;
	v35 =	vld [tilespmem:$0x1FD80]  }
0x7f: {  	v43 =	vld [tilespmem:$0x1FCD0]  }
0x80: {  	[tilespmem:$0x530] =	vst v0;
	v0 =	vsel vm12, $0xFF800000, v42;
	v42 =	vld [tilespmem:$0x1FDB0]  }
0x81: {  	[tilespmem:$0x540] =	vst v0;
	v0 =	vsel vm13, $0xFF800000, v19;
	v19 =	vld [tilespmem:$0x530]  }
0x82: {  	[tilespmem:$0x1F650] =	vst v33;
	v12 =	vmax.f32 v12, v33;
	v33 =	vld [tilespmem:$0x540]  }
0x83: {  	[tilespmem:$0x550] =	vst v0;
	v0 =	vsel vm14, $0xFF800000, v37;
	v37 =	vld [tilespmem:$0x1FDD0]  }
0x84: {  	vm8 =	veq.s32 v38, s17;
	v38 =	vld [tilespmem:$0x1FCF0]  }
0x85: {  	[tilespmem:$0x1F660] =	vst v34;
	v12 =	vmax.f32 v12, v34;
	v34 =	vld [tilespmem:$0x550]  }
0x86: {  	[tilespmem:$0x560] =	vst v0;
	vm9 =	veq.s32 v40, s17;
	v40 =	vld [tilespmem:$0x1FD00]  }
0x87: {  	[tilespmem:$0x1F670] =	vst v18;
	v12 =	vmax.f32 v12, v18;
	v18 =	vld [tilespmem:$0x560]  }
0x88: {  	[tilespmem:$0x1F680] =	vst v44;
	vm15 =	veq.s32 v35, s17;
	v12 =	vmax.f32 v12, v44;
	v44 =	vld [tilespmem:$0x1FDC0]  }
0x89: {  	v0 =	vsel vm15, $0xFF800000, v39;
	v39 =	vld [tilespmem:$0x1FDE0];
	[tilespmem:$0x1F690] =	vst v19  }
0x8a: {  	[tilespmem:$0x570] =	vst v0;
	v0 =	vsel vm8, $0xFF800000, v41;
	v41 =	vld [tilespmem:$0x1FDF0]  }
0x8b: {  	v12 =	vmax.f32 v12, v19;
	v19 =	vld [tilespmem:$0x1FE00];
	[tilespmem:$0x1F6A0] =	vst v33  }
0x8c: {  	[tilespmem:$0x580] =	vst v0;
	v35 =	vld [tilespmem:$0x570]  }
0x8d: {  	vm10 =	veq.s32 v42, s17;
	v0 =	vsel vm9, $0xFF800000, v43;
	v12 =	vmax.f32 v12, v33;
	v33 =	vld [tilespmem:$0x1FD20];
	[tilespmem:$0x1F6B0] =	vst v34  }
0x8e: {  	[tilespmem:$0x590] =	vst v0;
	v0 =	vsel vm10, $0xFF800000, v36;
	v12 =	vmax.f32 v12, v34;
	v34 =	vld [tilespmem:$0x1FD30];
	vm11 =	veq.s32 v44, s17  }
0x8f: {  	v44 =	vld [tilespmem:$0x580];
	[tilespmem:$0x5A0] =	vst v0;
	v0 =	vsel vm11, $0xFF800000, v38  }
0x90: {  	vm12 =	veq.s32 v37, s17;
	v43 =	vld [tilespmem:$0x590];
	[tilespmem:$0x5B0] =	vst v0  }
0x91: {  	vm13 =	veq.s32 v39, s17;
	v42 =	vld [tilespmem:$0x5A0];
	v0 =	vsel vm12, $0xFF800000, v40;
	[tilespmem:$0x1F6D0] =	vst v35  }
0x92: {  	v12 =	vmax.f32 v12, v18;
	vm14 =	veq.s32 v41, s17;
	[tilespmem:$0x5C0] =	vst v0;
	v0 =	vsel vm13, $0xFF800000, v10;
	v41 =	vld [tilespmem:$0x5B0]  }
0x93: {  	vm15 =	veq.s32 v19, s17;
	v12 =	vmax.f32 v12, v35;
	[tilespmem:$0x5D0] =	vst v0;
	v0 =	vsel vm14, $0xFF800000, v33;
	v40 =	vld [tilespmem:$0x5C0]  }
0x94: {  	[tilespmem:$0x5E0] =	vst v0;
	v0 =	vsel vm15, $0xFF800000, v34;
	v12 =	vmax.f32 v12, v44;
	v34 =	vld [tilespmem:$0x5D0]  }
0x95: {  	[tilespmem:$0x5F0] =	vst v0;
	v35 =	vmax.f32 v12, v43;
	v10 =	vld [tilespmem:$0x5E0]  }
0x96: {  	v12 =	vmax.f32 v35, v42;
	v33 =	vld [tilespmem:$0x5F0]  }
0x97: {  	v12 =	vmax.f32 v12, v41  }
0x98: {  	v12 =	vmax.f32 v12, v40  }
0x99: {  	v12 =	vmax.f32 v12, v34  }
0x9a: {  	v12 =	vmax.f32 v12, v10  }
0x9b: {  	v12 =	vmax.f32 v12, v33  }
0x9c: {  	(xrf0) =	vmax.scan.msk.f32 $0xffff, v12;
	_ =	sdelay $0x3  }
0x9d: {  	v0 =	vld [tilespmem:$0x610]  }
0x9e: {  	v12 =	vld [tilespmem:$0x600]  }
0x9f: {  	v39, _, _ =	vpop (xrf0)  }
0xa0: {  	[tilespmem:$0x1F6C0] =	vst v18;
	v18 =	vbroadcast v39, $0xF;
	v39 =	vmov v23;
	v23 =	vld [tilespmem:$0x620];
	_ =	sdelay $0x1  }
0xa1: {  	v35 =	vld [tilespmem:$0x630];
	vm8 =	veq.f32 v39, v18;
	vm9 =	veq.f32 v24, v18  }
0xa2: {  	v19 =	vnsel vm9, $0x2000, v0;
	v0 =	vnsel vm8, $0x2000, v12  }
0xa3: {  	v37 =	vld [tilespmem:$0x640];
	vm10 =	veq.f32 v59, v18;
	vm4 =	vlt.s32 v0, v19  }
0xa4: {  	v19 =	vsel vm4, v0, v19;
	v23 =	vnsel vm10, $0x2000, v23  }
0xa5: {  	v36 =	vld [tilespmem:$0x650];
	vm11 =	veq.f32 v47, v18;
	vm4 =	vlt.s32 v19, v23  }
0xa6: {  	v0 =	vnsel vm11, $0x2000, v35;
	v19 =	vsel vm4, v19, v23  }
0xa7: {  	vm12 =	veq.f32 v50, v18;
	v35 =	vld [tilespmem:$0x660];
	vm4 =	vlt.s32 v19, v0  }
0xa8: {  	v19 =	vsel vm4, v19, v0;
	v0 =	vnsel vm12, $0x2000, v37  }
0xa9: {  	vm13 =	veq.f32 v49, v18;
	v37 =	vld [tilespmem:$0x670];
	vm4 =	vlt.s32 v19, v0  }
0xaa: {  	v19 =	vsel vm4, v19, v0;
	v0 =	vnsel vm13, $0x2000, v36  }
0xab: {  	vm14 =	veq.f32 v45, v18;
	v36 =	vld [tilespmem:$0x680];
	vm4 =	vlt.s32 v19, v0  }
0xac: {  	[tilespmem:$0x1F6E0] =	vst v45;
	v45 =	vnsel vm14, $0x2000, v35;
	v19 =	vsel vm4, v19, v0  }
0xad: {  	vm15 =	veq.f32 v32, v18;
	v35 =	vld [tilespmem:$0x690];
	vm4 =	vlt.s32 v19, v45  }
0xae: {  	v0 =	vnsel vm15, $0x2000, v37;
	v19 =	vsel vm4, v19, v45  }
0xaf: {  	vm8 =	veq.f32 v51, v18;
	v37 =	vld [tilespmem:$0x6A0];
	vm5 =	vlt.s32 v19, v0  }
0xb0: {  	v45 =	vnsel vm8, $0x2000, v36;
	v19 =	vsel vm5, v19, v0  }
0xb1: {  	vm9 =	veq.f32 v25, v18;
	v36 =	vld [tilespmem:$0x6B0];
	vm5 =	vlt.s32 v19, v45  }
0xb2: {  	v0 =	vnsel vm9, $0x2000, v35;
	v19 =	vsel vm5, v19, v45  }
0xb3: {  	vm10 =	veq.f32 v21, v18;
	v35 =	vld [tilespmem:$0x6C0];
	vm5 =	vlt.s32 v19, v0  }
0xb4: {  	v45 =	vnsel vm10, $0x2000, v37;
	v19 =	vsel vm5, v19, v0  }
0xb5: {  	vm11 =	veq.f32 v26, v18;
	v37 =	vld [tilespmem:$0x6D0];
	vm5 =	vlt.s32 v19, v45  }
0xb6: {  	v0 =	vnsel vm11, $0x2000, v36;
	v19 =	vsel vm5, v19, v45  }
0xb7: {  	vm12 =	veq.f32 v28, v18;
	v36 =	vld [tilespmem:$0x6E0];
	vm5 =	vlt.s32 v19, v0  }
0xb8: {  	v45 =	vnsel vm12, $0x2000, v35;
	v19 =	vsel vm5, v19, v0  }
0xb9: {  	vm13 =	veq.f32 v29, v18;
	v35 =	vld [tilespmem:$0x6F0];
	vm5 =	vlt.s32 v19, v45  }
0xba: {  	v0 =	vnsel vm13, $0x2000, v37;
	v19 =	vsel vm5, v19, v45  }
0xbb: {  	vm14 =	veq.f32 v30, v18;
	v37 =	vld [tilespmem:$0x700];
	vm5 =	vlt.s32 v19, v0  }
0xbc: {  	v45 =	vnsel vm14, $0x2000, v36;
	v19 =	vsel vm5, v19, v0  }
0xbd: {  	vm15 =	veq.f32 v20, v18;
	v36 =	vld [tilespmem:$0x710];
	vm5 =	vlt.s32 v19, v45  }
0xbe: {  	v0 =	vnsel vm15, $0x2000, v35;
	v19 =	vsel vm5, v19, v45  }
0xbf: {  	vm8 =	veq.f32 v22, v18;
	v35 =	vld [tilespmem:$0x720];
	vm5 =	vlt.s32 v19, v0  }
0xc0: {  	v45 =	vnsel vm8, $0x2000, v37;
	v19 =	vsel vm5, v19, v0  }
0xc1: {  	vm9 =	veq.f32 v16, v18;
	v0 =	vld [tilespmem:$0x730];
	vm5 =	vlt.s32 v19, v45  }
0xc2: {  	[tilespmem:$0x1F700] =	vst v21;
	v21 =	vmov v16;
	v16 =	vnsel vm9, $0x2000, v36;
	v19 =	vsel vm5, v19, v45  }
0xc3: {  	vm10 =	veq.f32 v48, v18;
	v36 =	vld [tilespmem:$0x740];
	vm5 =	vlt.s32 v19, v16  }
0xc4: {  	v45 =	vnsel vm10, $0x2000, v35;
	v19 =	vsel vm5, v19, v16  }
0xc5: {  	vm11 =	veq.f32 v14, v18;
	v35 =	vld [tilespmem:$0x750];
	vm5 =	vlt.s32 v19, v45  }
0xc6: {  	v0 =	vnsel vm11, $0x2000, v0;
	v19 =	vsel vm5, v19, v45  }
0xc7: {  	[tilespmem:$0x1F750] =	vst v20;
	v20 =	vmov v14;
	v14 =	vld [tilespmem:$0x760];
	vm12 =	veq.f32 v52, v18;
	vm5 =	vlt.s32 v19, v0  }
0xc8: {  	v45 =	vnsel vm12, $0x2000, v36;
	v19 =	vsel vm5, v19, v0  }
0xc9: {  	vm13 =	veq.f32 v17, v18;
	v36 =	vld [tilespmem:$0x770];
	vm5 =	vlt.s32 v19, v45  }
0xca: {  	v0 =	vnsel vm13, $0x2000, v35;
	v19 =	vsel vm5, v19, v45  }
0xcb: {  	vm14 =	veq.f32 v15, v18;
	v35 =	vld [tilespmem:$0x780];
	vm5 =	vlt.s32 v19, v0  }
0xcc: {  	v14 =	vnsel vm14, $0x2000, v14;
	v19 =	vsel vm5, v19, v0  }
0xcd: {  	vm15 =	veq.f32 v11, v18;
	v45 =	vld [tilespmem:$0x790];
	vm5 =	vlt.s32 v19, v14  }
0xce: {  	v0 =	vnsel vm15, $0x2000, v36;
	v19 =	vsel vm5, v19, v14  }
0xcf: {  	vm8 =	veq.f32 v9, v18;
	v16 =	vmov v11;
	v11 =	vld [tilespmem:$0x7A0];
	vm5 =	vlt.s32 v19, v0  }
0xd0: {  	v14 =	vnsel vm8, $0x2000, v35;
	v19 =	vsel vm5, v19, v0  }
0xd1: {  	v29 =	vmov v15;
	v15 =	vld [tilespmem:$0x7B0];
	vm9 =	veq.f32 v31, v18;
	vm5 =	vlt.s32 v19, v14  }
0xd2: {  	v0 =	vnsel vm9, $0x2000, v45;
	v19 =	vsel vm5, v19, v14  }
0xd3: {  	[tilespmem:$0x1F740] =	vst v30;
	v30 =	vmovc v17;
	v17 =	vmov v9;
	v9 =	vld [tilespmem:$0x7C0];
	vm10 =	veq.f32 v53, v18;
	vm5 =	vlt.s32 v19, v0  }
0xd4: {  	v45 =	vnsel vm10, $0x2000, v11;
	v19 =	vsel vm5, v19, v0  }
0xd5: {  	vm11 =	veq.f32 v54, v18;
	v0 =	vld [tilespmem:$0x7D0];
	vm5 =	vlt.s32 v19, v45  }
0xd6: {  	v11 =	vnsel vm11, $0x2000, v15;
	v19 =	vsel vm5, v19, v45  }
0xd7: {  	vm12 =	veq.f32 v7, v18;
	v35 =	vld [tilespmem:$0x7E0];
	vm5 =	vlt.s32 v19, v11  }
0xd8: {  	v14 =	vnsel vm12, $0x2000, v9;
	v19 =	vsel vm5, v19, v11  }
0xd9: {  	vm13 =	veq.f32 v8, v18;
	v45 =	vld [tilespmem:$0x7F0];
	vm5 =	vlt.s32 v19, v14  }
0xda: {  	v0 =	vnsel vm13, $0x2000, v0;
	v19 =	vsel vm5, v19, v14  }
0xdb: {  	vm14 =	veq.f32 v55, v18;
	v15 =	vmov v7;
	v7 =	vld [tilespmem:$0x800];
	vm5 =	vlt.s32 v19, v0  }
0xdc: {  	v11 =	vmov v8;
	v8 =	vnsel vm14, $0x2000, v35;
	v19 =	vsel vm5, v19, v0  }
0xdd: {  	vm15 =	veq.f32 v56, v18;
	v9 =	vld [tilespmem:$0x810];
	vm5 =	vlt.s32 v19, v8  }
0xde: {  	v14 =	vnsel vm15, $0x2000, v45;
	v19 =	vsel vm5, v19, v8  }
0xdf: {  	vm8 =	veq.f32 v57, v18;
	v45 =	vld [tilespmem:$0x820];
	vm5 =	vlt.s32 v19, v14  }
0xe0: {  	v0 =	vnsel vm8, $0x2000, v7;
	v19 =	vsel vm5, v19, v14  }
0xe1: {  	vm9 =	veq.f32 v58, v18;
	v7 =	vld [tilespmem:$0x830];
	vm5 =	vlt.s32 v19, v0  }
0xe2: {  	v8 =	vnsel vm9, $0x2000, v9;
	v19 =	vsel vm5, v19, v0  }
0xe3: {  	vm10 =	veq.f32 v6, v18;
	v9 =	vld [tilespmem:$0x840];
	vm5 =	vlt.s32 v19, v8  }
0xe4: {  	v45 =	vnsel vm10, $0x2000, v45;
	v19 =	vsel vm5, v19, v8  }
0xe5: {  	vm11 =	veq.f32 v46, v18;
	v0 =	vld [tilespmem:$0x850];
	vm5 =	vlt.s32 v19, v45  }
0xe6: {  	v14 =	vmov v6;
	v6 =	vnsel vm11, $0x2000, v7;
	v19 =	vsel vm5, v19, v45  }
0xe7: {  	v36 =	vld [tilespmem:$0x860];
	vm12 =	veq.f32 v60, v18;
	vm5 =	vlt.s32 v19, v6  }
0xe8: {  	v7 =	vnsel vm12, $0x2000, v9;
	v19 =	vsel vm5, v19, v6  }
0xe9: {  	vm13 =	veq.f32 v5, v18;
	v45 =	vld [tilespmem:$0x870];
	vm5 =	vlt.s32 v19, v7  }
0xea: {  	v0 =	vnsel vm13, $0x2000, v0;
	v19 =	vsel vm5, v19, v7  }
0xeb: {  	vm14 =	veq.f32 v3, v18;
	v8 =	vmov v3;
	v3 =	vld [tilespmem:$0x880];
	vm5 =	vlt.s32 v19, v0  }
0xec: {  	v7 =	vnsel vm14, $0x2000, v36;
	v19 =	vsel vm5, v19, v0  }
0xed: {  	vm15 =	veq.f32 v61, v18;
	v36 =	vld [tilespmem:$0x890];
	vm5 =	vlt.s32 v19, v7  }
0xee: {  	v45 =	vnsel vm15, $0x2000, v45;
	v19 =	vsel vm5, v19, v7  }
0xef: {  	vm8 =	veq.f32 v2, v18;
	v0 =	vld [tilespmem:$0x8A0];
	vm5 =	vlt.s32 v19, v45  }
0xf0: {  	v7 =	vmov v2;
	v2 =	vnsel vm8, $0x2000, v3;
	v19 =	vsel vm5, v19, v45  }
0xf1: {  	vm9 =	veq.f32 v4, v18;
	vm5 =	vlt.s32 v19, v2  }
0xf2: {  	v6 =	vmov v4;
	v4 =	vnsel vm9, $0x2000, v36;
	v19 =	vsel vm5, v19, v2  }
0xf3: {  	vm10 =	veq.f32 v62, v18;
	vm5 =	vlt.s32 v19, v4  }
0xf4: {  	v45 =	vnsel vm10, $0x2000, v0;
	v19 =	vsel vm5, v19, v4  }
0xf5: {  	v3 =	vld [tilespmem:$0x8B0];
	vm5 =	vlt.s32 v19, v45  }
0xf6: {  	v19 =	vsel vm5, v19, v45;
	v45 =	vld [tilespmem:$0x1F630]  }
0xf7: {  	v9 =	vmov v5;
	v5 =	vld [tilespmem:$0x8C0];
	_ =	sdelay $0x1  }
0xf8: {  	v35 =	vld [tilespmem:$0x8D0];
	vm11 =	veq.f32 v63, v18  }
0xf9: {  	v0 =	vnsel vm11, $0x2000, v3;
	v4 =	vld [tilespmem:$0x1F640]  }
0xfa: {  	v37 =	vld [tilespmem:$0x8E0];
	vm5 =	vlt.s32 v19, v0;
	vm12 =	veq.f32 v45, v18  }
0xfb: {  	v3 =	vld [tilespmem:$0x1F650];
	v19 =	vsel vm5, v19, v0;
	v2 =	vnsel vm12, $0x2000, v5  }
0xfc: {  	vm13 =	veq.f32 v1, v18;
	v36 =	vld [tilespmem:$0x8F0];
	vm5 =	vlt.s32 v19, v2  }
0xfd: {  	v0 =	vnsel vm13, $0x2000, v35;
	v19 =	vsel vm5, v19, v2;
	v2 =	vld [tilespmem:$0x1F660]  }
0xfe: {  	v35 =	vld [tilespmem:$0x900];
	vm14 =	veq.f32 v4, v18;
	vm5 =	vlt.s32 v19, v0  }
0xff: {  	v23 =	vnsel vm14, $0x2000, v37;
	v19 =	vsel vm5, v19, v0  }
0x100: {  	vm15 =	veq.f32 v3, v18;
	vm5 =	vlt.s32 v19, v23  }
0x101: {  	v19 =	vsel vm5, v19, v23;
	v23 =	vnsel vm15, $0x2000, v36  }
0x102: {  	vm8 =	veq.f32 v2, v18;
	vm5 =	vlt.s32 v19, v23  }
0x103: {  	[tilespmem:$0x1F720] =	vst v28;
	v28 =	vld [tilespmem:$0x1F670];
	v5 =	vmov v1;
	v19 =	vsel vm5, v19, v23;
	v1 =	vnsel vm8, $0x2000, v35  }
0x104: {  	v37 =	vld [tilespmem:$0x910];
	vm5 =	vlt.s32 v19, v1  }
0x105: {  	v19 =	vsel vm5, v19, v1;
	v1 =	vld [tilespmem:$0x1F680]  }
0x106: {  	v36 =	vld [tilespmem:$0x920]  }
0x107: {  	[tilespmem:$0x1F710] =	vst v26;
	v26 =	vld [tilespmem:$0x1F690]  }
0x108: {  	vm9 =	veq.f32 v28, v18;
	v35 =	vld [tilespmem:$0x930]  }
0x109: {  	[tilespmem:$0x1F6F0] =	vst v25;
	v25 =	vld [tilespmem:$0x1F6A0];
	v23 =	vnsel vm9, $0x2000, v37  }
0x10a: {  	v37 =	vld [tilespmem:$0x940];
	vm5 =	vlt.s32 v19, v23;
	vm10 =	veq.f32 v1, v18  }
0x10b: {  	v38 =	vmov v24;
	v24 =	vld [tilespmem:$0x1F6B0];
	v19 =	vsel vm5, v19, v23;
	v0 =	vnsel vm10, $0x2000, v36  }
0x10c: {  	vm11 =	veq.f32 v26, v18;
	v36 =	vld [tilespmem:$0x950];
	vm5 =	vlt.s32 v19, v0  }
0x10d: {  	v19 =	vsel vm5, v19, v0;
	v0 =	vnsel vm11, $0x2000, v35  }
0x10e: {  	vm12 =	veq.f32 v25, v18;
	vm5 =	vlt.s32 v19, v0  }
0x10f: {  	v19 =	vsel vm5, v19, v0;
	v0 =	vnsel vm12, $0x2000, v37  }
0x110: {  	vm13 =	veq.f32 v24, v18;
	vm5 =	vlt.s32 v19, v0  }
0x111: {  	[tilespmem:$0x1F760] =	vst v22;
	v22 =	vld [tilespmem:$0x1F6C0];
	v19 =	vsel vm5, v19, v0;
	v0 =	vnsel vm13, $0x2000, v36  }
0x112: {  	v35 =	vld [tilespmem:$0x960];
	vm5 =	vlt.s32 v19, v0  }
0x113: {  	v19 =	vsel vm5, v19, v0;
	v0 =	vld [tilespmem:$0x1F6D0]  }
0x114: {  	v37 =	vld [tilespmem:$0x970];
	_ =	sdelay $0x1  }
0x115: {  	vm14 =	veq.f32 v22, v18;
	v36 =	vld [tilespmem:$0x980]  }
0x116: {  	v23 =	vnsel vm14, $0x2000, v35  }
0x117: {  	v35 =	vld [tilespmem:$0x990];
	vm5 =	vlt.s32 v19, v23;
	vm15 =	veq.f32 v0, v18  }
0x118: {  	v19 =	vsel vm5, v19, v23;
	v23 =	vnsel vm15, $0x2000, v37  }
0x119: {  	vm8 =	veq.f32 v44, v18;
	v37 =	vld [tilespmem:$0x9A0];
	vm5 =	vlt.s32 v19, v23  }
0x11a: {  	v19 =	vsel vm5, v19, v23;
	v23 =	vnsel vm8, $0x2000, v36  }
0x11b: {  	vm9 =	veq.f32 v43, v18;
	v36 =	vld [tilespmem:$0x9B0];
	vm5 =	vlt.s32 v19, v23  }
0x11c: {  	v19 =	vsel vm5, v19, v23;
	v23 =	vnsel vm9, $0x2000, v35  }
0x11d: {  	vm10 =	veq.f32 v42, v18;
	v35 =	vld [tilespmem:$0x9C0];
	vm5 =	vlt.s32 v19, v23  }
0x11e: {  	v19 =	vsel vm5, v19, v23;
	v23 =	vnsel vm10, $0x2000, v37  }
0x11f: {  	vm11 =	veq.f32 v41, v18;
	v37 =	vld [tilespmem:$0x9D0];
	vm5 =	vlt.s32 v19, v23  }
0x120: {  	v19 =	vsel vm5, v19, v23;
	v23 =	vnsel vm11, $0x2000, v36  }
0x121: {  	vm12 =	veq.f32 v40, v18;
	v36 =	vld [tilespmem:$0x9E0];
	vm5 =	vlt.s32 v19, v23  }
0x122: {  	v19 =	vsel vm5, v19, v23;
	v23 =	vnsel vm12, $0x2000, v35  }
0x123: {  	vm13 =	veq.f32 v34, v18;
	v35 =	vld [tilespmem:$0x9F0];
	vm5 =	vlt.s32 v19, v23  }
0x124: {  	v19 =	vsel vm5, v19, v23;
	v23 =	vnsel vm13, $0x2000, v37  }
0x125: {  	vm14 =	veq.f32 v10, v18;
	vm5 =	vlt.s32 v19, v23  }
0x126: {  	v36 =	vnsel vm14, $0x2000, v36;
	v19 =	vsel vm5, v19, v23  }
0x127: {  	vm15 =	veq.f32 v33, v18;
	vm5 =	vlt.s32 v19, v36  }
0x128: {  	v37 =	vmov v10;
	v23 =	vnsel vm15, $0x2000, v35;
	v10 =	vsel vm5, v19, v36  }
0x129: {  	vm4 =	vlt.s32 v10, v23  }
0x12a: {  	v18 =	vsel vm4, v10, v23  }
0x12b: {  	v18 =	vxor.u32 $0x80000000, v18  }
0x12c: {  	(xrf0) =	vmin.scan.msk.u32 $0xffff, v18;
	_ =	sdelay $0x5  }
0x12d: {  	v18, _, _ =	vpop (xrf0)  }
0x12e: {  	(v2sf) =	vpush v18, $0xF;
	_ =	sdelay $0x4  }
0x12f: {  	v35 =	vld [tilespmem:$0x1FE50];
	_ =	sdelay $0x4  }
0x130: {  	v13 =	vsel vm3, s17, v13;
	v10 =	vsel vm2, s17, v35;
	v35 =	vld [tilespmem:$0x1FE20]  }
0x131: {  	[tilespmem:$0xA30] =	vst v13;
	v13 =	vld [tilespmem:$0x630]  }
0x132: {  	v19 =	vld [tilespmem:$0x620]  }
0x133: {  	v18 =	vld [tilespmem:$0x610]  }
0x134: {  	v36 =	vsel vm1, s17, v27;
	v27 =	vld [tilespmem:$0x1F6E0]  }
0x135: {  	v23 =	vld [tilespmem:$0x640];
	[tilespmem:$0xA20] =	vst v10;
	v10 =	vsel vm0, s17, v35;
	s18 =	spop (v2sf)  }
0x136: {  	[tilespmem:$0xA00] =	vst v10;
	v10 =	vld [tilespmem:$0x6B0];
	s18 =	sxor.u32 $0x80000000, s18  }
0x137: {  	vm8 =	veq.s32 v12, s18;
	v12 =	vld [tilespmem:$0x650]  }
0x138: {  	vm9 =	veq.s32 v18, s18;
	v18 =	vld [tilespmem:$0x660]  }
0x139: {  	vm10 =	veq.s32 v19, s18;
	v19 =	vld [tilespmem:$0x670]  }
0x13a: {  	[tilespmem:$0xA10] =	vst v36;
	v36 =	vsel vm8, $0xFF800000, v39;
	v35 =	vsel vm10, $0xFF800000, v59;
	v59 =	vld [tilespmem:$0x6C0]  }
0x13b: {  	vm11 =	veq.s32 v13, s18;
	vm12 =	veq.s32 v23, s18;
	v39 =	vsel vm9, $0xFF800000, v38;
	[tilespmem:$0x200] =	vst v36;
	v36 =	vld [tilespmem:$0x680]  }
0x13c: {  	v38 =	vsel vm11, $0xFF800000, v47;
	v47 =	vsel vm12, $0xFF800000, v50;
	[tilespmem:$0x210] =	vst v39;
	v39 =	vld [tilespmem:$0x690]  }
0x13d: {  	[tilespmem:$0x240] =	vst v47;
	v47 =	vld [tilespmem:$0x1F6F0]  }
0x13e: {  	vm13 =	veq.s32 v12, s18;
	v12 =	vld [tilespmem:$0x6A0]  }
0x13f: {  	vm14 =	veq.s32 v18, s18;
	v18 =	vld [tilespmem:$0x710]  }
0x140: {  	v50 =	vsel vm14, $0xFF800000, v27;
	v27 =	vld [tilespmem:$0x1F700]  }
0x141: {  	vm4 =	veq.s32 v36, s18;
	v36 =	vld [tilespmem:$0x6D0]  }
0x142: {  	vm5 =	veq.s32 v39, s18;
	v39 =	vld [tilespmem:$0x6E0]  }
0x143: {  	[tilespmem:$0x260] =	vst v50;
	v50 =	vld [tilespmem:$0x700]  }
0x144: {  	[tilespmem:$0x230] =	vst v38;
	v38 =	vsel vm4, $0xFF800000, v51;
	v51 =	vld [tilespmem:$0x1F710]  }
0x145: {  	[tilespmem:$0x280] =	vst v38;
	v38 =	vld [tilespmem:$0x1F730]  }
0x146: {  	vm6 =	veq.s32 v12, s18;
	v12 =	vld [tilespmem:$0x6F0]  }
0x147: {  	v49 =	vsel vm13, $0xFF800000, v49;
	vm13 =	veq.s32 v18, s18;
	v18 =	vld [tilespmem:$0x760]  }
0x148: {  	[tilespmem:$0x250] =	vst v49;
	v49 =	vsel vm6, $0xFF800000, v27;
	v27 =	vld [tilespmem:$0x1F720]  }
0x149: {  	[tilespmem:$0x220] =	vst v35;
	vm15 =	veq.s32 v19, s18;
	vm9 =	veq.s32 v36, s18;
	v36 =	vld [tilespmem:$0x720]  }
0x14a: {  	v19 =	vsel vm15, $0xFF800000, v32;
	[tilespmem:$0x2A0] =	vst v49;
	v49 =	vld [tilespmem:$0x1F750]  }
0x14b: {  	vm7 =	veq.s32 v10, s18;
	[tilespmem:$0x270] =	vst v19;
	v23 =	vsel vm5, $0xFF800000, v47;
	vm10 =	veq.s32 v39, s18;
	v39 =	vld [tilespmem:$0x730]  }
0x14c: {  	[tilespmem:$0x290] =	vst v23;
	vm12 =	veq.s32 v50, s18;
	v50 =	vld [tilespmem:$0x750];
	v23 =	vsel vm7, $0xFF800000, v51  }
0x14d: {  	vm8 =	veq.s32 v59, s18;
	[tilespmem:$0x2B0] =	vst v23;
	v23 =	vsel vm9, $0xFF800000, v38;
	vm11 =	veq.s32 v12, s18;
	v12 =	vld [tilespmem:$0x740]  }
0x14e: {  	[tilespmem:$0x2D0] =	vst v23;
	v59 =	vsel vm8, $0xFF800000, v27;
	v27 =	vld [tilespmem:$0x1F740]  }
0x14f: {  	v35 =	vld [tilespmem:$0x7D0];
	[tilespmem:$0x2C0] =	vst v59;
	v23 =	vsel vm11, $0xFF800000, v49  }
0x150: {  	v59 =	vsel vm13, $0xFF800000, v21;
	vm14 =	veq.s32 v36, s18;
	v36 =	vld [tilespmem:$0x770];
	[tilespmem:$0x2F0] =	vst v23  }
0x151: {  	vm6 =	veq.s32 v18, s18;
	vm15 =	veq.s32 v39, s18;
	v39 =	vld [tilespmem:$0x780];
	v38 =	vsel vm14, $0xFF800000, v48;
	[tilespmem:$0x310] =	vst v59  }
0x152: {  	vm5 =	veq.s32 v50, s18;
	v50 =	vld [tilespmem:$0x7A0];
	v59 =	vsel vm6, $0xFF800000, v29;
	[tilespmem:$0x320] =	vst v38  }
0x153: {  	v48 =	vld [tilespmem:$0x790];
	[tilespmem:$0x360] =	vst v59;
	vm4 =	veq.s32 v12, s18;
	v47 =	vsel vm10, $0xFF800000, v27  }
0x154: {  	v32 =	vld [tilespmem:$0x7C0];
	v49 =	vsel vm4, $0xFF800000, v52;
	[tilespmem:$0x2E0] =	vst v47  }
0x155: {  	v38 =	vld [tilespmem:$0x7E0];
	v47 =	vsel vm15, $0xFF800000, v20;
	[tilespmem:$0x340] =	vst v49;
	vm7 =	veq.s32 v36, s18  }
0x156: {  	v21 =	vld [tilespmem:$0x850];
	vm8 =	veq.s32 v39, s18;
	[tilespmem:$0x330] =	vst v47;
	v16 =	vsel vm7, $0xFF800000, v16  }
0x157: {  	v59 =	vld [tilespmem:$0x840];
	vm10 =	veq.s32 v50, s18;
	v36 =	vsel vm8, $0xFF800000, v17;
	[tilespmem:$0x370] =	vst v16  }
0x158: {  	vm13 =	veq.s32 v35, s18;
	v27 =	vld [tilespmem:$0x1F760];
	vm9 =	veq.s32 v48, s18;
	v48 =	vsel vm10, $0xFF800000, v53;
	[tilespmem:$0x380] =	vst v36  }
0x159: {  	v52 =	vld [tilespmem:$0x7B0];
	v53 =	vsel vm13, $0xFF800000, v11;
	[tilespmem:$0x3A0] =	vst v48  }
0x15a: {  	v49 =	vld [tilespmem:$0x800];
	v39 =	vsel vm9, $0xFF800000, v31;
	vm14 =	veq.s32 v38, s18;
	[tilespmem:$0x3D0] =	vst v53  }
0x15b: {  	v50 =	vld [tilespmem:$0x810];
	vm9 =	veq.s32 v21, s18;
	[tilespmem:$0x390] =	vst v39;
	v55 =	vsel vm14, $0xFF800000, v55  }
0x15c: {  	v47 =	vld [tilespmem:$0x7F0];
	v16 =	vsel vm9, $0xFF800000, v9;
	[tilespmem:$0x3E0] =	vst v55  }
0x15d: {  	v17 =	vld [tilespmem:$0x950];
	v51 =	vsel vm12, $0xFF800000, v27;
	[tilespmem:$0x450] =	vst v16  }
0x15e: {  	v36 =	vld [tilespmem:$0x870];
	vm11 =	veq.s32 v52, s18;
	[tilespmem:$0x300] =	vst v51;
	v51 =	vsel vm5, $0xFF800000, v30  }
0x15f: {  	vm8 =	veq.s32 v59, s18;
	v48 =	vld [tilespmem:$0x890];
	v18 =	vsel vm11, $0xFF800000, v54;
	[tilespmem:$0x350] =	vst v51  }
0x160: {  	v39 =	vld [tilespmem:$0x880];
	vm12 =	veq.s32 v32, s18;
	vm4 =	veq.s32 v49, s18;
	v49 =	vsel vm8, $0xFF800000, v60;
	[tilespmem:$0x3B0] =	vst v18  }
0x161: {  	v53 =	vld [tilespmem:$0x8C0];
	v51 =	vsel vm12, $0xFF800000, v15;
	[tilespmem:$0x440] =	vst v49  }
0x162: {  	v52 =	vld [tilespmem:$0x820];
	vm5 =	veq.s32 v50, s18;
	v23 =	vsel vm4, $0xFF800000, v57;
	[tilespmem:$0x3C0] =	vst v51  }
0x163: {  	v32 =	vld [tilespmem:$0x860];
	vm15 =	veq.s32 v47, s18;
	v35 =	vsel vm5, $0xFF800000, v58;
	[tilespmem:$0x400] =	vst v23  }
0x164: {  	v55 =	vld [tilespmem:$0x8D0];
	v20 =	vsel vm15, $0xFF800000, v56;
	[tilespmem:$0x410] =	vst v35;
	vm13 =	veq.s32 v48, s18  }
0x165: {  	v54 =	vld [tilespmem:$0x830];
	[tilespmem:$0x3F0] =	vst v20;
	vm12 =	veq.s32 v39, s18;
	v57 =	vsel vm13, $0xFF800000, v6  }
0x166: {  	v21 =	vld [tilespmem:$0x980];
	vm13 =	veq.s32 v17, s18;
	v12 =	vsel vm12, $0xFF800000, v7;
	[tilespmem:$0x490] =	vst v57  }
0x167: {  	v50 =	vld [tilespmem:$0x8A0];
	vm11 =	veq.s32 v36, s18;
	vm6 =	veq.s32 v52, s18;
	v36 =	vsel vm13, $0xFF800000, v24;
	[tilespmem:$0x480] =	vst v12  }
0x168: {  	v60 =	vld [tilespmem:$0x900];
	vm10 =	veq.s32 v32, s18;
	v38 =	vsel vm6, $0xFF800000, v14;
	[tilespmem:$0x550] =	vst v36  }
0x169: {  	v16 =	vld [tilespmem:$0x940];
	v52 =	vsel vm10, $0xFF800000, v8;
	[tilespmem:$0x420] =	vst v38  }
0x16a: {  	v58 =	vld [tilespmem:$0x8F0];
	vm5 =	veq.s32 v55, s18;
	vm7 =	veq.s32 v54, s18;
	v54 =	vsel vm11, $0xFF800000, v61;
	[tilespmem:$0x460] =	vst v52  }
0x16b: {  	v15 =	vld [tilespmem:$0x930];
	v5 =	vsel vm5, $0xFF800000, v5;
	[tilespmem:$0x470] =	vst v54  }
0x16c: {  	v18 =	vld [tilespmem:$0x960];
	vm14 =	veq.s32 v50, s18;
	v47 =	vsel vm7, $0xFF800000, v46;
	[tilespmem:$0x4D0] =	vst v5  }
0x16d: {  	v51 =	vld [tilespmem:$0x8B0];
	vm8 =	veq.s32 v60, s18;
	v59 =	vsel vm14, $0xFF800000, v62;
	[tilespmem:$0x430] =	vst v47  }
0x16e: {  	v56 =	vld [tilespmem:$0x8E0];
	vm12 =	veq.s32 v16, s18;
	v2 =	vsel vm8, $0xFF800000, v2;
	[tilespmem:$0x4A0] =	vst v59  }
0x16f: {  	v35 =	vld [tilespmem:$0x9A0];
	vm7 =	veq.s32 v58, s18;
	v5 =	vsel vm12, $0xFF800000, v25;
	[tilespmem:$0x500] =	vst v2  }
0x170: {  	v20 =	vld [tilespmem:$0x970];
	vm11 =	veq.s32 v15, s18;
	v3 =	vsel vm7, $0xFF800000, v3;
	[tilespmem:$0x540] =	vst v5  }
0x171: {  	v48 =	vld [tilespmem:$0x9F0];
	vm14 =	veq.s32 v18, s18;
	v23 =	vsel vm11, $0xFF800000, v26;
	[tilespmem:$0x4F0] =	vst v3  }
0x172: {  	v32 =	vld [tilespmem:$0x990];
	vm15 =	veq.s32 v51, s18;
	v39 =	vsel vm14, $0xFF800000, v22;
	[tilespmem:$0x530] =	vst v23  }
0x173: {  	vm4 =	veq.s32 v53, s18;
	v55 =	vld [tilespmem:$0xA10];
	v61 =	vsel vm15, $0xFF800000, v63;
	[tilespmem:$0x560] =	vst v39  }
0x174: {  	v14 =	vld [tilespmem:$0x920];
	vm6 =	veq.s32 v56, s18;
	v63 =	vsel vm4, $0xFF800000, v45;
	[tilespmem:$0x4B0] =	vst v61  }
0x175: {  	v50 =	vld [tilespmem:$0x9E0];
	v4 =	vsel vm6, $0xFF800000, v4;
	vm15 =	veq.s32 v20, s18;
	[tilespmem:$0x4C0] =	vst v63  }
0x176: {  	v62 =	vld [tilespmem:$0x910];
	vm4 =	veq.s32 v21, s18;
	[tilespmem:$0x4E0] =	vst v4;
	v46 =	vsel vm15, $0xFF800000, v0  }
0x177: {  	v38 =	vld [tilespmem:$0x9B0];
	vm6 =	veq.s32 v35, s18;
	v6 =	vsel vm4, $0xFF800000, v44;
	[tilespmem:$0x570] =	vst v46  }
0x178: {  	v47 =	vld [tilespmem:$0x9D0];
	vm5 =	veq.s32 v32, s18;
	v51 =	vsel vm6, $0xFF800000, v42;
	[tilespmem:$0x580] =	vst v6  }
0x179: {  	v45 =	vld [tilespmem:$0x9C0];
	vm10 =	veq.s32 v14, s18;
	v49 =	vsel vm5, $0xFF800000, v43;
	[tilespmem:$0x5A0] =	vst v51  }
0x17a: {  	v52 =	vld [tilespmem:$0xA30];
	vm11 =	veq.s32 v50, s18;
	v1 =	vsel vm10, $0xFF800000, v1;
	[tilespmem:$0x590] =	vst v49  }
0x17b: {  	v58 =	vld [tilespmem:$0xA00];
	vm9 =	veq.s32 v62, s18;
	v59 =	vsel vm11, $0xFF800000, v37;
	[tilespmem:$0x520] =	vst v1  }
0x17c: {  	v57 =	vmov s16;
	v44 =	vld [tilespmem:$0x1FFF0];
	vm7 =	veq.s32 v38, s18;
	v19 =	vsel vm9, $0xFF800000, v28;
	[tilespmem:$0x5E0] =	vst v59  }
0x17d: {  	v46 =	vld [tilespmem:$0x1FFE0];
	vm10 =	veq.s32 v48, s18;
	v62 =	vlaneseq.u32;
	v3 =	vsel vm7, $0xFF800000, v41;
	[tilespmem:$0x510] =	vst v19  }
0x17e: {  	vm9 =	veq.s32 v47, s18;
	v56 =	vsel vm10, $0xFF800000, v33;
	vm8 =	veq.s32 v45, s18;
	[tilespmem:$0x5B0] =	vst v3;
	v45 =	vld [tilespmem:$0x1FFD0]  }
0x17f: {  	v54 =	vld [tilespmem:$0xA20];
	vm15 =	veq.s32 v57, v62;
	v5 =	vsel vm9, $0xFF800000, v34;
	[tilespmem:$0x5F0] =	vst v56  }
0x180: {  	v63 =	vsel vm15, s18, v58;
	[tilespmem:$0x5D0] =	vst v5  }
0x181: {  	v53 =	vsel vm8, $0xFF800000, v40;
	vm14 =	veq.s32 v57, v44;
	[tilespmem:$0xA00] =	vst v63  }
0x182: {  	[tilespmem:$0x5C0] =	vst v53;
	vm12 =	veq.s32 v57, v46;
	v1 =	vsel vm14, s18, v55  }
0x183: {  	v60 =	vsel vm12, s18, v52;
	[tilespmem:$0xA10] =	vst v1;
	vm13 =	veq.s32 v57, v45  }
0x184: {  	[tilespmem:$0xA30] =	vst v60;
	v61 =	vsel vm13, s18, v54  }
0x185: {  	[tilespmem:$0xA20] =	vst v61  }
0x186: {  	[hbm4b:s7+s3] =	stream.linear.scatter [tilespmem:s14], [sflag:$0x1], $0x40, $0x38;
	[tilespmem:$0xB00] =	vst v63  }
0x187: {  	_ =	swait.ge [sflag:s9], $0x40  }
0x188: {  	v28 =	vld [tilespmem:$0x1FED0]  }
0x189: {  	v29 =	vld [tilespmem:$0x1FEE0]  }
0x18a: {  	v30 =	vld [tilespmem:$0x1FEF0]  }
0x18b: {  	v31 =	vld [tilespmem:$0x1FF00]  }
0x18c: {  	v32 =	vld [tilespmem:$0x1FF10]  }
0x18d: {  	v33 =	vld [tilespmem:$0x1FF20]  }
0x18e: {  	v34 =	vld [tilespmem:$0x1FF30]  }
0x18f: {  	v35 =	vld [tilespmem:$0x1FF40]  }
0x190: {  	v36 =	vld [tilespmem:$0x1FF50]  }
0x191: {  	v37 =	vld [tilespmem:$0x1FF60]  }
0x192: {  	v38 =	vld [tilespmem:$0x1FF70]  }
0x193: {  	v39 =	vld [tilespmem:$0x1FF80]  }
0x194: {  	v40 =	vld [tilespmem:$0x1FF90]  }
0x195: {  	v41 =	vld [tilespmem:$0x1FFA0]  }
0x196: {  	[sflag:s9] =	ssyncset.done $0x0;
	v42 =	vld [tilespmem:$0x1FFB0]  }
0x197: {  	v27 =	vlaneseq.u32;
	v43 =	vld [tilespmem:$0x1FFC0];
	[sflag:s9] =	ssyncadd.s32 $0xFFFFFFC0  }
.LBB2_7:
0x198: {  	s15 =	sadd.s32 $0x1, s15  }
0x199: {  	p1 =	sne.s32 s15, s8  }
.Ltmp1:
0x19a: {  	_ = 	snop;
	(pc) =	sbr.rel @!p1 .LBB2_8-.Ltmp1, $1  }
0x19b: {  	_ =	sdelay $0x3  }
.LBB2_1:
0x19c: {  	[tilespmem:s3], [sflag:$0x1] =	stream.linear.gather [hbm4b:s4+s3], $0x100, $0x38;
	[tilespmem:$0xB00] =	vst v63  }
0x19d: {  	_ =	swait.ge [sflag:s9], $0x100  }
0x19e: {  	[sflag:s9] =	ssyncset.done $0x0  }
0x19f: {  	[sflag:s9] =	ssyncadd.s32 $0xFFFFFF00  }
0x1a0: {  	v16 =	vld [tilespmem:$0x0]  }
0x1a1: {  	v19 =	vld [tilespmem:$0x10]  }
0x1a2: {  	v20 =	vld [tilespmem:$0x20]  }
0x1a3: {  	v17 =	vld [tilespmem:$0x30]  }
0x1a4: {  	v18 =	vld [tilespmem:$0x40]  }
0x1a5: {  	v14 =	vld [tilespmem:$0x50]  }
0x1a6: {  	v15 =	vld [tilespmem:$0x60];
	v0 =	vmax.f32 v16, v19  }
0x1a7: {  	v11 =	vld [tilespmem:$0x70];
	v0 =	vmax.f32 v0, v20  }
0x1a8: {  	v12 =	vld [tilespmem:$0x80];
	v0 =	vmax.f32 v0, v17  }
0x1a9: {  	v9 =	vld [tilespmem:$0x90];
	v0 =	vmax.f32 v0, v18  }
0x1aa: {  	v10 =	vld [tilespmem:$0xA0];
	v0 =	vmax.f32 v0, v14  }
0x1ab: {  	v5 =	vld [tilespmem:$0xB0];
	v0 =	vmax.f32 v0, v15  }
0x1ac: {  	v6 =	vld [tilespmem:$0xC0];
	v0 =	vmax.f32 v0, v11  }
0x1ad: {  	v3 =	vld [tilespmem:$0xD0];
	v0 =	vmax.f32 v0, v12  }
0x1ae: {  	v4 =	vld [tilespmem:$0xE0];
	v0 =	vmax.f32 v0, v9  }
0x1af: {  	v2 =	vld [tilespmem:$0xF0];
	v0 =	vmax.f32 v0, v10  }
0x1b0: {  	v0 =	vmax.f32 v0, v5  }
0x1b1: {  	v0 =	vmax.f32 v0, v6  }
0x1b2: {  	v0 =	vmax.f32 v0, v3  }
0x1b3: {  	v0 =	vmax.f32 v0, v4  }
0x1b4: {  	v0 =	vmax.f32 v0, v2  }
0x1b5: {  	(xrf0) =	vmax.scan.msk.f32 $0xffff, v0;
	_ =	sdelay $0x5  }
0x1b6: {  	v0, _, _ =	vpop (xrf0)  }
0x1b7: {  	v0 =	vbroadcast v0, $0xF;
	_ =	sdelay $0x1  }
0x1b8: {  	vm0 =	veq.f32 v16, v0;
	vm1 =	veq.f32 v19, v0  }
0x1b9: {  	v1 =	vnsel vm0, $0x2000, v32;
	v7 =	vnsel vm1, $0x2000, v28;
	vm0 =	veq.f32 v20, v0  }
0x1ba: {  	v1 =	vmin.u32 v1, v7;
	v7 =	vnsel vm0, $0x2000, v29;
	vm0 =	veq.f32 v17, v0  }
0x1bb: {  	v1 =	vmin.u32 v1, v7;
	v7 =	vnsel vm0, $0x2000, v30;
	vm0 =	veq.f32 v18, v0  }
0x1bc: {  	v1 =	vmin.u32 v1, v7;
	v7 =	vnsel vm0, $0x2000, v31;
	vm0 =	veq.f32 v14, v0  }
0x1bd: {  	v1 =	vmin.u32 v1, v7;
	v7 =	vnsel vm0, $0x2000, v33;
	vm0 =	veq.f32 v15, v0  }
0x1be: {  	v1 =	vmin.u32 v1, v7;
	v7 =	vnsel vm0, $0x2000, v34;
	vm0 =	veq.f32 v11, v0  }
0x1bf: {  	v1 =	vmin.u32 v1, v7;
	v7 =	vnsel vm0, $0x2000, v35;
	vm0 =	veq.f32 v12, v0  }
0x1c0: {  	v1 =	vmin.u32 v1, v7;
	v7 =	vnsel vm0, $0x2000, v36;
	vm0 =	veq.f32 v9, v0  }
0x1c1: {  	v1 =	vmin.u32 v1, v7;
	v7 =	vnsel vm0, $0x2000, v37;
	vm0 =	veq.f32 v10, v0  }
0x1c2: {  	v1 =	vmin.u32 v1, v7;
	v7 =	vnsel vm0, $0x2000, v38;
	vm0 =	veq.f32 v5, v0  }
0x1c3: {  	v1 =	vmin.u32 v1, v7;
	v7 =	vnsel vm0, $0x2000, v39;
	vm0 =	veq.f32 v6, v0  }
0x1c4: {  	v1 =	vmin.u32 v1, v7;
	v7 =	vnsel vm0, $0x2000, v40;
	vm0 =	veq.f32 v3, v0  }
0x1c5: {  	v1 =	vmin.u32 v1, v7;
	v7 =	vnsel vm0, $0x2000, v41;
	vm0 =	veq.f32 v4, v0  }
0x1c6: {  	v1 =	vmin.u32 v1, v7;
	v7 =	vnsel vm0, $0x2000, v42;
	vm0 =	veq.f32 v2, v0  }
0x1c7: {  	v1 =	vmin.u32 v1, v7;
	v7 =	vnsel vm0, $0x2000, v43  }
0x1c8: {  	v1 =	vmin.u32 v1, v7  }
0x1c9: {  	v1 =	vor.u32 $0x80000000, v1  }
0x1ca: {  	(xrf0) =	vmin.scan.msk.u32 $0xffff, v1;
	_ =	sdelay $0x5  }
0x1cb: {  	v1, _, _ =	vpop (xrf0)  }
0x1cc: {  	(v2sf) =	vpush v1, $0xF;
	_ =	sdelay $0xc  }
0x1cd: {  	v21 =	vimm.f32 $0.0e+00;
	v1 =	vmov s3  }
0x1ce: {  	v7 =	vimm.s32 $0x0;
	vm3 =	veq.s32 v1, v27;
	vm2 =	veq.s32 v1, v44  }
0x1cf: {  	vm1 =	veq.s32 v1, v45;
	vm0 =	veq.s32 v1, v46;
	v13 =	vsel vm3, v0, v21;
	s16 =	spop (v2sf)  }
0x1d0: {  	v8 =	vsel vm2, v0, v21;
	v1 =	vsel vm1, v0, v21;
	v0 =	vsel vm0, v0, v21;
	s17 =	sxor.u32 $0x80000000, s16  }
0x1d1: {  	vm4 =	veq.s32 v32, s17;
	vm5 =	veq.s32 v28, s17;
	vm6 =	veq.s32 v29, s17  }
0x1d2: {  	v22 =	vsel vm4, $0xFF800000, v16;
	v23 =	vsel vm5, $0xFF800000, v19;
	v21 =	vsel vm6, $0xFF800000, v20  }
0x1d3: {  	vm4 =	veq.s32 v30, s17;
	vm5 =	veq.s32 v31, s17;
	v20 =	vimm.s32 $0x0  }
0x1d4: {  	s18 =	simm.s32 $0x2;
	s16 =	simm.s32 $0x1;
	v19 =	vimm.s32 $0x0;
	v16 =	vimm.s32 $0x0;
	v24 =	vmax.f32 v22, v23  }
.LBB2_2:
0x1d5: {  	p1 =	sne.s32 s18, $0x3F;
	v24 =	vmax.f32 v24, v21;
	v17 =	vsel vm4, $0xFF800000, v17;
	v18 =	vsel vm5, $0xFF800000, v18  }
0x1d6: {  	vm4 =	veq.s32 v33, s17;
	vm5 =	veq.s32 v34, s17;
	v24 =	vmax.f32 v24, v17  }
0x1d7: {  	v14 =	vsel vm4, $0xFF800000, v14;
	v15 =	vsel vm5, $0xFF800000, v15;
	v24 =	vmax.f32 v24, v18  }
0x1d8: {  	vm4 =	veq.s32 v35, s17;
	vm5 =	veq.s32 v36, s17;
	v24 =	vmax.f32 v24, v14  }
0x1d9: {  	v11 =	vsel vm4, $0xFF800000, v11;
	v12 =	vsel vm5, $0xFF800000, v12;
	v24 =	vmax.f32 v24, v15  }
0x1da: {  	vm4 =	veq.s32 v37, s17;
	vm5 =	veq.s32 v38, s17;
	v24 =	vmax.f32 v24, v11  }
0x1db: {  	v9 =	vsel vm4, $0xFF800000, v9;
	v10 =	vsel vm5, $0xFF800000, v10;
	v24 =	vmax.f32 v24, v12  }
0x1dc: {  	vm4 =	veq.s32 v39, s17;
	vm5 =	veq.s32 v40, s17;
	v24 =	vmax.f32 v24, v9  }
0x1dd: {  	v5 =	vsel vm4, $0xFF800000, v5;
	v6 =	vsel vm5, $0xFF800000, v6;
	v24 =	vmax.f32 v24, v10  }
0x1de: {  	vm4 =	veq.s32 v41, s17;
	vm5 =	veq.s32 v42, s17;
	v24 =	vmax.f32 v24, v5  }
0x1df: {  	v3 =	vsel vm4, $0xFF800000, v3;
	v4 =	vsel vm5, $0xFF800000, v4;
	v24 =	vmax.f32 v24, v6  }
0x1e0: {  	v7 =	vsel vm3, s17, v7;
	vm4 =	veq.s32 v43, s17;
	v24 =	vmax.f32 v24, v3  }
0x1e1: {  	v20 =	vsel vm2, s17, v20;
	v2 =	vsel vm4, $0xFF800000, v2;
	v24 =	vmax.f32 v24, v4  }
0x1e2: {  	v19 =	vsel vm1, s17, v19;
	v16 =	vsel vm0, s17, v16;
	v24 =	vmax.f32 v24, v2  }
0x1e3: {  	(xrf0) =	vmax.scan.msk.f32 $0xffff, v24;
	_ =	sdelay $0x5  }
0x1e4: {  	v24 =	vmov s16;
	s16 =	smov.u32 s18;
	v25, _, _ =	vpop (xrf0)  }
0x1e5: {  	vm3 =	veq.s32 v24, v27;
	v25 =	vbroadcast v25, $0xF  }
0x1e6: {  	vm2 =	veq.s32 v24, v44;
	vm1 =	veq.s32 v24, v45;
	vm0 =	veq.s32 v24, v46  }
0x1e7: {  	vm4 =	veq.f32 v22, v25;
	vm5 =	veq.f32 v23, v25;
	v13 =	vsel vm3, v25, v13  }
0x1e8: {  	v24 =	vnsel vm4, $0x2000, v32;
	v26 =	vnsel vm5, $0x2000, v28;
	vm4 =	veq.f32 v21, v25  }
0x1e9: {  	v24 =	vmin.u32 v24, v26;
	v26 =	vnsel vm4, $0x2000, v29;
	vm4 =	veq.f32 v17, v25  }
0x1ea: {  	v24 =	vmin.u32 v24, v26;
	v26 =	vnsel vm4, $0x2000, v30;
	vm4 =	veq.f32 v18, v25  }
0x1eb: {  	v24 =	vmin.u32 v24, v26;
	v26 =	vnsel vm4, $0x2000, v31;
	vm4 =	veq.f32 v14, v25  }
0x1ec: {  	v24 =	vmin.u32 v24, v26;
	v26 =	vnsel vm4, $0x2000, v33;
	vm4 =	veq.f32 v15, v25  }
0x1ed: {  	v24 =	vmin.u32 v24, v26;
	v26 =	vnsel vm4, $0x2000, v34;
	vm4 =	veq.f32 v11, v25  }
0x1ee: {  	v24 =	vmin.u32 v24, v26;
	v26 =	vnsel vm4, $0x2000, v35;
	vm4 =	veq.f32 v12, v25  }
0x1ef: {  	v24 =	vmin.u32 v24, v26;
	v26 =	vnsel vm4, $0x2000, v36;
	vm4 =	veq.f32 v9, v25  }
0x1f0: {  	v24 =	vmin.u32 v24, v26;
	v26 =	vnsel vm4, $0x2000, v37;
	vm4 =	veq.f32 v10, v25  }
0x1f1: {  	v24 =	vmin.u32 v24, v26;
	v26 =	vnsel vm4, $0x2000, v38;
	vm4 =	veq.f32 v5, v25  }
0x1f2: {  	v24 =	vmin.u32 v24, v26;
	v26 =	vnsel vm4, $0x2000, v39;
	vm4 =	veq.f32 v6, v25  }
0x1f3: {  	v24 =	vmin.u32 v24, v26;
	v26 =	vnsel vm4, $0x2000, v40;
	vm4 =	veq.f32 v3, v25  }
0x1f4: {  	v24 =	vmin.u32 v24, v26;
	v26 =	vnsel vm4, $0x2000, v41;
	vm4 =	veq.f32 v4, v25  }
0x1f5: {  	v24 =	vmin.u32 v24, v26;
	v26 =	vnsel vm4, $0x2000, v42;
	vm4 =	veq.f32 v2, v25  }
0x1f6: {  	v8 =	vsel vm2, v25, v8;
	v24 =	vmin.u32 v24, v26;
	v26 =	vnsel vm4, $0x2000, v43  }
0x1f7: {  	v1 =	vsel vm1, v25, v1;
	v0 =	vsel vm0, v25, v0;
	v24 =	vmin.u32 v24, v26  }
0x1f8: {  	v24 =	vor.u32 $0x80000000, v24  }
0x1f9: {  	(xrf0) =	vmin.scan.msk.u32 $0xffff, v24;
	_ =	sdelay $0x5  }
0x1fa: {  	v24, _, _ =	vpop (xrf0)  }
0x1fb: {  	(v2sf) =	vpush v24, $0xF;
	_ =	sdelay $0xe  }
.Ltmp2:
0x1fc: {  	s17 =	spop (v2sf);
	(pc) =	sbr.rel @p1 .LBB2_2-.Ltmp2, $4  }
0x1fd: {  	s17 =	sxor.u32 $0x80000000, s17  }
0x1fe: {  	vm4 =	veq.s32 v32, s17;
	vm5 =	veq.s32 v28, s17;
	vm6 =	veq.s32 v29, s17  }
0x1ff: {  	v22 =	vsel vm4, $0xFF800000, v22;
	v23 =	vsel vm5, $0xFF800000, v23;
	v21 =	vsel vm6, $0xFF800000, v21  }
0x200: {  	s18 =	sadd.s32 $0x1, s18;
	vm4 =	veq.s32 v30, s17;
	vm5 =	veq.s32 v31, s17;
	v24 =	vmax.f32 v22, v23  }
0x201: {  	v24 =	vmax.f32 v24, v21;
	v17 =	vsel vm4, $0xFF800000, v17  }
0x202: {  	v18 =	vsel vm5, $0xFF800000, v18;
	vm9 =	veq.s32 v33, s17;
	v24 =	vmax.f32 v24, v17  }
0x203: {  	vm10 =	veq.s32 v34, s17;
	v14 =	vsel vm9, $0xFF800000, v14;
	v24 =	vmax.f32 v24, v18  }
0x204: {  	vm11 =	veq.s32 v35, s17;
	v15 =	vsel vm10, $0xFF800000, v15;
	v24 =	vmax.f32 v24, v14  }
0x205: {  	vm12 =	veq.s32 v36, s17;
	v11 =	vsel vm11, $0xFF800000, v11;
	v24 =	vmax.f32 v24, v15  }
0x206: {  	vm13 =	veq.s32 v37, s17;
	v12 =	vsel vm12, $0xFF800000, v12;
	v24 =	vmax.f32 v24, v11  }
0x207: {  	vm14 =	veq.s32 v38, s17;
	v9 =	vsel vm13, $0xFF800000, v9;
	v24 =	vmax.f32 v24, v12  }
0x208: {  	vm15 =	veq.s32 v39, s17;
	v10 =	vsel vm14, $0xFF800000, v10;
	v24 =	vmax.f32 v24, v9  }
0x209: {  	vm8 =	veq.s32 v40, s17;
	v5 =	vsel vm15, $0xFF800000, v5;
	v24 =	vmax.f32 v24, v10  }
0x20a: {  	v6 =	vsel vm8, $0xFF800000, v6;
	vm9 =	veq.s32 v41, s17;
	v24 =	vmax.f32 v24, v5  }
0x20b: {  	vm10 =	veq.s32 v42, s17;
	v3 =	vsel vm9, $0xFF800000, v3;
	v24 =	vmax.f32 v24, v6  }
0x20c: {  	vm11 =	veq.s32 v43, s17;
	v4 =	vsel vm10, $0xFF800000, v4;
	v24 =	vmax.f32 v24, v3  }
0x20d: {  	v2 =	vsel vm11, $0xFF800000, v2;
	v24 =	vmax.f32 v24, v4  }
0x20e: {  	v24 =	vmax.f32 v24, v2  }
0x20f: {  	(xrf0) =	vmax.scan.msk.f32 $0xffff, v24;
	_ =	sdelay $0x5  }
0x210: {  	v24, _, _ =	vpop (xrf0)  }
0x211: {  	v24 =	vbroadcast v24, $0xF;
	_ =	sdelay $0x1  }
0x212: {  	vm12 =	veq.f32 v22, v24;
	vm13 =	veq.f32 v23, v24  }
0x213: {  	vm14 =	veq.f32 v21, v24;
	v22 =	vnsel vm12, $0x2000, v32;
	v23 =	vnsel vm13, $0x2000, v28  }
0x214: {  	vm15 =	veq.f32 v17, v24;
	v60 =	vnsel vm14, $0x2000, v29;
	v59 =	vmin.u32 v22, v23  }
0x215: {  	vm8 =	veq.f32 v18, v24;
	v62 =	vnsel vm15, $0x2000, v30;
	v61 =	vmin.u32 v59, v60  }
0x216: {  	vm9 =	veq.f32 v14, v24;
	v18 =	vnsel vm8, $0x2000, v31;
	v17 =	vmin.u32 v61, v62  }
0x217: {  	vm10 =	veq.f32 v15, v24;
	v21 =	vnsel vm9, $0x2000, v33;
	v63 =	vmin.u32 v17, v18  }
0x218: {  	vm11 =	veq.f32 v11, v24;
	v15 =	vnsel vm10, $0x2000, v34;
	v14 =	vmin.u32 v63, v21  }
0x219: {  	vm12 =	veq.f32 v12, v24;
	v23 =	vnsel vm11, $0x2000, v35;
	v22 =	vmin.u32 v14, v15  }
0x21a: {  	vm13 =	veq.f32 v9, v24;
	v12 =	vnsel vm12, $0x2000, v36;
	v11 =	vmin.u32 v22, v23  }
0x21b: {  	vm14 =	veq.f32 v10, v24;
	v48 =	vnsel vm13, $0x2000, v37;
	v47 =	vmin.u32 v11, v12  }
0x21c: {  	vm15 =	veq.f32 v5, v24;
	v10 =	vnsel vm14, $0x2000, v38;
	v9 =	vmin.u32 v47, v48  }
0x21d: {  	vm8 =	veq.f32 v6, v24;
	v50 =	vnsel vm15, $0x2000, v39;
	v49 =	vmin.u32 v9, v10  }
0x21e: {  	vm9 =	veq.f32 v3, v24;
	v6 =	vnsel vm8, $0x2000, v40;
	v5 =	vmin.u32 v49, v50  }
0x21f: {  	vm10 =	veq.f32 v4, v24;
	v52 =	vnsel vm9, $0x2000, v41;
	v51 =	vmin.u32 v5, v6  }
0x220: {  	v4 =	vnsel vm10, $0x2000, v42;
	vm11 =	veq.f32 v2, v24;
	v3 =	vmin.u32 v51, v52  }
0x221: {  	v54 =	vnsel vm11, $0x2000, v43;
	v53 =	vmin.u32 v3, v4  }
0x222: {  	v2 =	vmin.u32 v53, v54  }
0x223: {  	v2 =	vor.u32 $0x80000000, v2  }
0x224: {  	(xrf0) =	vmin.scan.msk.u32 $0xffff, v2;
	_ =	sdelay $0x5  }
0x225: {  	v2, _, _ =	vpop (xrf0)  }
0x226: {  	(v2sf) =	vpush v2, $0xF;
	_ =	sdelay $0xa  }
0x227: {  	v55 =	vmov s16  }
0x228: {  	vm12 =	veq.s32 v55, v27  }
0x229: {  	vm13 =	veq.s32 v55, v44;
	v57 =	vsel vm12, v24, v13  }
0x22a: {  	vm14 =	veq.s32 v55, v45;
	v59 =	vsel vm13, v24, v8;
	[tilespmem:$0x100] =	vst v57  }
0x22b: {  	vm15 =	veq.s32 v55, v46;
	v1 =	vsel vm14, v24, v1;
	[tilespmem:$0x110] =	vst v59;
	s31 =	spop (v2sf)  }
0x22c: {  	v56 =	vsel vm3, s17, v7;
	v0 =	vsel vm15, v24, v0;
	[tilespmem:$0x120] =	vst v1;
	s16 =	sxor.u32 $0x80000000, s31  }
0x22d: {  	v58 =	vsel vm2, s17, v20;
	[tilespmem:$0x130] =	vst v0;
	v3 =	vsel vm12, s16, v56  }
0x22e: {  	v61 =	vsel vm1, s17, v19;
	v60 =	vsel vm13, s16, v58;
	[tilespmem:$0x180] =	vst v3  }
0x22f: {  	v63 =	vsel vm0, s17, v16;
	v62 =	vsel vm14, s16, v61;
	[tilespmem:$0x190] =	vst v60  }
0x230: {  	v1 =	vsel vm15, s16, v63;
	[tilespmem:$0x1A0] =	vst v62  }
0x231: {  	[tilespmem:$0x1B0] =	vst v1  }
0x232: {  	[spmem:s5] =	stream.linear.scatter [tilespmem:s10], [sflag:$0x1], $0x40, $0x38;
	[tilespmem:$0xB00] =	vst v63  }
0x233: {  	_ =	swait.ge [sflag:s9], $0x40  }
0x234: {  	[sflag:s9] =	ssyncset.done $0x0  }
0x235: {  	[sflag:s9] =	ssyncadd.s32 $0xFFFFFFC0  }
0x236: {  	[spmem:s6] =	stream.linear.scatter [tilespmem:s11], [sflag:$0x1], $0x40, $0x38;
	[tilespmem:$0xB00] =	vst v63  }
.Ltmp3:
0x237: {  	_ =	swait.ge [sflag:s9], $0x40;
	(pc) =	sbr.rel @p0 .LBB2_7-.Ltmp3, $3  }
0x238: {  	[sflag:s9] =	ssyncset.done $0x0  }
0x239: {  	[sflag:s9] =	ssyncadd.s32 $0xFFFFFFC0  }
0x23a: {  	[bflag:$0x0] =	sbarrier.arrive $0xFFFF;
	_ =	sdelay $0x1  }
0x23b: {  	[tilespmem:s12], [sflag:$0x1] =	stream.linear.gather [spmem:s1], $0x400, $0x38;
	[tilespmem:$0xB00] =	vst v63  }
0x23c: {  	_ =	swait.ge [sflag:s9], $0x400  }
0x23d: {  	[sflag:s9] =	ssyncset.done $0x0  }
0x23e: {  	[sflag:s9] =	ssyncadd.s32 $0xFFFFFC00  }
0x23f: {  	[tilespmem:s13], [sflag:$0x1] =	stream.linear.gather [spmem:s2], $0x400, $0x38;
	[tilespmem:$0xB00] =	vst v63  }
0x240: {  	_ =	swait.ge [sflag:s9], $0x400  }
0x241: {  	[sflag:s9] =	ssyncset.done $0x0  }
0x242: {  	[sflag:s9] =	ssyncadd.s32 $0xFFFFFC00  }
0x243: {  	v7 =	vld [tilespmem:$0x210]  }
0x244: {  	v6 =	vld [tilespmem:$0x200]  }
0x245: {  	v8 =	vld [tilespmem:$0x220]  }
0x246: {  	v9 =	vld [tilespmem:$0x230]  }
0x247: {  	v10 =	vld [tilespmem:$0x240]  }
0x248: {  	v11 =	vld [tilespmem:$0x250]  }
0x249: {  	v12 =	vld [tilespmem:$0x260];
	v0 =	vmax.f32 v6, v7  }
0x24a: {  	v5 =	vld [tilespmem:$0x270];
	v0 =	vmax.f32 v0, v8  }
0x24b: {  	v13 =	vld [tilespmem:$0x280];
	v0 =	vmax.f32 v0, v9  }
0x24c: {  	v60 =	vld [tilespmem:$0x290];
	v0 =	vmax.f32 v0, v10  }
0x24d: {  	v62 =	vld [tilespmem:$0x2A0];
	v0 =	vmax.f32 v0, v11  }
0x24e: {  	v63 =	vld [tilespmem:$0x2B0];
	v0 =	vmax.f32 v0, v12  }
0x24f: {  	v56 =	vld [tilespmem:$0x2C0];
	v0 =	vmax.f32 v0, v5  }
0x250: {  	v58 =	vld [tilespmem:$0x2D0];
	v0 =	vmax.f32 v0, v13  }
0x251: {  	v61 =	vld [tilespmem:$0x2E0];
	v0 =	vmax.f32 v0, v60  }
0x252: {  	v55 =	vld [tilespmem:$0x2F0];
	v0 =	vmax.f32 v0, v62  }
0x253: {  	v57 =	vld [tilespmem:$0x300];
	v0 =	vmax.f32 v0, v63  }
0x254: {  	v54 =	vld [tilespmem:$0x310];
	v0 =	vmax.f32 v0, v56  }
0x255: {  	v1 =	vld [tilespmem:$0x320];
	v0 =	vmax.f32 v0, v58  }
0x256: {  	v52 =	vld [tilespmem:$0x330];
	v0 =	vmax.f32 v0, v61  }
0x257: {  	v53 =	vld [tilespmem:$0x340];
	v0 =	vmax.f32 v0, v55  }
0x258: {  	v50 =	vld [tilespmem:$0x350];
	v0 =	vmax.f32 v0, v57  }
0x259: {  	v51 =	vld [tilespmem:$0x360];
	v0 =	vmax.f32 v0, v54  }
0x25a: {  	v48 =	vld [tilespmem:$0x370];
	v0 =	vmax.f32 v0, v1  }
0x25b: {  	v49 =	vld [tilespmem:$0x380];
	v0 =	vmax.f32 v0, v52  }
0x25c: {  	v43 =	vld [tilespmem:$0x390];
	v0 =	vmax.f32 v0, v53  }
0x25d: {  	v47 =	vld [tilespmem:$0x3A0];
	v0 =	vmax.f32 v0, v50  }
0x25e: {  	v41 =	vld [tilespmem:$0x3B0];
	v0 =	vmax.f32 v0, v51  }
0x25f: {  	v42 =	vld [tilespmem:$0x3C0];
	v0 =	vmax.f32 v0, v48  }
0x260: {  	v39 =	vld [tilespmem:$0x3D0];
	v0 =	vmax.f32 v0, v49  }
0x261: {  	v40 =	vld [tilespmem:$0x3E0];
	v0 =	vmax.f32 v0, v43  }
0x262: {  	v22 =	vld [tilespmem:$0x3F0];
	v0 =	vmax.f32 v0, v47  }
0x263: {  	v24 =	vld [tilespmem:$0x400];
	v0 =	vmax.f32 v0, v41  }
0x264: {  	v16 =	vld [tilespmem:$0x410];
	v0 =	vmax.f32 v0, v42  }
0x265: {  	v21 =	vld [tilespmem:$0x420];
	v0 =	vmax.f32 v0, v39  }
0x266: {  	v15 =	vld [tilespmem:$0x430];
	v0 =	vmax.f32 v0, v40  }
0x267: {  	v20 =	vld [tilespmem:$0x440];
	v0 =	vmax.f32 v0, v22  }
0x268: {  	v14 =	vld [tilespmem:$0x450];
	v0 =	vmax.f32 v0, v24  }
0x269: {  	v38 =	vld [tilespmem:$0x460];
	v0 =	vmax.f32 v0, v16  }
0x26a: {  	v36 =	vld [tilespmem:$0x470];
	v0 =	vmax.f32 v0, v21  }
0x26b: {  	v37 =	vld [tilespmem:$0x480];
	v0 =	vmax.f32 v0, v15  }
0x26c: {  	v34 =	vld [tilespmem:$0x490];
	v0 =	vmax.f32 v0, v20  }
0x26d: {  	v35 =	vld [tilespmem:$0x4A0];
	v0 =	vmax.f32 v0, v14  }
0x26e: {  	v32 =	vld [tilespmem:$0x4B0];
	v0 =	vmax.f32 v0, v38  }
0x26f: {  	v33 =	vld [tilespmem:$0x4C0];
	v0 =	vmax.f32 v0, v36  }
0x270: {  	v17 =	vld [tilespmem:$0x4D0];
	v0 =	vmax.f32 v0, v37  }
0x271: {  	v31 =	vld [tilespmem:$0x4E0];
	v0 =	vmax.f32 v0, v34  }
0x272: {  	v29 =	vld [tilespmem:$0x4F0];
	v0 =	vmax.f32 v0, v35  }
0x273: {  	v30 =	vld [tilespmem:$0x500];
	v0 =	vmax.f32 v0, v32  }
0x274: {  	v27 =	vld [tilespmem:$0x510];
	v0 =	vmax.f32 v0, v33  }
0x275: {  	v28 =	vld [tilespmem:$0x520];
	v0 =	vmax.f32 v0, v17  }
0x276: {  	v19 =	vld [tilespmem:$0x530];
	v0 =	vmax.f32 v0, v31  }
0x277: {  	v25 =	vld [tilespmem:$0x540];
	v0 =	vmax.f32 v0, v29  }
0x278: {  	v23 =	vld [tilespmem:$0x550];
	v0 =	vmax.f32 v0, v30  }
0x279: {  	v26 =	vld [tilespmem:$0x560];
	v0 =	vmax.f32 v0, v27  }
0x27a: {  	v59 =	vld [tilespmem:$0x570];
	v0 =	vmax.f32 v0, v28  }
0x27b: {  	v3 =	vld [tilespmem:$0x580];
	v0 =	vmax.f32 v0, v19  }
0x27c: {  	v2 =	vld [tilespmem:$0x590];
	v0 =	vmax.f32 v0, v25  }
0x27d: {  	[tilespmem:$0x1FA60] =	vst v1;
	v1 =	vld [tilespmem:$0x5A0];
	v0 =	vmax.f32 v0, v23  }
0x27e: {  	v18 =	vld [tilespmem:$0x5B0];
	v0 =	vmax.f32 v0, v26  }
0x27f: {  	v4 =	vld [tilespmem:$0x5C0];
	v0 =	vmax.f32 v0, v59  }
0x280: {  	[tilespmem:$0x1FCC0] =	vst v3;
	v0 =	vmax.f32 v0, v3;
	v3 =	vld [tilespmem:$0x5D0]  }
0x281: {  	[tilespmem:$0x1FCD0] =	vst v2;
	v0 =	vmax.f32 v0, v2;
	v2 =	vld [tilespmem:$0x5E0]  }
0x282: {  	[tilespmem:$0x1FCE0] =	vst v1;
	v0 =	vmax.f32 v0, v1;
	v1 =	vld [tilespmem:$0x5F0]  }
0x283: {  	v0 =	vmax.f32 v0, v18  }
0x284: {  	v0 =	vmax.f32 v0, v4  }
0x285: {  	v0 =	vmax.f32 v0, v3  }
0x286: {  	v0 =	vmax.f32 v0, v2  }
0x287: {  	v0 =	vmax.f32 v0, v1  }
0x288: {  	(xrf0) =	vmax.scan.msk.f32 $0xffff, v0;
	_ =	sdelay $0x3  }
0x289: {  	[tilespmem:$0x1FD10] =	vst v3;
	v3 =	vld [tilespmem:$0x600]  }
0x28a: {  	v0 =	vld [tilespmem:$0x610]  }
0x28b: {  	[tilespmem:$0x1FD30] =	vst v1;
	v1, _, _ =	vpop (xrf0)  }
0x28c: {  	[tilespmem:$0x1FCF0] =	vst v18;
	v18 =	vbroadcast v1, $0xF;
	v1 =	vld [tilespmem:$0x620];
	_ =	sdelay $0x1  }
0x28d: {  	[tilespmem:$0x1FD20] =	vst v2;
	v2 =	vld [tilespmem:$0x630];
	vm0 =	veq.f32 v6, v18;
	vm1 =	veq.f32 v7, v18  }
0x28e: {  	[tilespmem:$0x1FE10] =	vst v3;
	v0 =	vnsel vm1, $0x2000, v0;
	v3 =	vnsel vm0, $0x2000, v3  }
0x28f: {  	[tilespmem:$0x1FD00] =	vst v4;
	v4 =	vld [tilespmem:$0x640];
	vm1 =	veq.f32 v8, v18;
	vm0 =	vlt.s32 v3, v0  }
0x290: {  	v0 =	vsel vm0, v3, v0;
	v1 =	vnsel vm1, $0x2000, v1  }
0x291: {  	vm1 =	veq.f32 v9, v18;
	v3 =	vld [tilespmem:$0x650];
	vm0 =	vlt.s32 v0, v1  }
0x292: {  	v0 =	vsel vm0, v0, v1;
	v1 =	vnsel vm1, $0x2000, v2  }
0x293: {  	vm1 =	veq.f32 v10, v18;
	v2 =	vld [tilespmem:$0x660];
	vm0 =	vlt.s32 v0, v1  }
0x294: {  	v0 =	vsel vm0, v0, v1;
	v1 =	vnsel vm1, $0x2000, v4  }
0x295: {  	vm1 =	veq.f32 v11, v18;
	v4 =	vld [tilespmem:$0x670];
	vm0 =	vlt.s32 v0, v1  }
0x296: {  	v0 =	vsel vm0, v0, v1;
	v1 =	vnsel vm1, $0x2000, v3  }
0x297: {  	vm1 =	veq.f32 v12, v18;
	v3 =	vld [tilespmem:$0x680];
	vm0 =	vlt.s32 v0, v1  }
0x298: {  	v0 =	vsel vm0, v0, v1;
	v1 =	vnsel vm1, $0x2000, v2  }
0x299: {  	vm1 =	veq.f32 v5, v18;
	v2 =	vld [tilespmem:$0x690];
	vm0 =	vlt.s32 v0, v1  }
0x29a: {  	v0 =	vsel vm0, v0, v1;
	v1 =	vnsel vm1, $0x2000, v4  }
0x29b: {  	vm0 =	veq.f32 v13, v18;
	v4 =	vld [tilespmem:$0x6A0];
	vm1 =	vlt.s32 v0, v1  }
0x29c: {  	v0 =	vsel vm1, v0, v1;
	v1 =	vnsel vm0, $0x2000, v3  }
0x29d: {  	vm0 =	veq.f32 v60, v18;
	v3 =	vld [tilespmem:$0x6B0];
	vm1 =	vlt.s32 v0, v1  }
0x29e: {  	v0 =	vsel vm1, v0, v1;
	v1 =	vnsel vm0, $0x2000, v2  }
0x29f: {  	vm0 =	veq.f32 v62, v18;
	v2 =	vld [tilespmem:$0x6C0];
	vm1 =	vlt.s32 v0, v1  }
0x2a0: {  	v0 =	vsel vm1, v0, v1;
	v1 =	vnsel vm0, $0x2000, v4  }
0x2a1: {  	vm0 =	veq.f32 v63, v18;
	v4 =	vld [tilespmem:$0x6D0];
	vm1 =	vlt.s32 v0, v1  }
0x2a2: {  	v0 =	vsel vm1, v0, v1;
	v1 =	vnsel vm0, $0x2000, v3  }
0x2a3: {  	vm0 =	veq.f32 v56, v18;
	v3 =	vld [tilespmem:$0x6E0];
	vm1 =	vlt.s32 v0, v1  }
0x2a4: {  	v0 =	vsel vm1, v0, v1;
	v1 =	vnsel vm0, $0x2000, v2  }
0x2a5: {  	vm0 =	veq.f32 v58, v18;
	v2 =	vld [tilespmem:$0x6F0];
	vm1 =	vlt.s32 v0, v1  }
0x2a6: {  	v0 =	vsel vm1, v0, v1;
	v1 =	vnsel vm0, $0x2000, v4  }
0x2a7: {  	vm0 =	veq.f32 v61, v18;
	v4 =	vld [tilespmem:$0x700];
	vm1 =	vlt.s32 v0, v1  }
0x2a8: {  	v0 =	vsel vm1, v0, v1;
	v1 =	vnsel vm0, $0x2000, v3  }
0x2a9: {  	vm0 =	veq.f32 v55, v18;
	v3 =	vld [tilespmem:$0x710];
	vm1 =	vlt.s32 v0, v1  }
0x2aa: {  	[tilespmem:$0x1FEB0] =	vst v5;
	v5 =	vld [tilespmem:$0x1FA60];
	v0 =	vsel vm1, v0, v1;
	v1 =	vnsel vm0, $0x2000, v2  }
0x2ab: {  	vm0 =	veq.f32 v57, v18;
	v2 =	vld [tilespmem:$0x720];
	vm1 =	vlt.s32 v0, v1  }
0x2ac: {  	v0 =	vsel vm1, v0, v1;
	v1 =	vnsel vm0, $0x2000, v4  }
0x2ad: {  	vm0 =	veq.f32 v54, v18;
	v4 =	vld [tilespmem:$0x730];
	vm1 =	vlt.s32 v0, v1  }
0x2ae: {  	v0 =	vsel vm1, v0, v1;
	v1 =	vnsel vm0, $0x2000, v3  }
0x2af: {  	vm0 =	veq.f32 v5, v18;
	v3 =	vld [tilespmem:$0x740];
	vm1 =	vlt.s32 v0, v1  }
0x2b0: {  	v0 =	vsel vm1, v0, v1;
	v1 =	vnsel vm0, $0x2000, v2  }
0x2b1: {  	vm0 =	veq.f32 v52, v18;
	v2 =	vld [tilespmem:$0x750];
	vm1 =	vlt.s32 v0, v1  }
0x2b2: {  	v0 =	vsel vm1, v0, v1;
	v1 =	vnsel vm0, $0x2000, v4  }
0x2b3: {  	vm0 =	veq.f32 v53, v18;
	v4 =	vld [tilespmem:$0x760];
	vm1 =	vlt.s32 v0, v1  }
0x2b4: {  	v0 =	vsel vm1, v0, v1;
	v1 =	vnsel vm0, $0x2000, v3  }
0x2b5: {  	vm0 =	veq.f32 v50, v18;
	v3 =	vld [tilespmem:$0x770];
	vm1 =	vlt.s32 v0, v1  }
0x2b6: {  	v0 =	vsel vm1, v0, v1;
	v1 =	vnsel vm0, $0x2000, v2  }
0x2b7: {  	vm0 =	veq.f32 v51, v18;
	v2 =	vld [tilespmem:$0x780];
	vm1 =	vlt.s32 v0, v1  }
0x2b8: {  	v0 =	vsel vm1, v0, v1;
	v1 =	vnsel vm0, $0x2000, v4  }
0x2b9: {  	vm0 =	veq.f32 v48, v18;
	v4 =	vld [tilespmem:$0x790];
	vm1 =	vlt.s32 v0, v1  }
0x2ba: {  	v0 =	vsel vm1, v0, v1;
	v1 =	vnsel vm0, $0x2000, v3  }
0x2bb: {  	vm0 =	veq.f32 v49, v18;
	v3 =	vld [tilespmem:$0x7A0];
	vm1 =	vlt.s32 v0, v1  }
0x2bc: {  	v0 =	vsel vm1, v0, v1;
	v1 =	vnsel vm0, $0x2000, v2  }
0x2bd: {  	vm0 =	veq.f32 v43, v18;
	v2 =	vld [tilespmem:$0x7B0];
	vm1 =	vlt.s32 v0, v1  }
0x2be: {  	v0 =	vsel vm1, v0, v1;
	v1 =	vnsel vm0, $0x2000, v4  }
0x2bf: {  	vm0 =	veq.f32 v47, v18;
	v4 =	vld [tilespmem:$0x7C0];
	vm1 =	vlt.s32 v0, v1  }
0x2c0: {  	v0 =	vsel vm1, v0, v1;
	v1 =	vnsel vm0, $0x2000, v3  }
0x2c1: {  	vm0 =	veq.f32 v41, v18;
	v3 =	vld [tilespmem:$0x7D0];
	vm1 =	vlt.s32 v0, v1  }
0x2c2: {  	v0 =	vsel vm1, v0, v1;
	v1 =	vnsel vm0, $0x2000, v2  }
0x2c3: {  	vm0 =	veq.f32 v42, v18;
	v2 =	vld [tilespmem:$0x7E0];
	vm1 =	vlt.s32 v0, v1  }
0x2c4: {  	v0 =	vsel vm1, v0, v1;
	v1 =	vnsel vm0, $0x2000, v4  }
0x2c5: {  	vm0 =	veq.f32 v39, v18;
	v4 =	vld [tilespmem:$0x7F0];
	vm1 =	vlt.s32 v0, v1  }
0x2c6: {  	v0 =	vsel vm1, v0, v1;
	v1 =	vnsel vm0, $0x2000, v3  }
0x2c7: {  	vm0 =	veq.f32 v40, v18;
	v3 =	vld [tilespmem:$0x800];
	vm1 =	vlt.s32 v0, v1  }
0x2c8: {  	v0 =	vsel vm1, v0, v1;
	v1 =	vnsel vm0, $0x2000, v2  }
0x2c9: {  	vm0 =	veq.f32 v22, v18;
	v2 =	vld [tilespmem:$0x810];
	vm1 =	vlt.s32 v0, v1  }
0x2ca: {  	v0 =	vsel vm1, v0, v1;
	v1 =	vnsel vm0, $0x2000, v4  }
0x2cb: {  	vm0 =	veq.f32 v24, v18;
	v4 =	vld [tilespmem:$0x820];
	vm1 =	vlt.s32 v0, v1  }
0x2cc: {  	v0 =	vsel vm1, v0, v1;
	v1 =	vnsel vm0, $0x2000, v3  }
0x2cd: {  	vm0 =	veq.f32 v16, v18;
	v3 =	vld [tilespmem:$0x830];
	vm1 =	vlt.s32 v0, v1  }
0x2ce: {  	v0 =	vsel vm1, v0, v1;
	v1 =	vnsel vm0, $0x2000, v2  }
0x2cf: {  	vm0 =	veq.f32 v21, v18;
	v2 =	vld [tilespmem:$0x840];
	vm1 =	vlt.s32 v0, v1  }
0x2d0: {  	v0 =	vsel vm1, v0, v1;
	v1 =	vnsel vm0, $0x2000, v4  }
0x2d1: {  	vm0 =	veq.f32 v15, v18;
	v4 =	vld [tilespmem:$0x850];
	vm1 =	vlt.s32 v0, v1  }
0x2d2: {  	v0 =	vsel vm1, v0, v1;
	v1 =	vnsel vm0, $0x2000, v3  }
0x2d3: {  	vm0 =	veq.f32 v20, v18;
	v3 =	vld [tilespmem:$0x860];
	vm1 =	vlt.s32 v0, v1  }
0x2d4: {  	v0 =	vsel vm1, v0, v1;
	v1 =	vnsel vm0, $0x2000, v2  }
0x2d5: {  	vm0 =	veq.f32 v14, v18;
	v2 =	vld [tilespmem:$0x870];
	vm1 =	vlt.s32 v0, v1  }
0x2d6: {  	v0 =	vsel vm1, v0, v1;
	v1 =	vnsel vm0, $0x2000, v4  }
0x2d7: {  	vm0 =	veq.f32 v38, v18;
	v4 =	vld [tilespmem:$0x880];
	vm1 =	vlt.s32 v0, v1  }
0x2d8: {  	v0 =	vsel vm1, v0, v1;
	v1 =	vnsel vm0, $0x2000, v3  }
0x2d9: {  	vm0 =	veq.f32 v36, v18;
	v3 =	vld [tilespmem:$0x890];
	vm1 =	vlt.s32 v0, v1  }
0x2da: {  	v0 =	vsel vm1, v0, v1;
	v1 =	vnsel vm0, $0x2000, v2  }
0x2db: {  	vm0 =	veq.f32 v37, v18;
	v2 =	vld [tilespmem:$0x8A0];
	vm1 =	vlt.s32 v0, v1  }
0x2dc: {  	v0 =	vsel vm1, v0, v1;
	v1 =	vnsel vm0, $0x2000, v4  }
0x2dd: {  	vm0 =	veq.f32 v34, v18;
	v4 =	vld [tilespmem:$0x8B0];
	vm1 =	vlt.s32 v0, v1  }
0x2de: {  	v0 =	vsel vm1, v0, v1;
	v1 =	vnsel vm0, $0x2000, v3  }
0x2df: {  	vm0 =	veq.f32 v35, v18;
	v3 =	vld [tilespmem:$0x8C0];
	vm1 =	vlt.s32 v0, v1  }
0x2e0: {  	v0 =	vsel vm1, v0, v1;
	v1 =	vnsel vm0, $0x2000, v2  }
0x2e1: {  	vm0 =	veq.f32 v32, v18;
	v2 =	vld [tilespmem:$0x8D0];
	vm1 =	vlt.s32 v0, v1  }
0x2e2: {  	v0 =	vsel vm1, v0, v1;
	v1 =	vnsel vm0, $0x2000, v4  }
0x2e3: {  	vm0 =	veq.f32 v33, v18;
	v4 =	vld [tilespmem:$0x8E0];
	vm1 =	vlt.s32 v0, v1  }
0x2e4: {  	v0 =	vsel vm1, v0, v1;
	v1 =	vnsel vm0, $0x2000, v3  }
0x2e5: {  	vm0 =	veq.f32 v17, v18;
	v3 =	vld [tilespmem:$0x8F0];
	vm1 =	vlt.s32 v0, v1  }
0x2e6: {  	v0 =	vsel vm1, v0, v1;
	v1 =	vnsel vm0, $0x2000, v2  }
0x2e7: {  	vm0 =	veq.f32 v31, v18;
	v2 =	vld [tilespmem:$0x900];
	vm1 =	vlt.s32 v0, v1  }
0x2e8: {  	v0 =	vsel vm1, v0, v1;
	v1 =	vnsel vm0, $0x2000, v4  }
0x2e9: {  	vm0 =	veq.f32 v29, v18;
	v4 =	vld [tilespmem:$0x910];
	vm1 =	vlt.s32 v0, v1  }
0x2ea: {  	v0 =	vsel vm1, v0, v1;
	v1 =	vnsel vm0, $0x2000, v3  }
0x2eb: {  	vm0 =	veq.f32 v30, v18;
	v3 =	vld [tilespmem:$0x920];
	vm1 =	vlt.s32 v0, v1  }
0x2ec: {  	v0 =	vsel vm1, v0, v1;
	v1 =	vnsel vm0, $0x2000, v2  }
0x2ed: {  	vm0 =	veq.f32 v27, v18;
	v2 =	vld [tilespmem:$0x930];
	vm1 =	vlt.s32 v0, v1  }
0x2ee: {  	v0 =	vsel vm1, v0, v1;
	v1 =	vnsel vm0, $0x2000, v4  }
0x2ef: {  	vm0 =	veq.f32 v28, v18;
	v4 =	vld [tilespmem:$0x940];
	vm1 =	vlt.s32 v0, v1  }
0x2f0: {  	v0 =	vsel vm1, v0, v1;
	v1 =	vnsel vm0, $0x2000, v3  }
0x2f1: {  	vm0 =	veq.f32 v19, v18;
	v3 =	vld [tilespmem:$0x950];
	vm1 =	vlt.s32 v0, v1  }
0x2f2: {  	[tilespmem:$0x1FE30] =	vst v6;
	v6 =	vld [tilespmem:$0x1FCC0];
	v2 =	vnsel vm0, $0x2000, v2;
	v1 =	vsel vm1, v0, v1  }
0x2f3: {  	[tilespmem:$0x1FC20] =	vst v31;
	v31 =	vmovc v58;
	v58 =	vmov v5;
	v5 =	vld [tilespmem:$0x960];
	vm0 =	veq.f32 v25, v18;
	vm1 =	vlt.s32 v1, v2  }
0x2f4: {  	v1 =	vsel vm1, v1, v2;
	v2 =	vnsel vm0, $0x2000, v4;
	v4 =	vld [tilespmem:$0x970]  }
0x2f5: {  	vm0 =	veq.f32 v23, v18;
	vm1 =	vlt.s32 v1, v2  }
0x2f6: {  	v1 =	vsel vm1, v1, v2;
	v2 =	vnsel vm0, $0x2000, v3  }
0x2f7: {  	vm0 =	veq.f32 v26, v18;
	vm1 =	vlt.s32 v1, v2  }
0x2f8: {  	v3 =	vld [tilespmem:$0x980];
	v1 =	vsel vm1, v1, v2;
	v2 =	vnsel vm0, $0x2000, v5;
	vm0 =	veq.f32 v59, v18  }
0x2f9: {  	v4 =	vnsel vm0, $0x2000, v4;
	vm0 =	veq.f32 v6, v18;
	v6 =	vld [tilespmem:$0x1FCD0]  }
0x2fa: {  	v5 =	vld [tilespmem:$0x990];
	vm1 =	vlt.s32 v1, v2  }
0x2fb: {  	v1 =	vsel vm1, v1, v2  }
0x2fc: {  	vm1 =	vlt.s32 v1, v4  }
0x2fd: {  	v3 =	vnsel vm0, $0x2000, v3;
	v4 =	vsel vm1, v1, v4  }
0x2fe: {  	vm1 =	vlt.s32 v4, v3;
	vm0 =	veq.f32 v6, v18  }
0x2ff: {  	v3 =	vsel vm1, v4, v3;
	v4 =	vnsel vm0, $0x2000, v5;
	v5 =	vld [tilespmem:$0x1FCE0]  }
0x300: {  	[tilespmem:$0x1FE40] =	vst v7;
	v7 =	vld [tilespmem:$0x9A0]  }
0x301: {  	[tilespmem:$0x1FE70] =	vst v9;
	v9 =	vld [tilespmem:$0x1FCF0]  }
0x302: {  	[tilespmem:$0x1FE60] =	vst v8;
	v8 =	vld [tilespmem:$0x9B0]  }
0x303: {  	[tilespmem:$0x1FE80] =	vst v10;
	v10 =	vld [tilespmem:$0x1FD00]  }
0x304: {  	vm1 =	vlt.s32 v3, v4;
	vm0 =	veq.f32 v5, v18;
	v5 =	vld [tilespmem:$0x9C0]  }
0x305: {  	v4 =	vsel vm1, v3, v4;
	v7 =	vnsel vm0, $0x2000, v7  }
0x306: {  	vm0 =	veq.f32 v9, v18;
	vm1 =	vlt.s32 v4, v7  }
0x307: {  	v4 =	vsel vm1, v4, v7;
	v7 =	vnsel vm0, $0x2000, v8  }
0x308: {  	vm0 =	veq.f32 v10, v18;
	v10 =	vld [tilespmem:$0x1FD10];
	vm1 =	vlt.s32 v4, v7  }
0x309: {  	v4 =	vsel vm1, v4, v7;
	v5 =	vnsel vm0, $0x2000, v5  }
0x30a: {  	v9 =	vld [tilespmem:$0x9D0];
	vm1 =	vlt.s32 v4, v5  }
0x30b: {  	v5 =	vsel vm1, v4, v5;
	v4 =	vld [tilespmem:$0x1FD20]  }
0x30c: {  	[tilespmem:$0x1FC70] =	vst v19;
	v19 =	vld [tilespmem:$0x9E0]  }
0x30d: {  	[tilespmem:$0x1FE90] =	vst v11;
	vm0 =	veq.f32 v10, v18;
	v10 =	vld [tilespmem:$0x1FD30]  }
0x30e: {  	[tilespmem:$0x1FC90] =	vst v23;
	v23 =	vld [tilespmem:$0x9F0]  }
0x30f: {  	[tilespmem:$0x1FC80] =	vst v25;
	v25 =	vnsel vm0, $0x2000, v9  }
0x310: {  	[tilespmem:$0x1FEA0] =	vst v12;
	v11 =	vld [tilespmem:$0x700];
	vm1 =	vlt.s32 v5, v25;
	vm0 =	veq.f32 v4, v18  }
0x311: {  	[tilespmem:$0x1FA10] =	vst v63;
	v12 =	vld [tilespmem:$0x780];
	v25 =	vsel vm1, v5, v25;
	v19 =	vnsel vm0, $0x2000, v19  }
0x312: {  	[tilespmem:$0x1FEC0] =	vst v13;
	v13 =	vmov v46;
	v46 =	vld [tilespmem:$0x8A0];
	vm0 =	veq.f32 v10, v18;
	vm1 =	vlt.s32 v25, v19  }
0x313: {  	[tilespmem:$0x1FA20] =	vst v60;
	v60 =	vld [tilespmem:$0x720];
	v23 =	vnsel vm0, $0x2000, v23;
	v25 =	vsel vm1, v25, v19  }
0x314: {  	[tilespmem:$0x1FA30] =	vst v56;
	v63 =	vld [tilespmem:$0x770];
	vm0 =	vlt.s32 v25, v23  }
0x315: {  	[tilespmem:$0x1FA40] =	vst v55;
	v56 =	vld [tilespmem:$0x710];
	v23 =	vsel vm0, v25, v23  }
0x316: {  	[tilespmem:$0x1FA50] =	vst v54;
	v55 =	vld [tilespmem:$0x6E0];
	v23 =	vxor.u32 $0x80000000, v23  }
0x317: {  	[tilespmem:$0x1FA70] =	vst v52;
	v54 =	vld [tilespmem:$0x6F0];
	(xrf0) =	vmin.scan.msk.u32 $0xffff, v23  }
0x318: {  	[tilespmem:$0x1FA80] =	vst v53;
	v52 =	vld [tilespmem:$0x610]  }
0x319: {  	[tilespmem:$0x1FA90] =	vst v50;
	v53 =	vld [tilespmem:$0x620]  }
0x31a: {  	[tilespmem:$0x1FCA0] =	vst v26;
	v26 =	vld [tilespmem:$0x9C0]  }
0x31b: {  	[tilespmem:$0x1FAA0] =	vst v51;
	v50 =	vld [tilespmem:$0x6B0]  }
0x31c: {  	[tilespmem:$0x1FAB0] =	vst v48;
	v51 =	vld [tilespmem:$0x6D0]  }
0x31d: {  	[tilespmem:$0x1FAC0] =	vst v49;
	v48 =	vmov v62;
	v62 =	vld [tilespmem:$0x740];
	v23, _, _ =	vpop (xrf0)  }
0x31e: {  	[tilespmem:$0x1FAD0] =	vst v43;
	v49 =	vld [tilespmem:$0x6C0];
	(v2sf) =	vpush v23, $0xF  }
0x31f: {  	[tilespmem:$0x1FDD0] =	vst v26;
	v26 =	vld [tilespmem:$0x9D0]  }
0x320: {  	[tilespmem:$0x1FAE0] =	vst v47;
	v43 =	vld [tilespmem:$0x8C0]  }
0x321: {  	[tilespmem:$0x1FAF0] =	vst v41;
	v47 =	vld [tilespmem:$0x6A0]  }
0x322: {  	[tilespmem:$0x1FB00] =	vst v42;
	v41 =	vld [tilespmem:$0x8E0]  }
0x323: {  	s16 =	simm.s32 $0x0;
	[tilespmem:$0x1FB10] =	vst v39;
	v42 =	vld [tilespmem:$0x8D0]  }
0x324: {  	v39 =	vld [tilespmem:$0x900];
	[tilespmem:$0x1FDE0] =	vst v26;
	v26 =	vmov s16  }
0x325: {  	vm3 =	veq.s32 v26, v13;
	v13 =	vld [tilespmem:$0x9F0]  }
0x326: {  	[tilespmem:$0x1FB20] =	vst v40;
	v40 =	vld [tilespmem:$0x8F0]  }
0x327: {  	[tilespmem:$0x1FB30] =	vst v22;
	v22 =	vld [tilespmem:$0x650]  }
0x328: {  	[tilespmem:$0x1FB40] =	vst v24;
	v24 =	vld [tilespmem:$0x630]  }
0x329: {  	v23 =	vld [tilespmem:$0x930]  }
0x32a: {  	[tilespmem:$0x1FE00] =	vst v13;
	v13 =	vld [tilespmem:$0x1FE10]  }
0x32b: {  	[tilespmem:$0x1FB50] =	vst v16;
	v16 =	vld [tilespmem:$0x640]  }
0x32c: {  	[tilespmem:$0x1FB60] =	vst v21;
	v21 =	vld [tilespmem:$0x670]  }
0x32d: {  	[tilespmem:$0x1FB70] =	vst v15;
	v15 =	vld [tilespmem:$0x660];
	s31 =	spop (v2sf)  }
0x32e: {  	[tilespmem:$0x1FD40] =	vst v23;
	v23 =	vld [tilespmem:$0x940];
	s17 =	sxor.u32 $0x80000000, s31  }
0x32f: {  	vm4 =	veq.s32 v13, s17;
	v13 =	vld [tilespmem:$0xA00]  }
0x330: {  	[tilespmem:$0x1FB80] =	vst v20;
	v20 =	vld [tilespmem:$0x680]  }
0x331: {  	[tilespmem:$0x1FB90] =	vst v14;
	v14 =	vmov v45;
	v45 =	vld [tilespmem:$0x690]  }
0x332: {  	[tilespmem:$0x1FBA0] =	vst v38;
	v38 =	vld [tilespmem:$0x910]  }
0x333: {  	[tilespmem:$0x1FD50] =	vst v23;
	v23 =	vld [tilespmem:$0x950]  }
0x334: {  	[tilespmem:$0x1FE20] =	vst v13;
	v13 =	vld [tilespmem:$0x1FE30]  }
0x335: {  	[tilespmem:$0x1FBB0] =	vst v36;
	v36 =	vld [tilespmem:$0x850]  }
0x336: {  	[tilespmem:$0x1FBC0] =	vst v37;
	v37 =	vld [tilespmem:$0x920]  }
0x337: {  	[tilespmem:$0x1FBD0] =	vst v34;
	v34 =	vld [tilespmem:$0x870]  }
0x338: {  	[tilespmem:$0x1FD60] =	vst v23;
	v23 =	vld [tilespmem:$0x960]  }
0x339: {  	vm8 =	veq.s32 v16, s17;
	v16 =	vsel vm4, $0xFF800000, v13;
	v13 =	vld [tilespmem:$0x1FE40]  }
0x33a: {  	[tilespmem:$0x1FBE0] =	vst v35;
	v35 =	vld [tilespmem:$0x860]  }
0x33b: {  	[tilespmem:$0x1FBF0] =	vst v32;
	v32 =	vmov v61;
	v61 =	vld [tilespmem:$0x750]  }
0x33c: {  	[tilespmem:$0x1FC00] =	vst v33;
	v33 =	vld [tilespmem:$0x880]  }
0x33d: {  	vm5 =	veq.s32 v52, s17;
	[tilespmem:$0x1FD70] =	vst v23;
	v23 =	vld [tilespmem:$0x970]  }
0x33e: {  	vm9 =	veq.s32 v15, s17;
	v15 =	vsel vm5, $0xFF800000, v13;
	v13 =	vld [tilespmem:$0xA20]  }
0x33f: {  	[tilespmem:$0x1FC10] =	vst v17;
	v17 =	vld [tilespmem:$0x790]  }
0x340: {  	[tilespmem:$0x1FC30] =	vst v29;
	v29 =	vmov v57;
	v57 =	vld [tilespmem:$0x730]  }
0x341: {  	[tilespmem:$0x1FC50] =	vst v27;
	v27 =	vld [tilespmem:$0xA10]  }
0x342: {  	[tilespmem:$0x1FD80] =	vst v23;
	v23 =	vld [tilespmem:$0x980]  }
0x343: {  	[tilespmem:$0x1FE50] =	vst v13;
	v13 =	vld [tilespmem:$0x1FE60]  }
0x344: {  	v0 =	vld [tilespmem:$0x760]  }
0x345: {  	v2 =	vld [tilespmem:$0x7A0]  }
0x346: {  	v1 =	vld [tilespmem:$0x7B0]  }
0x347: {  	v6 =	vld [tilespmem:$0x7C0];
	vm6 =	veq.s32 v53, s17  }
0x348: {  	vm2 =	veq.s32 v26, v14;
	[tilespmem:$0x1FD90] =	vst v23;
	v23 =	vld [tilespmem:$0x990];
	v14 =	vsel vm6, $0xFF800000, v13  }
0x349: {  	[tilespmem:$0x220] =	vst v14;
	v14 =	vld [tilespmem:$0x1FE70]  }
0x34a: {  	v3 =	vld [tilespmem:$0x7D0]  }
0x34b: {  	v8 =	vld [tilespmem:$0x7E0]  }
0x34c: {  	v7 =	vld [tilespmem:$0x7F0]  }
0x34d: {  	vm7 =	veq.s32 v24, s17;
	[tilespmem:$0x1FDA0] =	vst v23;
	v23 =	vld [tilespmem:$0x9A0]  }
0x34e: {  	v9 =	vld [tilespmem:$0x800];
	v14 =	vsel vm7, $0xFF800000, v14  }
0x34f: {  	[tilespmem:$0x230] =	vst v14;
	v14 =	vld [tilespmem:$0x1FEA0]  }
0x350: {  	v5 =	vld [tilespmem:$0x820]  }
0x351: {  	[tilespmem:$0x210] =	vst v15;
	v15 =	vld [tilespmem:$0x1FE80]  }
0x352: {  	[tilespmem:$0x1FDB0] =	vst v23;
	v23 =	vld [tilespmem:$0x9B0]  }
0x353: {  	v4 =	vld [tilespmem:$0x810]  }
0x354: {  	vm5 =	veq.s32 v21, s17;
	v21 =	vsel vm9, $0xFF800000, v14;
	v14 =	vld [tilespmem:$0x1FEB0]  }
0x355: {  	v18 =	vld [tilespmem:$0x830]  }
0x356: {  	v10 =	vld [tilespmem:$0x890]  }
0x357: {  	vm10 =	veq.s32 v20, s17;
	v20 =	vsel vm8, $0xFF800000, v15;
	v15 =	vld [tilespmem:$0x1FE90];
	[tilespmem:$0x1FDC0] =	vst v23;
	v23 =	vlaneseq.u32  }
0x358: {  	vm0 =	veq.s32 v26, v23;
	v23 =	vld [tilespmem:$0x9E0]  }
0x359: {  	[tilespmem:$0x200] =	vst v16;
	v16 =	vsel vm5, $0xFF800000, v14;
	v14 =	vld [tilespmem:$0x1FEC0]  }
0x35a: {  	v19 =	vld [tilespmem:$0x840]  }
0x35b: {  	[tilespmem:$0x1FC40] =	vst v30;
	v25 =	vmov v44;
	v44 =	vld [tilespmem:$0x8B0]  }
0x35c: {  	[tilespmem:$0x1FC60] =	vst v28;
	v24 =	vld [tilespmem:$0x210]  }
0x35d: {  	[tilespmem:$0x1FCB0] =	vst v59;
	vm4 =	veq.s32 v22, s17;
	v13 =	vld [tilespmem:$0xA30]  }
0x35e: {  	s18 =	simm.s32 $0x2;
	s16 =	simm.s32 $0x1;
	vm1 =	veq.s32 v26, v25;
	v15 =	vsel vm4, $0xFF800000, v15;
	[tilespmem:$0x1FDF0] =	vst v23;
	v23 =	vld [tilespmem:$0x200];
	v14 =	vsel vm10, $0xFF800000, v14  }
.LBB2_5:
0x35f: {  	v26 =	vld [tilespmem:$0x220]  }
0x360: {  	v25 =	vld [tilespmem:$0x230]  }
0x361: {  	[tilespmem:$0x250] =	vst v15;
	v15 =	vld [tilespmem:$0x1FA20]  }
0x362: {  	[tilespmem:$0x240] =	vst v20;
	v22 =	vld [tilespmem:$0x1FA10]  }
0x363: {  	[tilespmem:$0x270] =	vst v16;
	v16 =	vld [tilespmem:$0x1FA30]  }
0x364: {  	[tilespmem:$0x280] =	vst v14;
	v14 =	vld [tilespmem:$0x1FA40]  }
0x365: {  	[tilespmem:$0x1F770] =	vst v27;
	v28 =	vld [tilespmem:$0x240]  }
0x366: {  	vm5 =	veq.s32 v47, s17;
	[tilespmem:$0x260] =	vst v21;
	vm11 =	veq.s32 v55, s17;
	v30 =	vmov v24;
	v55 =	vld [tilespmem:$0x250]  }
0x367: {  	[tilespmem:$0x1F9E0] =	vst v24;
	v20 =	vsel vm5, $0xFF800000, v48;
	v59 =	vmax.f32 v23, v30;
	v30 =	vld [tilespmem:$0x260]  }
0x368: {  	vm5 =	veq.s32 v51, s17;
	v24 =	vsel vm11, $0xFF800000, v32;
	[tilespmem:$0x2A0] =	vst v20;
	v20 =	vld [tilespmem:$0x1FA50]  }
0x369: {  	v21 =	vsel vm5, $0xFF800000, v31;
	[tilespmem:$0x2E0] =	vst v24;
	v27 =	vld [tilespmem:$0x2A0]  }
0x36a: {  	[tilespmem:$0x2D0] =	vst v21;
	v21 =	vld [tilespmem:$0x1FA80]  }
0x36b: {  	v32 =	vld [tilespmem:$0x2E0]  }
0x36c: {  	vm4 =	veq.s32 v45, s17;
	vm6 =	veq.s32 v50, s17;
	v52 =	vld [tilespmem:$0x2D0]  }
0x36d: {  	vm5 =	veq.s32 v11, s17;
	[tilespmem:$0x1F9F0] =	vst v26;
	v15 =	vsel vm4, $0xFF800000, v15;
	v11 =	vmax.f32 v59, v26;
	v26 =	vld [tilespmem:$0x270]  }
0x36e: {  	v22 =	vsel vm6, $0xFF800000, v22;
	v59 =	vld [tilespmem:$0x280];
	[tilespmem:$0x290] =	vst v15  }
0x36f: {  	vm4 =	veq.s32 v49, s17;
	[tilespmem:$0x2B0] =	vst v22;
	v48 =	vld [tilespmem:$0x290]  }
0x370: {  	v16 =	vsel vm4, $0xFF800000, v16;
	v53 =	vld [tilespmem:$0x2B0]  }
0x371: {  	v15 =	vsel vm5, $0xFF800000, v29;
	[tilespmem:$0x2C0] =	vst v16;
	v16 =	vld [tilespmem:$0x1FA70]  }
0x372: {  	vm4 =	veq.s32 v54, s17;
	[tilespmem:$0x300] =	vst v15;
	v15 =	vld [tilespmem:$0x1FAC0]  }
0x373: {  	[tilespmem:$0x1F790] =	vst v28;
	v11 =	vmax.f32 v11, v25;
	v14 =	vsel vm4, $0xFF800000, v14;
	v31 =	vld [tilespmem:$0x2C0]  }
0x374: {  	vm5 =	veq.s32 v60, s17;
	v11 =	vmax.f32 v11, v28;
	[tilespmem:$0x2F0] =	vst v14;
	v14 =	vld [tilespmem:$0x1FAA0]  }
0x375: {  	[tilespmem:$0x1F7B0] =	vst v30;
	vm4 =	veq.s32 v56, s17;
	v22 =	vsel vm5, $0xFF800000, v58;
	v11 =	vmax.f32 v11, v55;
	v29 =	vld [tilespmem:$0x2F0]  }
0x376: {  	vm5 =	veq.s32 v62, s17;
	v20 =	vsel vm4, $0xFF800000, v20;
	[tilespmem:$0x320] =	vst v22;
	v11 =	vmax.f32 v11, v30;
	v30 =	vld [tilespmem:$0x300]  }
0x377: {  	v21 =	vsel vm5, $0xFF800000, v21;
	[tilespmem:$0x310] =	vst v20;
	v58 =	vld [tilespmem:$0x320]  }
0x378: {  	[tilespmem:$0x340] =	vst v21;
	v28 =	vld [tilespmem:$0x310]  }
0x379: {  	[tilespmem:$0x1F7C0] =	vst v26;
	v11 =	vmax.f32 v11, v26;
	v26 =	vld [tilespmem:$0x340]  }
0x37a: {  	vm4 =	veq.s32 v57, s17;
	vm5 =	veq.s32 v0, s17;
	v0 =	vmax.f32 v11, v59;
	v11 =	vld [tilespmem:$0x1FA90]  }
0x37b: {  	v16 =	vsel vm4, $0xFF800000, v16;
	v14 =	vsel vm5, $0xFF800000, v14;
	vm5 =	veq.s32 v12, s17;
	v12 =	vld [tilespmem:$0x1FAB0]  }
0x37c: {  	[tilespmem:$0x330] =	vst v16;
	v16 =	vld [tilespmem:$0x1FAE0]  }
0x37d: {  	[tilespmem:$0x1F780] =	vst v27;
	v0 =	vmax.f32 v0, v48;
	v15 =	vsel vm5, $0xFF800000, v15;
	vm5 =	veq.s32 v2, s17;
	v2 =	vld [tilespmem:$0x1FAD0]  }
0x37e: {  	vm4 =	veq.s32 v61, s17;
	v0 =	vmax.f32 v0, v27;
	v27 =	vld [tilespmem:$0x330];
	[tilespmem:$0x360] =	vst v14  }
0x37f: {  	[tilespmem:$0x380] =	vst v15;
	v11 =	vsel vm4, $0xFF800000, v11;
	vm4 =	veq.s32 v63, s17;
	v63 =	vld [tilespmem:$0x360]  }
0x380: {  	v61 =	vld [tilespmem:$0x380]  }
0x381: {  	[tilespmem:$0x350] =	vst v11;
	v16 =	vsel vm5, $0xFF800000, v16;
	vm5 =	veq.s32 v6, s17;
	v6 =	vld [tilespmem:$0x1FB00]  }
0x382: {  	v12 =	vsel vm4, $0xFF800000, v12;
	vm4 =	veq.s32 v17, s17;
	v62 =	vld [tilespmem:$0x350]  }
0x383: {  	v2 =	vsel vm4, $0xFF800000, v2;
	vm4 =	veq.s32 v1, s17;
	v1 =	vld [tilespmem:$0x1FAF0];
	[tilespmem:$0x370] =	vst v12  }
0x384: {  	[tilespmem:$0x3A0] =	vst v16;
	v60 =	vld [tilespmem:$0x370]  }
0x385: {  	[tilespmem:$0x390] =	vst v2;
	v2 =	vld [tilespmem:$0x1FB30]  }
0x386: {  	v57 =	vld [tilespmem:$0x3A0]  }
0x387: {  	v56 =	vld [tilespmem:$0x390]  }
0x388: {  	v6 =	vsel vm5, $0xFF800000, v6;
	vm5 =	veq.s32 v8, s17;
	v8 =	vld [tilespmem:$0x1FB20]  }
0x389: {  	v1 =	vsel vm4, $0xFF800000, v1;
	vm4 =	veq.s32 v3, s17;
	v3 =	vld [tilespmem:$0x1FB10]  }
0x38a: {  	[tilespmem:$0x3C0] =	vst v6;
	v6 =	vld [tilespmem:$0x1FBA0]  }
0x38b: {  	[tilespmem:$0x3B0] =	vst v1;
	v1 =	vld [tilespmem:$0x1FB50]  }
0x38c: {  	[tilespmem:$0x1F7A0] =	vst v55;
	v55 =	vld [tilespmem:$0x3C0]  }
0x38d: {  	v54 =	vld [tilespmem:$0x3B0]  }
0x38e: {  	v8 =	vsel vm5, $0xFF800000, v8;
	v3 =	vsel vm4, $0xFF800000, v3;
	vm4 =	veq.s32 v7, s17;
	v7 =	vld [tilespmem:$0x1FB40]  }
0x38f: {  	[tilespmem:$0x3E0] =	vst v8;
	v2 =	vsel vm4, $0xFF800000, v2;
	vm4 =	veq.s32 v4, s17;
	v4 =	vld [tilespmem:$0x1FB60]  }
0x390: {  	[tilespmem:$0x3D0] =	vst v3;
	v3 =	vld [tilespmem:$0x1FB70]  }
0x391: {  	v51 =	vld [tilespmem:$0x3E0]  }
0x392: {  	v50 =	vld [tilespmem:$0x3D0]  }
0x393: {  	[tilespmem:$0x3F0] =	vst v2;
	v2 =	vld [tilespmem:$0x1FB90]  }
0x394: {  	v1 =	vsel vm4, $0xFF800000, v1;
	v47 =	vld [tilespmem:$0x3F0]  }
0x395: {  	[tilespmem:$0x410] =	vst v1;
	v1 =	vld [tilespmem:$0x1FBB0]  }
0x396: {  	vm5 =	veq.s32 v9, s17;
	v45 =	vld [tilespmem:$0x410]  }
0x397: {  	v7 =	vsel vm5, $0xFF800000, v7;
	vm5 =	veq.s32 v5, s17;
	v5 =	vld [tilespmem:$0x1FB80]  }
0x398: {  	vm4 =	veq.s32 v18, s17;
	[tilespmem:$0x400] =	vst v7;
	v7 =	vld [tilespmem:$0x1FBC0]  }
0x399: {  	v3 =	vsel vm4, $0xFF800000, v3;
	v49 =	vld [tilespmem:$0x400]  }
0x39a: {  	v4 =	vsel vm5, $0xFF800000, v4;
	vm4 =	veq.s32 v36, s17;
	[tilespmem:$0x430] =	vst v3;
	v3 =	vld [tilespmem:$0x1FBD0]  }
0x39b: {  	v2 =	vsel vm4, $0xFF800000, v2;
	vm4 =	veq.s32 v34, s17;
	[tilespmem:$0x420] =	vst v4;
	v4 =	vld [tilespmem:$0x1FBE0]  }
0x39c: {  	vm5 =	veq.s32 v19, s17;
	v1 =	vsel vm4, $0xFF800000, v1;
	[tilespmem:$0x450] =	vst v2;
	v2 =	vld [tilespmem:$0x1FBF0]  }
0x39d: {  	[tilespmem:$0x470] =	vst v1;
	v1 =	vld [tilespmem:$0x1FC10];
	v5 =	vsel vm5, $0xFF800000, v5;
	vm5 =	veq.s32 v35, s17  }
0x39e: {  	v6 =	vsel vm5, $0xFF800000, v6;
	vm5 =	veq.s32 v33, s17;
	[tilespmem:$0x440] =	vst v5;
	v5 =	vld [tilespmem:$0x1FC00]  }
0x39f: {  	vm4 =	veq.s32 v10, s17;
	v7 =	vsel vm5, $0xFF800000, v7;
	vm5 =	veq.s32 v46, s17;
	v46 =	vld [tilespmem:$0x420]  }
0x3a0: {  	v3 =	vsel vm4, $0xFF800000, v3;
	vm4 =	veq.s32 v44, s17;
	v44 =	vld [tilespmem:$0x440]  }
0x3a1: {  	[tilespmem:$0x460] =	vst v6;
	v6 =	vld [tilespmem:$0x1FC20]  }
0x3a2: {  	v4 =	vsel vm5, $0xFF800000, v4;
	vm5 =	veq.s32 v43, s17;
	v43 =	vld [tilespmem:$0x430]  }
0x3a3: {  	v2 =	vsel vm4, $0xFF800000, v2;
	vm4 =	veq.s32 v42, s17;
	v42 =	vld [tilespmem:$0x460]  }
0x3a4: {  	[tilespmem:$0x490] =	vst v3;
	v3 =	vld [tilespmem:$0x1FC30]  }
0x3a5: {  	[tilespmem:$0x480] =	vst v7;
	v7 =	vld [tilespmem:$0x1FC40]  }
0x3a6: {  	v1 =	vsel vm4, $0xFF800000, v1;
	vm4 =	veq.s32 v40, s17;
	v40 =	vld [tilespmem:$0x480]  }
0x3a7: {  	[tilespmem:$0x4B0] =	vst v2;
	v2 =	vld [tilespmem:$0x1FC50]  }
0x3a8: {  	[tilespmem:$0x4A0] =	vst v4;
	v4 =	vld [tilespmem:$0x1FC60]  }
0x3a9: {  	v35 =	vld [tilespmem:$0x4B0]  }
0x3aa: {  	[tilespmem:$0x4D0] =	vst v1;
	v1 =	vld [tilespmem:$0x1FC70]  }
0x3ab: {  	v0 =	vmax.f32 v0, v53;
	v5 =	vsel vm5, $0xFF800000, v5;
	vm5 =	veq.s32 v41, s17;
	v41 =	vld [tilespmem:$0x450]  }
0x3ac: {  	v0 =	vmax.f32 v0, v31;
	v33 =	vld [tilespmem:$0x4D0]  }
0x3ad: {  	v0 =	vmax.f32 v0, v52;
	v6 =	vsel vm5, $0xFF800000, v6;
	vm5 =	veq.s32 v39, s17;
	v39 =	vld [tilespmem:$0x470]  }
0x3ae: {  	v0 =	vmax.f32 v0, v32;
	[tilespmem:$0x4C0] =	vst v5;
	v5 =	vld [tilespmem:$0x1FD40]  }
0x3af: {  	v0 =	vmax.f32 v0, v29;
	v7 =	vsel vm5, $0xFF800000, v7;
	vm5 =	veq.s32 v37, s17;
	v37 =	vld [tilespmem:$0x490]  }
0x3b0: {  	v0 =	vmax.f32 v0, v30;
	v3 =	vsel vm4, $0xFF800000, v3;
	vm4 =	veq.s32 v38, s17;
	v38 =	vld [tilespmem:$0x4A0]  }
0x3b1: {  	v0 =	vmax.f32 v0, v28;
	v36 =	vld [tilespmem:$0x4C0]  }
0x3b2: {  	v0 =	vmax.f32 v0, v58;
	[tilespmem:$0x4E0] =	vst v6;
	v6 =	vld [tilespmem:$0x1FD60]  }
0x3b3: {  	v0 =	vmax.f32 v0, v27;
	[tilespmem:$0x4F0] =	vst v3;
	v3 =	vld [tilespmem:$0x1FC90]  }
0x3b4: {  	v0 =	vmax.f32 v0, v26;
	v34 =	vld [tilespmem:$0x4E0]  }
0x3b5: {  	v0 =	vmax.f32 v0, v62;
	[tilespmem:$0x500] =	vst v7;
	v7 =	vld [tilespmem:$0x1FD80]  }
0x3b6: {  	v0 =	vmax.f32 v0, v63;
	v2 =	vsel vm4, $0xFF800000, v2;
	vm4 =	veq.s32 v5, s17;
	v5 =	vld [tilespmem:$0x1FD50]  }
0x3b7: {  	[tilespmem:$0x1FA00] =	vst v25;
	v0 =	vmax.f32 v0, v60;
	v25 =	vld [tilespmem:$0x4F0]  }
0x3b8: {  	v0 =	vmax.f32 v0, v61;
	[tilespmem:$0x510] =	vst v2;
	v2 =	vld [tilespmem:$0x1FCB0]  }
0x3b9: {  	v0 =	vmax.f32 v0, v56;
	v24 =	vld [tilespmem:$0x500]  }
0x3ba: {  	v0 =	vmax.f32 v0, v57;
	v1 =	vsel vm4, $0xFF800000, v1;
	vm4 =	veq.s32 v6, s17;
	v6 =	vld [tilespmem:$0x1FD70]  }
0x3bb: {  	v0 =	vmax.f32 v0, v54;
	v4 =	vsel vm5, $0xFF800000, v4;
	vm5 =	veq.s32 v5, s17;
	v5 =	vld [tilespmem:$0x1FC80]  }
0x3bc: {  	v0 =	vmax.f32 v0, v55;
	[tilespmem:$0x520] =	vst v4;
	v4 =	vld [tilespmem:$0x1FDA0]  }
0x3bd: {  	v0 =	vmax.f32 v0, v50;
	v21 =	vld [tilespmem:$0x510]  }
0x3be: {  	v0 =	vmax.f32 v0, v51;
	v22 =	vld [tilespmem:$0x520]  }
0x3bf: {  	v0 =	vmax.f32 v0, v47;
	v3 =	vsel vm4, $0xFF800000, v3;
	vm4 =	veq.s32 v7, s17;
	v7 =	vld [tilespmem:$0x1FD90]  }
0x3c0: {  	v0 =	vmax.f32 v0, v49;
	v5 =	vsel vm5, $0xFF800000, v5;
	vm5 =	veq.s32 v6, s17;
	v6 =	vld [tilespmem:$0x1FCA0]  }
0x3c1: {  	v0 =	vmax.f32 v0, v45;
	[tilespmem:$0x530] =	vst v1;
	v1 =	vld [tilespmem:$0x1FCD0]  }
0x3c2: {  	v0 =	vmax.f32 v0, v46;
	v2 =	vsel vm4, $0xFF800000, v2;
	vm4 =	veq.s32 v4, s17;
	v4 =	vld [tilespmem:$0x1FDB0]  }
0x3c3: {  	v0 =	vmax.f32 v0, v43;
	[tilespmem:$0x540] =	vst v5;
	v5 =	vld [tilespmem:$0x1FDC0]  }
0x3c4: {  	v0 =	vmax.f32 v0, v44;
	v19 =	vld [tilespmem:$0x530]  }
0x3c5: {  	v0 =	vmax.f32 v0, v41;
	v6 =	vsel vm5, $0xFF800000, v6;
	vm5 =	veq.s32 v7, s17;
	v7 =	vld [tilespmem:$0x1FCC0]  }
0x3c6: {  	v0 =	vmax.f32 v0, v42;
	[tilespmem:$0x550] =	vst v3;
	v3 =	vld [tilespmem:$0x1FCF0]  }
0x3c7: {  	v0 =	vmax.f32 v0, v39;
	v17 =	vld [tilespmem:$0x550]  }
0x3c8: {  	v0 =	vmax.f32 v0, v40;
	v1 =	vsel vm4, $0xFF800000, v1;
	vm4 =	veq.s32 v5, s17;
	v5 =	vld [tilespmem:$0x1FDD0]  }
0x3c9: {  	v0 =	vmax.f32 v0, v37;
	[tilespmem:$0x560] =	vst v6;
	v6 =	vld [tilespmem:$0x1FDE0]  }
0x3ca: {  	v0 =	vmax.f32 v0, v38;
	v7 =	vsel vm5, $0xFF800000, v7;
	vm5 =	veq.s32 v4, s17;
	v4 =	vld [tilespmem:$0x1FCE0]  }
0x3cb: {  	[tilespmem:$0x570] =	vst v2;
	v2 =	vld [tilespmem:$0x1FD10];
	v0 =	vmax.f32 v0, v35  }
0x3cc: {  	v15 =	vld [tilespmem:$0x570];
	v0 =	vmax.f32 v0, v36  }
0x3cd: {  	v0 =	vmax.f32 v0, v33;
	v20 =	vld [tilespmem:$0x540]  }
0x3ce: {  	v0 =	vmax.f32 v0, v34;
	v3 =	vsel vm4, $0xFF800000, v3;
	vm4 =	veq.s32 v6, s17;
	v6 =	vld [tilespmem:$0x1FE00]  }
0x3cf: {  	v0 =	vmax.f32 v0, v25;
	v4 =	vsel vm5, $0xFF800000, v4;
	vm5 =	veq.s32 v5, s17;
	v5 =	vld [tilespmem:$0x1FD00]  }
0x3d0: {  	v0 =	vmax.f32 v0, v24;
	[tilespmem:$0x580] =	vst v7;
	v7 =	vld [tilespmem:$0x1FDF0]  }
0x3d1: {  	[tilespmem:$0x590] =	vst v1;
	v1 =	vld [tilespmem:$0x1FD20];
	v0 =	vmax.f32 v0, v21  }
0x3d2: {  	v0 =	vmax.f32 v0, v22;
	v18 =	vld [tilespmem:$0x560]  }
0x3d3: {  	v0 =	vmax.f32 v0, v19;
	v16 =	vld [tilespmem:$0x580]  }
0x3d4: {  	v0 =	vmax.f32 v0, v20;
	v5 =	vsel vm5, $0xFF800000, v5;
	vm5 =	veq.s32 v6, s17;
	v6 =	vld [tilespmem:$0x1FD30]  }
0x3d5: {  	v2 =	vsel vm4, $0xFF800000, v2;
	vm4 =	veq.s32 v7, s17;
	v7 =	vsel vm3, s17, v13;
	[tilespmem:$0x5A0] =	vst v4;
	v13 =	vld [tilespmem:$0x590]  }
0x3d6: {  	[tilespmem:$0x5B0] =	vst v3;
	v0 =	vmax.f32 v0, v17;
	v14 =	vld [tilespmem:$0x5A0]  }
0x3d7: {  	v11 =	vld [tilespmem:$0x5B0];
	v0 =	vmax.f32 v0, v18;
	[tilespmem:$0x5C0] =	vst v5  }
0x3d8: {  	[tilespmem:$0x5D0] =	vst v2;
	v0 =	vmax.f32 v0, v15;
	v1 =	vsel vm4, $0xFF800000, v1;
	v12 =	vld [tilespmem:$0x5C0]  }
0x3d9: {  	v10 =	vld [tilespmem:$0x5D0];
	v0 =	vmax.f32 v0, v16;
	[tilespmem:$0x5E0] =	vst v1;
	v6 =	vsel vm5, $0xFF800000, v6  }
0x3da: {  	v0 =	vmax.f32 v0, v13;
	[tilespmem:$0x5F0] =	vst v6;
	v6 =	vld [tilespmem:$0x5E0]  }
0x3db: {  	v0 =	vmax.f32 v0, v14;
	v5 =	vld [tilespmem:$0x5F0]  }
0x3dc: {  	v0 =	vmax.f32 v0, v11  }
0x3dd: {  	v0 =	vmax.f32 v0, v12  }
0x3de: {  	v0 =	vmax.f32 v0, v10  }
0x3df: {  	v0 =	vmax.f32 v0, v6  }
0x3e0: {  	v0 =	vmax.f32 v0, v5  }
0x3e1: {  	(xrf0) =	vmax.scan.msk.f32 $0xffff, v0;
	_ =	sdelay $0x2  }
0x3e2: {  	v8 =	vld [tilespmem:$0x1FE50]  }
0x3e3: {  	v4 =	vld [tilespmem:$0x1FE20];
	_ =	sdelay $0x1  }
0x3e4: {  	v0, _, _ =	vpop (xrf0)  }
0x3e5: {  	v9 =	vld [tilespmem:$0x1F770];
	v0 =	vbroadcast v0, $0xF  }
0x3e6: {  	v8 =	vsel vm2, s17, v8;
	v3 =	vld [tilespmem:$0x1F9E0]  }
0x3e7: {  	v1 =	vld [tilespmem:$0x610];
	v4 =	vsel vm0, s17, v4;
	[tilespmem:$0x1FD30] =	vst v5;
	vm2 =	veq.f32 v5, v0;
	v5 =	vimm.s32 $0x0  }
0x3e8: {  	[tilespmem:$0xA00] =	vst v4;
	v4 =	vld [tilespmem:$0x600];
	v5 =	vsel vm2, $0xFFFFFFFF, v5  }
0x3e9: {  	[tilespmem:$0x1F9B0] =	vst v5;
	v5 =	vld [tilespmem:$0x1F9F0]  }
0x3ea: {  	v2 =	vld [tilespmem:$0x620];
	_ =	sdelay $0x1  }
0x3eb: {  	v9 =	vsel vm1, s17, v9;
	vm0 =	veq.f32 v23, v0;
	vm1 =	veq.f32 v3, v0  }
0x3ec: {  	[tilespmem:$0x1F9C0] =	vst v4;
	v4 =	vnsel vm0, $0x2000, v4;
	v1 =	vnsel vm1, $0x2000, v1  }
0x3ed: {  	vm1 =	vlt.s32 v4, v1;
	vm2 =	veq.f32 v5, v0  }
0x3ee: {  	v1 =	vsel vm1, v4, v1;
	v4 =	vld [tilespmem:$0x1FA00];
	v2 =	vnsel vm2, $0x2000, v2  }
0x3ef: {  	v3 =	vld [tilespmem:$0x630];
	vm3 =	vlt.s32 v1, v2  }
0x3f0: {  	[tilespmem:$0x1FA30] =	vst v31;
	v1 =	vsel vm3, v1, v2;
	vm3 =	veq.f32 v31, v0;
	v31 =	vmov v52;
	v52 =	vld [tilespmem:$0x1F790]  }
0x3f1: {  	v5 =	vld [tilespmem:$0x640];
	_ =	sdelay $0x1  }
0x3f2: {  	vm4 =	veq.f32 v4, v0  }
0x3f3: {  	[tilespmem:$0x1FA10] =	vst v53;
	vm2 =	veq.f32 v53, v0;
	v53 =	vld [tilespmem:$0x1F7A0];
	v2 =	vnsel vm4, $0x2000, v3  }
0x3f4: {  	v4 =	vld [tilespmem:$0x650];
	vm5 =	vlt.s32 v1, v2;
	vm12 =	veq.f32 v52, v0  }
0x3f5: {  	[tilespmem:$0x1FA20] =	vst v48;
	v1 =	vsel vm5, v1, v2;
	v2 =	vnsel vm12, $0x2000, v5  }
0x3f6: {  	[tilespmem:$0x1FA40] =	vst v29;
	vm13 =	veq.f32 v48, v0;
	v48 =	vld [tilespmem:$0x1F780];
	vm7 =	vlt.s32 v1, v2  }
0x3f7: {  	vm6 =	veq.f32 v29, v0;
	v29 =	vmovc v30;
	v1 =	vsel vm7, v1, v2;
	vm7 =	veq.f32 v30, v0;
	v30 =	vld [tilespmem:$0x1F7B0]  }
0x3f8: {  	v3 =	vld [tilespmem:$0x660];
	vm8 =	veq.f32 v53, v0  }
0x3f9: {  	[tilespmem:$0x1FA50] =	vst v28;
	v2 =	vnsel vm8, $0x2000, v4;
	vm8 =	veq.f32 v28, v0;
	v28 =	vld [tilespmem:$0x1F7C0]  }
0x3fa: {  	v5 =	vld [tilespmem:$0x670]  }
0x3fb: {  	[tilespmem:$0xA30] =	vst v7;
	v7 =	vimm.s32 $0x0;
	vm14 =	veq.f32 v59, v0;
	vm0 =	veq.f32 v63, v0  }
0x3fc: {  	v7 =	vsel vm0, $0xFFFFFFFF, v7;
	v4 =	vld [tilespmem:$0x680];
	vm9 =	vlt.s32 v1, v2;
	vm10 =	veq.f32 v30, v0  }
0x3fd: {  	[tilespmem:$0x1F7D0] =	vst v7;
	v7 =	vimm.s32 $0x0;
	v1 =	vsel vm9, v1, v2;
	v2 =	vnsel vm10, $0x2000, v3  }
0x3fe: {  	vm1 =	veq.f32 v48, v0;
	vm12 =	veq.f32 v28, v0;
	vm11 =	vlt.s32 v1, v2  }
0x3ff: {  	vm4 =	veq.f32 v31, v0;
	v3 =	vld [tilespmem:$0x690];
	v1 =	vsel vm11, v1, v2;
	v2 =	vnsel vm12, $0x2000, v5  }
0x400: {  	vm5 =	veq.f32 v32, v0;
	vm9 =	veq.f32 v58, v0;
	vm15 =	vlt.s32 v1, v2  }
0x401: {  	vm10 =	veq.f32 v27, v0;
	v1 =	vsel vm15, v1, v2;
	v2 =	vnsel vm14, $0x2000, v4  }
0x402: {  	vm11 =	veq.f32 v26, v0;
	v5 =	vld [tilespmem:$0x6A0];
	vm15 =	veq.f32 v61, v0;
	vm0 =	vlt.s32 v1, v2  }
0x403: {  	v7 =	vsel vm15, $0xFFFFFFFF, v7;
	vm15 =	veq.f32 v56, v0;
	v1 =	vsel vm0, v1, v2  }
0x404: {  	v2 =	vnsel vm13, $0x2000, v3;
	vm0 =	veq.f32 v57, v0;
	v3 =	vimm.s32 $0x0  }
0x405: {  	v4 =	vld [tilespmem:$0x6B0];
	[tilespmem:$0x1F7E0] =	vst v7;
	v7 =	vimm.s32 $0x0;
	v3 =	vsel vm0, $0xFFFFFFFF, v3;
	vm0 =	vlt.s32 v1, v2  }
0x406: {  	vm13 =	veq.f32 v54, v0;
	v7 =	vsel vm15, $0xFFFFFFFF, v7;
	v1 =	vsel vm0, v1, v2  }
0x407: {  	[tilespmem:$0x1F7F0] =	vst v7;
	v2 =	vnsel vm1, $0x2000, v5;
	vm0 =	veq.f32 v50, v0;
	v5 =	vimm.s32 $0x0  }
0x408: {  	[tilespmem:$0x1F800] =	vst v3;
	v3 =	vld [tilespmem:$0x6C0];
	v7 =	vimm.s32 $0x0;
	v5 =	vsel vm0, $0xFFFFFFFF, v5;
	vm0 =	vlt.s32 v1, v2  }
0x409: {  	v7 =	vsel vm13, $0xFFFFFFFF, v7;
	vm13 =	veq.f32 v55, v0;
	v1 =	vsel vm0, v1, v2  }
0x40a: {  	[tilespmem:$0x1F810] =	vst v7;
	v2 =	vnsel vm2, $0x2000, v4;
	vm0 =	veq.f32 v49, v0;
	v4 =	vimm.s32 $0x0  }
0x40b: {  	v7 =	vimm.s32 $0x0;
	[tilespmem:$0x1F830] =	vst v5;
	v5 =	vld [tilespmem:$0x6D0];
	v4 =	vsel vm0, $0xFFFFFFFF, v4;
	vm0 =	vlt.s32 v1, v2  }
0x40c: {  	vm1 =	veq.f32 v51, v0;
	v7 =	vsel vm13, $0xFFFFFFFF, v7;
	v1 =	vsel vm0, v1, v2  }
0x40d: {  	[tilespmem:$0x1F820] =	vst v7;
	vm0 =	veq.f32 v43, v0;
	v2 =	vnsel vm3, $0x2000, v3;
	v3 =	vimm.s32 $0x0  }
0x40e: {  	v7 =	vimm.s32 $0x0;
	[tilespmem:$0x1F860] =	vst v4;
	v4 =	vld [tilespmem:$0x6E0];
	v3 =	vsel vm0, $0xFFFFFFFF, v3;
	vm0 =	vlt.s32 v1, v2  }
0x40f: {  	v7 =	vsel vm1, $0xFFFFFFFF, v7;
	vm1 =	veq.f32 v47, v0;
	v1 =	vsel vm0, v1, v2  }
0x410: {  	[tilespmem:$0x1F840] =	vst v7;
	v2 =	vnsel vm4, $0x2000, v5;
	vm0 =	veq.f32 v42, v0;
	v5 =	vimm.s32 $0x0  }
0x411: {  	v7 =	vimm.s32 $0x0;
	[tilespmem:$0x1F890] =	vst v3;
	v3 =	vld [tilespmem:$0x6F0];
	v5 =	vsel vm0, $0xFFFFFFFF, v5;
	vm0 =	vlt.s32 v1, v2  }
0x412: {  	v7 =	vsel vm1, $0xFFFFFFFF, v7;
	vm1 =	veq.f32 v45, v0;
	v1 =	vsel vm0, v1, v2  }
0x413: {  	[tilespmem:$0x1F850] =	vst v7;
	v2 =	vnsel vm5, $0x2000, v4;
	vm0 =	veq.f32 v37, v0;
	v4 =	vimm.s32 $0x0  }
0x414: {  	v7 =	vimm.s32 $0x0;
	[tilespmem:$0x1F8C0] =	vst v5;
	v5 =	vld [tilespmem:$0x700];
	v4 =	vsel vm0, $0xFFFFFFFF, v4;
	vm0 =	vlt.s32 v1, v2  }
0x415: {  	v7 =	vsel vm1, $0xFFFFFFFF, v7;
	vm1 =	veq.f32 v46, v0;
	v1 =	vsel vm0, v1, v2  }
0x416: {  	[tilespmem:$0x1F870] =	vst v7;
	vm0 =	veq.f32 v36, v0;
	v2 =	vnsel vm6, $0x2000, v3;
	v3 =	vimm.s32 $0x0  }
0x417: {  	v7 =	vimm.s32 $0x0;
	[tilespmem:$0x1F8F0] =	vst v4;
	v4 =	vld [tilespmem:$0x710];
	v3 =	vsel vm0, $0xFFFFFFFF, v3;
	vm0 =	vlt.s32 v1, v2  }
0x418: {  	v7 =	vsel vm1, $0xFFFFFFFF, v7;
	vm1 =	veq.f32 v44, v0;
	v1 =	vsel vm0, v1, v2  }
0x419: {  	[tilespmem:$0x1F880] =	vst v7;
	v2 =	vnsel vm7, $0x2000, v5;
	vm0 =	veq.f32 v25, v0;
	v5 =	vimm.s32 $0x0  }
0x41a: {  	v7 =	vimm.s32 $0x0;
	[tilespmem:$0x1F920] =	vst v3;
	v3 =	vld [tilespmem:$0x720];
	v5 =	vsel vm0, $0xFFFFFFFF, v5;
	vm0 =	vlt.s32 v1, v2  }
0x41b: {  	vm12 =	veq.f32 v62, v0;
	v7 =	vsel vm1, $0xFFFFFFFF, v7;
	v1 =	vsel vm0, v1, v2  }
0x41c: {  	[tilespmem:$0x1F950] =	vst v5;
	v5 =	vld [tilespmem:$0x730];
	v2 =	vnsel vm8, $0x2000, v4;
	vm0 =	veq.f32 v22, v0;
	v4 =	vimm.s32 $0x0  }
0x41d: {  	vm1 =	veq.f32 v41, v0;
	[tilespmem:$0x1F8A0] =	vst v7;
	v7 =	vimm.s32 $0x0;
	v4 =	vsel vm0, $0xFFFFFFFF, v4  }
0x41e: {  	v7 =	vsel vm1, $0xFFFFFFFF, v7;
	vm1 =	veq.f32 v39, v0;
	vm0 =	vlt.s32 v1, v2;
	[tilespmem:$0x1F980] =	vst v4;
	v4 =	vld [tilespmem:$0x740]  }
0x41f: {  	[tilespmem:$0x1F8B0] =	vst v7;
	v7 =	vimm.s32 $0x0;
	v1 =	vsel vm0, v1, v2;
	v2 =	vnsel vm9, $0x2000, v3  }
0x420: {  	v7 =	vsel vm1, $0xFFFFFFFF, v7;
	vm1 =	veq.f32 v40, v0;
	v3 =	vld [tilespmem:$0x750];
	vm0 =	vlt.s32 v1, v2  }
0x421: {  	[tilespmem:$0x1F8D0] =	vst v7;
	v7 =	vimm.s32 $0x0;
	v1 =	vsel vm0, v1, v2;
	v2 =	vnsel vm10, $0x2000, v5  }
0x422: {  	v7 =	vsel vm1, $0xFFFFFFFF, v7;
	vm1 =	veq.f32 v38, v0;
	vm0 =	vlt.s32 v1, v2  }
0x423: {  	[tilespmem:$0x1F8E0] =	vst v7;
	v7 =	vimm.s32 $0x0;
	v1 =	vsel vm0, v1, v2;
	v2 =	vnsel vm11, $0x2000, v4  }
0x424: {  	v7 =	vsel vm1, $0xFFFFFFFF, v7;
	vm1 =	veq.f32 v35, v0;
	vm0 =	vlt.s32 v1, v2  }
0x425: {  	[tilespmem:$0x1F900] =	vst v7;
	v7 =	vimm.s32 $0x0;
	v1 =	vsel vm0, v1, v2;
	v2 =	vnsel vm12, $0x2000, v3  }
0x426: {  	vm14 =	veq.f32 v60, v0;
	v7 =	vsel vm1, $0xFFFFFFFF, v7;
	vm0 =	vlt.s32 v1, v2  }
0x427: {  	vm1 =	veq.f32 v33, v0;
	[tilespmem:$0x1F910] =	vst v7;
	v7 =	vimm.s32 $0x0;
	v1 =	vsel vm0, v1, v2;
	v2 =	vld [tilespmem:$0x1F7D0]  }
0x428: {  	vm15 =	veq.f32 v16, v0;
	vm2 =	veq.f32 v10, v0;
	v5 =	vld [tilespmem:$0x760];
	v7 =	vsel vm1, $0xFFFFFFFF, v7  }
0x429: {  	vm13 =	veq.f32 v17, v0;
	vm1 =	veq.f32 v34, v0;
	[tilespmem:$0x1F930] =	vst v7;
	v7 =	vimm.s32 $0x0  }
0x42a: {  	vm3 =	veq.f32 v12, v0;
	vm4 =	veq.f32 v11, v0;
	v4 =	vld [tilespmem:$0x770];
	v7 =	vsel vm1, $0xFFFFFFFF, v7  }
0x42b: {  	vm5 =	veq.f32 v14, v0;
	vm1 =	veq.f32 v24, v0;
	[tilespmem:$0x1F940] =	vst v7;
	v7 =	vimm.s32 $0x0  }
0x42c: {  	vm8 =	veq.f32 v15, v0;
	v7 =	vsel vm1, $0xFFFFFFFF, v7;
	vm0 =	vnez.u8 v2  }
0x42d: {  	vm1 =	veq.f32 v21, v0;
	[tilespmem:$0x1F960] =	vst v7;
	v7 =	vimm.s32 $0x0;
	v2 =	vnsel vm0, $0x2000, v5  }
0x42e: {  	v7 =	vsel vm1, $0xFFFFFFFF, v7;
	vm1 =	veq.f32 v19, v0;
	vm0 =	vlt.s32 v1, v2  }
0x42f: {  	[tilespmem:$0x1F970] =	vst v7;
	v7 =	vimm.s32 $0x0;
	v1 =	vsel vm0, v1, v2;
	v2 =	vnsel vm14, $0x2000, v4  }
0x430: {  	vm9 =	veq.f32 v18, v0;
	v7 =	vsel vm1, $0xFFFFFFFF, v7;
	vm0 =	vlt.s32 v1, v2  }
0x431: {  	vm1 =	veq.f32 v20, v0;
	[tilespmem:$0x1F990] =	vst v7;
	v7 =	vimm.s32 $0x0;
	v1 =	vsel vm0, v1, v2;
	v2 =	vld [tilespmem:$0x1F7E0]  }
0x432: {  	vm10 =	veq.f32 v13, v0;
	v7 =	vsel vm1, $0xFFFFFFFF, v7;
	vm1 =	veq.f32 v6, v0;
	v0 =	vld [tilespmem:$0x780];
	_ =	sdelay $0x3  }
0x433: {  	vm0 =	vnez.u8 v2  }
0x434: {  	v0 =	vnsel vm0, $0x2000, v0  }
0x435: {  	vm0 =	vlt.s32 v1, v0  }
0x436: {  	v0 =	vsel vm0, v1, v0;
	v1 =	vld [tilespmem:$0x1F7F0]  }
0x437: {  	v3 =	vld [tilespmem:$0x790];
	_ =	sdelay $0x3  }
0x438: {  	vm0 =	vnez.u8 v1  }
0x439: {  	v1 =	vnsel vm0, $0x2000, v3  }
0x43a: {  	vm0 =	vlt.s32 v0, v1  }
0x43b: {  	v0 =	vsel vm0, v0, v1;
	v1 =	vld [tilespmem:$0x1F800]  }
0x43c: {  	v4 =	vld [tilespmem:$0x7A0];
	_ =	sdelay $0x3  }
0x43d: {  	vm0 =	vnez.u8 v1  }
0x43e: {  	v1 =	vnsel vm0, $0x2000, v4  }
0x43f: {  	vm0 =	vlt.s32 v0, v1  }
0x440: {  	v0 =	vsel vm0, v0, v1;
	v1 =	vld [tilespmem:$0x1F810]  }
0x441: {  	v2 =	vld [tilespmem:$0x7B0];
	_ =	sdelay $0x3  }
0x442: {  	vm0 =	vnez.u8 v1  }
0x443: {  	v1 =	vnsel vm0, $0x2000, v2  }
0x444: {  	vm0 =	vlt.s32 v0, v1  }
0x445: {  	v0 =	vsel vm0, v0, v1;
	v1 =	vld [tilespmem:$0x1F820]  }
0x446: {  	v3 =	vld [tilespmem:$0x7C0];
	_ =	sdelay $0x3  }
0x447: {  	vm0 =	vnez.u8 v1  }
0x448: {  	v1 =	vnsel vm0, $0x2000, v3  }
0x449: {  	vm0 =	vlt.s32 v0, v1  }
0x44a: {  	v0 =	vsel vm0, v0, v1;
	v1 =	vld [tilespmem:$0x1F830]  }
0x44b: {  	v4 =	vld [tilespmem:$0x7D0];
	_ =	sdelay $0x3  }
0x44c: {  	vm0 =	vnez.u8 v1  }
0x44d: {  	v1 =	vnsel vm0, $0x2000, v4  }
0x44e: {  	vm0 =	vlt.s32 v0, v1  }
0x44f: {  	v0 =	vsel vm0, v0, v1;
	v1 =	vld [tilespmem:$0x1F840]  }
0x450: {  	v2 =	vld [tilespmem:$0x7E0];
	_ =	sdelay $0x3  }
0x451: {  	vm0 =	vnez.u8 v1  }
0x452: {  	v1 =	vnsel vm0, $0x2000, v2  }
0x453: {  	vm0 =	vlt.s32 v0, v1  }
0x454: {  	v0 =	vsel vm0, v0, v1;
	v1 =	vld [tilespmem:$0x1F850]  }
0x455: {  	v3 =	vld [tilespmem:$0x7F0];
	_ =	sdelay $0x3  }
0x456: {  	vm0 =	vnez.u8 v1  }
0x457: {  	v1 =	vnsel vm0, $0x2000, v3  }
0x458: {  	vm0 =	vlt.s32 v0, v1  }
0x459: {  	v0 =	vsel vm0, v0, v1;
	v1 =	vld [tilespmem:$0x1F860]  }
0x45a: {  	v4 =	vld [tilespmem:$0x800];
	_ =	sdelay $0x3  }
0x45b: {  	vm0 =	vnez.u8 v1  }
0x45c: {  	v1 =	vnsel vm0, $0x2000, v4  }
0x45d: {  	vm0 =	vlt.s32 v0, v1  }
0x45e: {  	v0 =	vsel vm0, v0, v1;
	v1 =	vld [tilespmem:$0x1F870]  }
0x45f: {  	v2 =	vld [tilespmem:$0x810];
	_ =	sdelay $0x3  }
0x460: {  	vm0 =	vnez.u8 v1  }
0x461: {  	v1 =	vnsel vm0, $0x2000, v2  }
0x462: {  	vm0 =	vlt.s32 v0, v1  }
0x463: {  	v0 =	vsel vm0, v0, v1;
	v1 =	vld [tilespmem:$0x1F880]  }
0x464: {  	v3 =	vld [tilespmem:$0x820];
	_ =	sdelay $0x3  }
0x465: {  	vm0 =	vnez.u8 v1  }
0x466: {  	v1 =	vnsel vm0, $0x2000, v3  }
0x467: {  	vm0 =	vlt.s32 v0, v1  }
0x468: {  	v0 =	vsel vm0, v0, v1;
	v1 =	vld [tilespmem:$0x1F890]  }
0x469: {  	v4 =	vld [tilespmem:$0x830];
	_ =	sdelay $0x3  }
0x46a: {  	vm0 =	vnez.u8 v1  }
0x46b: {  	v1 =	vnsel vm0, $0x2000, v4  }
0x46c: {  	vm0 =	vlt.s32 v0, v1  }
0x46d: {  	v0 =	vsel vm0, v0, v1;
	v1 =	vld [tilespmem:$0x1F8A0]  }
0x46e: {  	v2 =	vld [tilespmem:$0x840];
	_ =	sdelay $0x3  }
0x46f: {  	vm0 =	vnez.u8 v1  }
0x470: {  	v1 =	vnsel vm0, $0x2000, v2  }
0x471: {  	vm0 =	vlt.s32 v0, v1  }
0x472: {  	v0 =	vsel vm0, v0, v1;
	v1 =	vld [tilespmem:$0x1F8B0]  }
0x473: {  	v3 =	vld [tilespmem:$0x850];
	_ =	sdelay $0x3  }
0x474: {  	vm0 =	vnez.u8 v1  }
0x475: {  	v1 =	vnsel vm0, $0x2000, v3  }
0x476: {  	vm0 =	vlt.s32 v0, v1  }
0x477: {  	v0 =	vsel vm0, v0, v1;
	v1 =	vld [tilespmem:$0x1F8C0]  }
0x478: {  	v4 =	vld [tilespmem:$0x860];
	_ =	sdelay $0x3  }
0x479: {  	vm0 =	vnez.u8 v1  }
0x47a: {  	v1 =	vnsel vm0, $0x2000, v4  }
0x47b: {  	vm0 =	vlt.s32 v0, v1  }
0x47c: {  	v0 =	vsel vm0, v0, v1;
	v1 =	vld [tilespmem:$0x1F8D0]  }
0x47d: {  	v2 =	vld [tilespmem:$0x870];
	_ =	sdelay $0x3  }
0x47e: {  	vm0 =	vnez.u8 v1  }
0x47f: {  	v1 =	vnsel vm0, $0x2000, v2  }
0x480: {  	vm0 =	vlt.s32 v0, v1  }
0x481: {  	v0 =	vsel vm0, v0, v1;
	v1 =	vld [tilespmem:$0x1F8E0]  }
0x482: {  	v3 =	vld [tilespmem:$0x880];
	_ =	sdelay $0x3  }
0x483: {  	vm0 =	vnez.u8 v1  }
0x484: {  	v1 =	vnsel vm0, $0x2000, v3  }
0x485: {  	vm0 =	vlt.s32 v0, v1  }
0x486: {  	v0 =	vsel vm0, v0, v1;
	v1 =	vld [tilespmem:$0x1F8F0]  }
0x487: {  	v4 =	vld [tilespmem:$0x890];
	_ =	sdelay $0x3  }
0x488: {  	vm0 =	vnez.u8 v1  }
0x489: {  	v1 =	vnsel vm0, $0x2000, v4  }
0x48a: {  	vm0 =	vlt.s32 v0, v1  }
0x48b: {  	v0 =	vsel vm0, v0, v1;
	v1 =	vld [tilespmem:$0x1F900]  }
0x48c: {  	v2 =	vld [tilespmem:$0x8A0];
	_ =	sdelay $0x3  }
0x48d: {  	vm0 =	vnez.u8 v1  }
0x48e: {  	v1 =	vnsel vm0, $0x2000, v2  }
0x48f: {  	vm0 =	vlt.s32 v0, v1  }
0x490: {  	v0 =	vsel vm0, v0, v1;
	v1 =	vld [tilespmem:$0x1F910]  }
0x491: {  	v3 =	vld [tilespmem:$0x8B0];
	_ =	sdelay $0x3  }
0x492: {  	vm0 =	vnez.u8 v1  }
0x493: {  	v1 =	vnsel vm0, $0x2000, v3  }
0x494: {  	vm0 =	vlt.s32 v0, v1  }
0x495: {  	v0 =	vsel vm0, v0, v1;
	v1 =	vld [tilespmem:$0x1F920]  }
0x496: {  	v4 =	vld [tilespmem:$0x8C0];
	_ =	sdelay $0x3  }
0x497: {  	vm0 =	vnez.u8 v1  }
0x498: {  	v1 =	vnsel vm0, $0x2000, v4  }
0x499: {  	vm0 =	vlt.s32 v0, v1  }
0x49a: {  	v0 =	vsel vm0, v0, v1;
	v1 =	vld [tilespmem:$0x1F930]  }
0x49b: {  	v2 =	vld [tilespmem:$0x8D0];
	_ =	sdelay $0x3  }
0x49c: {  	vm0 =	vnez.u8 v1  }
0x49d: {  	v1 =	vnsel vm0, $0x2000, v2  }
0x49e: {  	vm0 =	vlt.s32 v0, v1  }
0x49f: {  	v0 =	vsel vm0, v0, v1;
	v1 =	vld [tilespmem:$0x1F940]  }
0x4a0: {  	v3 =	vld [tilespmem:$0x8E0];
	_ =	sdelay $0x3  }
0x4a1: {  	vm0 =	vnez.u8 v1  }
0x4a2: {  	v1 =	vnsel vm0, $0x2000, v3  }
0x4a3: {  	vm0 =	vlt.s32 v0, v1  }
0x4a4: {  	v0 =	vsel vm0, v0, v1;
	v1 =	vld [tilespmem:$0x1F950]  }
0x4a5: {  	v4 =	vld [tilespmem:$0x8F0];
	_ =	sdelay $0x3  }
0x4a6: {  	vm0 =	vnez.u8 v1  }
0x4a7: {  	v1 =	vnsel vm0, $0x2000, v4  }
0x4a8: {  	vm0 =	vlt.s32 v0, v1  }
0x4a9: {  	v0 =	vsel vm0, v0, v1;
	v1 =	vld [tilespmem:$0x1F960]  }
0x4aa: {  	v2 =	vld [tilespmem:$0x900];
	_ =	sdelay $0x3  }
0x4ab: {  	vm0 =	vnez.u8 v1  }
0x4ac: {  	v1 =	vnsel vm0, $0x2000, v2  }
0x4ad: {  	[tilespmem:$0x1FCE0] =	vst v14;
	v14 =	vld [tilespmem:$0x930];
	vm0 =	vlt.s32 v0, v1  }
0x4ae: {  	v0 =	vsel vm0, v0, v1;
	v1 =	vld [tilespmem:$0x1F970]  }
0x4af: {  	v3 =	vld [tilespmem:$0x910];
	_ =	sdelay $0x3  }
0x4b0: {  	[tilespmem:$0x1FD40] =	vst v14;
	v14 =	vld [tilespmem:$0x940];
	vm0 =	vnez.u8 v1  }
0x4b1: {  	v1 =	vnsel vm0, $0x2000, v3  }
0x4b2: {  	vm0 =	vlt.s32 v0, v1  }
0x4b3: {  	v0 =	vsel vm0, v0, v1;
	v1 =	vld [tilespmem:$0x1F980]  }
0x4b4: {  	v4 =	vld [tilespmem:$0x920]  }
0x4b5: {  	[tilespmem:$0x1FD50] =	vst v14;
	v14 =	vld [tilespmem:$0x950];
	_ =	sdelay $0x2  }
0x4b6: {  	vm0 =	vnez.u8 v1  }
0x4b7: {  	[tilespmem:$0xA10] =	vst v9;
	v9 =	vld [tilespmem:$0x9D0];
	v1 =	vnsel vm0, $0x2000, v4  }
0x4b8: {  	[tilespmem:$0x1FD60] =	vst v14;
	v14 =	vld [tilespmem:$0x960];
	vm0 =	vlt.s32 v0, v1  }
0x4b9: {  	v1 =	vsel vm0, v0, v1;
	v0 =	vld [tilespmem:$0x1F990]  }
0x4ba: {  	[tilespmem:$0x1FA80] =	vst v26;
	v2 =	vld [tilespmem:$0x930]  }
0x4bb: {  	[tilespmem:$0xA20] =	vst v8;
	v8 =	vld [tilespmem:$0x9B0]  }
0x4bc: {  	[tilespmem:$0x1FAA0] =	vst v63;
	v63 =	vld [tilespmem:$0x770]  }
0x4bd: {  	[tilespmem:$0x1FA70] =	vst v27;
	v27 =	vld [tilespmem:$0xA10]  }
0x4be: {  	[tilespmem:$0x1FA90] =	vst v62;
	v26 =	vld [tilespmem:$0x630];
	vm0 =	vnez.u8 v0  }
0x4bf: {  	v62 =	vld [tilespmem:$0x740];
	[tilespmem:$0x1FD70] =	vst v14;
	v2 =	vnsel vm0, $0x2000, v2  }
0x4c0: {  	v14 =	vld [tilespmem:$0x970];
	[tilespmem:$0x1F9A0] =	vst v7;
	vm0 =	vlt.s32 v1, v2  }
0x4c1: {  	v1 =	vsel vm0, v1, v2;
	v2 =	vld [tilespmem:$0x1F9A0]  }
0x4c2: {  	v3 =	vld [tilespmem:$0x940]  }
0x4c3: {  	[tilespmem:$0x1FAB0] =	vst v60;
	v60 =	vld [tilespmem:$0x720]  }
0x4c4: {  	v4 =	vld [tilespmem:$0x950]  }
0x4c5: {  	v5 =	vld [tilespmem:$0x960]  }
0x4c6: {  	[tilespmem:$0x1FD80] =	vst v14;
	v14 =	vld [tilespmem:$0x980];
	vm0 =	vnez.u8 v2  }
0x4c7: {  	[tilespmem:$0x1FAC0] =	vst v61;
	v61 =	vld [tilespmem:$0x750];
	v2 =	vnsel vm0, $0x2000, v3  }
0x4c8: {  	v3 =	vld [tilespmem:$0x970];
	vm0 =	vlt.s32 v1, v2  }
0x4c9: {  	[tilespmem:$0x1FAD0] =	vst v56;
	v56 =	vld [tilespmem:$0x710];
	v1 =	vsel vm0, v1, v2;
	v2 =	vnsel vm13, $0x2000, v4  }
0x4ca: {  	v4 =	vld [tilespmem:$0x980];
	vm0 =	vlt.s32 v1, v2  }
0x4cb: {  	[tilespmem:$0x1FD90] =	vst v14;
	v14 =	vld [tilespmem:$0x990];
	v1 =	vsel vm0, v1, v2;
	v2 =	vnsel vm9, $0x2000, v5  }
0x4cc: {  	v5 =	vld [tilespmem:$0x990];
	vm0 =	vlt.s32 v1, v2  }
0x4cd: {  	[tilespmem:$0x1FAF0] =	vst v54;
	v54 =	vld [tilespmem:$0x6F0];
	v3 =	vnsel vm8, $0x2000, v3;
	v1 =	vsel vm0, v1, v2  }
0x4ce: {  	[tilespmem:$0x1F9D0] =	vst v23;
	v7 =	vld [tilespmem:$0x9A0];
	vm0 =	vlt.s32 v1, v3  }
0x4cf: {  	[tilespmem:$0x1FAE0] =	vst v57;
	v57 =	vld [tilespmem:$0x730];
	v4 =	vnsel vm15, $0x2000, v4;
	v3 =	vsel vm0, v1, v3  }
0x4d0: {  	[tilespmem:$0x1FDA0] =	vst v14;
	v14 =	vld [tilespmem:$0x9A0];
	vm0 =	vlt.s32 v3, v4  }
0x4d1: {  	[tilespmem:$0x1FCC0] =	vst v16;
	v16 =	vld [tilespmem:$0x660];
	v3 =	vsel vm0, v3, v4;
	v4 =	vnsel vm10, $0x2000, v5  }
0x4d2: {  	[tilespmem:$0x1FB00] =	vst v55;
	v5 =	vld [tilespmem:$0x9C0];
	vm0 =	vlt.s32 v3, v4  }
0x4d3: {  	[tilespmem:$0x1FB10] =	vst v50;
	v50 =	vld [tilespmem:$0x6B0];
	v7 =	vnsel vm5, $0x2000, v7;
	v4 =	vsel vm0, v3, v4  }
0x4d4: {  	[tilespmem:$0x1FB20] =	vst v51;
	v51 =	vld [tilespmem:$0x6D0];
	vm0 =	vlt.s32 v4, v7  }
0x4d5: {  	[tilespmem:$0x1FDB0] =	vst v14;
	v14 =	vld [tilespmem:$0x9B0];
	v4 =	vsel vm0, v4, v7;
	v7 =	vnsel vm4, $0x2000, v8  }
0x4d6: {  	[tilespmem:$0x1FCA0] =	vst v18;
	v18 =	vld [tilespmem:$0x9E0];
	vm0 =	vlt.s32 v4, v7  }
0x4d7: {  	[tilespmem:$0x1FB40] =	vst v49;
	v55 =	vld [tilespmem:$0x6E0];
	v5 =	vnsel vm3, $0x2000, v5;
	v4 =	vsel vm0, v4, v7  }
0x4d8: {  	[tilespmem:$0x1FD10] =	vst v10;
	v10 =	vld [tilespmem:$0x1F9B0];
	vm0 =	vlt.s32 v4, v5  }
0x4d9: {  	[tilespmem:$0x1FC70] =	vst v19;
	v23 =	vnsel vm2, $0x2000, v9;
	v19 =	vld [tilespmem:$0x9F0];
	v5 =	vsel vm0, v4, v5  }
0x4da: {  	[tilespmem:$0x1FDC0] =	vst v14;
	v14 =	vld [tilespmem:$0x9C0];
	vm0 =	vlt.s32 v5, v23  }
0x4db: {  	[tilespmem:$0x1FC30] =	vst v25;
	v49 =	vld [tilespmem:$0x6C0];
	v25 =	vnsel vm1, $0x2000, v18;
	v23 =	vsel vm0, v5, v23  }
0x4dc: {  	[tilespmem:$0x1FC90] =	vst v17;
	v17 =	vld [tilespmem:$0x790];
	vm0 =	vlt.s32 v23, v25  }
0x4dd: {  	[tilespmem:$0x1FB30] =	vst v47;
	v9 =	vld [tilespmem:$0x800];
	v23 =	vsel vm0, v23, v25;
	vm0 =	vnez.u8 v10  }
0x4de: {  	[tilespmem:$0x1FB70] =	vst v43;
	v43 =	vld [tilespmem:$0x8C0];
	v25 =	vnsel vm0, $0x2000, v19  }
0x4df: {  	[tilespmem:$0x1FDD0] =	vst v14;
	v14 =	vld [tilespmem:$0x9D0];
	vm0 =	vlt.s32 v23, v25  }
0x4e0: {  	[tilespmem:$0x1FB50] =	vst v45;
	v47 =	vld [tilespmem:$0x6A0];
	v23 =	vsel vm0, v23, v25  }
0x4e1: {  	[tilespmem:$0x1FD00] =	vst v12;
	v12 =	vld [tilespmem:$0x780];
	v23 =	vxor.u32 $0x80000000, v23  }
0x4e2: {  	[tilespmem:$0x1FB60] =	vst v46;
	v45 =	vld [tilespmem:$0x690];
	(xrf0) =	vmin.scan.msk.u32 $0xffff, v23  }
0x4e3: {  	[tilespmem:$0x1FCF0] =	vst v11;
	v11 =	vld [tilespmem:$0x700]  }
0x4e4: {  	[tilespmem:$0x1FDE0] =	vst v14;
	v14 =	vld [tilespmem:$0x9E0]  }
0x4e5: {  	[tilespmem:$0x1FBA0] =	vst v42;
	v42 =	vld [tilespmem:$0x8D0]  }
0x4e6: {  	[tilespmem:$0x1FB80] =	vst v44;
	v46 =	vld [tilespmem:$0x8A0]  }
0x4e7: {  	[tilespmem:$0x1FBD0] =	vst v37;
	v37 =	vld [tilespmem:$0x920]  }
0x4e8: {  	[tilespmem:$0x1FC00] =	vst v36;
	v36 =	vld [tilespmem:$0x850];
	v23, _, _ =	vpop (xrf0)  }
0x4e9: {  	v44 =	vld [tilespmem:$0x8B0];
	[tilespmem:$0x1FDF0] =	vst v14;
	v14 =	vlaneseq.u32;
	(v2sf) =	vpush v23, $0xF;
	v23 =	vmov s16  }
0x4ea: {  	vm0 =	veq.s32 v23, v14;
	v14 =	vld [tilespmem:$0x9F0]  }
0x4eb: {  	[tilespmem:$0x1FB90] =	vst v41;
	v41 =	vld [tilespmem:$0x8E0]  }
0x4ec: {  	[tilespmem:$0x1FBB0] =	vst v39;
	v39 =	vld [tilespmem:$0x900]  }
0x4ed: {  	[tilespmem:$0x1FCB0] =	vst v15;
	v15 =	vld [tilespmem:$0x640]  }
0x4ee: {  	[tilespmem:$0x1FC60] =	vst v22;
	v22 =	vld [tilespmem:$0x680]  }
0x4ef: {  	[tilespmem:$0x1FE00] =	vst v14;
	v14 =	vld [tilespmem:$0x1FFF0]  }
0x4f0: {  	[tilespmem:$0x1FBC0] =	vst v40;
	v40 =	vld [tilespmem:$0x8F0]  }
0x4f1: {  	[tilespmem:$0x1FBE0] =	vst v38;
	v38 =	vld [tilespmem:$0x910]  }
0x4f2: {  	[tilespmem:$0x1FCD0] =	vst v13;
	v13 =	vld [tilespmem:$0x610]  }
0x4f3: {  	[tilespmem:$0x1FBF0] =	vst v35;
	v35 =	vld [tilespmem:$0x860]  }
0x4f4: {  	vm1 =	veq.s32 v23, v14;
	v14 =	vld [tilespmem:$0x1FFD0]  }
0x4f5: {  	[tilespmem:$0x1FC10] =	vst v33;
	v33 =	vld [tilespmem:$0x880]  }
0x4f6: {  	[tilespmem:$0x1FC20] =	vst v34;
	v34 =	vld [tilespmem:$0x870]  }
0x4f7: {  	[tilespmem:$0x1FC40] =	vst v24;
	v24 =	vld [tilespmem:$0x620]  }
0x4f8: {  	[tilespmem:$0x1FC50] =	vst v21;
	v21 =	vld [tilespmem:$0x670];
	s31 =	spop (v2sf)  }
0x4f9: {  	s17 =	sxor.u32 $0x80000000, s31;
	vm2 =	veq.s32 v23, v14;
	v14 =	vld [tilespmem:$0x1FFE0]  }
0x4fa: {  	vm5 =	veq.s32 v13, s17;
	v13 =	vld [tilespmem:$0xA00]  }
0x4fb: {  	[tilespmem:$0x1FC80] =	vst v20;
	v20 =	vld [tilespmem:$0x650]  }
0x4fc: {  	[tilespmem:$0x1FD20] =	vst v6;
	v6 =	vld [tilespmem:$0x7C0]  }
0x4fd: {  	v18 =	vld [tilespmem:$0x830]  }
0x4fe: {  	vm3 =	veq.s32 v23, v14;
	v14 =	vld [tilespmem:$0x1F9C0]  }
0x4ff: {  	[tilespmem:$0x1FE20] =	vst v13;
	v13 =	vld [tilespmem:$0x1F9D0]  }
0x500: {  	v0 =	vld [tilespmem:$0x760]  }
0x501: {  	v2 =	vld [tilespmem:$0x7A0]  }
0x502: {  	v1 =	vld [tilespmem:$0x7B0]  }
0x503: {  	v3 =	vld [tilespmem:$0x7D0];
	vm4 =	veq.s32 v14, s17  }
0x504: {  	v8 =	vld [tilespmem:$0x7E0];
	v13 =	vsel vm4, $0xFF800000, v13  }
0x505: {  	[tilespmem:$0x200] =	vst v13;
	v13 =	vld [tilespmem:$0xA20]  }
0x506: {  	v7 =	vld [tilespmem:$0x7F0]  }
0x507: {  	v23 =	vld [tilespmem:$0x1F9F0]  }
0x508: {  	v14 =	vld [tilespmem:$0x1F9E0]  }
0x509: {  	v4 =	vld [tilespmem:$0x810]  }
0x50a: {  	[tilespmem:$0x1FE50] =	vst v13;
	v13 =	vld [tilespmem:$0x1FA00]  }
0x50b: {  	p1 =	sne.s32 s18, $0x3F;
	v5 =	vld [tilespmem:$0x820];
	vm13 =	veq.s32 v24, s17  }
.Ltmp4:
0x50c: {  	v10 =	vld [tilespmem:$0x890];
	vm14 =	veq.s32 v20, s17;
	v23 =	vsel vm13, $0xFF800000, v23;
	(pc) =	sbr.rel @p1 .LBB2_5-.Ltmp4, $4  }
0x50d: {  	v19 =	vld [tilespmem:$0x840];
	vm15 =	veq.s32 v22, s17;
	[tilespmem:$0x220] =	vst v23;
	v14 =	vsel vm5, $0xFF800000, v14;
	vm5 =	veq.s32 v15, s17  }
0x50e: {  	vm4 =	veq.s32 v26, s17;
	v23 =	vld [tilespmem:$0x200];
	v15 =	vsel vm14, $0xFF800000, v53;
	[tilespmem:$0x210] =	vst v14;
	v20 =	vsel vm5, $0xFF800000, v52  }
0x50f: {  	vm5 =	veq.s32 v21, s17;
	v24 =	vld [tilespmem:$0x210];
	v14 =	vsel vm4, $0xFF800000, v13;
	vm4 =	veq.s32 v16, s17  }
0x510: {  	s16 =	smov.u32 s18;
	s18 =	sadd.s32 $0x1, s18;
	v13 =	vld [tilespmem:$0xA30];
	v16 =	vsel vm5, $0xFF800000, v28;
	[tilespmem:$0x230] =	vst v14;
	v21 =	vsel vm4, $0xFF800000, v30;
	v14 =	vsel vm15, $0xFF800000, v59  }
.Ltmp5:
0x511: {  	_ = 	snop;
	(pc) =	sbr.rel .LBB2_6-.Ltmp5, $1  }
0x512: {  	_ =	sdelay $0x3  }
.LBB2_8:
0x513: {  	_ =	sfence.sel $0x180000  }
0x514: {  	[bflag:$0x0] =	sbarrier.arrive $0xFFFF  }
0x515: {  	_ =	strace $0x90000047  }
0x516: {  	s0 =	sadd.s32 @!p0 $0x100000, s0;
	[bflag:$0x2] =	sbarrier.arrive $0xFFFF  }
0x517: {  	[sflag:s0] =	ssyncadd.tile.s32 @!p0 $0x1;
	_ =	shalt  }
.Lfunc_end2:
_tile_overlayer_lowered:
.L_overlay_start_2:
0x518: {  	(tag) =	ssettag $0x2  }
0x519: {  	s0 =	rddreg [dreg:$0x0];
	s2 =	stileid.u32  }
0x51a: {  	s1 =	rddreg [dreg:$0x1];
	p0 =	sne.s32 s2, $0x0  }
0x51b: {  	s3 =	rddreg [dreg:$0x2];
	[bflag:$0x3] =	sbarrier.arrive $0xFFFF;
	s2 =	simm.s32 @!p0 $0x1C01  }
0x51c: {  	[timem:s3], [sflag:s2] =	dma.local @!p0 [hbm:s0], s1  }
0x51d: {  	s0 =	simm.s32 @!p0 $0x1  }
0x51e: {  	_ =	swait.ge @!p0 [sflag:s0], s1  }
0x51f: {  	s1 =	ssub.s32 @!p0 $0x0, s1;
	[sflag:s0] =	ssyncset.done @!p0 $0x0  }
0x520: {  	[sflag:s0] =	ssyncadd.s32 @!p0 s1  }
0x521: {  	[bflag:$0x3] =	sbarrier.arrive $0xFFFF  }
0x522: {  	_ =	shalt  }

</sc_bundles>
